<compile_context>
chip_gen: v7x
topology: tpu7x:2x2x1
jax: 0.10.2.dev20260603
libtpu: 0.0.44.dev20260713+nightly
codegen_flags: <defaults>
</compile_context>

<pallas_src>
import dataclasses
import functools

import jax
import jax.numpy as jnp
from jax import lax
from jax.experimental import pallas as pl
from jax.experimental.pallas import tpu as pltpu
from jax.experimental.pallas import tpu_sc as plsc

T = 2048
H = 1024
I = 1408
E = 8
K = 2
B = 512
NB = (K * T) // B + E
NPAD = NB * B

NC = 2
NS = 16
NW = NC * NS
TPW = T // NW
DCH = 32
CCH = 16
@functools.cache
def _sc_mesh():
    return plsc.VectorSubcoreMesh(core_axis_name="c", subcore_axis_name="s")

_SC_PARAMS = pltpu.CompilerParams()
if "needs_layout_passes" in pltpu.CompilerParams.__dataclass_fields__:
    _SC_PARAMS = dataclasses.replace(_SC_PARAMS, needs_layout_passes=False)


def _dispatch_body(hid_hbm, s1_hbm, s2_hbm, xs_hbm, buf0, buf1,
                   idx1, idx2, rs0, rs1, ws0, ws1):
    wid = lax.axis_index("s") * NC + lax.axis_index("c")
    base = wid * TPW
    pltpu.sync_copy(s1_hbm.at[wid], idx1)
    pltpu.sync_copy(s2_hbm.at[wid], idx2)
    bufs = (buf0, buf1)
    rsems = (rs0, rs1)
    wsems = (ws0, ws1)
    nsub = TPW // DCH

    def read(j):
        p = j % 2
        return pltpu.async_copy(hid_hbm.at[pl.ds(base + j * DCH, DCH)],
                                bufs[p], rsems[p])

    pend = {0: read(0), 1: read(1)}
    pw = {}
    for j in range(nsub):
        p = j % 2
        pend.pop(j).wait()
        c1 = pltpu.async_copy(bufs[p], xs_hbm.at[idx1.at[j]], wsems[p])
        c2 = pltpu.async_copy(bufs[p], xs_hbm.at[idx2.at[j]], wsems[p])
        pw[j] = (c1, c2)
        if j + 2 < nsub:
            for c in pw.pop(j):
                c.wait()
            pend[j + 2] = read(j + 2)
    for cs in pw.values():
        for c in cs:
            c.wait()


def _sc_dispatch(hidden_states, s1, s2):
    s1r = s1.reshape(NW, TPW // DCH, DCH)
    s2r = s2.reshape(NW, TPW // DCH, DCH)
    k = functools.partial(
        pl.kernel,
        mesh=_sc_mesh(),
        out_type=jax.ShapeDtypeStruct((NPAD, H), jnp.float32),
        scratch_types=[
            pltpu.VMEM((DCH, H), jnp.float32),
            pltpu.VMEM((DCH, H), jnp.float32),
            pltpu.VMEM((TPW // DCH, DCH), jnp.int32),
            pltpu.VMEM((TPW // DCH, DCH), jnp.int32),
            pltpu.SemaphoreType.DMA,
            pltpu.SemaphoreType.DMA,
            pltpu.SemaphoreType.DMA,
            pltpu.SemaphoreType.DMA,
        ],
    )(_dispatch_body)
    return k(hidden_states, s1r, s2r)


_NSUB = TPW // CCH


def _combine_body(ys_hbm, s1_hbm, s2_hbm, rw1_hbm, rw2_hbm, out_hbm,
                  a0, a1, b0, b1, o0, o1, idx1, idx2, rw1v, rw2v,
                  ga0, ga1, gb0, gb1, os0, os1):
    wid = lax.axis_index("s") * NC + lax.axis_index("c")
    base = wid * TPW
    pltpu.sync_copy(s1_hbm.at[wid], idx1)
    pltpu.sync_copy(s2_hbm.at[wid], idx2)
    pltpu.sync_copy(rw1_hbm.at[wid], rw1v)
    pltpu.sync_copy(rw2_hbm.at[wid], rw2v)
    ab = (a0, a1)
    bb = (b0, b1)
    ob = (o0, o1)
    gas = (ga0, ga1)
    gbs = (gb0, gb1)
    oss = (os0, os1)

    def gather(j):
        p = j % 2
        c1 = pltpu.async_copy(ys_hbm.at[idx1.at[j]], ab[p], gas[p])
        c2 = pltpu.async_copy(ys_hbm.at[idx2.at[j]], bb[p], gbs[p])
        return c1, c2

    pend = {0: gather(0), 1: gather(1)}
    pstore = {}
    for j in range(_NSUB):
        p = j % 2
        c1, c2 = pend.pop(j)
        c1.wait()
        c2.wait()
        if j - 2 in pstore:
            pstore.pop(j - 2).wait()

        @pl.loop(0, CCH)
        def _(r):
            g = jnp.full((16,), j * CCH + r, jnp.int32)
            w1 = plsc.load_gather(rw1v, [g])
            w2 = plsc.load_gather(rw2v, [g])
            for c in range(0, H, 16):
                ob[p][r, pl.ds(c, 16)] = (ab[p][r, pl.ds(c, 16)] * w1
                                          + bb[p][r, pl.ds(c, 16)] * w2)

        pstore[j] = pltpu.async_copy(
            ob[p], out_hbm.at[pl.ds(base + j * CCH, CCH)], oss[p])
        if j + 2 < _NSUB:
            pend[j + 2] = gather(j + 2)
    for cp in pstore.values():
        cp.wait()


def _sc_combine(ys, s1, s2, rw1, rw2):
    s1r = s1.reshape(NW, _NSUB, CCH)
    s2r = s2.reshape(NW, _NSUB, CCH)
    rw1r = rw1.reshape(NW, TPW)
    rw2r = rw2.reshape(NW, TPW)
    k = functools.partial(
        pl.kernel,
        mesh=_sc_mesh(),
        out_type=jax.ShapeDtypeStruct((T, H), jnp.float32),
        scratch_types=(
            [pltpu.VMEM((CCH, H), jnp.float32) for _ in range(6)]
            + [pltpu.VMEM((_NSUB, CCH), jnp.int32) for _ in range(2)]
            + [pltpu.VMEM((TPW,), jnp.float32) for _ in range(2)]
            + [pltpu.SemaphoreType.DMA for _ in range(6)]
        ),
        compiler_params=_SC_PARAMS,
    )(_combine_body)
    return k(ys, s1r, s2r, rw1r, rw2r)


def _meta_body(lt_ref, s1_ref, s2_ref, rw1_ref, rw2_ref, be_ref, nbt_ref):
    lt = lt_ref[...]
    NEG = jnp.float32(-1e30)
    m1 = jnp.full((1, T), NEG, jnp.float32)
    i1 = jnp.zeros((1, T), jnp.int32)
    for e in range(E):
        ce = lt[e:e + 1, :]
        upd = ce > m1
        i1 = jnp.where(upd, e, i1)
        m1 = jnp.where(upd, ce, m1)
    m2 = jnp.full((1, T), NEG, jnp.float32)
    i2 = jnp.zeros((1, T), jnp.int32)
    for e in range(E):
        ce = jnp.where(i1 == e, NEG, lt[e:e + 1, :])
        upd = ce > m2
        i2 = jnp.where(upd, e, i2)
        m2 = jnp.where(upd, ce, m2)
    rw1_ref[...] = jax.nn.sigmoid(m1 - m2)
    rw2_ref[...] = jax.nn.sigmoid(m2 - m1)

    ids = jnp.concatenate([i1, i2], axis=1)
    eio = jax.lax.broadcasted_iota(jnp.int32, (E, K * T), 0)
    oh = (ids == eio).astype(jnp.float32)
    lio = jax.lax.broadcasted_iota(jnp.int32, (E, K * T), 1)
    c = oh
    sh = 1
    while sh < K * T:
        c = c + jnp.where(lio >= sh, pltpu.roll(c, sh, axis=1), 0.0)
        sh *= 2
    counts = c[:, K * T - 1:K * T]
    rank = jnp.sum(oh * (c - 1.0), axis=0, keepdims=True)
    nblk = jnp.ceil(counts / B)
    sio = jax.lax.broadcasted_iota(jnp.int32, (E, 1), 0)
    cb = nblk
    for s in (1, 2, 4):
        cb = cb + jnp.where(sio >= s, pltpu.roll(cb, s, axis=0), 0.0)
    row_off = (cb - nblk) * B
    slots = (rank + jnp.sum(oh * row_off, axis=0, keepdims=True)).astype(jnp.int32)
    s1_ref[...] = slots[:, :T]
    s2_ref[...] = slots[:, T:]
    bio = jax.lax.broadcasted_iota(jnp.int32, (E, NB), 1).astype(jnp.float32)
    becnt = jnp.sum((bio >= cb).astype(jnp.int32), axis=0, keepdims=True)
    last_e = jnp.max(jnp.where(nblk > 0.0, sio, 0), axis=0, keepdims=True)
    be_ref[...] = jnp.minimum(becnt, last_e)
    nbt_ref[...] = cb[E - 1:E, :].astype(jnp.int32)


def _tc_metadata(router_logits_t):
    out_shapes = [
        jax.ShapeDtypeStruct((1, T), jnp.int32),
        jax.ShapeDtypeStruct((1, T), jnp.int32),
        jax.ShapeDtypeStruct((1, T), jnp.float32),
        jax.ShapeDtypeStruct((1, T), jnp.float32),
        jax.ShapeDtypeStruct((1, NB), jnp.int32),
        jax.ShapeDtypeStruct((1, 1), jnp.int32),
    ]
    return pl.pallas_call(_meta_body, out_shape=out_shapes)(router_logits_t)


def _ffn_block(be_ref, nbt_ref, xs_ref, w13_ref, w2_ref, ys_ref,
               w13_bf, w2_bf):
    b = pl.program_id(0)

    @pl.when(b < nbt_ref[0])
    def _():
        prev = be_ref[jnp.maximum(b - 1, 0)]

        @pl.when((b == 0) | (be_ref[b] != prev))
        def _():
            w13_bf[...] = w13_ref[0].astype(jnp.bfloat16)
            w2_bf[...] = w2_ref[0].astype(jnp.bfloat16)

        x = xs_ref[...].astype(jnp.bfloat16)
        gu = jax.lax.dot_general(x, w13_bf[...], (((1,), (1,)), ((), ())),
                                 preferred_element_type=jnp.float32)
        g = gu[:, :I]
        u = gu[:, I:]
        act = (g * jax.nn.sigmoid(g) * u).astype(jnp.bfloat16)
        y = jax.lax.dot_general(act, w2_bf[...], (((1,), (1,)), ((), ())),
                                preferred_element_type=jnp.float32)
        ys_ref[...] = y


def _grouped_ffn(block_expert, nb_total, xs, w13, w2):
    grid_spec = pltpu.PrefetchScalarGridSpec(
        num_scalar_prefetch=2,
        grid=(NB,),
        in_specs=[
            pl.BlockSpec((B, H),
                         lambda b, be, nbt: (jnp.minimum(b, nbt[0] - 1), 0)),
            pl.BlockSpec((1, 2 * I, H), lambda b, be, nbt: (be[b], 0, 0)),
            pl.BlockSpec((1, H, I), lambda b, be, nbt: (be[b], 0, 0)),
        ],
        out_specs=pl.BlockSpec((B, H),
                               lambda b, be, nbt: (jnp.minimum(b, nbt[0] - 1), 0)),
        scratch_shapes=[
            pltpu.VMEM((2 * I, H), jnp.bfloat16),
            pltpu.VMEM((H, I), jnp.bfloat16),
        ],
    )
    return pl.pallas_call(
        _ffn_block,
        grid_spec=grid_spec,
        out_shape=jax.ShapeDtypeStruct((NPAD, H), jnp.float32),
        compiler_params=pltpu.CompilerParams(
            vmem_limit_bytes=64 * 1024 * 1024),
    )(block_expert, nb_total, xs, w13, w2)


def kernel(hidden_states, router_logits, w13, w2):
    s1o, s2o, rw1o, rw2o, beo, nbto = _tc_metadata(
        router_logits.astype(jnp.float32).T)
    s1 = s1o.reshape(T)
    s2 = s2o.reshape(T)
    rw1 = rw1o.reshape(T)
    rw2 = rw2o.reshape(T)
    block_expert = beo.reshape(NB)
    nb_total = nbto.reshape(1)

    xs = _sc_dispatch(hidden_states, s1, s2)

    ys = _grouped_ffn(block_expert, nb_total, xs, w13, w2)

    return _sc_combine(ys, s1, s2, rw1, rw2)

# --- scband reference (transcript-rebuilt; emitter-appended) ---
"""Pipeline reference for scband-epmo-e-5978594476597 (READ-ONLY COPY).

The authoritative reference and input builder live on the scoring server;
editing this copy changes nothing except your own understanding.
"""

import jax, jax.numpy as jnp
import numpy as np

T = 2048
H = 1024
I = 1408
E = 8
TOP_K = 2


def setup_inputs(seed: int = 0) -> dict:
    key = jax.random.key(seed)
    k1, k2, k3, k4 = jax.random.split(key, 4)
    hidden_states = jax.random.normal(k1, (T, H), dtype=jnp.float32)
    router_logits = jax.random.normal(k2, (T, E), dtype=jnp.float32)
    # expert weights: w13 fuses gate and up projections, w2 is the down projection
    w13 = jax.random.normal(k3, (E, 2 * I, H), dtype=jnp.float32) * (1.0 / np.sqrt(H))
    w2 = jax.random.normal(k4, (E, H, I), dtype=jnp.float32) * (1.0 / np.sqrt(I))
    return {"hidden_states": hidden_states, "router_logits": router_logits, "w13": w13, "w2": w2}


def reference(hidden_states, router_logits, w13, w2):
    # --- select_experts: softmax top-k routing with renormalization ---
    probs = jax.nn.softmax(router_logits.astype(jnp.float32), axis=-1)
    topk_weights, topk_ids = jax.lax.top_k(probs, TOP_K)  # [T, K]
    topk_weights = topk_weights / jnp.sum(topk_weights, axis=-1, keepdims=True)
    # --- expert FFN (grouped gemm computed densely, combined via dispatch mask) ---
    # gate_up: [T, E, 2I]
    gate_up = jnp.einsum('th,eih->tei', hidden_states, w13)
    gate, up = jnp.split(gate_up, 2, axis=-1)
    act = jax.nn.silu(gate) * up  # SiluAndMul
    # down: [T, E, H]
    expert_out = jnp.einsum('tei,ehi->teh', act, w2)
    # --- combine: scatter top-k routing weights into a [T, E] combine matrix ---
    combine = jnp.zeros((hidden_states.shape[0], E), dtype=jnp.float32)
    combine = combine.at[jnp.arange(hidden_states.shape[0])[:, None], topk_ids].add(topk_weights)
    out = jnp.einsum('te,teh->th', combine, expert_out)
    return out

if __name__ == "__main__":
    import jax
    _d = setup_inputs()
    print(jax.jit(kernel)(*tuple(_d.values())))

</pallas_src>

<mosaic_0001>
#map = affine_map<(d0, d1) -> (0, 0)>
#map1 = affine_map<(d0, d1) -> (0, 0, 0)>
module attributes {stable_mosaic.version = 14 : i64} {
  func.func @_dispatch_body(%arg0: i32, %arg1: i32, %arg2: memref<2048x1024xf32, #tpu.memory_space<hbm>>, %arg3: memref<32x2x32xi32, #tpu.memory_space<hbm>>, %arg4: memref<32x2x32xi32, #tpu.memory_space<hbm>>, %arg5: memref<8192x1024xf32, #tpu.memory_space<hbm>>, %arg6: memref<32x1024xf32, #tpu.memory_space<vmem>>, %arg7: memref<32x1024xf32, #tpu.memory_space<vmem>>, %arg8: memref<2x32xi32, #tpu.memory_space<vmem>>, %arg9: memref<2x32xi32, #tpu.memory_space<vmem>>, %arg10: memref<!tpu.dma_semaphore, #tpu.memory_space<semaphore_mem>>, %arg11: memref<!tpu.dma_semaphore, #tpu.memory_space<semaphore_mem>>, %arg12: memref<!tpu.dma_semaphore, #tpu.memory_space<semaphore_mem>>, %arg13: memref<!tpu.dma_semaphore, #tpu.memory_space<semaphore_mem>>) attributes {dimension_semantics = [#tpu.dimension_semantics<core_parallel>, #tpu.dimension_semantics<subcore_parallel>], iteration_bounds = array<i64: 2, 16>, scalar_prefetch = 0 : i64, scratch_operands = 8 : i64, tpu.core_type = #tpu.core_type<sc_vector_subcore>, window_params = [{transform_indices = #map}, {transform_indices = #map1}, {transform_indices = #map1}, {transform_indices = #map}]} {
    %mul3A = arith.constant 2 : i32
    %mul3A_0 = arith.muli %arg1, %mul3A : i32
    %add3A = arith.addi %mul3A_0, %arg0 : i32
    %mul3A_1 = arith.constant 64 : i32
    %mul3A_2 = arith.muli %add3A, %mul3A_1 : i32
    "tpu.region"() ({
      %run_scoped3A = tpu.sem_alloc : memref<!tpu.dma_semaphore, #tpu.memory_space<semaphore_mem>>
      %dma_start3A_77 = arith.constant 0 : i32
      %dma_start3A_78 = arith.constant 0 : i32
      %dma_start3A_79 = tpu.memref_slice %arg3[%add3A, %dma_start3A_77, %dma_start3A_78] : memref<32x2x32xi32, #tpu.memory_space<hbm>> -> memref<1x2x32xi32, #tpu.memory_space<hbm>>
      %dma_start3A_80 = tpu.memref_squeeze %dma_start3A_79 : memref<1x2x32xi32, #tpu.memory_space<hbm>> -> memref<2x32xi32, #tpu.memory_space<hbm>>
      %dma_start3A_81 = arith.constant 0 : i32
      %dma_start3A_82 = arith.constant 0 : i32
      %dma_start3A_83 = tpu.memref_slice %arg3[%add3A, %dma_start3A_81, %dma_start3A_82] : memref<32x2x32xi32, #tpu.memory_space<hbm>> -> memref<1x2x32xi32, #tpu.memory_space<hbm>>
      %dma_start3A_84 = tpu.memref_squeeze %dma_start3A_83 : memref<1x2x32xi32, #tpu.memory_space<hbm>> -> memref<2x32xi32, #tpu.memory_space<hbm>>
      tpu.enqueue_dma source(%dma_start3A_84 : memref<2x32xi32, #tpu.memory_space<hbm>>) target(%arg8 : memref<2x32xi32, #tpu.memory_space<vmem>>) target_semaphore(%run_scoped3A : memref<!tpu.dma_semaphore, #tpu.memory_space<semaphore_mem>>)
      %dma_wait3A_85 = arith.constant 0 : i32
      %dma_wait3A_86 = arith.constant 0 : i32
      %dma_wait3A_87 = tpu.memref_slice %arg3[%add3A, %dma_wait3A_85, %dma_wait3A_86] : memref<32x2x32xi32, #tpu.memory_space<hbm>> -> memref<1x2x32xi32, #tpu.memory_space<hbm>>
      %dma_wait3A_88 = tpu.memref_squeeze %dma_wait3A_87 : memref<1x2x32xi32, #tpu.memory_space<hbm>> -> memref<2x32xi32, #tpu.memory_space<hbm>>
      %dma_wait3A_89 = arith.constant 0 : i32
      %dma_wait3A_90 = arith.constant 0 : i32
      %dma_wait3A_91 = tpu.memref_slice %arg3[%add3A, %dma_wait3A_89, %dma_wait3A_90] : memref<32x2x32xi32, #tpu.memory_space<hbm>> -> memref<1x2x32xi32, #tpu.memory_space<hbm>>
      %dma_wait3A_92 = tpu.memref_squeeze %dma_wait3A_91 : memref<1x2x32xi32, #tpu.memory_space<hbm>> -> memref<2x32xi32, #tpu.memory_space<hbm>>
      tpu.wait_dma2 semaphore(%run_scoped3A : memref<!tpu.dma_semaphore, #tpu.memory_space<semaphore_mem>>) src(%dma_wait3A_92 : memref<2x32xi32, #tpu.memory_space<hbm>>) dst(%arg8 : memref<2x32xi32, #tpu.memory_space<vmem>>)
      tpu.yield
    }) : () -> ()
    "tpu.region"() ({
      %run_scoped3A = tpu.sem_alloc : memref<!tpu.dma_semaphore, #tpu.memory_space<semaphore_mem>>
      %dma_start3A_77 = arith.constant 0 : i32
      %dma_start3A_78 = arith.constant 0 : i32
      %dma_start3A_79 = tpu.memref_slice %arg4[%add3A, %dma_start3A_77, %dma_start3A_78] : memref<32x2x32xi32, #tpu.memory_space<hbm>> -> memref<1x2x32xi32, #tpu.memory_space<hbm>>
      %dma_start3A_80 = tpu.memref_squeeze %dma_start3A_79 : memref<1x2x32xi32, #tpu.memory_space<hbm>> -> memref<2x32xi32, #tpu.memory_space<hbm>>
      %dma_start3A_81 = arith.constant 0 : i32
      %dma_start3A_82 = arith.constant 0 : i32
      %dma_start3A_83 = tpu.memref_slice %arg4[%add3A, %dma_start3A_81, %dma_start3A_82] : memref<32x2x32xi32, #tpu.memory_space<hbm>> -> memref<1x2x32xi32, #tpu.memory_space<hbm>>
      %dma_start3A_84 = tpu.memref_squeeze %dma_start3A_83 : memref<1x2x32xi32, #tpu.memory_space<hbm>> -> memref<2x32xi32, #tpu.memory_space<hbm>>
      tpu.enqueue_dma source(%dma_start3A_84 : memref<2x32xi32, #tpu.memory_space<hbm>>) target(%arg9 : memref<2x32xi32, #tpu.memory_space<vmem>>) target_semaphore(%run_scoped3A : memref<!tpu.dma_semaphore, #tpu.memory_space<semaphore_mem>>)
      %dma_wait3A_85 = arith.constant 0 : i32
      %dma_wait3A_86 = arith.constant 0 : i32
      %dma_wait3A_87 = tpu.memref_slice %arg4[%add3A, %dma_wait3A_85, %dma_wait3A_86] : memref<32x2x32xi32, #tpu.memory_space<hbm>> -> memref<1x2x32xi32, #tpu.memory_space<hbm>>
      %dma_wait3A_88 = tpu.memref_squeeze %dma_wait3A_87 : memref<1x2x32xi32, #tpu.memory_space<hbm>> -> memref<2x32xi32, #tpu.memory_space<hbm>>
      %dma_wait3A_89 = arith.constant 0 : i32
      %dma_wait3A_90 = arith.constant 0 : i32
      %dma_wait3A_91 = tpu.memref_slice %arg4[%add3A, %dma_wait3A_89, %dma_wait3A_90] : memref<32x2x32xi32, #tpu.memory_space<hbm>> -> memref<1x2x32xi32, #tpu.memory_space<hbm>>
      %dma_wait3A_92 = tpu.memref_squeeze %dma_wait3A_91 : memref<1x2x32xi32, #tpu.memory_space<hbm>> -> memref<2x32xi32, #tpu.memory_space<hbm>>
      tpu.wait_dma2 semaphore(%run_scoped3A : memref<!tpu.dma_semaphore, #tpu.memory_space<semaphore_mem>>) src(%dma_wait3A_92 : memref<2x32xi32, #tpu.memory_space<hbm>>) dst(%arg9 : memref<2x32xi32, #tpu.memory_space<vmem>>)
      tpu.yield
    }) : () -> ()
    %add3A_3 = arith.constant 0 : i32
    %add3A_4 = arith.addi %mul3A_2, %add3A_3 : i32
    %dma_start3A = arith.constant 0 : i32
    %dma_start3A_5 = tpu.memref_slice %arg2[%add3A_4, %dma_start3A] : memref<2048x1024xf32, #tpu.memory_space<hbm>> -> memref<32x1024xf32, #tpu.memory_space<hbm>>
    %dma_start3A_6 = arith.constant 0 : i32
    %dma_start3A_7 = tpu.memref_slice %arg2[%add3A_4, %dma_start3A_6] : memref<2048x1024xf32, #tpu.memory_space<hbm>> -> memref<32x1024xf32, #tpu.memory_space<hbm>>
    tpu.enqueue_dma source(%dma_start3A_7 : memref<32x1024xf32, #tpu.memory_space<hbm>>) target(%arg6 : memref<32x1024xf32, #tpu.memory_space<vmem>>) target_semaphore(%arg10 : memref<!tpu.dma_semaphore, #tpu.memory_space<semaphore_mem>>)
    %add3A_8 = arith.constant 32 : i32
    %add3A_9 = arith.addi %mul3A_2, %add3A_8 : i32
    %dma_start3A_10 = arith.constant 0 : i32
    %dma_start3A_11 = tpu.memref_slice %arg2[%add3A_9, %dma_start3A_10] : memref<2048x1024xf32, #tpu.memory_space<hbm>> -> memref<32x1024xf32, #tpu.memory_space<hbm>>
    %dma_start3A_12 = arith.constant 0 : i32
    %dma_start3A_13 = tpu.memref_slice %arg2[%add3A_9, %dma_start3A_12] : memref<2048x1024xf32, #tpu.memory_space<hbm>> -> memref<32x1024xf32, #tpu.memory_space<hbm>>
    tpu.enqueue_dma source(%dma_start3A_13 : memref<32x1024xf32, #tpu.memory_space<hbm>>) target(%arg7 : memref<32x1024xf32, #tpu.memory_space<vmem>>) target_semaphore(%arg11 : memref<!tpu.dma_semaphore, #tpu.memory_space<semaphore_mem>>)
    %dma_wait3A = arith.constant 0 : i32
    %dma_wait3A_14 = tpu.memref_slice %arg2[%add3A_4, %dma_wait3A] : memref<2048x1024xf32, #tpu.memory_space<hbm>> -> memref<32x1024xf32, #tpu.memory_space<hbm>>
    %dma_wait3A_15 = arith.constant 0 : i32
    %dma_wait3A_16 = tpu.memref_slice %arg2[%add3A_4, %dma_wait3A_15] : memref<2048x1024xf32, #tpu.memory_space<hbm>> -> memref<32x1024xf32, #tpu.memory_space<hbm>>
    tpu.wait_dma2 semaphore(%arg10 : memref<!tpu.dma_semaphore, #tpu.memory_space<semaphore_mem>>) src(%dma_wait3A_16 : memref<32x1024xf32, #tpu.memory_space<hbm>>) dst(%arg6 : memref<32x1024xf32, #tpu.memory_space<vmem>>)
    %dma_start3A_17 = arith.constant 0 : i32
    %dma_start3A_18 = arith.constant 0 : i32
    %dma_start3A_19 = tpu.memref_slice %arg8[%dma_start3A_17, %dma_start3A_18] : memref<2x32xi32, #tpu.memory_space<vmem>> -> memref<1x32xi32, #tpu.memory_space<vmem>>
    %dma_start3A_20 = tpu.memref_squeeze %dma_start3A_19 : memref<1x32xi32, #tpu.memory_space<vmem>> -> memref<32xi32, #tpu.memory_space<vmem>>
    %dma_start3A_21 = arith.constant 0 : i32
    %dma_start3A_22 = arith.constant 0 : i32
    %dma_start3A_23 = tpu.memref_slice %arg5[%dma_start3A_21, %dma_start3A_22] : memref<8192x1024xf32, #tpu.memory_space<hbm>> -> memref<8192x1024xf32, #tpu.memory_space<hbm>>
    tpu.enqueue_indirect_dma source(%arg6 : memref<32x1024xf32, #tpu.memory_space<vmem>>) target(%dma_start3A_23 : memref<8192x1024xf32, #tpu.memory_space<hbm>>) offsets(%dma_start3A_20 : memref<32xi32, #tpu.memory_space<vmem>>) semaphore(%arg12 : memref<!tpu.dma_semaphore, #tpu.memory_space<semaphore_mem>>)
    %dma_start3A_24 = arith.constant 0 : i32
    %dma_start3A_25 = arith.constant 0 : i32
    %dma_start3A_26 = tpu.memref_slice %arg9[%dma_start3A_24, %dma_start3A_25] : memref<2x32xi32, #tpu.memory_space<vmem>> -> memref<1x32xi32, #tpu.memory_space<vmem>>
    %dma_start3A_27 = tpu.memref_squeeze %dma_start3A_26 : memref<1x32xi32, #tpu.memory_space<vmem>> -> memref<32xi32, #tpu.memory_space<vmem>>
    %dma_start3A_28 = arith.constant 0 : i32
    %dma_start3A_29 = arith.constant 0 : i32
    %dma_start3A_30 = tpu.memref_slice %arg5[%dma_start3A_28, %dma_start3A_29] : memref<8192x1024xf32, #tpu.memory_space<hbm>> -> memref<8192x1024xf32, #tpu.memory_space<hbm>>
    tpu.enqueue_indirect_dma source(%arg6 : memref<32x1024xf32, #tpu.memory_space<vmem>>) target(%dma_start3A_30 : memref<8192x1024xf32, #tpu.memory_space<hbm>>) offsets(%dma_start3A_27 : memref<32xi32, #tpu.memory_space<vmem>>) semaphore(%arg12 : memref<!tpu.dma_semaphore, #tpu.memory_space<semaphore_mem>>)
    %dma_wait3A_31 = arith.constant 0 : i32
    %dma_wait3A_32 = tpu.memref_slice %arg2[%add3A_9, %dma_wait3A_31] : memref<2048x1024xf32, #tpu.memory_space<hbm>> -> memref<32x1024xf32, #tpu.memory_space<hbm>>
    %dma_wait3A_33 = arith.constant 0 : i32
    %dma_wait3A_34 = tpu.memref_slice %arg2[%add3A_9, %dma_wait3A_33] : memref<2048x1024xf32, #tpu.memory_space<hbm>> -> memref<32x1024xf32, #tpu.memory_space<hbm>>
    tpu.wait_dma2 semaphore(%arg11 : memref<!tpu.dma_semaphore, #tpu.memory_space<semaphore_mem>>) src(%dma_wait3A_34 : memref<32x1024xf32, #tpu.memory_space<hbm>>) dst(%arg7 : memref<32x1024xf32, #tpu.memory_space<vmem>>)
    %dma_start3A_35 = arith.constant 1 : i32
    %dma_start3A_36 = arith.constant 0 : i32
    %dma_start3A_37 = tpu.memref_slice %arg8[%dma_start3A_35, %dma_start3A_36] : memref<2x32xi32, #tpu.memory_space<vmem>> -> memref<1x32xi32, #tpu.memory_space<vmem>>
    %dma_start3A_38 = tpu.memref_squeeze %dma_start3A_37 : memref<1x32xi32, #tpu.memory_space<vmem>> -> memref<32xi32, #tpu.memory_space<vmem>>
    %dma_start3A_39 = arith.constant 0 : i32
    %dma_start3A_40 = arith.constant 0 : i32
    %dma_start3A_41 = tpu.memref_slice %arg5[%dma_start3A_39, %dma_start3A_40] : memref<8192x1024xf32, #tpu.memory_space<hbm>> -> memref<8192x1024xf32, #tpu.memory_space<hbm>>
    tpu.enqueue_indirect_dma source(%arg7 : memref<32x1024xf32, #tpu.memory_space<vmem>>) target(%dma_start3A_41 : memref<8192x1024xf32, #tpu.memory_space<hbm>>) offsets(%dma_start3A_38 : memref<32xi32, #tpu.memory_space<vmem>>) semaphore(%arg13 : memref<!tpu.dma_semaphore, #tpu.memory_space<semaphore_mem>>)
    %dma_start3A_42 = arith.constant 1 : i32
    %dma_start3A_43 = arith.constant 0 : i32
    %dma_start3A_44 = tpu.memref_slice %arg9[%dma_start3A_42, %dma_start3A_43] : memref<2x32xi32, #tpu.memory_space<vmem>> -> memref<1x32xi32, #tpu.memory_space<vmem>>
    %dma_start3A_45 = tpu.memref_squeeze %dma_start3A_44 : memref<1x32xi32, #tpu.memory_space<vmem>> -> memref<32xi32, #tpu.memory_space<vmem>>
    %dma_start3A_46 = arith.constant 0 : i32
    %dma_start3A_47 = arith.constant 0 : i32
    %dma_start3A_48 = tpu.memref_slice %arg5[%dma_start3A_46, %dma_start3A_47] : memref<8192x1024xf32, #tpu.memory_space<hbm>> -> memref<8192x1024xf32, #tpu.memory_space<hbm>>
    tpu.enqueue_indirect_dma source(%arg7 : memref<32x1024xf32, #tpu.memory_space<vmem>>) target(%dma_start3A_48 : memref<8192x1024xf32, #tpu.memory_space<hbm>>) offsets(%dma_start3A_45 : memref<32xi32, #tpu.memory_space<vmem>>) semaphore(%arg13 : memref<!tpu.dma_semaphore, #tpu.memory_space<semaphore_mem>>)
    %dma_wait3A_49 = arith.constant 0 : i32
    %dma_wait3A_50 = arith.constant 0 : i32
    %dma_wait3A_51 = tpu.memref_slice %arg8[%dma_wait3A_49, %dma_wait3A_50] : memref<2x32xi32, #tpu.memory_space<vmem>> -> memref<1x32xi32, #tpu.memory_space<vmem>>
    %dma_wait3A_52 = tpu.memref_squeeze %dma_wait3A_51 : memref<1x32xi32, #tpu.memory_space<vmem>> -> memref<32xi32, #tpu.memory_space<vmem>>
    %dma_wait3A_53 = arith.constant 0 : i32
    %dma_wait3A_54 = arith.constant 0 : i32
    %dma_wait3A_55 = tpu.memref_slice %arg5[%dma_wait3A_53, %dma_wait3A_54] : memref<8192x1024xf32, #tpu.memory_space<hbm>> -> memref<8192x1024xf32, #tpu.memory_space<hbm>>
    tpu.wait_indirect_dma semaphore(%arg12 : memref<!tpu.dma_semaphore, #tpu.memory_space<semaphore_mem>>) src(%arg6 : memref<32x1024xf32, #tpu.memory_space<vmem>>) dst(%dma_wait3A_55 : memref<8192x1024xf32, #tpu.memory_space<hbm>>)
    %dma_wait3A_56 = arith.constant 0 : i32
    %dma_wait3A_57 = arith.constant 0 : i32
    %dma_wait3A_58 = tpu.memref_slice %arg9[%dma_wait3A_56, %dma_wait3A_57] : memref<2x32xi32, #tpu.memory_space<vmem>> -> memref<1x32xi32, #tpu.memory_space<vmem>>
    %dma_wait3A_59 = tpu.memref_squeeze %dma_wait3A_58 : memref<1x32xi32, #tpu.memory_space<vmem>> -> memref<32xi32, #tpu.memory_space<vmem>>
    %dma_wait3A_60 = arith.constant 0 : i32
    %dma_wait3A_61 = arith.constant 0 : i32
    %dma_wait3A_62 = tpu.memref_slice %arg5[%dma_wait3A_60, %dma_wait3A_61] : memref<8192x1024xf32, #tpu.memory_space<hbm>> -> memref<8192x1024xf32, #tpu.memory_space<hbm>>
    tpu.wait_indirect_dma semaphore(%arg12 : memref<!tpu.dma_semaphore, #tpu.memory_space<semaphore_mem>>) src(%arg6 : memref<32x1024xf32, #tpu.memory_space<vmem>>) dst(%dma_wait3A_62 : memref<8192x1024xf32, #tpu.memory_space<hbm>>)
    %dma_wait3A_63 = arith.constant 1 : i32
    %dma_wait3A_64 = arith.constant 0 : i32
    %dma_wait3A_65 = tpu.memref_slice %arg8[%dma_wait3A_63, %dma_wait3A_64] : memref<2x32xi32, #tpu.memory_space<vmem>> -> memref<1x32xi32, #tpu.memory_space<vmem>>
    %dma_wait3A_66 = tpu.memref_squeeze %dma_wait3A_65 : memref<1x32xi32, #tpu.memory_space<vmem>> -> memref<32xi32, #tpu.memory_space<vmem>>
    %dma_wait3A_67 = arith.constant 0 : i32
    %dma_wait3A_68 = arith.constant 0 : i32
    %dma_wait3A_69 = tpu.memref_slice %arg5[%dma_wait3A_67, %dma_wait3A_68] : memref<8192x1024xf32, #tpu.memory_space<hbm>> -> memref<8192x1024xf32, #tpu.memory_space<hbm>>
    tpu.wait_indirect_dma semaphore(%arg13 : memref<!tpu.dma_semaphore, #tpu.memory_space<semaphore_mem>>) src(%arg7 : memref<32x1024xf32, #tpu.memory_space<vmem>>) dst(%dma_wait3A_69 : memref<8192x1024xf32, #tpu.memory_space<hbm>>)
    %dma_wait3A_70 = arith.constant 1 : i32
    %dma_wait3A_71 = arith.constant 0 : i32
    %dma_wait3A_72 = tpu.memref_slice %arg9[%dma_wait3A_70, %dma_wait3A_71] : memref<2x32xi32, #tpu.memory_space<vmem>> -> memref<1x32xi32, #tpu.memory_space<vmem>>
    %dma_wait3A_73 = tpu.memref_squeeze %dma_wait3A_72 : memref<1x32xi32, #tpu.memory_space<vmem>> -> memref<32xi32, #tpu.memory_space<vmem>>
    %dma_wait3A_74 = arith.constant 0 : i32
    %dma_wait3A_75 = arith.constant 0 : i32
    %dma_wait3A_76 = tpu.memref_slice %arg5[%dma_wait3A_74, %dma_wait3A_75] : memref<8192x1024xf32, #tpu.memory_space<hbm>> -> memref<8192x1024xf32, #tpu.memory_space<hbm>>
    tpu.wait_indirect_dma semaphore(%arg13 : memref<!tpu.dma_semaphore, #tpu.memory_space<semaphore_mem>>) src(%arg7 : memref<32x1024xf32, #tpu.memory_space<vmem>>) dst(%dma_wait3A_76 : memref<8192x1024xf32, #tpu.memory_space<hbm>>)
    return
  }
}

#map = affine_map<(d0, d1) -> (0, 0)>
#map1 = affine_map<(d0, d1) -> (0, 0, 0)>
module attributes {stable_mosaic.version = 14 : i64} {
  func.func @_combine_body(%arg0: i32, %arg1: i32, %arg2: memref<8192x1024xf32, #tpu.memory_space<hbm>>, %arg3: memref<32x4x16xi32, #tpu.memory_space<hbm>>, %arg4: memref<32x4x16xi32, #tpu.memory_space<hbm>>, %arg5: memref<32x64xf32, #tpu.memory_space<hbm>>, %arg6: memref<32x64xf32, #tpu.memory_space<hbm>>, %arg7: memref<2048x1024xf32, #tpu.memory_space<hbm>>, %arg8: memref<16x1024xf32, #tpu.memory_space<vmem>>, %arg9: memref<16x1024xf32, #tpu.memory_space<vmem>>, %arg10: memref<16x1024xf32, #tpu.memory_space<vmem>>, %arg11: memref<16x1024xf32, #tpu.memory_space<vmem>>, %arg12: memref<16x1024xf32, #tpu.memory_space<vmem>>, %arg13: memref<16x1024xf32, #tpu.memory_space<vmem>>, %arg14: memref<4x16xi32, #tpu.memory_space<vmem>>, %arg15: memref<4x16xi32, #tpu.memory_space<vmem>>, %arg16: memref<64xf32, #tpu.memory_space<vmem>>, %arg17: memref<64xf32, #tpu.memory_space<vmem>>, %arg18: memref<!tpu.dma_semaphore, #tpu.memory_space<semaphore_mem>>, %arg19: memref<!tpu.dma_semaphore, #tpu.memory_space<semaphore_mem>>, %arg20: memref<!tpu.dma_semaphore, #tpu.memory_space<semaphore_mem>>, %arg21: memref<!tpu.dma_semaphore, #tpu.memory_space<semaphore_mem>>, %arg22: memref<!tpu.dma_semaphore, #tpu.memory_space<semaphore_mem>>, %arg23: memref<!tpu.dma_semaphore, #tpu.memory_space<semaphore_mem>>) attributes {dimension_semantics = [#tpu.dimension_semantics<core_parallel>, #tpu.dimension_semantics<subcore_parallel>], iteration_bounds = array<i64: 2, 16>, scalar_prefetch = 0 : i64, scratch_operands = 16 : i64, tpu.core_type = #tpu.core_type<sc_vector_subcore>, window_params = [{transform_indices = #map}, {transform_indices = #map1}, {transform_indices = #map1}, {transform_indices = #map}, {transform_indices = #map}, {transform_indices = #map}]} {
    %mul3A = arith.constant 2 : i32
    %mul3A_0 = arith.muli %arg1, %mul3A : i32
    %add3A = arith.addi %mul3A_0, %arg0 : i32
    %mul3A_1 = arith.constant 64 : i32
    %mul3A_2 = arith.muli %add3A, %mul3A_1 : i32
    "tpu.region"() ({
      %run_scoped3A = tpu.sem_alloc : memref<!tpu.dma_semaphore, #tpu.memory_space<semaphore_mem>>
      %dma_start3A_172 = arith.constant 0 : i32
      %dma_start3A_173 = arith.constant 0 : i32
      %dma_start3A_174 = tpu.memref_slice %arg3[%add3A, %dma_start3A_172, %dma_start3A_173] : memref<32x4x16xi32, #tpu.memory_space<hbm>> -> memref<1x4x16xi32, #tpu.memory_space<hbm>>
      %dma_start3A_175 = tpu.memref_squeeze %dma_start3A_174 : memref<1x4x16xi32, #tpu.memory_space<hbm>> -> memref<4x16xi32, #tpu.memory_space<hbm>>
      %dma_start3A_176 = arith.constant 0 : i32
      %dma_start3A_177 = arith.constant 0 : i32
      %dma_start3A_178 = tpu.memref_slice %arg3[%add3A, %dma_start3A_176, %dma_start3A_177] : memref<32x4x16xi32, #tpu.memory_space<hbm>> -> memref<1x4x16xi32, #tpu.memory_space<hbm>>
      %dma_start3A_179 = tpu.memref_squeeze %dma_start3A_178 : memref<1x4x16xi32, #tpu.memory_space<hbm>> -> memref<4x16xi32, #tpu.memory_space<hbm>>
      tpu.enqueue_dma source(%dma_start3A_179 : memref<4x16xi32, #tpu.memory_space<hbm>>) target(%arg14 : memref<4x16xi32, #tpu.memory_space<vmem>>) target_semaphore(%run_scoped3A : memref<!tpu.dma_semaphore, #tpu.memory_space<semaphore_mem>>)
      %dma_wait3A_180 = arith.constant 0 : i32
      %dma_wait3A_181 = arith.constant 0 : i32
      %dma_wait3A_182 = tpu.memref_slice %arg3[%add3A, %dma_wait3A_180, %dma_wait3A_181] : memref<32x4x16xi32, #tpu.memory_space<hbm>> -> memref<1x4x16xi32, #tpu.memory_space<hbm>>
      %dma_wait3A_183 = tpu.memref_squeeze %dma_wait3A_182 : memref<1x4x16xi32, #tpu.memory_space<hbm>> -> memref<4x16xi32, #tpu.memory_space<hbm>>
      %dma_wait3A_184 = arith.constant 0 : i32
      %dma_wait3A_185 = arith.constant 0 : i32
      %dma_wait3A_186 = tpu.memref_slice %arg3[%add3A, %dma_wait3A_184, %dma_wait3A_185] : memref<32x4x16xi32, #tpu.memory_space<hbm>> -> memref<1x4x16xi32, #tpu.memory_space<hbm>>
      %dma_wait3A_187 = tpu.memref_squeeze %dma_wait3A_186 : memref<1x4x16xi32, #tpu.memory_space<hbm>> -> memref<4x16xi32, #tpu.memory_space<hbm>>
      tpu.wait_dma2 semaphore(%run_scoped3A : memref<!tpu.dma_semaphore, #tpu.memory_space<semaphore_mem>>) src(%dma_wait3A_187 : memref<4x16xi32, #tpu.memory_space<hbm>>) dst(%arg14 : memref<4x16xi32, #tpu.memory_space<vmem>>)
      tpu.yield
    }) : () -> ()
    "tpu.region"() ({
      %run_scoped3A = tpu.sem_alloc : memref<!tpu.dma_semaphore, #tpu.memory_space<semaphore_mem>>
      %dma_start3A_172 = arith.constant 0 : i32
      %dma_start3A_173 = arith.constant 0 : i32
      %dma_start3A_174 = tpu.memref_slice %arg4[%add3A, %dma_start3A_172, %dma_start3A_173] : memref<32x4x16xi32, #tpu.memory_space<hbm>> -> memref<1x4x16xi32, #tpu.memory_space<hbm>>
      %dma_start3A_175 = tpu.memref_squeeze %dma_start3A_174 : memref<1x4x16xi32, #tpu.memory_space<hbm>> -> memref<4x16xi32, #tpu.memory_space<hbm>>
      %dma_start3A_176 = arith.constant 0 : i32
      %dma_start3A_177 = arith.constant 0 : i32
      %dma_start3A_178 = tpu.memref_slice %arg4[%add3A, %dma_start3A_176, %dma_start3A_177] : memref<32x4x16xi32, #tpu.memory_space<hbm>> -> memref<1x4x16xi32, #tpu.memory_space<hbm>>
      %dma_start3A_179 = tpu.memref_squeeze %dma_start3A_178 : memref<1x4x16xi32, #tpu.memory_space<hbm>> -> memref<4x16xi32, #tpu.memory_space<hbm>>
      tpu.enqueue_dma source(%dma_start3A_179 : memref<4x16xi32, #tpu.memory_space<hbm>>) target(%arg15 : memref<4x16xi32, #tpu.memory_space<vmem>>) target_semaphore(%run_scoped3A : memref<!tpu.dma_semaphore, #tpu.memory_space<semaphore_mem>>)
      %dma_wait3A_180 = arith.constant 0 : i32
      %dma_wait3A_181 = arith.constant 0 : i32
      %dma_wait3A_182 = tpu.memref_slice %arg4[%add3A, %dma_wait3A_180, %dma_wait3A_181] : memref<32x4x16xi32, #tpu.memory_space<hbm>> -> memref<1x4x16xi32, #tpu.memory_space<hbm>>
      %dma_wait3A_183 = tpu.memref_squeeze %dma_wait3A_182 : memref<1x4x16xi32, #tpu.memory_space<hbm>> -> memref<4x16xi32, #tpu.memory_space<hbm>>
      %dma_wait3A_184 = arith.constant 0 : i32
      %dma_wait3A_185 = arith.constant 0 : i32
      %dma_wait3A_186 = tpu.memref_slice %arg4[%add3A, %dma_wait3A_184, %dma_wait3A_185] : memref<32x4x16xi32, #tpu.memory_space<hbm>> -> memref<1x4x16xi32, #tpu.memory_space<hbm>>
      %dma_wait3A_187 = tpu.memref_squeeze %dma_wait3A_186 : memref<1x4x16xi32, #tpu.memory_space<hbm>> -> memref<4x16xi32, #tpu.memory_space<hbm>>
      tpu.wait_dma2 semaphore(%run_scoped3A : memref<!tpu.dma_semaphore, #tpu.memory_space<semaphore_mem>>) src(%dma_wait3A_187 : memref<4x16xi32, #tpu.memory_space<hbm>>) dst(%arg15 : memref<4x16xi32, #tpu.memory_space<vmem>>)
      tpu.yield
    }) : () -> ()
    "tpu.region"() ({
      %run_scoped3A = tpu.sem_alloc : memref<!tpu.dma_semaphore, #tpu.memory_space<semaphore_mem>>
      %dma_start3A_172 = arith.constant 0 : i32
      %dma_start3A_173 = tpu.memref_slice %arg5[%add3A, %dma_start3A_172] : memref<32x64xf32, #tpu.memory_space<hbm>> -> memref<1x64xf32, #tpu.memory_space<hbm>>
      %dma_start3A_174 = tpu.memref_squeeze %dma_start3A_173 : memref<1x64xf32, #tpu.memory_space<hbm>> -> memref<64xf32, #tpu.memory_space<hbm>>
      %dma_start3A_175 = arith.constant 0 : i32
      %dma_start3A_176 = tpu.memref_slice %arg5[%add3A, %dma_start3A_175] : memref<32x64xf32, #tpu.memory_space<hbm>> -> memref<1x64xf32, #tpu.memory_space<hbm>>
      %dma_start3A_177 = tpu.memref_squeeze %dma_start3A_176 : memref<1x64xf32, #tpu.memory_space<hbm>> -> memref<64xf32, #tpu.memory_space<hbm>>
      tpu.enqueue_dma source(%dma_start3A_177 : memref<64xf32, #tpu.memory_space<hbm>>) target(%arg16 : memref<64xf32, #tpu.memory_space<vmem>>) target_semaphore(%run_scoped3A : memref<!tpu.dma_semaphore, #tpu.memory_space<semaphore_mem>>)
      %dma_wait3A_178 = arith.constant 0 : i32
      %dma_wait3A_179 = tpu.memref_slice %arg5[%add3A, %dma_wait3A_178] : memref<32x64xf32, #tpu.memory_space<hbm>> -> memref<1x64xf32, #tpu.memory_space<hbm>>
      %dma_wait3A_180 = tpu.memref_squeeze %dma_wait3A_179 : memref<1x64xf32, #tpu.memory_space<hbm>> -> memref<64xf32, #tpu.memory_space<hbm>>
      %dma_wait3A_181 = arith.constant 0 : i32
      %dma_wait3A_182 = tpu.memref_slice %arg5[%add3A, %dma_wait3A_181] : memref<32x64xf32, #tpu.memory_space<hbm>> -> memref<1x64xf32, #tpu.memory_space<hbm>>
      %dma_wait3A_183 = tpu.memref_squeeze %dma_wait3A_182 : memref<1x64xf32, #tpu.memory_space<hbm>> -> memref<64xf32, #tpu.memory_space<hbm>>
      tpu.wait_dma2 semaphore(%run_scoped3A : memref<!tpu.dma_semaphore, #tpu.memory_space<semaphore_mem>>) src(%dma_wait3A_183 : memref<64xf32, #tpu.memory_space<hbm>>) dst(%arg16 : memref<64xf32, #tpu.memory_space<vmem>>)
      tpu.yield
    }) : () -> ()
    "tpu.region"() ({
      %run_scoped3A = tpu.sem_alloc : memref<!tpu.dma_semaphore, #tpu.memory_space<semaphore_mem>>
      %dma_start3A_172 = arith.constant 0 : i32
      %dma_start3A_173 = tpu.memref_slice %arg6[%add3A, %dma_start3A_172] : memref<32x64xf32, #tpu.memory_space<hbm>> -> memref<1x64xf32, #tpu.memory_space<hbm>>
      %dma_start3A_174 = tpu.memref_squeeze %dma_start3A_173 : memref<1x64xf32, #tpu.memory_space<hbm>> -> memref<64xf32, #tpu.memory_space<hbm>>
      %dma_start3A_175 = arith.constant 0 : i32
      %dma_start3A_176 = tpu.memref_slice %arg6[%add3A, %dma_start3A_175] : memref<32x64xf32, #tpu.memory_space<hbm>> -> memref<1x64xf32, #tpu.memory_space<hbm>>
      %dma_start3A_177 = tpu.memref_squeeze %dma_start3A_176 : memref<1x64xf32, #tpu.memory_space<hbm>> -> memref<64xf32, #tpu.memory_space<hbm>>
      tpu.enqueue_dma source(%dma_start3A_177 : memref<64xf32, #tpu.memory_space<hbm>>) target(%arg17 : memref<64xf32, #tpu.memory_space<vmem>>) target_semaphore(%run_scoped3A : memref<!tpu.dma_semaphore, #tpu.memory_space<semaphore_mem>>)
      %dma_wait3A_178 = arith.constant 0 : i32
      %dma_wait3A_179 = tpu.memref_slice %arg6[%add3A, %dma_wait3A_178] : memref<32x64xf32, #tpu.memory_space<hbm>> -> memref<1x64xf32, #tpu.memory_space<hbm>>
      %dma_wait3A_180 = tpu.memref_squeeze %dma_wait3A_179 : memref<1x64xf32, #tpu.memory_space<hbm>> -> memref<64xf32, #tpu.memory_space<hbm>>
      %dma_wait3A_181 = arith.constant 0 : i32
      %dma_wait3A_182 = tpu.memref_slice %arg6[%add3A, %dma_wait3A_181] : memref<32x64xf32, #tpu.memory_space<hbm>> -> memref<1x64xf32, #tpu.memory_space<hbm>>
      %dma_wait3A_183 = tpu.memref_squeeze %dma_wait3A_182 : memref<1x64xf32, #tpu.memory_space<hbm>> -> memref<64xf32, #tpu.memory_space<hbm>>
      tpu.wait_dma2 semaphore(%run_scoped3A : memref<!tpu.dma_semaphore, #tpu.memory_space<semaphore_mem>>) src(%dma_wait3A_183 : memref<64xf32, #tpu.memory_space<hbm>>) dst(%arg17 : memref<64xf32, #tpu.memory_space<vmem>>)
      tpu.yield
    }) : () -> ()
    %dma_start3A = arith.constant 0 : i32
    %dma_start3A_3 = arith.constant 0 : i32
    %dma_start3A_4 = tpu.memref_slice %arg14[%dma_start3A, %dma_start3A_3] : memref<4x16xi32, #tpu.memory_space<vmem>> -> memref<1x16xi32, #tpu.memory_space<vmem>>
    %dma_start3A_5 = tpu.memref_squeeze %dma_start3A_4 : memref<1x16xi32, #tpu.memory_space<vmem>> -> memref<16xi32, #tpu.memory_space<vmem>>
    %dma_start3A_6 = arith.constant 0 : i32
    %dma_start3A_7 = arith.constant 0 : i32
    %dma_start3A_8 = tpu.memref_slice %arg2[%dma_start3A_6, %dma_start3A_7] : memref<8192x1024xf32, #tpu.memory_space<hbm>> -> memref<8192x1024xf32, #tpu.memory_space<hbm>>
    tpu.enqueue_indirect_dma source(%dma_start3A_8 : memref<8192x1024xf32, #tpu.memory_space<hbm>>) target(%arg8 : memref<16x1024xf32, #tpu.memory_space<vmem>>) offsets(%dma_start3A_5 : memref<16xi32, #tpu.memory_space<vmem>>) semaphore(%arg18 : memref<!tpu.dma_semaphore, #tpu.memory_space<semaphore_mem>>)
    %dma_start3A_9 = arith.constant 0 : i32
    %dma_start3A_10 = arith.constant 0 : i32
    %dma_start3A_11 = tpu.memref_slice %arg15[%dma_start3A_9, %dma_start3A_10] : memref<4x16xi32, #tpu.memory_space<vmem>> -> memref<1x16xi32, #tpu.memory_space<vmem>>
    %dma_start3A_12 = tpu.memref_squeeze %dma_start3A_11 : memref<1x16xi32, #tpu.memory_space<vmem>> -> memref<16xi32, #tpu.memory_space<vmem>>
    %dma_start3A_13 = arith.constant 0 : i32
    %dma_start3A_14 = arith.constant 0 : i32
    %dma_start3A_15 = tpu.memref_slice %arg2[%dma_start3A_13, %dma_start3A_14] : memref<8192x1024xf32, #tpu.memory_space<hbm>> -> memref<8192x1024xf32, #tpu.memory_space<hbm>>
    tpu.enqueue_indirect_dma source(%dma_start3A_15 : memref<8192x1024xf32, #tpu.memory_space<hbm>>) target(%arg10 : memref<16x1024xf32, #tpu.memory_space<vmem>>) offsets(%dma_start3A_12 : memref<16xi32, #tpu.memory_space<vmem>>) semaphore(%arg20 : memref<!tpu.dma_semaphore, #tpu.memory_space<semaphore_mem>>)
    %dma_start3A_16 = arith.constant 1 : i32
    %dma_start3A_17 = arith.constant 0 : i32
    %dma_start3A_18 = tpu.memref_slice %arg14[%dma_start3A_16, %dma_start3A_17] : memref<4x16xi32, #tpu.memory_space<vmem>> -> memref<1x16xi32, #tpu.memory_space<vmem>>
    %dma_start3A_19 = tpu.memref_squeeze %dma_start3A_18 : memref<1x16xi32, #tpu.memory_space<vmem>> -> memref<16xi32, #tpu.memory_space<vmem>>
    %dma_start3A_20 = arith.constant 0 : i32
    %dma_start3A_21 = arith.constant 0 : i32
    %dma_start3A_22 = tpu.memref_slice %arg2[%dma_start3A_20, %dma_start3A_21] : memref<8192x1024xf32, #tpu.memory_space<hbm>> -> memref<8192x1024xf32, #tpu.memory_space<hbm>>
    tpu.enqueue_indirect_dma source(%dma_start3A_22 : memref<8192x1024xf32, #tpu.memory_space<hbm>>) target(%arg9 : memref<16x1024xf32, #tpu.memory_space<vmem>>) offsets(%dma_start3A_19 : memref<16xi32, #tpu.memory_space<vmem>>) semaphore(%arg19 : memref<!tpu.dma_semaphore, #tpu.memory_space<semaphore_mem>>)
    %dma_start3A_23 = arith.constant 1 : i32
    %dma_start3A_24 = arith.constant 0 : i32
    %dma_start3A_25 = tpu.memref_slice %arg15[%dma_start3A_23, %dma_start3A_24] : memref<4x16xi32, #tpu.memory_space<vmem>> -> memref<1x16xi32, #tpu.memory_space<vmem>>
    %dma_start3A_26 = tpu.memref_squeeze %dma_start3A_25 : memref<1x16xi32, #tpu.memory_space<vmem>> -> memref<16xi32, #tpu.memory_space<vmem>>
    %dma_start3A_27 = arith.constant 0 : i32
    %dma_start3A_28 = arith.constant 0 : i32
    %dma_start3A_29 = tpu.memref_slice %arg2[%dma_start3A_27, %dma_start3A_28] : memref<8192x1024xf32, #tpu.memory_space<hbm>> -> memref<8192x1024xf32, #tpu.memory_space<hbm>>
    tpu.enqueue_indirect_dma source(%dma_start3A_29 : memref<8192x1024xf32, #tpu.memory_space<hbm>>) target(%arg11 : memref<16x1024xf32, #tpu.memory_space<vmem>>) offsets(%dma_start3A_26 : memref<16xi32, #tpu.memory_space<vmem>>) semaphore(%arg21 : memref<!tpu.dma_semaphore, #tpu.memory_space<semaphore_mem>>)
    %dma_wait3A = arith.constant 0 : i32
    %dma_wait3A_30 = arith.constant 0 : i32
    %dma_wait3A_31 = tpu.memref_slice %arg14[%dma_wait3A, %dma_wait3A_30] : memref<4x16xi32, #tpu.memory_space<vmem>> -> memref<1x16xi32, #tpu.memory_space<vmem>>
    %dma_wait3A_32 = tpu.memref_squeeze %dma_wait3A_31 : memref<1x16xi32, #tpu.memory_space<vmem>> -> memref<16xi32, #tpu.memory_space<vmem>>
    %dma_wait3A_33 = arith.constant 0 : i32
    %dma_wait3A_34 = arith.constant 0 : i32
    %dma_wait3A_35 = tpu.memref_slice %arg2[%dma_wait3A_33, %dma_wait3A_34] : memref<8192x1024xf32, #tpu.memory_space<hbm>> -> memref<8192x1024xf32, #tpu.memory_space<hbm>>
    tpu.wait_indirect_dma semaphore(%arg18 : memref<!tpu.dma_semaphore, #tpu.memory_space<semaphore_mem>>) src(%dma_wait3A_35 : memref<8192x1024xf32, #tpu.memory_space<hbm>>) dst(%arg8 : memref<16x1024xf32, #tpu.memory_space<vmem>>)
    %dma_wait3A_36 = arith.constant 0 : i32
    %dma_wait3A_37 = arith.constant 0 : i32
    %dma_wait3A_38 = tpu.memref_slice %arg15[%dma_wait3A_36, %dma_wait3A_37] : memref<4x16xi32, #tpu.memory_space<vmem>> -> memref<1x16xi32, #tpu.memory_space<vmem>>
    %dma_wait3A_39 = tpu.memref_squeeze %dma_wait3A_38 : memref<1x16xi32, #tpu.memory_space<vmem>> -> memref<16xi32, #tpu.memory_space<vmem>>
    %dma_wait3A_40 = arith.constant 0 : i32
    %dma_wait3A_41 = arith.constant 0 : i32
    %dma_wait3A_42 = tpu.memref_slice %arg2[%dma_wait3A_40, %dma_wait3A_41] : memref<8192x1024xf32, #tpu.memory_space<hbm>> -> memref<8192x1024xf32, #tpu.memory_space<hbm>>
    tpu.wait_indirect_dma semaphore(%arg20 : memref<!tpu.dma_semaphore, #tpu.memory_space<semaphore_mem>>) src(%dma_wait3A_42 : memref<8192x1024xf32, #tpu.memory_space<hbm>>) dst(%arg10 : memref<16x1024xf32, #tpu.memory_space<vmem>>)
    %scan3A = arith.constant 0 : i32
    %scan3A_43 = arith.constant 16 : i32
    %scan3A_44 = arith.addi %scan3A, %scan3A_43 : i32
    %scan3A_45 = arith.constant 1 : i32
    scf.for %scan3A_172 = %scan3A to %scan3A_44 step %scan3A_45  : i32 {
      %mul3A_173 = arith.constant 1 : i32
      %mul3A_174 = arith.muli %scan3A_172, %mul3A_173 : i32
      %add3A_175 = arith.constant 0 : i32
      %add3A_176 = arith.addi %add3A_175, %mul3A_174 : i32
      %add3A_177 = arith.constant 0 : i32
      %add3A_178 = arith.addi %add3A_177, %add3A_176 : i32
      %broadcast_in_dim3A = vector.broadcast %add3A_178 : i32 to vector<16xi32>
      %gather3A = tpu.vector_load_idx %arg16[%broadcast_in_dim3A] : memref<64xf32, #tpu.memory_space<vmem>>[vector<16xi32>], vector<16xf32>,
      %gather3A_179 = tpu.vector_load_idx %arg17[%broadcast_in_dim3A] : memref<64xf32, #tpu.memory_space<vmem>>[vector<16xi32>], vector<16xf32>,
      %get3A = arith.index_cast %add3A_176 : i32 to index
      %get3A_180 = arith.constant 0 : index
      %get3A_181 = tpu.vector_load %arg8[%get3A, %get3A_180] {strides = array<i32>} : memref<16x1024xf32, #tpu.memory_space<vmem>>, vector<16xf32>,
      %mul3A_182 = arith.mulf %get3A_181, %gather3A : vector<16xf32>
      %get3A_183 = arith.index_cast %add3A_176 : i32 to index
      %get3A_184 = arith.constant 0 : index
      %get3A_185 = tpu.vector_load %arg10[%get3A_183, %get3A_184] {strides = array<i32>} : memref<16x1024xf32, #tpu.memory_space<vmem>>, vector<16xf32>,
      %mul3A_186 = arith.mulf %get3A_185, %gather3A_179 : vector<16xf32>
      %add3A_187 = arith.addf %mul3A_182, %mul3A_186 : vector<16xf32>
      %swap3A = arith.index_cast %add3A_176 : i32 to index
      %swap3A_188 = arith.constant 0 : index
      %swap3A_189 = tpu.vector_load %arg12[%swap3A, %swap3A_188] {strides = array<i32>} : memref<16x1024xf32, #tpu.memory_space<vmem>>, vector<16xf32>,
      tpu.vector_store %arg12[%swap3A, %swap3A_188], %add3A_187 {strides = array<i32>} : memref<16x1024xf32, #tpu.memory_space<vmem>>, vector<16xf32>,
      %get3A_190 = arith.index_cast %add3A_176 : i32 to index
      %get3A_191 = arith.constant 16 : index
      %get3A_192 = tpu.vector_load %arg8[%get3A_190, %get3A_191] {strides = array<i32>} : memref<16x1024xf32, #tpu.memory_space<vmem>>, vector<16xf32>,
      %mul3A_193 = arith.mulf %get3A_192, %gather3A : vector<16xf32>
      %get3A_194 = arith.index_cast %add3A_176 : i32 to index
      %get3A_195 = arith.constant 16 : index
      %get3A_196 = tpu.vector_load %arg10[%get3A_194, %get3A_195] {strides = array<i32>} : memref<16x1024xf32, #tpu.memory_space<vmem>>, vector<16xf32>,
      %mul3A_197 = arith.mulf %get3A_196, %gather3A_179 : vector<16xf32>
      %add3A_198 = arith.addf %mul3A_193, %mul3A_197 : vector<16xf32>
      %swap3A_199 = arith.index_cast %add3A_176 : i32 to index
      %swap3A_200 = arith.constant 16 : index
      %swap3A_201 = tpu.vector_load %arg12[%swap3A_199, %swap3A_200] {strides = array<i32>} : memref<16x1024xf32, #tpu.memory_space<vmem>>, vector<16xf32>,
      tpu.vector_store %arg12[%swap3A_199, %swap3A_200], %add3A_198 {strides = array<i32>} : memref<16x1024xf32, #tpu.memory_space<vmem>>, vector<16xf32>,
      %get3A_202 = arith.index_cast %add3A_176 : i32 to index
      %get3A_203 = arith.constant 32 : index
      %get3A_204 = tpu.vector_load %arg8[%get3A_202, %get3A_203] {strides = array<i32>} : memref<16x1024xf32, #tpu.memory_space<vmem>>, vector<16xf32>,
      %mul3A_205 = arith.mulf %get3A_204, %gather3A : vector<16xf32>
      %get3A_206 = arith.index_cast %add3A_176 : i32 to index
      %get3A_207 = arith.constant 32 : index
      %get3A_208 = tpu.vector_load %arg10[%get3A_206, %get3A_207] {strides = array<i32>} : memref<16x1024xf32, #tpu.memory_space<vmem>>, vector<16xf32>,
      %mul3A_209 = arith.mulf %get3A_208, %gather3A_179 : vector<16xf32>
      %add3A_210 = arith.addf %mul3A_205, %mul3A_209 : vector<16xf32>
      %swap3A_211 = arith.index_cast %add3A_176 : i32 to index
      %swap3A_212 = arith.constant 32 : index
      %swap3A_213 = tpu.vector_load %arg12[%swap3A_211, %swap3A_212] {strides = array<i32>} : memref<16x1024xf32, #tpu.memory_space<vmem>>, vector<16xf32>,
      tpu.vector_store %arg12[%swap3A_211, %swap3A_212], %add3A_210 {strides = array<i32>} : memref<16x1024xf32, #tpu.memory_space<vmem>>, vector<16xf32>,
      %get3A_214 = arith.index_cast %add3A_176 : i32 to index
      %get3A_215 = arith.constant 48 : index
      %get3A_216 = tpu.vector_load %arg8[%get3A_214, %get3A_215] {strides = array<i32>} : memref<16x1024xf32, #tpu.memory_space<vmem>>, vector<16xf32>,
      %mul3A_217 = arith.mulf %get3A_216, %gather3A : vector<16xf32>
      %get3A_218 = arith.index_cast %add3A_176 : i32 to index
      %get3A_219 = arith.constant 48 : index
      %get3A_220 = tpu.vector_load %arg10[%get3A_218, %get3A_219] {strides = array<i32>} : memref<16x1024xf32, #tpu.memory_space<vmem>>, vector<16xf32>,
      %mul3A_221 = arith.mulf %get3A_220, %gather3A_179 : vector<16xf32>
      %add3A_222 = arith.addf %mul3A_217, %mul3A_221 : vector<16xf32>
      %swap3A_223 = arith.index_cast %add3A_176 : i32 to index
      %swap3A_224 = arith.constant 48 : index
      %swap3A_225 = tpu.vector_load %arg12[%swap3A_223, %swap3A_224] {strides = array<i32>} : memref<16x1024xf32, #tpu.memory_space<vmem>>, vector<16xf32>,
      tpu.vector_store %arg12[%swap3A_223, %swap3A_224], %add3A_222 {strides = array<i32>} : memref<16x1024xf32, #tpu.memory_space<vmem>>, vector<16xf32>,
      %get3A_226 = arith.index_cast %add3A_176 : i32 to index
      %get3A_227 = arith.constant 64 : index
      %get3A_228 = tpu.vector_load %arg8[%get3A_226, %get3A_227] {strides = array<i32>} : memref<16x1024xf32, #tpu.memory_space<vmem>>, vector<16xf32>,
      %mul3A_229 = arith.mulf %get3A_228, %gather3A : vector<16xf32>
      %get3A_230 = arith.index_cast %add3A_176 : i32 to index
      %get3A_231 = arith.constant 64 : index
      %get3A_232 = tpu.vector_load %arg10[%get3A_230, %get3A_231] {strides = array<i32>} : memref<16x1024xf32, #tpu.memory_space<vmem>>, vector<16xf32>,
      %mul3A_233 = arith.mulf %get3A_232, %gather3A_179 : vector<16xf32>
      %add3A_234 = arith.addf %mul3A_229, %mul3A_233 : vector<16xf32>
      %swap3A_235 = arith.index_cast %add3A_176 : i32 to index
      %swap3A_236 = arith.constant 64 : index
      %swap3A_237 = tpu.vector_load %arg12[%swap3A_235, %swap3A_236] {strides = array<i32>} : memref<16x1024xf32, #tpu.memory_space<vmem>>, vector<16xf32>,
      tpu.vector_store %arg12[%swap3A_235, %swap3A_236], %add3A_234 {strides = array<i32>} : memref<16x1024xf32, #tpu.memory_space<vmem>>, vector<16xf32>,
      %get3A_238 = arith.index_cast %add3A_176 : i32 to index
      %get3A_239 = arith.constant 80 : index
      %get3A_240 = tpu.vector_load %arg8[%get3A_238, %get3A_239] {strides = array<i32>} : memref<16x1024xf32, #tpu.memory_space<vmem>>, vector<16xf32>,
      %mul3A_241 = arith.mulf %get3A_240, %gather3A : vector<16xf32>
      %get3A_242 = arith.index_cast %add3A_176 : i32 to index
      %get3A_243 = arith.constant 80 : index
      %get3A_244 = tpu.vector_load %arg10[%get3A_242, %get3A_243] {strides = array<i32>} : memref<16x1024xf32, #tpu.memory_space<vmem>>, vector<16xf32>,
      %mul3A_245 = arith.mulf %get3A_244, %gather3A_179 : vector<16xf32>
      %add3A_246 = arith.addf %mul3A_241, %mul3A_245 : vector<16xf32>
      %swap3A_247 = arith.index_cast %add3A_176 : i32 to index
      %swap3A_248 = arith.constant 80 : index
      %swap3A_249 = tpu.vector_load %arg12[%swap3A_247, %swap3A_248] {strides = array<i32>} : memref<16x1024xf32, #tpu.memory_space<vmem>>, vector<16xf32>,
      tpu.vector_store %arg12[%swap3A_247, %swap3A_248], %add3A_246 {strides = array<i32>} : memref<16x1024xf32, #tpu.memory_space<vmem>>, vector<16xf32>,
      %get3A_250 = arith.index_cast %add3A_176 : i32 to index
      %get3A_251 = arith.constant 96 : index
      %get3A_252 = tpu.vector_load %arg8[%get3A_250, %get3A_251] {strides = array<i32>} : memref<16x1024xf32, #tpu.memory_space<vmem>>, vector<16xf32>,
      %mul3A_253 = arith.mulf %get3A_252, %gather3A : vector<16xf32>
      %get3A_254 = arith.index_cast %add3A_176 : i32 to index
      %get3A_255 = arith.constant 96 : index
      %get3A_256 = tpu.vector_load %arg10[%get3A_254, %get3A_255] {strides = array<i32>} : memref<16x1024xf32, #tpu.memory_space<vmem>>, vector<16xf32>,
      %mul3A_257 = arith.mulf %get3A_256, %gather3A_179 : vector<16xf32>
      %add3A_258 = arith.addf %mul3A_253, %mul3A_257 : vector<16xf32>
      %swap3A_259 = arith.index_cast %add3A_176 : i32 to index
      %swap3A_260 = arith.constant 96 : index
      %swap3A_261 = tpu.vector_load %arg12[%swap3A_259, %swap3A_260] {strides = array<i32>} : memref<16x1024xf32, #tpu.memory_space<vmem>>, vector<16xf32>,
      tpu.vector_store %arg12[%swap3A_259, %swap3A_260], %add3A_258 {strides = array<i32>} : memref<16x1024xf32, #tpu.memory_space<vmem>>, vector<16xf32>,
      %get3A_262 = arith.index_cast %add3A_176 : i32 to index
      %get3A_263 = arith.constant 112 : index
      %get3A_264 = tpu.vector_load %arg8[%get3A_262, %get3A_263] {strides = array<i32>} : memref<16x1024xf32, #tpu.memory_space<vmem>>, vector<16xf32>,
      %mul3A_265 = arith.mulf %get3A_264, %gather3A : vector<16xf32>
      %get3A_266 = arith.index_cast %add3A_176 : i32 to index
      %get3A_267 = arith.constant 112 : index
      %get3A_268 = tpu.vector_load %arg10[%get3A_266, %get3A_267] {strides = array<i32>} : memref<16x1024xf32, #tpu.memory_space<vmem>>, vector<16xf32>,
      %mul3A_269 = arith.mulf %get3A_268, %gather3A_179 : vector<16xf32>
      %add3A_270 = arith.addf %mul3A_265, %mul3A_269 : vector<16xf32>
      %swap3A_271 = arith.index_cast %add3A_176 : i32 to index
      %swap3A_272 = arith.constant 112 : index
      %swap3A_273 = tpu.vector_load %arg12[%swap3A_271, %swap3A_272] {strides = array<i32>} : memref<16x1024xf32, #tpu.memory_space<vmem>>, vector<16xf32>,
      tpu.vector_store %arg12[%swap3A_271, %swap3A_272], %add3A_270 {strides = array<i32>} : memref<16x1024xf32, #tpu.memory_space<vmem>>, vector<16xf32>,
      %get3A_274 = arith.index_cast %add3A_176 : i32 to index
      %get3A_275 = arith.constant 128 : index
      %get3A_276 = tpu.vector_load %arg8[%get3A_274, %get3A_275] {strides = array<i32>} : memref<16x1024xf32, #tpu.memory_space<vmem>>, vector<16xf32>,
      %mul3A_277 = arith.mulf %get3A_276, %gather3A : vector<16xf32>
      %get3A_278 = arith.index_cast %add3A_176 : i32 to index
      %get3A_279 = arith.constant 128 : index
      %get3A_280 = tpu.vector_load %arg10[%get3A_278, %get3A_279] {strides = array<i32>} : memref<16x1024xf32, #tpu.memory_space<vmem>>, vector<16xf32>,
      %mul3A_281 = arith.mulf %get3A_280, %gather3A_179 : vector<16xf32>
      %add3A_282 = arith.addf %mul3A_277, %mul3A_281 : vector<16xf32>
      %swap3A_283 = arith.index_cast %add3A_176 : i32 to index
      %swap3A_284 = arith.constant 128 : index
      %swap3A_285 = tpu.vector_load %arg12[%swap3A_283, %swap3A_284] {strides = array<i32>} : memref<16x1024xf32, #tpu.memory_space<vmem>>, vector<16xf32>,
      tpu.vector_store %arg12[%swap3A_283, %swap3A_284], %add3A_282 {strides = array<i32>} : memref<16x1024xf32, #tpu.memory_space<vmem>>, vector<16xf32>,
      %get3A_286 = arith.index_cast %add3A_176 : i32 to index
      %get3A_287 = arith.constant 144 : index
      %get3A_288 = tpu.vector_load %arg8[%get3A_286, %get3A_287] {strides = array<i32>} : memref<16x1024xf32, #tpu.memory_space<vmem>>, vector<16xf32>,
      %mul3A_289 = arith.mulf %get3A_288, %gather3A : vector<16xf32>
      %get3A_290 = arith.index_cast %add3A_176 : i32 to index
      %get3A_291 = arith.constant 144 : index
      %get3A_292 = tpu.vector_load %arg10[%get3A_290, %get3A_291] {strides = array<i32>} : memref<16x1024xf32, #tpu.memory_space<vmem>>, vector<16xf32>,
      %mul3A_293 = arith.mulf %get3A_292, %gather3A_179 : vector<16xf32>
      %add3A_294 = arith.addf %mul3A_289, %mul3A_293 : vector<16xf32>
      %swap3A_295 = arith.index_cast %add3A_176 : i32 to index
      %swap3A_296 = arith.constant 144 : index
      %swap3A_297 = tpu.vector_load %arg12[%swap3A_295, %swap3A_296] {strides = array<i32>} : memref<16x1024xf32, #tpu.memory_space<vmem>>, vector<16xf32>,
      tpu.vector_store %arg12[%swap3A_295, %swap3A_296], %add3A_294 {strides = array<i32>} : memref<16x1024xf32, #tpu.memory_space<vmem>>, vector<16xf32>,
      %get3A_298 = arith.index_cast %add3A_176 : i32 to index
      %get3A_299 = arith.constant 160 : index
      %get3A_300 = tpu.vector_load %arg8[%get3A_298, %get3A_299] {strides = array<i32>} : memref<16x1024xf32, #tpu.memory_space<vmem>>, vector<16xf32>,
      %mul3A_301 = arith.mulf %get3A_300, %gather3A : vector<16xf32>
      %get3A_302 = arith.index_cast %add3A_176 : i32 to index
      %get3A_303 = arith.constant 160 : index
      %get3A_304 = tpu.vector_load %arg10[%get3A_302, %get3A_303] {strides = array<i32>} : memref<16x1024xf32, #tpu.memory_space<vmem>>, vector<16xf32>,
      %mul3A_305 = arith.mulf %get3A_304, %gather3A_179 : vector<16xf32>
      %add3A_306 = arith.addf %mul3A_301, %mul3A_305 : vector<16xf32>
      %swap3A_307 = arith.index_cast %add3A_176 : i32 to index
      %swap3A_308 = arith.constant 160 : index
      %swap3A_309 = tpu.vector_load %arg12[%swap3A_307, %swap3A_308] {strides = array<i32>} : memref<16x1024xf32, #tpu.memory_space<vmem>>, vector<16xf32>,
      tpu.vector_store %arg12[%swap3A_307, %swap3A_308], %add3A_306 {strides = array<i32>} : memref<16x1024xf32, #tpu.memory_space<vmem>>, vector<16xf32>,
      %get3A_310 = arith.index_cast %add3A_176 : i32 to index
      %get3A_311 = arith.constant 176 : index
      %get3A_312 = tpu.vector_load %arg8[%get3A_310, %get3A_311] {strides = array<i32>} : memref<16x1024xf32, #tpu.memory_space<vmem>>, vector<16xf32>,
      %mul3A_313 = arith.mulf %get3A_312, %gather3A : vector<16xf32>
      %get3A_314 = arith.index_cast %add3A_176 : i32 to index
      %get3A_315 = arith.constant 176 : index
      %get3A_316 = tpu.vector_load %arg10[%get3A_314, %get3A_315] {strides = array<i32>} : memref<16x1024xf32, #tpu.memory_space<vmem>>, vector<16xf32>,
      %mul3A_317 = arith.mulf %get3A_316, %gather3A_179 : vector<16xf32>
      %add3A_318 = arith.addf %mul3A_313, %mul3A_317 : vector<16xf32>
      %swap3A_319 = arith.index_cast %add3A_176 : i32 to index
      %swap3A_320 = arith.constant 176 : index
      %swap3A_321 = tpu.vector_load %arg12[%swap3A_319, %swap3A_320] {strides = array<i32>} : memref<16x1024xf32, #tpu.memory_space<vmem>>, vector<16xf32>,
      tpu.vector_store %arg12[%swap3A_319, %swap3A_320], %add3A_318 {strides = array<i32>} : memref<16x1024xf32, #tpu.memory_space<vmem>>, vector<16xf32>,
      %get3A_322 = arith.index_cast %add3A_176 : i32 to index
      %get3A_323 = arith.constant 192 : index
      %get3A_324 = tpu.vector_load %arg8[%get3A_322, %get3A_323] {strides = array<i32>} : memref<16x1024xf32, #tpu.memory_space<vmem>>, vector<16xf32>,
      %mul3A_325 = arith.mulf %get3A_324, %gather3A : vector<16xf32>
      %get3A_326 = arith.index_cast %add3A_176 : i32 to index
      %get3A_327 = arith.constant 192 : index
      %get3A_328 = tpu.vector_load %arg10[%get3A_326, %get3A_327] {strides = array<i32>} : memref<16x1024xf32, #tpu.memory_space<vmem>>, vector<16xf32>,
      %mul3A_329 = arith.mulf %get3A_328, %gather3A_179 : vector<16xf32>
      %add3A_330 = arith.addf %mul3A_325, %mul3A_329 : vector<16xf32>
      %swap3A_331 = arith.index_cast %add3A_176 : i32 to index
      %swap3A_332 = arith.constant 192 : index
      %swap3A_333 = tpu.vector_load %arg12[%swap3A_331, %swap3A_332] {strides = array<i32>} : memref<16x1024xf32, #tpu.memory_space<vmem>>, vector<16xf32>,
      tpu.vector_store %arg12[%swap3A_331, %swap3A_332], %add3A_330 {strides = array<i32>} : memref<16x1024xf32, #tpu.memory_space<vmem>>, vector<16xf32>,
      %get3A_334 = arith.index_cast %add3A_176 : i32 to index
      %get3A_335 = arith.constant 208 : index
      %get3A_336 = tpu.vector_load %arg8[%get3A_334, %get3A_335] {strides = array<i32>} : memref<16x1024xf32, #tpu.memory_space<vmem>>, vector<16xf32>,
      %mul3A_337 = arith.mulf %get3A_336, %gather3A : vector<16xf32>
      %get3A_338 = arith.index_cast %add3A_176 : i32 to index
      %get3A_339 = arith.constant 208 : index
      %get3A_340 = tpu.vector_load %arg10[%get3A_338, %get3A_339] {strides = array<i32>} : memref<16x1024xf32, #tpu.memory_space<vmem>>, vector<16xf32>,
      %mul3A_341 = arith.mulf %get3A_340, %gather3A_179 : vector<16xf32>
      %add3A_342 = arith.addf %mul3A_337, %mul3A_341 : vector<16xf32>
      %swap3A_343 = arith.index_cast %add3A_176 : i32 to index
      %swap3A_344 = arith.constant 208 : index
      %swap3A_345 = tpu.vector_load %arg12[%swap3A_343, %swap3A_344] {strides = array<i32>} : memref<16x1024xf32, #tpu.memory_space<vmem>>, vector<16xf32>,
      tpu.vector_store %arg12[%swap3A_343, %swap3A_344], %add3A_342 {strides = array<i32>} : memref<16x1024xf32, #tpu.memory_space<vmem>>, vector<16xf32>,
      %get3A_346 = arith.index_cast %add3A_176 : i32 to index
      %get3A_347 = arith.constant 224 : index
      %get3A_348 = tpu.vector_load %arg8[%get3A_346, %get3A_347] {strides = array<i32>} : memref<16x1024xf32, #tpu.memory_space<vmem>>, vector<16xf32>,
      %mul3A_349 = arith.mulf %get3A_348, %gather3A : vector<16xf32>
      %get3A_350 = arith.index_cast %add3A_176 : i32 to index
      %get3A_351 = arith.constant 224 : index
      %get3A_352 = tpu.vector_load %arg10[%get3A_350, %get3A_351] {strides = array<i32>} : memref<16x1024xf32, #tpu.memory_space<vmem>>, vector<16xf32>,
      %mul3A_353 = arith.mulf %get3A_352, %gather3A_179 : vector<16xf32>
      %add3A_354 = arith.addf %mul3A_349, %mul3A_353 : vector<16xf32>
      %swap3A_355 = arith.index_cast %add3A_176 : i32 to index
      %swap3A_356 = arith.constant 224 : index
      %swap3A_357 = tpu.vector_load %arg12[%swap3A_355, %swap3A_356] {strides = array<i32>} : memref<16x1024xf32, #tpu.memory_space<vmem>>, vector<16xf32>,
      tpu.vector_store %arg12[%swap3A_355, %swap3A_356], %add3A_354 {strides = array<i32>} : memref<16x1024xf32, #tpu.memory_space<vmem>>, vector<16xf32>,
      %get3A_358 = arith.index_cast %add3A_176 : i32 to index
      %get3A_359 = arith.constant 240 : index
      %get3A_360 = tpu.vector_load %arg8[%get3A_358, %get3A_359] {strides = array<i32>} : memref<16x1024xf32, #tpu.memory_space<vmem>>, vector<16xf32>,
      %mul3A_361 = arith.mulf %get3A_360, %gather3A : vector<16xf32>
      %get3A_362 = arith.index_cast %add3A_176 : i32 to index
      %get3A_363 = arith.constant 240 : index
      %get3A_364 = tpu.vector_load %arg10[%get3A_362, %get3A_363] {strides = array<i32>} : memref<16x1024xf32, #tpu.memory_space<vmem>>, vector<16xf32>,
      %mul3A_365 = arith.mulf %get3A_364, %gather3A_179 : vector<16xf32>
      %add3A_366 = arith.addf %mul3A_361, %mul3A_365 : vector<16xf32>
      %swap3A_367 = arith.index_cast %add3A_176 : i32 to index
      %swap3A_368 = arith.constant 240 : index
      %swap3A_369 = tpu.vector_load %arg12[%swap3A_367, %swap3A_368] {strides = array<i32>} : memref<16x1024xf32, #tpu.memory_space<vmem>>, vector<16xf32>,
      tpu.vector_store %arg12[%swap3A_367, %swap3A_368], %add3A_366 {strides = array<i32>} : memref<16x1024xf32, #tpu.memory_space<vmem>>, vector<16xf32>,
      %get3A_370 = arith.index_cast %add3A_176 : i32 to index
      %get3A_371 = arith.constant 256 : index
      %get3A_372 = tpu.vector_load %arg8[%get3A_370, %get3A_371] {strides = array<i32>} : memref<16x1024xf32, #tpu.memory_space<vmem>>, vector<16xf32>,
      %mul3A_373 = arith.mulf %get3A_372, %gather3A : vector<16xf32>
      %get3A_374 = arith.index_cast %add3A_176 : i32 to index
      %get3A_375 = arith.constant 256 : index
      %get3A_376 = tpu.vector_load %arg10[%get3A_374, %get3A_375] {strides = array<i32>} : memref<16x1024xf32, #tpu.memory_space<vmem>>, vector<16xf32>,
      %mul3A_377 = arith.mulf %get3A_376, %gather3A_179 : vector<16xf32>
      %add3A_378 = arith.addf %mul3A_373, %mul3A_377 : vector<16xf32>
      %swap3A_379 = arith.index_cast %add3A_176 : i32 to index
      %swap3A_380 = arith.constant 256 : index
      %swap3A_381 = tpu.vector_load %arg12[%swap3A_379, %swap3A_380] {strides = array<i32>} : memref<16x1024xf32, #tpu.memory_space<vmem>>, vector<16xf32>,
      tpu.vector_store %arg12[%swap3A_379, %swap3A_380], %add3A_378 {strides = array<i32>} : memref<16x1024xf32, #tpu.memory_space<vmem>>, vector<16xf32>,
      %get3A_382 = arith.index_cast %add3A_176 : i32 to index
      %get3A_383 = arith.constant 272 : index
      %get3A_384 = tpu.vector_load %arg8[%get3A_382, %get3A_383] {strides = array<i32>} : memref<16x1024xf32, #tpu.memory_space<vmem>>, vector<16xf32>,
      %mul3A_385 = arith.mulf %get3A_384, %gather3A : vector<16xf32>
      %get3A_386 = arith.index_cast %add3A_176 : i32 to index
      %get3A_387 = arith.constant 272 : index
      %get3A_388 = tpu.vector_load %arg10[%get3A_386, %get3A_387] {strides = array<i32>} : memref<16x1024xf32, #tpu.memory_space<vmem>>, vector<16xf32>,
      %mul3A_389 = arith.mulf %get3A_388, %gather3A_179 : vector<16xf32>
      %add3A_390 = arith.addf %mul3A_385, %mul3A_389 : vector<16xf32>
      %swap3A_391 = arith.index_cast %add3A_176 : i32 to index
      %swap3A_392 = arith.constant 272 : index
      %swap3A_393 = tpu.vector_load %arg12[%swap3A_391, %swap3A_392] {strides = array<i32>} : memref<16x1024xf32, #tpu.memory_space<vmem>>, vector<16xf32>,
      tpu.vector_store %arg12[%swap3A_391, %swap3A_392], %add3A_390 {strides = array<i32>} : memref<16x1024xf32, #tpu.memory_space<vmem>>, vector<16xf32>,
      %get3A_394 = arith.index_cast %add3A_176 : i32 to index
      %get3A_395 = arith.constant 288 : index
      %get3A_396 = tpu.vector_load %arg8[%get3A_394, %get3A_395] {strides = array<i32>} : memref<16x1024xf32, #tpu.memory_space<vmem>>, vector<16xf32>,
      %mul3A_397 = arith.mulf %get3A_396, %gather3A : vector<16xf32>
      %get3A_398 = arith.index_cast %add3A_176 : i32 to index
      %get3A_399 = arith.constant 288 : index
      %get3A_400 = tpu.vector_load %arg10[%get3A_398, %get3A_399] {strides = array<i32>} : memref<16x1024xf32, #tpu.memory_space<vmem>>, vector<16xf32>,
      %mul3A_401 = arith.mulf %get3A_400, %gather3A_179 : vector<16xf32>
      %add3A_402 = arith.addf %mul3A_397, %mul3A_401 : vector<16xf32>
      %swap3A_403 = arith.index_cast %add3A_176 : i32 to index
      %swap3A_404 = arith.constant 288 : index
      %swap3A_405 = tpu.vector_load %arg12[%swap3A_403, %swap3A_404] {strides = array<i32>} : memref<16x1024xf32, #tpu.memory_space<vmem>>, vector<16xf32>,
      tpu.vector_store %arg12[%swap3A_403, %swap3A_404], %add3A_402 {strides = array<i32>} : memref<16x1024xf32, #tpu.memory_space<vmem>>, vector<16xf32>,
      %get3A_406 = arith.index_cast %add3A_176 : i32 to index
      %get3A_407 = arith.constant 304 : index
      %get3A_408 = tpu.vector_load %arg8[%get3A_406, %get3A_407] {strides = array<i32>} : memref<16x1024xf32, #tpu.memory_space<vmem>>, vector<16xf32>,
      %mul3A_409 = arith.mulf %get3A_408, %gather3A : vector<16xf32>
      %get3A_410 = arith.index_cast %add3A_176 : i32 to index
      %get3A_411 = arith.constant 304 : index
      %get3A_412 = tpu.vector_load %arg10[%get3A_410, %get3A_411] {strides = array<i32>} : memref<16x1024xf32, #tpu.memory_space<vmem>>, vector<16xf32>,
      %mul3A_413 = arith.mulf %get3A_412, %gather3A_179 : vector<16xf32>
      %add3A_414 = arith.addf %mul3A_409, %mul3A_413 : vector<16xf32>
      %swap3A_415 = arith.index_cast %add3A_176 : i32 to index
      %swap3A_416 = arith.constant 304 : index
      %swap3A_417 = tpu.vector_load %arg12[%swap3A_415, %swap3A_416] {strides = array<i32>} : memref<16x1024xf32, #tpu.memory_space<vmem>>, vector<16xf32>,
      tpu.vector_store %arg12[%swap3A_415, %swap3A_416], %add3A_414 {strides = array<i32>} : memref<16x1024xf32, #tpu.memory_space<vmem>>, vector<16xf32>,
      %get3A_418 = arith.index_cast %add3A_176 : i32 to index
      %get3A_419 = arith.constant 320 : index
      %get3A_420 = tpu.vector_load %arg8[%get3A_418, %get3A_419] {strides = array<i32>} : memref<16x1024xf32, #tpu.memory_space<vmem>>, vector<16xf32>,
      %mul3A_421 = arith.mulf %get3A_420, %gather3A : vector<16xf32>
      %get3A_422 = arith.index_cast %add3A_176 : i32 to index
      %get3A_423 = arith.constant 320 : index
      %get3A_424 = tpu.vector_load %arg10[%get3A_422, %get3A_423] {strides = array<i32>} : memref<16x1024xf32, #tpu.memory_space<vmem>>, vector<16xf32>,
      %mul3A_425 = arith.mulf %get3A_424, %gather3A_179 : vector<16xf32>
      %add3A_426 = arith.addf %mul3A_421, %mul3A_425 : vector<16xf32>
      %swap3A_427 = arith.index_cast %add3A_176 : i32 to index
      %swap3A_428 = arith.constant 320 : index
      %swap3A_429 = tpu.vector_load %arg12[%swap3A_427, %swap3A_428] {strides = array<i32>} : memref<16x1024xf32, #tpu.memory_space<vmem>>, vector<16xf32>,
      tpu.vector_store %arg12[%swap3A_427, %swap3A_428], %add3A_426 {strides = array<i32>} : memref<16x1024xf32, #tpu.memory_space<vmem>>, vector<16xf32>,
      %get3A_430 = arith.index_cast %add3A_176 : i32 to index
      %get3A_431 = arith.constant 336 : index
      %get3A_432 = tpu.vector_load %arg8[%get3A_430, %get3A_431] {strides = array<i32>} : memref<16x1024xf32, #tpu.memory_space<vmem>>, vector<16xf32>,
      %mul3A_433 = arith.mulf %get3A_432, %gather3A : vector<16xf32>
      %get3A_434 = arith.index_cast %add3A_176 : i32 to index
      %get3A_435 = arith.constant 336 : index
      %get3A_436 = tpu.vector_load %arg10[%get3A_434, %get3A_435] {strides = array<i32>} : memref<16x1024xf32, #tpu.memory_space<vmem>>, vector<16xf32>,
      %mul3A_437 = arith.mulf %get3A_436, %gather3A_179 : vector<16xf32>
      %add3A_438 = arith.addf %mul3A_433, %mul3A_437 : vector<16xf32>
      %swap3A_439 = arith.index_cast %add3A_176 : i32 to index
      %swap3A_440 = arith.constant 336 : index
      %swap3A_441 = tpu.vector_load %arg12[%swap3A_439, %swap3A_440] {strides = array<i32>} : memref<16x1024xf32, #tpu.memory_space<vmem>>, vector<16xf32>,
      tpu.vector_store %arg12[%swap3A_439, %swap3A_440], %add3A_438 {strides = array<i32>} : memref<16x1024xf32, #tpu.memory_space<vmem>>, vector<16xf32>,
      %get3A_442 = arith.index_cast %add3A_176 : i32 to index
      %get3A_443 = arith.constant 352 : index
      %get3A_444 = tpu.vector_load %arg8[%get3A_442, %get3A_443] {strides = array<i32>} : memref<16x1024xf32, #tpu.memory_space<vmem>>, vector<16xf32>,
      %mul3A_445 = arith.mulf %get3A_444, %gather3A : vector<16xf32>
      %get3A_446 = arith.index_cast %add3A_176 : i32 to index
      %get3A_447 = arith.constant 352 : index
      %get3A_448 = tpu.vector_load %arg10[%get3A_446, %get3A_447] {strides = array<i32>} : memref<16x1024xf32, #tpu.memory_space<vmem>>, vector<16xf32>,
      %mul3A_449 = arith.mulf %get3A_448, %gather3A_179 : vector<16xf32>
      %add3A_450 = arith.addf %mul3A_445, %mul3A_449 : vector<16xf32>
      %swap3A_451 = arith.index_cast %add3A_176 : i32 to index
      %swap3A_452 = arith.constant 352 : index
      %swap3A_453 = tpu.vector_load %arg12[%swap3A_451, %swap3A_452] {strides = array<i32>} : memref<16x1024xf32, #tpu.memory_space<vmem>>, vector<16xf32>,
      tpu.vector_store %arg12[%swap3A_451, %swap3A_452], %add3A_450 {strides = array<i32>} : memref<16x1024xf32, #tpu.memory_space<vmem>>, vector<16xf32>,
      %get3A_454 = arith.index_cast %add3A_176 : i32 to index
      %get3A_455 = arith.constant 368 : index
      %get3A_456 = tpu.vector_load %arg8[%get3A_454, %get3A_455] {strides = array<i32>} : memref<16x1024xf32, #tpu.memory_space<vmem>>, vector<16xf32>,
      %mul3A_457 = arith.mulf %get3A_456, %gather3A : vector<16xf32>
      %get3A_458 = arith.index_cast %add3A_176 : i32 to index
      %get3A_459 = arith.constant 368 : index
      %get3A_460 = tpu.vector_load %arg10[%get3A_458, %get3A_459] {strides = array<i32>} : memref<16x1024xf32, #tpu.memory_space<vmem>>, vector<16xf32>,
      %mul3A_461 = arith.mulf %get3A_460, %gather3A_179 : vector<16xf32>
      %add3A_462 = arith.addf %mul3A_457, %mul3A_461 : vector<16xf32>
      %swap3A_463 = arith.index_cast %add3A_176 : i32 to index
      %swap3A_464 = arith.constant 368 : index
      %swap3A_465 = tpu.vector_load %arg12[%swap3A_463, %swap3A_464] {strides = array<i32>} : memref<16x1024xf32, #tpu.memory_space<vmem>>, vector<16xf32>,
      tpu.vector_store %arg12[%swap3A_463, %swap3A_464], %add3A_462 {strides = array<i32>} : memref<16x1024xf32, #tpu.memory_space<vmem>>, vector<16xf32>,
      %get3A_466 = arith.index_cast %add3A_176 : i32 to index
      %get3A_467 = arith.constant 384 : index
      %get3A_468 = tpu.vector_load %arg8[%get3A_466, %get3A_467] {strides = array<i32>} : memref<16x1024xf32, #tpu.memory_space<vmem>>, vector<16xf32>,
      %mul3A_469 = arith.mulf %get3A_468, %gather3A : vector<16xf32>
      %get3A_470 = arith.index_cast %add3A_176 : i32 to index
      %get3A_471 = arith.constant 384 : index
      %get3A_472 = tpu.vector_load %arg10[%get3A_470, %get3A_471] {strides = array<i32>} : memref<16x1024xf32, #tpu.memory_space<vmem>>, vector<16xf32>,
      %mul3A_473 = arith.mulf %get3A_472, %gather3A_179 : vector<16xf32>
      %add3A_474 = arith.addf %mul3A_469, %mul3A_473 : vector<16xf32>
      %swap3A_475 = arith.index_cast %add3A_176 : i32 to index
      %swap3A_476 = arith.constant 384 : index
      %swap3A_477 = tpu.vector_load %arg12[%swap3A_475, %swap3A_476] {strides = array<i32>} : memref<16x1024xf32, #tpu.memory_space<vmem>>, vector<16xf32>,
      tpu.vector_store %arg12[%swap3A_475, %swap3A_476], %add3A_474 {strides = array<i32>} : memref<16x1024xf32, #tpu.memory_space<vmem>>, vector<16xf32>,
      %get3A_478 = arith.index_cast %add3A_176 : i32 to index
      %get3A_479 = arith.constant 400 : index
      %get3A_480 = tpu.vector_load %arg8[%get3A_478, %get3A_479] {strides = array<i32>} : memref<16x1024xf32, #tpu.memory_space<vmem>>, vector<16xf32>,
      %mul3A_481 = arith.mulf %get3A_480, %gather3A : vector<16xf32>
      %get3A_482 = arith.index_cast %add3A_176 : i32 to index
      %get3A_483 = arith.constant 400 : index
      %get3A_484 = tpu.vector_load %arg10[%get3A_482, %get3A_483] {strides = array<i32>} : memref<16x1024xf32, #tpu.memory_space<vmem>>, vector<16xf32>,
      %mul3A_485 = arith.mulf %get3A_484, %gather3A_179 : vector<16xf32>
      %add3A_486 = arith.addf %mul3A_481, %mul3A_485 : vector<16xf32>
      %swap3A_487 = arith.index_cast %add3A_176 : i32 to index
      %swap3A_488 = arith.constant 400 : index
      %swap3A_489 = tpu.vector_load %arg12[%swap3A_487, %swap3A_488] {strides = array<i32>} : memref<16x1024xf32, #tpu.memory_space<vmem>>, vector<16xf32>,
      tpu.vector_store %arg12[%swap3A_487, %swap3A_488], %add3A_486 {strides = array<i32>} : memref<16x1024xf32, #tpu.memory_space<vmem>>, vector<16xf32>,
      %get3A_490 = arith.index_cast %add3A_176 : i32 to index
      %get3A_491 = arith.constant 416 : index
      %get3A_492 = tpu.vector_load %arg8[%get3A_490, %get3A_491] {strides = array<i32>} : memref<16x1024xf32, #tpu.memory_space<vmem>>, vector<16xf32>,
      %mul3A_493 = arith.mulf %get3A_492, %gather3A : vector<16xf32>
      %get3A_494 = arith.index_cast %add3A_176 : i32 to index
      %get3A_495 = arith.constant 416 : index
      %get3A_496 = tpu.vector_load %arg10[%get3A_494, %get3A_495] {strides = array<i32>} : memref<16x1024xf32, #tpu.memory_space<vmem>>, vector<16xf32>,
      %mul3A_497 = arith.mulf %get3A_496, %gather3A_179 : vector<16xf32>
      %add3A_498 = arith.addf %mul3A_493, %mul3A_497 : vector<16xf32>
      %swap3A_499 = arith.index_cast %add3A_176 : i32 to index
      %swap3A_500 = arith.constant 416 : index
      %swap3A_501 = tpu.vector_load %arg12[%swap3A_499, %swap3A_500] {strides = array<i32>} : memref<16x1024xf32, #tpu.memory_space<vmem>>, vector<16xf32>,
      tpu.vector_store %arg12[%swap3A_499, %swap3A_500], %add3A_498 {strides = array<i32>} : memref<16x1024xf32, #tpu.memory_space<vmem>>, vector<16xf32>,
      %get3A_502 = arith.index_cast %add3A_176 : i32 to index
      %get3A_503 = arith.constant 432 : index
      %get3A_504 = tpu.vector_load %arg8[%get3A_502, %get3A_503] {strides = array<i32>} : memref<16x1024xf32, #tpu.memory_space<vmem>>, vector<16xf32>,
      %mul3A_505 = arith.mulf %get3A_504, %gather3A : vector<16xf32>
      %get3A_506 = arith.index_cast %add3A_176 : i32 to index
      %get3A_507 = arith.constant 432 : index
      %get3A_508 = tpu.vector_load %arg10[%get3A_506, %get3A_507] {strides = array<i32>} : memref<16x1024xf32, #tpu.memory_space<vmem>>, vector<16xf32>,
      %mul3A_509 = arith.mulf %get3A_508, %gather3A_179 : vector<16xf32>
      %add3A_510 = arith.addf %mul3A_505, %mul3A_509 : vector<16xf32>
      %swap3A_511 = arith.index_cast %add3A_176 : i32 to index
      %swap3A_512 = arith.constant 432 : index
      %swap3A_513 = tpu.vector_load %arg12[%swap3A_511, %swap3A_512] {strides = array<i32>} : memref<16x1024xf32, #tpu.memory_space<vmem>>, vector<16xf32>,
      tpu.vector_store %arg12[%swap3A_511, %swap3A_512], %add3A_510 {strides = array<i32>} : memref<16x1024xf32, #tpu.memory_space<vmem>>, vector<16xf32>,
      %get3A_514 = arith.index_cast %add3A_176 : i32 to index
      %get3A_515 = arith.constant 448 : index
      %get3A_516 = tpu.vector_load %arg8[%get3A_514, %get3A_515] {strides = array<i32>} : memref<16x1024xf32, #tpu.memory_space<vmem>>, vector<16xf32>,
      %mul3A_517 = arith.mulf %get3A_516, %gather3A : vector<16xf32>
      %get3A_518 = arith.index_cast %add3A_176 : i32 to index
      %get3A_519 = arith.constant 448 : index
      %get3A_520 = tpu.vector_load %arg10[%get3A_518, %get3A_519] {strides = array<i32>} : memref<16x1024xf32, #tpu.memory_space<vmem>>, vector<16xf32>,
      %mul3A_521 = arith.mulf %get3A_520, %gather3A_179 : vector<16xf32>
      %add3A_522 = arith.addf %mul3A_517, %mul3A_521 : vector<16xf32>
      %swap3A_523 = arith.index_cast %add3A_176 : i32 to index
      %swap3A_524 = arith.constant 448 : index
      %swap3A_525 = tpu.vector_load %arg12[%swap3A_523, %swap3A_524] {strides = array<i32>} : memref<16x1024xf32, #tpu.memory_space<vmem>>, vector<16xf32>,
      tpu.vector_store %arg12[%swap3A_523, %swap3A_524], %add3A_522 {strides = array<i32>} : memref<16x1024xf32, #tpu.memory_space<vmem>>, vector<16xf32>,
      %get3A_526 = arith.index_cast %add3A_176 : i32 to index
      %get3A_527 = arith.constant 464 : index
      %get3A_528 = tpu.vector_load %arg8[%get3A_526, %get3A_527] {strides = array<i32>} : memref<16x1024xf32, #tpu.memory_space<vmem>>, vector<16xf32>,
      %mul3A_529 = arith.mulf %get3A_528, %gather3A : vector<16xf32>
      %get3A_530 = arith.index_cast %add3A_176 : i32 to index
      %get3A_531 = arith.constant 464 : index
      %get3A_532 = tpu.vector_load %arg10[%get3A_530, %get3A_531] {strides = array<i32>} : memref<16x1024xf32, #tpu.memory_space<vmem>>, vector<16xf32>,
      %mul3A_533 = arith.mulf %get3A_532, %gather3A_179 : vector<16xf32>
      %add3A_534 = arith.addf %mul3A_529, %mul3A_533 : vector<16xf32>
      %swap3A_535 = arith.index_cast %add3A_176 : i32 to index
      %swap3A_536 = arith.constant 464 : index
      %swap3A_537 = tpu.vector_load %arg12[%swap3A_535, %swap3A_536] {strides = array<i32>} : memref<16x1024xf32, #tpu.memory_space<vmem>>, vector<16xf32>,
      tpu.vector_store %arg12[%swap3A_535, %swap3A_536], %add3A_534 {strides = array<i32>} : memref<16x1024xf32, #tpu.memory_space<vmem>>, vector<16xf32>,
      %get3A_538 = arith.index_cast %add3A_176 : i32 to index
      %get3A_539 = arith.constant 480 : index
      %get3A_540 = tpu.vector_load %arg8[%get3A_538, %get3A_539] {strides = array<i32>} : memref<16x1024xf32, #tpu.memory_space<vmem>>, vector<16xf32>,
      %mul3A_541 = arith.mulf %get3A_540, %gather3A : vector<16xf32>
      %get3A_542 = arith.index_cast %add3A_176 : i32 to index
      %get3A_543 = arith.constant 480 : index
      %get3A_544 = tpu.vector_load %arg10[%get3A_542, %get3A_543] {strides = array<i32>} : memref<16x1024xf32, #tpu.memory_space<vmem>>, vector<16xf32>,
      %mul3A_545 = arith.mulf %get3A_544, %gather3A_179 : vector<16xf32>
      %add3A_546 = arith.addf %mul3A_541, %mul3A_545 : vector<16xf32>
      %swap3A_547 = arith.index_cast %add3A_176 : i32 to index
      %swap3A_548 = arith.constant 480 : index
      %swap3A_549 = tpu.vector_load %arg12[%swap3A_547, %swap3A_548] {strides = array<i32>} : memref<16x1024xf32, #tpu.memory_space<vmem>>, vector<16xf32>,
      tpu.vector_store %arg12[%swap3A_547, %swap3A_548], %add3A_546 {strides = array<i32>} : memref<16x1024xf32, #tpu.memory_space<vmem>>, vector<16xf32>,
      %get3A_550 = arith.index_cast %add3A_176 : i32 to index
      %get3A_551 = arith.constant 496 : index
      %get3A_552 = tpu.vector_load %arg8[%get3A_550, %get3A_551] {strides = array<i32>} : memref<16x1024xf32, #tpu.memory_space<vmem>>, vector<16xf32>,
      %mul3A_553 = arith.mulf %get3A_552, %gather3A : vector<16xf32>
      %get3A_554 = arith.index_cast %add3A_176 : i32 to index
      %get3A_555 = arith.constant 496 : index
      %get3A_556 = tpu.vector_load %arg10[%get3A_554, %get3A_555] {strides = array<i32>} : memref<16x1024xf32, #tpu.memory_space<vmem>>, vector<16xf32>,
      %mul3A_557 = arith.mulf %get3A_556, %gather3A_179 : vector<16xf32>
      %add3A_558 = arith.addf %mul3A_553, %mul3A_557 : vector<16xf32>
      %swap3A_559 = arith.index_cast %add3A_176 : i32 to index
      %swap3A_560 = arith.constant 496 : index
      %swap3A_561 = tpu.vector_load %arg12[%swap3A_559, %swap3A_560] {strides = array<i32>} : memref<16x1024xf32, #tpu.memory_space<vmem>>, vector<16xf32>,
      tpu.vector_store %arg12[%swap3A_559, %swap3A_560], %add3A_558 {strides = array<i32>} : memref<16x1024xf32, #tpu.memory_space<vmem>>, vector<16xf32>,
      %get3A_562 = arith.index_cast %add3A_176 : i32 to index
      %get3A_563 = arith.constant 512 : index
      %get3A_564 = tpu.vector_load %arg8[%get3A_562, %get3A_563] {strides = array<i32>} : memref<16x1024xf32, #tpu.memory_space<vmem>>, vector<16xf32>,
      %mul3A_565 = arith.mulf %get3A_564, %gather3A : vector<16xf32>
      %get3A_566 = arith.index_cast %add3A_176 : i32 to index
      %get3A_567 = arith.constant 512 : index
      %get3A_568 = tpu.vector_load %arg10[%get3A_566, %get3A_567] {strides = array<i32>} : memref<16x1024xf32, #tpu.memory_space<vmem>>, vector<16xf32>,
      %mul3A_569 = arith.mulf %get3A_568, %gather3A_179 : vector<16xf32>
      %add3A_570 = arith.addf %mul3A_565, %mul3A_569 : vector<16xf32>
      %swap3A_571 = arith.index_cast %add3A_176 : i32 to index
      %swap3A_572 = arith.constant 512 : index
      %swap3A_573 = tpu.vector_load %arg12[%swap3A_571, %swap3A_572] {strides = array<i32>} : memref<16x1024xf32, #tpu.memory_space<vmem>>, vector<16xf32>,
      tpu.vector_store %arg12[%swap3A_571, %swap3A_572], %add3A_570 {strides = array<i32>} : memref<16x1024xf32, #tpu.memory_space<vmem>>, vector<16xf32>,
      %get3A_574 = arith.index_cast %add3A_176 : i32 to index
      %get3A_575 = arith.constant 528 : index
      %get3A_576 = tpu.vector_load %arg8[%get3A_574, %get3A_575] {strides = array<i32>} : memref<16x1024xf32, #tpu.memory_space<vmem>>, vector<16xf32>,
      %mul3A_577 = arith.mulf %get3A_576, %gather3A : vector<16xf32>
      %get3A_578 = arith.index_cast %add3A_176 : i32 to index
      %get3A_579 = arith.constant 528 : index
      %get3A_580 = tpu.vector_load %arg10[%get3A_578, %get3A_579] {strides = array<i32>} : memref<16x1024xf32, #tpu.memory_space<vmem>>, vector<16xf32>,
      %mul3A_581 = arith.mulf %get3A_580, %gather3A_179 : vector<16xf32>
      %add3A_582 = arith.addf %mul3A_577, %mul3A_581 : vector<16xf32>
      %swap3A_583 = arith.index_cast %add3A_176 : i32 to index
      %swap3A_584 = arith.constant 528 : index
      %swap3A_585 = tpu.vector_load %arg12[%swap3A_583, %swap3A_584] {strides = array<i32>} : memref<16x1024xf32, #tpu.memory_space<vmem>>, vector<16xf32>,
      tpu.vector_store %arg12[%swap3A_583, %swap3A_584], %add3A_582 {strides = array<i32>} : memref<16x1024xf32, #tpu.memory_space<vmem>>, vector<16xf32>,
      %get3A_586 = arith.index_cast %add3A_176 : i32 to index
      %get3A_587 = arith.constant 544 : index
      %get3A_588 = tpu.vector_load %arg8[%get3A_586, %get3A_587] {strides = array<i32>} : memref<16x1024xf32, #tpu.memory_space<vmem>>, vector<16xf32>,
      %mul3A_589 = arith.mulf %get3A_588, %gather3A : vector<16xf32>
      %get3A_590 = arith.index_cast %add3A_176 : i32 to index
      %get3A_591 = arith.constant 544 : index
      %get3A_592 = tpu.vector_load %arg10[%get3A_590, %get3A_591] {strides = array<i32>} : memref<16x1024xf32, #tpu.memory_space<vmem>>, vector<16xf32>,
      %mul3A_593 = arith.mulf %get3A_592, %gather3A_179 : vector<16xf32>
      %add3A_594 = arith.addf %mul3A_589, %mul3A_593 : vector<16xf32>
      %swap3A_595 = arith.index_cast %add3A_176 : i32 to index
      %swap3A_596 = arith.constant 544 : index
      %swap3A_597 = tpu.vector_load %arg12[%swap3A_595, %swap3A_596] {strides = array<i32>} : memref<16x1024xf32, #tpu.memory_space<vmem>>, vector<16xf32>,
      tpu.vector_store %arg12[%swap3A_595, %swap3A_596], %add3A_594 {strides = array<i32>} : memref<16x1024xf32, #tpu.memory_space<vmem>>, vector<16xf32>,
      %get3A_598 = arith.index_cast %add3A_176 : i32 to index
      %get3A_599 = arith.constant 560 : index
      %get3A_600 = tpu.vector_load %arg8[%get3A_598, %get3A_599] {strides = array<i32>} : memref<16x1024xf32, #tpu.memory_space<vmem>>, vector<16xf32>,
      %mul3A_601 = arith.mulf %get3A_600, %gather3A : vector<16xf32>
      %get3A_602 = arith.index_cast %add3A_176 : i32 to index
      %get3A_603 = arith.constant 560 : index
      %get3A_604 = tpu.vector_load %arg10[%get3A_602, %get3A_603] {strides = array<i32>} : memref<16x1024xf32, #tpu.memory_space<vmem>>, vector<16xf32>,
      %mul3A_605 = arith.mulf %get3A_604, %gather3A_179 : vector<16xf32>
      %add3A_606 = arith.addf %mul3A_601, %mul3A_605 : vector<16xf32>
      %swap3A_607 = arith.index_cast %add3A_176 : i32 to index
      %swap3A_608 = arith.constant 560 : index
      %swap3A_609 = tpu.vector_load %arg12[%swap3A_607, %swap3A_608] {strides = array<i32>} : memref<16x1024xf32, #tpu.memory_space<vmem>>, vector<16xf32>,
      tpu.vector_store %arg12[%swap3A_607, %swap3A_608], %add3A_606 {strides = array<i32>} : memref<16x1024xf32, #tpu.memory_space<vmem>>, vector<16xf32>,
      %get3A_610 = arith.index_cast %add3A_176 : i32 to index
      %get3A_611 = arith.constant 576 : index
      %get3A_612 = tpu.vector_load %arg8[%get3A_610, %get3A_611] {strides = array<i32>} : memref<16x1024xf32, #tpu.memory_space<vmem>>, vector<16xf32>,
      %mul3A_613 = arith.mulf %get3A_612, %gather3A : vector<16xf32>
      %get3A_614 = arith.index_cast %add3A_176 : i32 to index
      %get3A_615 = arith.constant 576 : index
      %get3A_616 = tpu.vector_load %arg10[%get3A_614, %get3A_615] {strides = array<i32>} : memref<16x1024xf32, #tpu.memory_space<vmem>>, vector<16xf32>,
      %mul3A_617 = arith.mulf %get3A_616, %gather3A_179 : vector<16xf32>
      %add3A_618 = arith.addf %mul3A_613, %mul3A_617 : vector<16xf32>
      %swap3A_619 = arith.index_cast %add3A_176 : i32 to index
      %swap3A_620 = arith.constant 576 : index
      %swap3A_621 = tpu.vector_load %arg12[%swap3A_619, %swap3A_620] {strides = array<i32>} : memref<16x1024xf32, #tpu.memory_space<vmem>>, vector<16xf32>,
      tpu.vector_store %arg12[%swap3A_619, %swap3A_620], %add3A_618 {strides = array<i32>} : memref<16x1024xf32, #tpu.memory_space<vmem>>, vector<16xf32>,
      %get3A_622 = arith.index_cast %add3A_176 : i32 to index
      %get3A_623 = arith.constant 592 : index
      %get3A_624 = tpu.vector_load %arg8[%get3A_622, %get3A_623] {strides = array<i32>} : memref<16x1024xf32, #tpu.memory_space<vmem>>, vector<16xf32>,
      %mul3A_625 = arith.mulf %get3A_624, %gather3A : vector<16xf32>
      %get3A_626 = arith.index_cast %add3A_176 : i32 to index
      %get3A_627 = arith.constant 592 : index
      %get3A_628 = tpu.vector_load %arg10[%get3A_626, %get3A_627] {strides = array<i32>} : memref<16x1024xf32, #tpu.memory_space<vmem>>, vector<16xf32>,
      %mul3A_629 = arith.mulf %get3A_628, %gather3A_179 : vector<16xf32>
      %add3A_630 = arith.addf %mul3A_625, %mul3A_629 : vector<16xf32>
      %swap3A_631 = arith.index_cast %add3A_176 : i32 to index
      %swap3A_632 = arith.constant 592 : index
      %swap3A_633 = tpu.vector_load %arg12[%swap3A_631, %swap3A_632] {strides = array<i32>} : memref<16x1024xf32, #tpu.memory_space<vmem>>, vector<16xf32>,
      tpu.vector_store %arg12[%swap3A_631, %swap3A_632], %add3A_630 {strides = array<i32>} : memref<16x1024xf32, #tpu.memory_space<vmem>>, vector<16xf32>,
      %get3A_634 = arith.index_cast %add3A_176 : i32 to index
      %get3A_635 = arith.constant 608 : index
      %get3A_636 = tpu.vector_load %arg8[%get3A_634, %get3A_635] {strides = array<i32>} : memref<16x1024xf32, #tpu.memory_space<vmem>>, vector<16xf32>,
      %mul3A_637 = arith.mulf %get3A_636, %gather3A : vector<16xf32>
      %get3A_638 = arith.index_cast %add3A_176 : i32 to index
      %get3A_639 = arith.constant 608 : index
      %get3A_640 = tpu.vector_load %arg10[%get3A_638, %get3A_639] {strides = array<i32>} : memref<16x1024xf32, #tpu.memory_space<vmem>>, vector<16xf32>,
      %mul3A_641 = arith.mulf %get3A_640, %gather3A_179 : vector<16xf32>
      %add3A_642 = arith.addf %mul3A_637, %mul3A_641 : vector<16xf32>
      %swap3A_643 = arith.index_cast %add3A_176 : i32 to index
      %swap3A_644 = arith.constant 608 : index
      %swap3A_645 = tpu.vector_load %arg12[%swap3A_643, %swap3A_644] {strides = array<i32>} : memref<16x1024xf32, #tpu.memory_space<vmem>>, vector<16xf32>,
      tpu.vector_store %arg12[%swap3A_643, %swap3A_644], %add3A_642 {strides = array<i32>} : memref<16x1024xf32, #tpu.memory_space<vmem>>, vector<16xf32>,
      %get3A_646 = arith.index_cast %add3A_176 : i32 to index
      %get3A_647 = arith.constant 624 : index
      %get3A_648 = tpu.vector_load %arg8[%get3A_646, %get3A_647] {strides = array<i32>} : memref<16x1024xf32, #tpu.memory_space<vmem>>, vector<16xf32>,
      %mul3A_649 = arith.mulf %get3A_648, %gather3A : vector<16xf32>
      %get3A_650 = arith.index_cast %add3A_176 : i32 to index
      %get3A_651 = arith.constant 624 : index
      %get3A_652 = tpu.vector_load %arg10[%get3A_650, %get3A_651] {strides = array<i32>} : memref<16x1024xf32, #tpu.memory_space<vmem>>, vector<16xf32>,
      %mul3A_653 = arith.mulf %get3A_652, %gather3A_179 : vector<16xf32>
      %add3A_654 = arith.addf %mul3A_649, %mul3A_653 : vector<16xf32>
      %swap3A_655 = arith.index_cast %add3A_176 : i32 to index
      %swap3A_656 = arith.constant 624 : index
      %swap3A_657 = tpu.vector_load %arg12[%swap3A_655, %swap3A_656] {strides = array<i32>} : memref<16x1024xf32, #tpu.memory_space<vmem>>, vector<16xf32>,
      tpu.vector_store %arg12[%swap3A_655, %swap3A_656], %add3A_654 {strides = array<i32>} : memref<16x1024xf32, #tpu.memory_space<vmem>>, vector<16xf32>,
      %get3A_658 = arith.index_cast %add3A_176 : i32 to index
      %get3A_659 = arith.constant 640 : index
      %get3A_660 = tpu.vector_load %arg8[%get3A_658, %get3A_659] {strides = array<i32>} : memref<16x1024xf32, #tpu.memory_space<vmem>>, vector<16xf32>,
      %mul3A_661 = arith.mulf %get3A_660, %gather3A : vector<16xf32>
      %get3A_662 = arith.index_cast %add3A_176 : i32 to index
      %get3A_663 = arith.constant 640 : index
      %get3A_664 = tpu.vector_load %arg10[%get3A_662, %get3A_663] {strides = array<i32>} : memref<16x1024xf32, #tpu.memory_space<vmem>>, vector<16xf32>,
      %mul3A_665 = arith.mulf %get3A_664, %gather3A_179 : vector<16xf32>
      %add3A_666 = arith.addf %mul3A_661, %mul3A_665 : vector<16xf32>
      %swap3A_667 = arith.index_cast %add3A_176 : i32 to index
      %swap3A_668 = arith.constant 640 : index
      %swap3A_669 = tpu.vector_load %arg12[%swap3A_667, %swap3A_668] {strides = array<i32>} : memref<16x1024xf32, #tpu.memory_space<vmem>>, vector<16xf32>,
      tpu.vector_store %arg12[%swap3A_667, %swap3A_668], %add3A_666 {strides = array<i32>} : memref<16x1024xf32, #tpu.memory_space<vmem>>, vector<16xf32>,
      %get3A_670 = arith.index_cast %add3A_176 : i32 to index
      %get3A_671 = arith.constant 656 : index
      %get3A_672 = tpu.vector_load %arg8[%get3A_670, %get3A_671] {strides = array<i32>} : memref<16x1024xf32, #tpu.memory_space<vmem>>, vector<16xf32>,
      %mul3A_673 = arith.mulf %get3A_672, %gather3A : vector<16xf32>
      %get3A_674 = arith.index_cast %add3A_176 : i32 to index
      %get3A_675 = arith.constant 656 : index
      %get3A_676 = tpu.vector_load %arg10[%get3A_674, %get3A_675] {strides = array<i32>} : memref<16x1024xf32, #tpu.memory_space<vmem>>, vector<16xf32>,
      %mul3A_677 = arith.mulf %get3A_676, %gather3A_179 : vector<16xf32>
      %add3A_678 = arith.addf %mul3A_673, %mul3A_677 : vector<16xf32>
      %swap3A_679 = arith.index_cast %add3A_176 : i32 to index
      %swap3A_680 = arith.constant 656 : index
      %swap3A_681 = tpu.vector_load %arg12[%swap3A_679, %swap3A_680] {strides = array<i32>} : memref<16x1024xf32, #tpu.memory_space<vmem>>, vector<16xf32>,
      tpu.vector_store %arg12[%swap3A_679, %swap3A_680], %add3A_678 {strides = array<i32>} : memref<16x1024xf32, #tpu.memory_space<vmem>>, vector<16xf32>,
      %get3A_682 = arith.index_cast %add3A_176 : i32 to index
      %get3A_683 = arith.constant 672 : index
      %get3A_684 = tpu.vector_load %arg8[%get3A_682, %get3A_683] {strides = array<i32>} : memref<16x1024xf32, #tpu.memory_space<vmem>>, vector<16xf32>,
      %mul3A_685 = arith.mulf %get3A_684, %gather3A : vector<16xf32>
      %get3A_686 = arith.index_cast %add3A_176 : i32 to index
      %get3A_687 = arith.constant 672 : index
      %get3A_688 = tpu.vector_load %arg10[%get3A_686, %get3A_687] {strides = array<i32>} : memref<16x1024xf32, #tpu.memory_space<vmem>>, vector<16xf32>,
      %mul3A_689 = arith.mulf %get3A_688, %gather3A_179 : vector<16xf32>
      %add3A_690 = arith.addf %mul3A_685, %mul3A_689 : vector<16xf32>
      %swap3A_691 = arith.index_cast %add3A_176 : i32 to index
      %swap3A_692 = arith.constant 672 : index
      %swap3A_693 = tpu.vector_load %arg12[%swap3A_691, %swap3A_692] {strides = array<i32>} : memref<16x1024xf32, #tpu.memory_space<vmem>>, vector<16xf32>,
      tpu.vector_store %arg12[%swap3A_691, %swap3A_692], %add3A_690 {strides = array<i32>} : memref<16x1024xf32, #tpu.memory_space<vmem>>, vector<16xf32>,
      %get3A_694 = arith.index_cast %add3A_176 : i32 to index
      %get3A_695 = arith.constant 688 : index
      %get3A_696 = tpu.vector_load %arg8[%get3A_694, %get3A_695] {strides = array<i32>} : memref<16x1024xf32, #tpu.memory_space<vmem>>, vector<16xf32>,
      %mul3A_697 = arith.mulf %get3A_696, %gather3A : vector<16xf32>
      %get3A_698 = arith.index_cast %add3A_176 : i32 to index
      %get3A_699 = arith.constant 688 : index
      %get3A_700 = tpu.vector_load %arg10[%get3A_698, %get3A_699] {strides = array<i32>} : memref<16x1024xf32, #tpu.memory_space<vmem>>, vector<16xf32>,
      %mul3A_701 = arith.mulf %get3A_700, %gather3A_179 : vector<16xf32>
      %add3A_702 = arith.addf %mul3A_697, %mul3A_701 : vector<16xf32>
      %swap3A_703 = arith.index_cast %add3A_176 : i32 to index
      %swap3A_704 = arith.constant 688 : index
      %swap3A_705 = tpu.vector_load %arg12[%swap3A_703, %swap3A_704] {strides = array<i32>} : memref<16x1024xf32, #tpu.memory_space<vmem>>, vector<16xf32>,
      tpu.vector_store %arg12[%swap3A_703, %swap3A_704], %add3A_702 {strides = array<i32>} : memref<16x1024xf32, #tpu.memory_space<vmem>>, vector<16xf32>,
      %get3A_706 = arith.index_cast %add3A_176 : i32 to index
      %get3A_707 = arith.constant 704 : index
      %get3A_708 = tpu.vector_load %arg8[%get3A_706, %get3A_707] {strides = array<i32>} : memref<16x1024xf32, #tpu.memory_space<vmem>>, vector<16xf32>,
      %mul3A_709 = arith.mulf %get3A_708, %gather3A : vector<16xf32>
      %get3A_710 = arith.index_cast %add3A_176 : i32 to index
      %get3A_711 = arith.constant 704 : index
      %get3A_712 = tpu.vector_load %arg10[%get3A_710, %get3A_711] {strides = array<i32>} : memref<16x1024xf32, #tpu.memory_space<vmem>>, vector<16xf32>,
      %mul3A_713 = arith.mulf %get3A_712, %gather3A_179 : vector<16xf32>
      %add3A_714 = arith.addf %mul3A_709, %mul3A_713 : vector<16xf32>
      %swap3A_715 = arith.index_cast %add3A_176 : i32 to index
      %swap3A_716 = arith.constant 704 : index
      %swap3A_717 = tpu.vector_load %arg12[%swap3A_715, %swap3A_716] {strides = array<i32>} : memref<16x1024xf32, #tpu.memory_space<vmem>>, vector<16xf32>,
      tpu.vector_store %arg12[%swap3A_715, %swap3A_716], %add3A_714 {strides = array<i32>} : memref<16x1024xf32, #tpu.memory_space<vmem>>, vector<16xf32>,
      %get3A_718 = arith.index_cast %add3A_176 : i32 to index
      %get3A_719 = arith.constant 720 : index
      %get3A_720 = tpu.vector_load %arg8[%get3A_718, %get3A_719] {strides = array<i32>} : memref<16x1024xf32, #tpu.memory_space<vmem>>, vector<16xf32>,
      %mul3A_721 = arith.mulf %get3A_720, %gather3A : vector<16xf32>
      %get3A_722 = arith.index_cast %add3A_176 : i32 to index
      %get3A_723 = arith.constant 720 : index
      %get3A_724 = tpu.vector_load %arg10[%get3A_722, %get3A_723] {strides = array<i32>} : memref<16x1024xf32, #tpu.memory_space<vmem>>, vector<16xf32>,
      %mul3A_725 = arith.mulf %get3A_724, %gather3A_179 : vector<16xf32>
      %add3A_726 = arith.addf %mul3A_721, %mul3A_725 : vector<16xf32>
      %swap3A_727 = arith.index_cast %add3A_176 : i32 to index
      %swap3A_728 = arith.constant 720 : index
      %swap3A_729 = tpu.vector_load %arg12[%swap3A_727, %swap3A_728] {strides = array<i32>} : memref<16x1024xf32, #tpu.memory_space<vmem>>, vector<16xf32>,
      tpu.vector_store %arg12[%swap3A_727, %swap3A_728], %add3A_726 {strides = array<i32>} : memref<16x1024xf32, #tpu.memory_space<vmem>>, vector<16xf32>,
      %get3A_730 = arith.index_cast %add3A_176 : i32 to index
      %get3A_731 = arith.constant 736 : index
      %get3A_732 = tpu.vector_load %arg8[%get3A_730, %get3A_731] {strides = array<i32>} : memref<16x1024xf32, #tpu.memory_space<vmem>>, vector<16xf32>,
      %mul3A_733 = arith.mulf %get3A_732, %gather3A : vector<16xf32>
      %get3A_734 = arith.index_cast %add3A_176 : i32 to index
      %get3A_735 = arith.constant 736 : index
      %get3A_736 = tpu.vector_load %arg10[%get3A_734, %get3A_735] {strides = array<i32>} : memref<16x1024xf32, #tpu.memory_space<vmem>>, vector<16xf32>,
      %mul3A_737 = arith.mulf %get3A_736, %gather3A_179 : vector<16xf32>
      %add3A_738 = arith.addf %mul3A_733, %mul3A_737 : vector<16xf32>
      %swap3A_739 = arith.index_cast %add3A_176 : i32 to index
      %swap3A_740 = arith.constant 736 : index
      %swap3A_741 = tpu.vector_load %arg12[%swap3A_739, %swap3A_740] {strides = array<i32>} : memref<16x1024xf32, #tpu.memory_space<vmem>>, vector<16xf32>,
      tpu.vector_store %arg12[%swap3A_739, %swap3A_740], %add3A_738 {strides = array<i32>} : memref<16x1024xf32, #tpu.memory_space<vmem>>, vector<16xf32>,
      %get3A_742 = arith.index_cast %add3A_176 : i32 to index
      %get3A_743 = arith.constant 752 : index
      %get3A_744 = tpu.vector_load %arg8[%get3A_742, %get3A_743] {strides = array<i32>} : memref<16x1024xf32, #tpu.memory_space<vmem>>, vector<16xf32>,
      %mul3A_745 = arith.mulf %get3A_744, %gather3A : vector<16xf32>
      %get3A_746 = arith.index_cast %add3A_176 : i32 to index
      %get3A_747 = arith.constant 752 : index
      %get3A_748 = tpu.vector_load %arg10[%get3A_746, %get3A_747] {strides = array<i32>} : memref<16x1024xf32, #tpu.memory_space<vmem>>, vector<16xf32>,
      %mul3A_749 = arith.mulf %get3A_748, %gather3A_179 : vector<16xf32>
      %add3A_750 = arith.addf %mul3A_745, %mul3A_749 : vector<16xf32>
      %swap3A_751 = arith.index_cast %add3A_176 : i32 to index
      %swap3A_752 = arith.constant 752 : index
      %swap3A_753 = tpu.vector_load %arg12[%swap3A_751, %swap3A_752] {strides = array<i32>} : memref<16x1024xf32, #tpu.memory_space<vmem>>, vector<16xf32>,
      tpu.vector_store %arg12[%swap3A_751, %swap3A_752], %add3A_750 {strides = array<i32>} : memref<16x1024xf32, #tpu.memory_space<vmem>>, vector<16xf32>,
      %get3A_754 = arith.index_cast %add3A_176 : i32 to index
      %get3A_755 = arith.constant 768 : index
      %get3A_756 = tpu.vector_load %arg8[%get3A_754, %get3A_755] {strides = array<i32>} : memref<16x1024xf32, #tpu.memory_space<vmem>>, vector<16xf32>,
      %mul3A_757 = arith.mulf %get3A_756, %gather3A : vector<16xf32>
      %get3A_758 = arith.index_cast %add3A_176 : i32 to index
      %get3A_759 = arith.constant 768 : index
      %get3A_760 = tpu.vector_load %arg10[%get3A_758, %get3A_759] {strides = array<i32>} : memref<16x1024xf32, #tpu.memory_space<vmem>>, vector<16xf32>,
      %mul3A_761 = arith.mulf %get3A_760, %gather3A_179 : vector<16xf32>
      %add3A_762 = arith.addf %mul3A_757, %mul3A_761 : vector<16xf32>
      %swap3A_763 = arith.index_cast %add3A_176 : i32 to index
      %swap3A_764 = arith.constant 768 : index
      %swap3A_765 = tpu.vector_load %arg12[%swap3A_763, %swap3A_764] {strides = array<i32>} : memref<16x1024xf32, #tpu.memory_space<vmem>>, vector<16xf32>,
      tpu.vector_store %arg12[%swap3A_763, %swap3A_764], %add3A_762 {strides = array<i32>} : memref<16x1024xf32, #tpu.memory_space<vmem>>, vector<16xf32>,
      %get3A_766 = arith.index_cast %add3A_176 : i32 to index
      %get3A_767 = arith.constant 784 : index
      %get3A_768 = tpu.vector_load %arg8[%get3A_766, %get3A_767] {strides = array<i32>} : memref<16x1024xf32, #tpu.memory_space<vmem>>, vector<16xf32>,
      %mul3A_769 = arith.mulf %get3A_768, %gather3A : vector<16xf32>
      %get3A_770 = arith.index_cast %add3A_176 : i32 to index
      %get3A_771 = arith.constant 784 : index
      %get3A_772 = tpu.vector_load %arg10[%get3A_770, %get3A_771] {strides = array<i32>} : memref<16x1024xf32, #tpu.memory_space<vmem>>, vector<16xf32>,
      %mul3A_773 = arith.mulf %get3A_772, %gather3A_179 : vector<16xf32>
      %add3A_774 = arith.addf %mul3A_769, %mul3A_773 : vector<16xf32>
      %swap3A_775 = arith.index_cast %add3A_176 : i32 to index
      %swap3A_776 = arith.constant 784 : index
      %swap3A_777 = tpu.vector_load %arg12[%swap3A_775, %swap3A_776] {strides = array<i32>} : memref<16x1024xf32, #tpu.memory_space<vmem>>, vector<16xf32>,
      tpu.vector_store %arg12[%swap3A_775, %swap3A_776], %add3A_774 {strides = array<i32>} : memref<16x1024xf32, #tpu.memory_space<vmem>>, vector<16xf32>,
      %get3A_778 = arith.index_cast %add3A_176 : i32 to index
      %get3A_779 = arith.constant 800 : index
      %get3A_780 = tpu.vector_load %arg8[%get3A_778, %get3A_779] {strides = array<i32>} : memref<16x1024xf32, #tpu.memory_space<vmem>>, vector<16xf32>,
      %mul3A_781 = arith.mulf %get3A_780, %gather3A : vector<16xf32>
      %get3A_782 = arith.index_cast %add3A_176 : i32 to index
      %get3A_783 = arith.constant 800 : index
      %get3A_784 = tpu.vector_load %arg10[%get3A_782, %get3A_783] {strides = array<i32>} : memref<16x1024xf32, #tpu.memory_space<vmem>>, vector<16xf32>,
      %mul3A_785 = arith.mulf %get3A_784, %gather3A_179 : vector<16xf32>
      %add3A_786 = arith.addf %mul3A_781, %mul3A_785 : vector<16xf32>
      %swap3A_787 = arith.index_cast %add3A_176 : i32 to index
      %swap3A_788 = arith.constant 800 : index
      %swap3A_789 = tpu.vector_load %arg12[%swap3A_787, %swap3A_788] {strides = array<i32>} : memref<16x1024xf32, #tpu.memory_space<vmem>>, vector<16xf32>,
      tpu.vector_store %arg12[%swap3A_787, %swap3A_788], %add3A_786 {strides = array<i32>} : memref<16x1024xf32, #tpu.memory_space<vmem>>, vector<16xf32>,
      %get3A_790 = arith.index_cast %add3A_176 : i32 to index
      %get3A_791 = arith.constant 816 : index
      %get3A_792 = tpu.vector_load %arg8[%get3A_790, %get3A_791] {strides = array<i32>} : memref<16x1024xf32, #tpu.memory_space<vmem>>, vector<16xf32>,
      %mul3A_793 = arith.mulf %get3A_792, %gather3A : vector<16xf32>
      %get3A_794 = arith.index_cast %add3A_176 : i32 to index
      %get3A_795 = arith.constant 816 : index
      %get3A_796 = tpu.vector_load %arg10[%get3A_794, %get3A_795] {strides = array<i32>} : memref<16x1024xf32, #tpu.memory_space<vmem>>, vector<16xf32>,
      %mul3A_797 = arith.mulf %get3A_796, %gather3A_179 : vector<16xf32>
      %add3A_798 = arith.addf %mul3A_793, %mul3A_797 : vector<16xf32>
      %swap3A_799 = arith.index_cast %add3A_176 : i32 to index
      %swap3A_800 = arith.constant 816 : index
      %swap3A_801 = tpu.vector_load %arg12[%swap3A_799, %swap3A_800] {strides = array<i32>} : memref<16x1024xf32, #tpu.memory_space<vmem>>, vector<16xf32>,
      tpu.vector_store %arg12[%swap3A_799, %swap3A_800], %add3A_798 {strides = array<i32>} : memref<16x1024xf32, #tpu.memory_space<vmem>>, vector<16xf32>,
      %get3A_802 = arith.index_cast %add3A_176 : i32 to index
      %get3A_803 = arith.constant 832 : index
      %get3A_804 = tpu.vector_load %arg8[%get3A_802, %get3A_803] {strides = array<i32>} : memref<16x1024xf32, #tpu.memory_space<vmem>>, vector<16xf32>,
      %mul3A_805 = arith.mulf %get3A_804, %gather3A : vector<16xf32>
      %get3A_806 = arith.index_cast %add3A_176 : i32 to index
      %get3A_807 = arith.constant 832 : index
      %get3A_808 = tpu.vector_load %arg10[%get3A_806, %get3A_807] {strides = array<i32>} : memref<16x1024xf32, #tpu.memory_space<vmem>>, vector<16xf32>,
      %mul3A_809 = arith.mulf %get3A_808, %gather3A_179 : vector<16xf32>
      %add3A_810 = arith.addf %mul3A_805, %mul3A_809 : vector<16xf32>
      %swap3A_811 = arith.index_cast %add3A_176 : i32 to index
      %swap3A_812 = arith.constant 832 : index
      %swap3A_813 = tpu.vector_load %arg12[%swap3A_811, %swap3A_812] {strides = array<i32>} : memref<16x1024xf32, #tpu.memory_space<vmem>>, vector<16xf32>,
      tpu.vector_store %arg12[%swap3A_811, %swap3A_812], %add3A_810 {strides = array<i32>} : memref<16x1024xf32, #tpu.memory_space<vmem>>, vector<16xf32>,
      %get3A_814 = arith.index_cast %add3A_176 : i32 to index
      %get3A_815 = arith.constant 848 : index
      %get3A_816 = tpu.vector_load %arg8[%get3A_814, %get3A_815] {strides = array<i32>} : memref<16x1024xf32, #tpu.memory_space<vmem>>, vector<16xf32>,
      %mul3A_817 = arith.mulf %get3A_816, %gather3A : vector<16xf32>
      %get3A_818 = arith.index_cast %add3A_176 : i32 to index
      %get3A_819 = arith.constant 848 : index
      %get3A_820 = tpu.vector_load %arg10[%get3A_818, %get3A_819] {strides = array<i32>} : memref<16x1024xf32, #tpu.memory_space<vmem>>, vector<16xf32>,
      %mul3A_821 = arith.mulf %get3A_820, %gather3A_179 : vector<16xf32>
      %add3A_822 = arith.addf %mul3A_817, %mul3A_821 : vector<16xf32>
      %swap3A_823 = arith.index_cast %add3A_176 : i32 to index
      %swap3A_824 = arith.constant 848 : index
      %swap3A_825 = tpu.vector_load %arg12[%swap3A_823, %swap3A_824] {strides = array<i32>} : memref<16x1024xf32, #tpu.memory_space<vmem>>, vector<16xf32>,
      tpu.vector_store %arg12[%swap3A_823, %swap3A_824], %add3A_822 {strides = array<i32>} : memref<16x1024xf32, #tpu.memory_space<vmem>>, vector<16xf32>,
      %get3A_826 = arith.index_cast %add3A_176 : i32 to index
      %get3A_827 = arith.constant 864 : index
      %get3A_828 = tpu.vector_load %arg8[%get3A_826, %get3A_827] {strides = array<i32>} : memref<16x1024xf32, #tpu.memory_space<vmem>>, vector<16xf32>,
      %mul3A_829 = arith.mulf %get3A_828, %gather3A : vector<16xf32>
      %get3A_830 = arith.index_cast %add3A_176 : i32 to index
      %get3A_831 = arith.constant 864 : index
      %get3A_832 = tpu.vector_load %arg10[%get3A_830, %get3A_831] {strides = array<i32>} : memref<16x1024xf32, #tpu.memory_space<vmem>>, vector<16xf32>,
      %mul3A_833 = arith.mulf %get3A_832, %gather3A_179 : vector<16xf32>
      %add3A_834 = arith.addf %mul3A_829, %mul3A_833 : vector<16xf32>
      %swap3A_835 = arith.index_cast %add3A_176 : i32 to index
      %swap3A_836 = arith.constant 864 : index
      %swap3A_837 = tpu.vector_load %arg12[%swap3A_835, %swap3A_836] {strides = array<i32>} : memref<16x1024xf32, #tpu.memory_space<vmem>>, vector<16xf32>,
      tpu.vector_store %arg12[%swap3A_835, %swap3A_836], %add3A_834 {strides = array<i32>} : memref<16x1024xf32, #tpu.memory_space<vmem>>, vector<16xf32>,
      %get3A_838 = arith.index_cast %add3A_176 : i32 to index
      %get3A_839 = arith.constant 880 : index
      %get3A_840 = tpu.vector_load %arg8[%get3A_838, %get3A_839] {strides = array<i32>} : memref<16x1024xf32, #tpu.memory_space<vmem>>, vector<16xf32>,
      %mul3A_841 = arith.mulf %get3A_840, %gather3A : vector<16xf32>
      %get3A_842 = arith.index_cast %add3A_176 : i32 to index
      %get3A_843 = arith.constant 880 : index
      %get3A_844 = tpu.vector_load %arg10[%get3A_842, %get3A_843] {strides = array<i32>} : memref<16x1024xf32, #tpu.memory_space<vmem>>, vector<16xf32>,
      %mul3A_845 = arith.mulf %get3A_844, %gather3A_179 : vector<16xf32>
      %add3A_846 = arith.addf %mul3A_841, %mul3A_845 : vector<16xf32>
      %swap3A_847 = arith.index_cast %add3A_176 : i32 to index
      %swap3A_848 = arith.constant 880 : index
      %swap3A_849 = tpu.vector_load %arg12[%swap3A_847, %swap3A_848] {strides = array<i32>} : memref<16x1024xf32, #tpu.memory_space<vmem>>, vector<16xf32>,
      tpu.vector_store %arg12[%swap3A_847, %swap3A_848], %add3A_846 {strides = array<i32>} : memref<16x1024xf32, #tpu.memory_space<vmem>>, vector<16xf32>,
      %get3A_850 = arith.index_cast %add3A_176 : i32 to index
      %get3A_851 = arith.constant 896 : index
      %get3A_852 = tpu.vector_load %arg8[%get3A_850, %get3A_851] {strides = array<i32>} : memref<16x1024xf32, #tpu.memory_space<vmem>>, vector<16xf32>,
      %mul3A_853 = arith.mulf %get3A_852, %gather3A : vector<16xf32>
      %get3A_854 = arith.index_cast %add3A_176 : i32 to index
      %get3A_855 = arith.constant 896 : index
      %get3A_856 = tpu.vector_load %arg10[%get3A_854, %get3A_855] {strides = array<i32>} : memref<16x1024xf32, #tpu.memory_space<vmem>>, vector<16xf32>,
      %mul3A_857 = arith.mulf %get3A_856, %gather3A_179 : vector<16xf32>
      %add3A_858 = arith.addf %mul3A_853, %mul3A_857 : vector<16xf32>
      %swap3A_859 = arith.index_cast %add3A_176 : i32 to index
      %swap3A_860 = arith.constant 896 : index
      %swap3A_861 = tpu.vector_load %arg12[%swap3A_859, %swap3A_860] {strides = array<i32>} : memref<16x1024xf32, #tpu.memory_space<vmem>>, vector<16xf32>,
      tpu.vector_store %arg12[%swap3A_859, %swap3A_860], %add3A_858 {strides = array<i32>} : memref<16x1024xf32, #tpu.memory_space<vmem>>, vector<16xf32>,
      %get3A_862 = arith.index_cast %add3A_176 : i32 to index
      %get3A_863 = arith.constant 912 : index
      %get3A_864 = tpu.vector_load %arg8[%get3A_862, %get3A_863] {strides = array<i32>} : memref<16x1024xf32, #tpu.memory_space<vmem>>, vector<16xf32>,
      %mul3A_865 = arith.mulf %get3A_864, %gather3A : vector<16xf32>
      %get3A_866 = arith.index_cast %add3A_176 : i32 to index
      %get3A_867 = arith.constant 912 : index
      %get3A_868 = tpu.vector_load %arg10[%get3A_866, %get3A_867] {strides = array<i32>} : memref<16x1024xf32, #tpu.memory_space<vmem>>, vector<16xf32>,
      %mul3A_869 = arith.mulf %get3A_868, %gather3A_179 : vector<16xf32>
      %add3A_870 = arith.addf %mul3A_865, %mul3A_869 : vector<16xf32>
      %swap3A_871 = arith.index_cast %add3A_176 : i32 to index
      %swap3A_872 = arith.constant 912 : index
      %swap3A_873 = tpu.vector_load %arg12[%swap3A_871, %swap3A_872] {strides = array<i32>} : memref<16x1024xf32, #tpu.memory_space<vmem>>, vector<16xf32>,
      tpu.vector_store %arg12[%swap3A_871, %swap3A_872], %add3A_870 {strides = array<i32>} : memref<16x1024xf32, #tpu.memory_space<vmem>>, vector<16xf32>,
      %get3A_874 = arith.index_cast %add3A_176 : i32 to index
      %get3A_875 = arith.constant 928 : index
      %get3A_876 = tpu.vector_load %arg8[%get3A_874, %get3A_875] {strides = array<i32>} : memref<16x1024xf32, #tpu.memory_space<vmem>>, vector<16xf32>,
      %mul3A_877 = arith.mulf %get3A_876, %gather3A : vector<16xf32>
      %get3A_878 = arith.index_cast %add3A_176 : i32 to index
      %get3A_879 = arith.constant 928 : index
      %get3A_880 = tpu.vector_load %arg10[%get3A_878, %get3A_879] {strides = array<i32>} : memref<16x1024xf32, #tpu.memory_space<vmem>>, vector<16xf32>,
      %mul3A_881 = arith.mulf %get3A_880, %gather3A_179 : vector<16xf32>
      %add3A_882 = arith.addf %mul3A_877, %mul3A_881 : vector<16xf32>
      %swap3A_883 = arith.index_cast %add3A_176 : i32 to index
      %swap3A_884 = arith.constant 928 : index
      %swap3A_885 = tpu.vector_load %arg12[%swap3A_883, %swap3A_884] {strides = array<i32>} : memref<16x1024xf32, #tpu.memory_space<vmem>>, vector<16xf32>,
      tpu.vector_store %arg12[%swap3A_883, %swap3A_884], %add3A_882 {strides = array<i32>} : memref<16x1024xf32, #tpu.memory_space<vmem>>, vector<16xf32>,
      %get3A_886 = arith.index_cast %add3A_176 : i32 to index
      %get3A_887 = arith.constant 944 : index
      %get3A_888 = tpu.vector_load %arg8[%get3A_886, %get3A_887] {strides = array<i32>} : memref<16x1024xf32, #tpu.memory_space<vmem>>, vector<16xf32>,
      %mul3A_889 = arith.mulf %get3A_888, %gather3A : vector<16xf32>
      %get3A_890 = arith.index_cast %add3A_176 : i32 to index
      %get3A_891 = arith.constant 944 : index
      %get3A_892 = tpu.vector_load %arg10[%get3A_890, %get3A_891] {strides = array<i32>} : memref<16x1024xf32, #tpu.memory_space<vmem>>, vector<16xf32>,
      %mul3A_893 = arith.mulf %get3A_892, %gather3A_179 : vector<16xf32>
      %add3A_894 = arith.addf %mul3A_889, %mul3A_893 : vector<16xf32>
      %swap3A_895 = arith.index_cast %add3A_176 : i32 to index
      %swap3A_896 = arith.constant 944 : index
      %swap3A_897 = tpu.vector_load %arg12[%swap3A_895, %swap3A_896] {strides = array<i32>} : memref<16x1024xf32, #tpu.memory_space<vmem>>, vector<16xf32>,
      tpu.vector_store %arg12[%swap3A_895, %swap3A_896], %add3A_894 {strides = array<i32>} : memref<16x1024xf32, #tpu.memory_space<vmem>>, vector<16xf32>,
      %get3A_898 = arith.index_cast %add3A_176 : i32 to index
      %get3A_899 = arith.constant 960 : index
      %get3A_900 = tpu.vector_load %arg8[%get3A_898, %get3A_899] {strides = array<i32>} : memref<16x1024xf32, #tpu.memory_space<vmem>>, vector<16xf32>,
      %mul3A_901 = arith.mulf %get3A_900, %gather3A : vector<16xf32>
      %get3A_902 = arith.index_cast %add3A_176 : i32 to index
      %get3A_903 = arith.constant 960 : index
      %get3A_904 = tpu.vector_load %arg10[%get3A_902, %get3A_903] {strides = array<i32>} : memref<16x1024xf32, #tpu.memory_space<vmem>>, vector<16xf32>,
      %mul3A_905 = arith.mulf %get3A_904, %gather3A_179 : vector<16xf32>
      %add3A_906 = arith.addf %mul3A_901, %mul3A_905 : vector<16xf32>
      %swap3A_907 = arith.index_cast %add3A_176 : i32 to index
      %swap3A_908 = arith.constant 960 : index
      %swap3A_909 = tpu.vector_load %arg12[%swap3A_907, %swap3A_908] {strides = array<i32>} : memref<16x1024xf32, #tpu.memory_space<vmem>>, vector<16xf32>,
      tpu.vector_store %arg12[%swap3A_907, %swap3A_908], %add3A_906 {strides = array<i32>} : memref<16x1024xf32, #tpu.memory_space<vmem>>, vector<16xf32>,
      %get3A_910 = arith.index_cast %add3A_176 : i32 to index
      %get3A_911 = arith.constant 976 : index
      %get3A_912 = tpu.vector_load %arg8[%get3A_910, %get3A_911] {strides = array<i32>} : memref<16x1024xf32, #tpu.memory_space<vmem>>, vector<16xf32>,
      %mul3A_913 = arith.mulf %get3A_912, %gather3A : vector<16xf32>
      %get3A_914 = arith.index_cast %add3A_176 : i32 to index
      %get3A_915 = arith.constant 976 : index
      %get3A_916 = tpu.vector_load %arg10[%get3A_914, %get3A_915] {strides = array<i32>} : memref<16x1024xf32, #tpu.memory_space<vmem>>, vector<16xf32>,
      %mul3A_917 = arith.mulf %get3A_916, %gather3A_179 : vector<16xf32>
      %add3A_918 = arith.addf %mul3A_913, %mul3A_917 : vector<16xf32>
      %swap3A_919 = arith.index_cast %add3A_176 : i32 to index
      %swap3A_920 = arith.constant 976 : index
      %swap3A_921 = tpu.vector_load %arg12[%swap3A_919, %swap3A_920] {strides = array<i32>} : memref<16x1024xf32, #tpu.memory_space<vmem>>, vector<16xf32>,
      tpu.vector_store %arg12[%swap3A_919, %swap3A_920], %add3A_918 {strides = array<i32>} : memref<16x1024xf32, #tpu.memory_space<vmem>>, vector<16xf32>,
      %get3A_922 = arith.index_cast %add3A_176 : i32 to index
      %get3A_923 = arith.constant 992 : index
      %get3A_924 = tpu.vector_load %arg8[%get3A_922, %get3A_923] {strides = array<i32>} : memref<16x1024xf32, #tpu.memory_space<vmem>>, vector<16xf32>,
      %mul3A_925 = arith.mulf %get3A_924, %gather3A : vector<16xf32>
      %get3A_926 = arith.index_cast %add3A_176 : i32 to index
      %get3A_927 = arith.constant 992 : index
      %get3A_928 = tpu.vector_load %arg10[%get3A_926, %get3A_927] {strides = array<i32>} : memref<16x1024xf32, #tpu.memory_space<vmem>>, vector<16xf32>,
      %mul3A_929 = arith.mulf %get3A_928, %gather3A_179 : vector<16xf32>
      %add3A_930 = arith.addf %mul3A_925, %mul3A_929 : vector<16xf32>
      %swap3A_931 = arith.index_cast %add3A_176 : i32 to index
      %swap3A_932 = arith.constant 992 : index
      %swap3A_933 = tpu.vector_load %arg12[%swap3A_931, %swap3A_932] {strides = array<i32>} : memref<16x1024xf32, #tpu.memory_space<vmem>>, vector<16xf32>,
      tpu.vector_store %arg12[%swap3A_931, %swap3A_932], %add3A_930 {strides = array<i32>} : memref<16x1024xf32, #tpu.memory_space<vmem>>, vector<16xf32>,
      %get3A_934 = arith.index_cast %add3A_176 : i32 to index
      %get3A_935 = arith.constant 1008 : index
      %get3A_936 = tpu.vector_load %arg8[%get3A_934, %get3A_935] {strides = array<i32>} : memref<16x1024xf32, #tpu.memory_space<vmem>>, vector<16xf32>,
      %mul3A_937 = arith.mulf %get3A_936, %gather3A : vector<16xf32>
      %get3A_938 = arith.index_cast %add3A_176 : i32 to index
      %get3A_939 = arith.constant 1008 : index
      %get3A_940 = tpu.vector_load %arg10[%get3A_938, %get3A_939] {strides = array<i32>} : memref<16x1024xf32, #tpu.memory_space<vmem>>, vector<16xf32>,
      %mul3A_941 = arith.mulf %get3A_940, %gather3A_179 : vector<16xf32>
      %add3A_942 = arith.addf %mul3A_937, %mul3A_941 : vector<16xf32>
      %swap3A_943 = arith.index_cast %add3A_176 : i32 to index
      %swap3A_944 = arith.constant 1008 : index
      %swap3A_945 = tpu.vector_load %arg12[%swap3A_943, %swap3A_944] {strides = array<i32>} : memref<16x1024xf32, #tpu.memory_space<vmem>>, vector<16xf32>,
      tpu.vector_store %arg12[%swap3A_943, %swap3A_944], %add3A_942 {strides = array<i32>} : memref<16x1024xf32, #tpu.memory_space<vmem>>, vector<16xf32>,
    }
    %scan3A_46 = arith.constant 16 : i32
    %add3A_47 = arith.constant 0 : i32
    %add3A_48 = arith.addi %mul3A_2, %add3A_47 : i32
    %dma_start3A_49 = arith.constant 0 : i32
    %dma_start3A_50 = tpu.memref_slice %arg7[%add3A_48, %dma_start3A_49] : memref<2048x1024xf32, #tpu.memory_space<hbm>> -> memref<16x1024xf32, #tpu.memory_space<hbm>>
    %dma_start3A_51 = arith.constant 0 : i32
    %dma_start3A_52 = tpu.memref_slice %arg7[%add3A_48, %dma_start3A_51] : memref<2048x1024xf32, #tpu.memory_space<hbm>> -> memref<16x1024xf32, #tpu.memory_space<hbm>>
    tpu.enqueue_dma source(%arg12 : memref<16x1024xf32, #tpu.memory_space<vmem>>) target(%dma_start3A_52 : memref<16x1024xf32, #tpu.memory_space<hbm>>) target_semaphore(%arg22 : memref<!tpu.dma_semaphore, #tpu.memory_space<semaphore_mem>>)
    %dma_start3A_53 = arith.constant 2 : i32
    %dma_start3A_54 = arith.constant 0 : i32
    %dma_start3A_55 = tpu.memref_slice %arg14[%dma_start3A_53, %dma_start3A_54] : memref<4x16xi32, #tpu.memory_space<vmem>> -> memref<1x16xi32, #tpu.memory_space<vmem>>
    %dma_start3A_56 = tpu.memref_squeeze %dma_start3A_55 : memref<1x16xi32, #tpu.memory_space<vmem>> -> memref<16xi32, #tpu.memory_space<vmem>>
    %dma_start3A_57 = arith.constant 0 : i32
    %dma_start3A_58 = arith.constant 0 : i32
    %dma_start3A_59 = tpu.memref_slice %arg2[%dma_start3A_57, %dma_start3A_58] : memref<8192x1024xf32, #tpu.memory_space<hbm>> -> memref<8192x1024xf32, #tpu.memory_space<hbm>>
    tpu.enqueue_indirect_dma source(%dma_start3A_59 : memref<8192x1024xf32, #tpu.memory_space<hbm>>) target(%arg8 : memref<16x1024xf32, #tpu.memory_space<vmem>>) offsets(%dma_start3A_56 : memref<16xi32, #tpu.memory_space<vmem>>) semaphore(%arg18 : memref<!tpu.dma_semaphore, #tpu.memory_space<semaphore_mem>>)
    %dma_start3A_60 = arith.constant 2 : i32
    %dma_start3A_61 = arith.constant 0 : i32
    %dma_start3A_62 = tpu.memref_slice %arg15[%dma_start3A_60, %dma_start3A_61] : memref<4x16xi32, #tpu.memory_space<vmem>> -> memref<1x16xi32, #tpu.memory_space<vmem>>
    %dma_start3A_63 = tpu.memref_squeeze %dma_start3A_62 : memref<1x16xi32, #tpu.memory_space<vmem>> -> memref<16xi32, #tpu.memory_space<vmem>>
    %dma_start3A_64 = arith.constant 0 : i32
    %dma_start3A_65 = arith.constant 0 : i32
    %dma_start3A_66 = tpu.memref_slice %arg2[%dma_start3A_64, %dma_start3A_65] : memref<8192x1024xf32, #tpu.memory_space<hbm>> -> memref<8192x1024xf32, #tpu.memory_space<hbm>>
    tpu.enqueue_indirect_dma source(%dma_start3A_66 : memref<8192x1024xf32, #tpu.memory_space<hbm>>) target(%arg10 : memref<16x1024xf32, #tpu.memory_space<vmem>>) offsets(%dma_start3A_63 : memref<16xi32, #tpu.memory_space<vmem>>) semaphore(%arg20 : memref<!tpu.dma_semaphore, #tpu.memory_space<semaphore_mem>>)
    %dma_wait3A_67 = arith.constant 1 : i32
    %dma_wait3A_68 = arith.constant 0 : i32
    %dma_wait3A_69 = tpu.memref_slice %arg14[%dma_wait3A_67, %dma_wait3A_68] : memref<4x16xi32, #tpu.memory_space<vmem>> -> memref<1x16xi32, #tpu.memory_space<vmem>>
    %dma_wait3A_70 = tpu.memref_squeeze %dma_wait3A_69 : memref<1x16xi32, #tpu.memory_space<vmem>> -> memref<16xi32, #tpu.memory_space<vmem>>
    %dma_wait3A_71 = arith.constant 0 : i32
    %dma_wait3A_72 = arith.constant 0 : i32
    %dma_wait3A_73 = tpu.memref_slice %arg2[%dma_wait3A_71, %dma_wait3A_72] : memref<8192x1024xf32, #tpu.memory_space<hbm>> -> memref<8192x1024xf32, #tpu.memory_space<hbm>>
    tpu.wait_indirect_dma semaphore(%arg19 : memref<!tpu.dma_semaphore, #tpu.memory_space<semaphore_mem>>) src(%dma_wait3A_73 : memref<8192x1024xf32, #tpu.memory_space<hbm>>) dst(%arg9 : memref<16x1024xf32, #tpu.memory_space<vmem>>)
    %dma_wait3A_74 = arith.constant 1 : i32
    %dma_wait3A_75 = arith.constant 0 : i32
    %dma_wait3A_76 = tpu.memref_slice %arg15[%dma_wait3A_74, %dma_wait3A_75] : memref<4x16xi32, #tpu.memory_space<vmem>> -> memref<1x16xi32, #tpu.memory_space<vmem>>
    %dma_wait3A_77 = tpu.memref_squeeze %dma_wait3A_76 : memref<1x16xi32, #tpu.memory_space<vmem>> -> memref<16xi32, #tpu.memory_space<vmem>>
    %dma_wait3A_78 = arith.constant 0 : i32
    %dma_wait3A_79 = arith.constant 0 : i32
    %dma_wait3A_80 = tpu.memref_slice %arg2[%dma_wait3A_78, %dma_wait3A_79] : memref<8192x1024xf32, #tpu.memory_space<hbm>> -> memref<8192x1024xf32, #tpu.memory_space<hbm>>
    tpu.wait_indirect_dma semaphore(%arg21 : memref<!tpu.dma_semaphore, #tpu.memory_space<semaphore_mem>>) src(%dma_wait3A_80 : memref<8192x1024xf32, #tpu.memory_space<hbm>>) dst(%arg11 : memref<16x1024xf32, #tpu.memory_space<vmem>>)
    %scan3A_81 = arith.constant 0 : i32
    %scan3A_82 = arith.constant 16 : i32
    %scan3A_83 = arith.addi %scan3A_81, %scan3A_82 : i32
    %scan3A_84 = arith.constant 1 : i32
    scf.for %scan3A_172 = %scan3A_81 to %scan3A_83 step %scan3A_84  : i32 {
      %mul3A_173 = arith.constant 1 : i32
      %mul3A_174 = arith.muli %scan3A_172, %mul3A_173 : i32
      %add3A_175 = arith.constant 0 : i32
      %add3A_176 = arith.addi %add3A_175, %mul3A_174 : i32
      %add3A_177 = arith.constant 16 : i32
      %add3A_178 = arith.addi %add3A_177, %add3A_176 : i32
      %broadcast_in_dim3A = vector.broadcast %add3A_178 : i32 to vector<16xi32>
      %gather3A = tpu.vector_load_idx %arg16[%broadcast_in_dim3A] : memref<64xf32, #tpu.memory_space<vmem>>[vector<16xi32>], vector<16xf32>,
      %gather3A_179 = tpu.vector_load_idx %arg17[%broadcast_in_dim3A] : memref<64xf32, #tpu.memory_space<vmem>>[vector<16xi32>], vector<16xf32>,
      %get3A = arith.index_cast %add3A_176 : i32 to index
      %get3A_180 = arith.constant 0 : index
      %get3A_181 = tpu.vector_load %arg9[%get3A, %get3A_180] {strides = array<i32>} : memref<16x1024xf32, #tpu.memory_space<vmem>>, vector<16xf32>,
      %mul3A_182 = arith.mulf %get3A_181, %gather3A : vector<16xf32>
      %get3A_183 = arith.index_cast %add3A_176 : i32 to index
      %get3A_184 = arith.constant 0 : index
      %get3A_185 = tpu.vector_load %arg11[%get3A_183, %get3A_184] {strides = array<i32>} : memref<16x1024xf32, #tpu.memory_space<vmem>>, vector<16xf32>,
      %mul3A_186 = arith.mulf %get3A_185, %gather3A_179 : vector<16xf32>
      %add3A_187 = arith.addf %mul3A_182, %mul3A_186 : vector<16xf32>
      %swap3A = arith.index_cast %add3A_176 : i32 to index
      %swap3A_188 = arith.constant 0 : index
      %swap3A_189 = tpu.vector_load %arg13[%swap3A, %swap3A_188] {strides = array<i32>} : memref<16x1024xf32, #tpu.memory_space<vmem>>, vector<16xf32>,
      tpu.vector_store %arg13[%swap3A, %swap3A_188], %add3A_187 {strides = array<i32>} : memref<16x1024xf32, #tpu.memory_space<vmem>>, vector<16xf32>,
      %get3A_190 = arith.index_cast %add3A_176 : i32 to index
      %get3A_191 = arith.constant 16 : index
      %get3A_192 = tpu.vector_load %arg9[%get3A_190, %get3A_191] {strides = array<i32>} : memref<16x1024xf32, #tpu.memory_space<vmem>>, vector<16xf32>,
      %mul3A_193 = arith.mulf %get3A_192, %gather3A : vector<16xf32>
      %get3A_194 = arith.index_cast %add3A_176 : i32 to index
      %get3A_195 = arith.constant 16 : index
      %get3A_196 = tpu.vector_load %arg11[%get3A_194, %get3A_195] {strides = array<i32>} : memref<16x1024xf32, #tpu.memory_space<vmem>>, vector<16xf32>,
      %mul3A_197 = arith.mulf %get3A_196, %gather3A_179 : vector<16xf32>
      %add3A_198 = arith.addf %mul3A_193, %mul3A_197 : vector<16xf32>
      %swap3A_199 = arith.index_cast %add3A_176 : i32 to index
      %swap3A_200 = arith.constant 16 : index
      %swap3A_201 = tpu.vector_load %arg13[%swap3A_199, %swap3A_200] {strides = array<i32>} : memref<16x1024xf32, #tpu.memory_space<vmem>>, vector<16xf32>,
      tpu.vector_store %arg13[%swap3A_199, %swap3A_200], %add3A_198 {strides = array<i32>} : memref<16x1024xf32, #tpu.memory_space<vmem>>, vector<16xf32>,
      %get3A_202 = arith.index_cast %add3A_176 : i32 to index
      %get3A_203 = arith.constant 32 : index
      %get3A_204 = tpu.vector_load %arg9[%get3A_202, %get3A_203] {strides = array<i32>} : memref<16x1024xf32, #tpu.memory_space<vmem>>, vector<16xf32>,
      %mul3A_205 = arith.mulf %get3A_204, %gather3A : vector<16xf32>
      %get3A_206 = arith.index_cast %add3A_176 : i32 to index
      %get3A_207 = arith.constant 32 : index
      %get3A_208 = tpu.vector_load %arg11[%get3A_206, %get3A_207] {strides = array<i32>} : memref<16x1024xf32, #tpu.memory_space<vmem>>, vector<16xf32>,
      %mul3A_209 = arith.mulf %get3A_208, %gather3A_179 : vector<16xf32>
      %add3A_210 = arith.addf %mul3A_205, %mul3A_209 : vector<16xf32>
      %swap3A_211 = arith.index_cast %add3A_176 : i32 to index
      %swap3A_212 = arith.constant 32 : index
      %swap3A_213 = tpu.vector_load %arg13[%swap3A_211, %swap3A_212] {strides = array<i32>} : memref<16x1024xf32, #tpu.memory_space<vmem>>, vector<16xf32>,
      tpu.vector_store %arg13[%swap3A_211, %swap3A_212], %add3A_210 {strides = array<i32>} : memref<16x1024xf32, #tpu.memory_space<vmem>>, vector<16xf32>,
      %get3A_214 = arith.index_cast %add3A_176 : i32 to index
      %get3A_215 = arith.constant 48 : index
      %get3A_216 = tpu.vector_load %arg9[%get3A_214, %get3A_215] {strides = array<i32>} : memref<16x1024xf32, #tpu.memory_space<vmem>>, vector<16xf32>,
      %mul3A_217 = arith.mulf %get3A_216, %gather3A : vector<16xf32>
      %get3A_218 = arith.index_cast %add3A_176 : i32 to index
      %get3A_219 = arith.constant 48 : index
      %get3A_220 = tpu.vector_load %arg11[%get3A_218, %get3A_219] {strides = array<i32>} : memref<16x1024xf32, #tpu.memory_space<vmem>>, vector<16xf32>,
      %mul3A_221 = arith.mulf %get3A_220, %gather3A_179 : vector<16xf32>
      %add3A_222 = arith.addf %mul3A_217, %mul3A_221 : vector<16xf32>
      %swap3A_223 = arith.index_cast %add3A_176 : i32 to index
      %swap3A_224 = arith.constant 48 : index
      %swap3A_225 = tpu.vector_load %arg13[%swap3A_223, %swap3A_224] {strides = array<i32>} : memref<16x1024xf32, #tpu.memory_space<vmem>>, vector<16xf32>,
      tpu.vector_store %arg13[%swap3A_223, %swap3A_224], %add3A_222 {strides = array<i32>} : memref<16x1024xf32, #tpu.memory_space<vmem>>, vector<16xf32>,
      %get3A_226 = arith.index_cast %add3A_176 : i32 to index
      %get3A_227 = arith.constant 64 : index
      %get3A_228 = tpu.vector_load %arg9[%get3A_226, %get3A_227] {strides = array<i32>} : memref<16x1024xf32, #tpu.memory_space<vmem>>, vector<16xf32>,
      %mul3A_229 = arith.mulf %get3A_228, %gather3A : vector<16xf32>
      %get3A_230 = arith.index_cast %add3A_176 : i32 to index
      %get3A_231 = arith.constant 64 : index
      %get3A_232 = tpu.vector_load %arg11[%get3A_230, %get3A_231] {strides = array<i32>} : memref<16x1024xf32, #tpu.memory_space<vmem>>, vector<16xf32>,
      %mul3A_233 = arith.mulf %get3A_232, %gather3A_179 : vector<16xf32>
      %add3A_234 = arith.addf %mul3A_229, %mul3A_233 : vector<16xf32>
      %swap3A_235 = arith.index_cast %add3A_176 : i32 to index
      %swap3A_236 = arith.constant 64 : index
      %swap3A_237 = tpu.vector_load %arg13[%swap3A_235, %swap3A_236] {strides = array<i32>} : memref<16x1024xf32, #tpu.memory_space<vmem>>, vector<16xf32>,
      tpu.vector_store %arg13[%swap3A_235, %swap3A_236], %add3A_234 {strides = array<i32>} : memref<16x1024xf32, #tpu.memory_space<vmem>>, vector<16xf32>,
      %get3A_238 = arith.index_cast %add3A_176 : i32 to index
      %get3A_239 = arith.constant 80 : index
      %get3A_240 = tpu.vector_load %arg9[%get3A_238, %get3A_239] {strides = array<i32>} : memref<16x1024xf32, #tpu.memory_space<vmem>>, vector<16xf32>,
      %mul3A_241 = arith.mulf %get3A_240, %gather3A : vector<16xf32>
      %get3A_242 = arith.index_cast %add3A_176 : i32 to index
      %get3A_243 = arith.constant 80 : index
      %get3A_244 = tpu.vector_load %arg11[%get3A_242, %get3A_243] {strides = array<i32>} : memref<16x1024xf32, #tpu.memory_space<vmem>>, vector<16xf32>,
      %mul3A_245 = arith.mulf %get3A_244, %gather3A_179 : vector<16xf32>
      %add3A_246 = arith.addf %mul3A_241, %mul3A_245 : vector<16xf32>
      %swap3A_247 = arith.index_cast %add3A_176 : i32 to index
      %swap3A_248 = arith.constant 80 : index
      %swap3A_249 = tpu.vector_load %arg13[%swap3A_247, %swap3A_248] {strides = array<i32>} : memref<16x1024xf32, #tpu.memory_space<vmem>>, vector<16xf32>,
      tpu.vector_store %arg13[%swap3A_247, %swap3A_248], %add3A_246 {strides = array<i32>} : memref<16x1024xf32, #tpu.memory_space<vmem>>, vector<16xf32>,
      %get3A_250 = arith.index_cast %add3A_176 : i32 to index
      %get3A_251 = arith.constant 96 : index
      %get3A_252 = tpu.vector_load %arg9[%get3A_250, %get3A_251] {strides = array<i32>} : memref<16x1024xf32, #tpu.memory_space<vmem>>, vector<16xf32>,
      %mul3A_253 = arith.mulf %get3A_252, %gather3A : vector<16xf32>
      %get3A_254 = arith.index_cast %add3A_176 : i32 to index
      %get3A_255 = arith.constant 96 : index
      %get3A_256 = tpu.vector_load %arg11[%get3A_254, %get3A_255] {strides = array<i32>} : memref<16x1024xf32, #tpu.memory_space<vmem>>, vector<16xf32>,
      %mul3A_257 = arith.mulf %get3A_256, %gather3A_179 : vector<16xf32>
      %add3A_258 = arith.addf %mul3A_253, %mul3A_257 : vector<16xf32>
      %swap3A_259 = arith.index_cast %add3A_176 : i32 to index
      %swap3A_260 = arith.constant 96 : index
      %swap3A_261 = tpu.vector_load %arg13[%swap3A_259, %swap3A_260] {strides = array<i32>} : memref<16x1024xf32, #tpu.memory_space<vmem>>, vector<16xf32>,
      tpu.vector_store %arg13[%swap3A_259, %swap3A_260], %add3A_258 {strides = array<i32>} : memref<16x1024xf32, #tpu.memory_space<vmem>>, vector<16xf32>,
      %get3A_262 = arith.index_cast %add3A_176 : i32 to index
      %get3A_263 = arith.constant 112 : index
      %get3A_264 = tpu.vector_load %arg9[%get3A_262, %get3A_263] {strides = array<i32>} : memref<16x1024xf32, #tpu.memory_space<vmem>>, vector<16xf32>,
      %mul3A_265 = arith.mulf %get3A_264, %gather3A : vector<16xf32>
      %get3A_266 = arith.index_cast %add3A_176 : i32 to index
      %get3A_267 = arith.constant 112 : index
      %get3A_268 = tpu.vector_load %arg11[%get3A_266, %get3A_267] {strides = array<i32>} : memref<16x1024xf32, #tpu.memory_space<vmem>>, vector<16xf32>,
      %mul3A_269 = arith.mulf %get3A_268, %gather3A_179 : vector<16xf32>
      %add3A_270 = arith.addf %mul3A_265, %mul3A_269 : vector<16xf32>
      %swap3A_271 = arith.index_cast %add3A_176 : i32 to index
      %swap3A_272 = arith.constant 112 : index
      %swap3A_273 = tpu.vector_load %arg13[%swap3A_271, %swap3A_272] {strides = array<i32>} : memref<16x1024xf32, #tpu.memory_space<vmem>>, vector<16xf32>,
      tpu.vector_store %arg13[%swap3A_271, %swap3A_272], %add3A_270 {strides = array<i32>} : memref<16x1024xf32, #tpu.memory_space<vmem>>, vector<16xf32>,
      %get3A_274 = arith.index_cast %add3A_176 : i32 to index
      %get3A_275 = arith.constant 128 : index
      %get3A_276 = tpu.vector_load %arg9[%get3A_274, %get3A_275] {strides = array<i32>} : memref<16x1024xf32, #tpu.memory_space<vmem>>, vector<16xf32>,
      %mul3A_277 = arith.mulf %get3A_276, %gather3A : vector<16xf32>
      %get3A_278 = arith.index_cast %add3A_176 : i32 to index
      %get3A_279 = arith.constant 128 : index
      %get3A_280 = tpu.vector_load %arg11[%get3A_278, %get3A_279] {strides = array<i32>} : memref<16x1024xf32, #tpu.memory_space<vmem>>, vector<16xf32>,
      %mul3A_281 = arith.mulf %get3A_280, %gather3A_179 : vector<16xf32>
      %add3A_282 = arith.addf %mul3A_277, %mul3A_281 : vector<16xf32>
      %swap3A_283 = arith.index_cast %add3A_176 : i32 to index
      %swap3A_284 = arith.constant 128 : index
      %swap3A_285 = tpu.vector_load %arg13[%swap3A_283, %swap3A_284] {strides = array<i32>} : memref<16x1024xf32, #tpu.memory_space<vmem>>, vector<16xf32>,
      tpu.vector_store %arg13[%swap3A_283, %swap3A_284], %add3A_282 {strides = array<i32>} : memref<16x1024xf32, #tpu.memory_space<vmem>>, vector<16xf32>,
      %get3A_286 = arith.index_cast %add3A_176 : i32 to index
      %get3A_287 = arith.constant 144 : index
      %get3A_288 = tpu.vector_load %arg9[%get3A_286, %get3A_287] {strides = array<i32>} : memref<16x1024xf32, #tpu.memory_space<vmem>>, vector<16xf32>,
      %mul3A_289 = arith.mulf %get3A_288, %gather3A : vector<16xf32>
      %get3A_290 = arith.index_cast %add3A_176 : i32 to index
      %get3A_291 = arith.constant 144 : index
      %get3A_292 = tpu.vector_load %arg11[%get3A_290, %get3A_291] {strides = array<i32>} : memref<16x1024xf32, #tpu.memory_space<vmem>>, vector<16xf32>,
      %mul3A_293 = arith.mulf %get3A_292, %gather3A_179 : vector<16xf32>
      %add3A_294 = arith.addf %mul3A_289, %mul3A_293 : vector<16xf32>
      %swap3A_295 = arith.index_cast %add3A_176 : i32 to index
      %swap3A_296 = arith.constant 144 : index
      %swap3A_297 = tpu.vector_load %arg13[%swap3A_295, %swap3A_296] {strides = array<i32>} : memref<16x1024xf32, #tpu.memory_space<vmem>>, vector<16xf32>,
      tpu.vector_store %arg13[%swap3A_295, %swap3A_296], %add3A_294 {strides = array<i32>} : memref<16x1024xf32, #tpu.memory_space<vmem>>, vector<16xf32>,
      %get3A_298 = arith.index_cast %add3A_176 : i32 to index
      %get3A_299 = arith.constant 160 : index
      %get3A_300 = tpu.vector_load %arg9[%get3A_298, %get3A_299] {strides = array<i32>} : memref<16x1024xf32, #tpu.memory_space<vmem>>, vector<16xf32>,
      %mul3A_301 = arith.mulf %get3A_300, %gather3A : vector<16xf32>
      %get3A_302 = arith.index_cast %add3A_176 : i32 to index
      %get3A_303 = arith.constant 160 : index
      %get3A_304 = tpu.vector_load %arg11[%get3A_302, %get3A_303] {strides = array<i32>} : memref<16x1024xf32, #tpu.memory_space<vmem>>, vector<16xf32>,
      %mul3A_305 = arith.mulf %get3A_304, %gather3A_179 : vector<16xf32>
      %add3A_306 = arith.addf %mul3A_301, %mul3A_305 : vector<16xf32>
      %swap3A_307 = arith.index_cast %add3A_176 : i32 to index
      %swap3A_308 = arith.constant 160 : index
      %swap3A_309 = tpu.vector_load %arg13[%swap3A_307, %swap3A_308] {strides = array<i32>} : memref<16x1024xf32, #tpu.memory_space<vmem>>, vector<16xf32>,
      tpu.vector_store %arg13[%swap3A_307, %swap3A_308], %add3A_306 {strides = array<i32>} : memref<16x1024xf32, #tpu.memory_space<vmem>>, vector<16xf32>,
      %get3A_310 = arith.index_cast %add3A_176 : i32 to index
      %get3A_311 = arith.constant 176 : index
      %get3A_312 = tpu.vector_load %arg9[%get3A_310, %get3A_311] {strides = array<i32>} : memref<16x1024xf32, #tpu.memory_space<vmem>>, vector<16xf32>,
      %mul3A_313 = arith.mulf %get3A_312, %gather3A : vector<16xf32>
      %get3A_314 = arith.index_cast %add3A_176 : i32 to index
      %get3A_315 = arith.constant 176 : index
      %get3A_316 = tpu.vector_load %arg11[%get3A_314, %get3A_315] {strides = array<i32>} : memref<16x1024xf32, #tpu.memory_space<vmem>>, vector<16xf32>,
      %mul3A_317 = arith.mulf %get3A_316, %gather3A_179 : vector<16xf32>
      %add3A_318 = arith.addf %mul3A_313, %mul3A_317 : vector<16xf32>
      %swap3A_319 = arith.index_cast %add3A_176 : i32 to index
      %swap3A_320 = arith.constant 176 : index
      %swap3A_321 = tpu.vector_load %arg13[%swap3A_319, %swap3A_320] {strides = array<i32>} : memref<16x1024xf32, #tpu.memory_space<vmem>>, vector<16xf32>,
      tpu.vector_store %arg13[%swap3A_319, %swap3A_320], %add3A_318 {strides = array<i32>} : memref<16x1024xf32, #tpu.memory_space<vmem>>, vector<16xf32>,
      %get3A_322 = arith.index_cast %add3A_176 : i32 to index
      %get3A_323 = arith.constant 192 : index
      %get3A_324 = tpu.vector_load %arg9[%get3A_322, %get3A_323] {strides = array<i32>} : memref<16x1024xf32, #tpu.memory_space<vmem>>, vector<16xf32>,
      %mul3A_325 = arith.mulf %get3A_324, %gather3A : vector<16xf32>
      %get3A_326 = arith.index_cast %add3A_176 : i32 to index
      %get3A_327 = arith.constant 192 : index
      %get3A_328 = tpu.vector_load %arg11[%get3A_326, %get3A_327] {strides = array<i32>} : memref<16x1024xf32, #tpu.memory_space<vmem>>, vector<16xf32>,
      %mul3A_329 = arith.mulf %get3A_328, %gather3A_179 : vector<16xf32>
      %add3A_330 = arith.addf %mul3A_325, %mul3A_329 : vector<16xf32>
      %swap3A_331 = arith.index_cast %add3A_176 : i32 to index
      %swap3A_332 = arith.constant 192 : index
      %swap3A_333 = tpu.vector_load %arg13[%swap3A_331, %swap3A_332] {strides = array<i32>} : memref<16x1024xf32, #tpu.memory_space<vmem>>, vector<16xf32>,
      tpu.vector_store %arg13[%swap3A_331, %swap3A_332], %add3A_330 {strides = array<i32>} : memref<16x1024xf32, #tpu.memory_space<vmem>>, vector<16xf32>,
      %get3A_334 = arith.index_cast %add3A_176 : i32 to index
      %get3A_335 = arith.constant 208 : index
      %get3A_336 = tpu.vector_load %arg9[%get3A_334, %get3A_335] {strides = array<i32>} : memref<16x1024xf32, #tpu.memory_space<vmem>>, vector<16xf32>,
      %mul3A_337 = arith.mulf %get3A_336, %gather3A : vector<16xf32>
      %get3A_338 = arith.index_cast %add3A_176 : i32 to index
      %get3A_339 = arith.constant 208 : index
      %get3A_340 = tpu.vector_load %arg11[%get3A_338, %get3A_339] {strides = array<i32>} : memref<16x1024xf32, #tpu.memory_space<vmem>>, vector<16xf32>,
      %mul3A_341 = arith.mulf %get3A_340, %gather3A_179 : vector<16xf32>
      %add3A_342 = arith.addf %mul3A_337, %mul3A_341 : vector<16xf32>
      %swap3A_343 = arith.index_cast %add3A_176 : i32 to index
      %swap3A_344 = arith.constant 208 : index
      %swap3A_345 = tpu.vector_load %arg13[%swap3A_343, %swap3A_344] {strides = array<i32>} : memref<16x1024xf32, #tpu.memory_space<vmem>>, vector<16xf32>,
      tpu.vector_store %arg13[%swap3A_343, %swap3A_344], %add3A_342 {strides = array<i32>} : memref<16x1024xf32, #tpu.memory_space<vmem>>, vector<16xf32>,
      %get3A_346 = arith.index_cast %add3A_176 : i32 to index
      %get3A_347 = arith.constant 224 : index
      %get3A_348 = tpu.vector_load %arg9[%get3A_346, %get3A_347] {strides = array<i32>} : memref<16x1024xf32, #tpu.memory_space<vmem>>, vector<16xf32>,
      %mul3A_349 = arith.mulf %get3A_348, %gather3A : vector<16xf32>
      %get3A_350 = arith.index_cast %add3A_176 : i32 to index
      %get3A_351 = arith.constant 224 : index
      %get3A_352 = tpu.vector_load %arg11[%get3A_350, %get3A_351] {strides = array<i32>} : memref<16x1024xf32, #tpu.memory_space<vmem>>, vector<16xf32>,
      %mul3A_353 = arith.mulf %get3A_352, %gather3A_179 : vector<16xf32>
      %add3A_354 = arith.addf %mul3A_349, %mul3A_353 : vector<16xf32>
      %swap3A_355 = arith.index_cast %add3A_176 : i32 to index
      %swap3A_356 = arith.constant 224 : index
      %swap3A_357 = tpu.vector_load %arg13[%swap3A_355, %swap3A_356] {strides = array<i32>} : memref<16x1024xf32, #tpu.memory_space<vmem>>, vector<16xf32>,
      tpu.vector_store %arg13[%swap3A_355, %swap3A_356], %add3A_354 {strides = array<i32>} : memref<16x1024xf32, #tpu.memory_space<vmem>>, vector<16xf32>,
      %get3A_358 = arith.index_cast %add3A_176 : i32 to index
      %get3A_359 = arith.constant 240 : index
      %get3A_360 = tpu.vector_load %arg9[%get3A_358, %get3A_359] {strides = array<i32>} : memref<16x1024xf32, #tpu.memory_space<vmem>>, vector<16xf32>,
      %mul3A_361 = arith.mulf %get3A_360, %gather3A : vector<16xf32>
      %get3A_362 = arith.index_cast %add3A_176 : i32 to index
      %get3A_363 = arith.constant 240 : index
      %get3A_364 = tpu.vector_load %arg11[%get3A_362, %get3A_363] {strides = array<i32>} : memref<16x1024xf32, #tpu.memory_space<vmem>>, vector<16xf32>,
      %mul3A_365 = arith.mulf %get3A_364, %gather3A_179 : vector<16xf32>
      %add3A_366 = arith.addf %mul3A_361, %mul3A_365 : vector<16xf32>
      %swap3A_367 = arith.index_cast %add3A_176 : i32 to index
      %swap3A_368 = arith.constant 240 : index
      %swap3A_369 = tpu.vector_load %arg13[%swap3A_367, %swap3A_368] {strides = array<i32>} : memref<16x1024xf32, #tpu.memory_space<vmem>>, vector<16xf32>,
      tpu.vector_store %arg13[%swap3A_367, %swap3A_368], %add3A_366 {strides = array<i32>} : memref<16x1024xf32, #tpu.memory_space<vmem>>, vector<16xf32>,
      %get3A_370 = arith.index_cast %add3A_176 : i32 to index
      %get3A_371 = arith.constant 256 : index
      %get3A_372 = tpu.vector_load %arg9[%get3A_370, %get3A_371] {strides = array<i32>} : memref<16x1024xf32, #tpu.memory_space<vmem>>, vector<16xf32>,
      %mul3A_373 = arith.mulf %get3A_372, %gather3A : vector<16xf32>
      %get3A_374 = arith.index_cast %add3A_176 : i32 to index
      %get3A_375 = arith.constant 256 : index
      %get3A_376 = tpu.vector_load %arg11[%get3A_374, %get3A_375] {strides = array<i32>} : memref<16x1024xf32, #tpu.memory_space<vmem>>, vector<16xf32>,
      %mul3A_377 = arith.mulf %get3A_376, %gather3A_179 : vector<16xf32>
      %add3A_378 = arith.addf %mul3A_373, %mul3A_377 : vector<16xf32>
      %swap3A_379 = arith.index_cast %add3A_176 : i32 to index
      %swap3A_380 = arith.constant 256 : index
      %swap3A_381 = tpu.vector_load %arg13[%swap3A_379, %swap3A_380] {strides = array<i32>} : memref<16x1024xf32, #tpu.memory_space<vmem>>, vector<16xf32>,
      tpu.vector_store %arg13[%swap3A_379, %swap3A_380], %add3A_378 {strides = array<i32>} : memref<16x1024xf32, #tpu.memory_space<vmem>>, vector<16xf32>,
      %get3A_382 = arith.index_cast %add3A_176 : i32 to index
      %get3A_383 = arith.constant 272 : index
      %get3A_384 = tpu.vector_load %arg9[%get3A_382, %get3A_383] {strides = array<i32>} : memref<16x1024xf32, #tpu.memory_space<vmem>>, vector<16xf32>,
      %mul3A_385 = arith.mulf %get3A_384, %gather3A : vector<16xf32>
      %get3A_386 = arith.index_cast %add3A_176 : i32 to index
      %get3A_387 = arith.constant 272 : index
      %get3A_388 = tpu.vector_load %arg11[%get3A_386, %get3A_387] {strides = array<i32>} : memref<16x1024xf32, #tpu.memory_space<vmem>>, vector<16xf32>,
      %mul3A_389 = arith.mulf %get3A_388, %gather3A_179 : vector<16xf32>
      %add3A_390 = arith.addf %mul3A_385, %mul3A_389 : vector<16xf32>
      %swap3A_391 = arith.index_cast %add3A_176 : i32 to index
      %swap3A_392 = arith.constant 272 : index
      %swap3A_393 = tpu.vector_load %arg13[%swap3A_391, %swap3A_392] {strides = array<i32>} : memref<16x1024xf32, #tpu.memory_space<vmem>>, vector<16xf32>,
      tpu.vector_store %arg13[%swap3A_391, %swap3A_392], %add3A_390 {strides = array<i32>} : memref<16x1024xf32, #tpu.memory_space<vmem>>, vector<16xf32>,
      %get3A_394 = arith.index_cast %add3A_176 : i32 to index
      %get3A_395 = arith.constant 288 : index
      %get3A_396 = tpu.vector_load %arg9[%get3A_394, %get3A_395] {strides = array<i32>} : memref<16x1024xf32, #tpu.memory_space<vmem>>, vector<16xf32>,
      %mul3A_397 = arith.mulf %get3A_396, %gather3A : vector<16xf32>
      %get3A_398 = arith.index_cast %add3A_176 : i32 to index
      %get3A_399 = arith.constant 288 : index
      %get3A_400 = tpu.vector_load %arg11[%get3A_398, %get3A_399] {strides = array<i32>} : memref<16x1024xf32, #tpu.memory_space<vmem>>, vector<16xf32>,
      %mul3A_401 = arith.mulf %get3A_400, %gather3A_179 : vector<16xf32>
      %add3A_402 = arith.addf %mul3A_397, %mul3A_401 : vector<16xf32>
      %swap3A_403 = arith.index_cast %add3A_176 : i32 to index
      %swap3A_404 = arith.constant 288 : index
      %swap3A_405 = tpu.vector_load %arg13[%swap3A_403, %swap3A_404] {strides = array<i32>} : memref<16x1024xf32, #tpu.memory_space<vmem>>, vector<16xf32>,
      tpu.vector_store %arg13[%swap3A_403, %swap3A_404], %add3A_402 {strides = array<i32>} : memref<16x1024xf32, #tpu.memory_space<vmem>>, vector<16xf32>,
      %get3A_406 = arith.index_cast %add3A_176 : i32 to index
      %get3A_407 = arith.constant 304 : index
      %get3A_408 = tpu.vector_load %arg9[%get3A_406, %get3A_407] {strides = array<i32>} : memref<16x1024xf32, #tpu.memory_space<vmem>>, vector<16xf32>,
      %mul3A_409 = arith.mulf %get3A_408, %gather3A : vector<16xf32>
      %get3A_410 = arith.index_cast %add3A_176 : i32 to index
      %get3A_411 = arith.constant 304 : index
      %get3A_412 = tpu.vector_load %arg11[%get3A_410, %get3A_411] {strides = array<i32>} : memref<16x1024xf32, #tpu.memory_space<vmem>>, vector<16xf32>,
      %mul3A_413 = arith.mulf %get3A_412, %gather3A_179 : vector<16xf32>
      %add3A_414 = arith.addf %mul3A_409, %mul3A_413 : vector<16xf32>
      %swap3A_415 = arith.index_cast %add3A_176 : i32 to index
      %swap3A_416 = arith.constant 304 : index
      %swap3A_417 = tpu.vector_load %arg13[%swap3A_415, %swap3A_416] {strides = array<i32>} : memref<16x1024xf32, #tpu.memory_space<vmem>>, vector<16xf32>,
      tpu.vector_store %arg13[%swap3A_415, %swap3A_416], %add3A_414 {strides = array<i32>} : memref<16x1024xf32, #tpu.memory_space<vmem>>, vector<16xf32>,
      %get3A_418 = arith.index_cast %add3A_176 : i32 to index
      %get3A_419 = arith.constant 320 : index
      %get3A_420 = tpu.vector_load %arg9[%get3A_418, %get3A_419] {strides = array<i32>} : memref<16x1024xf32, #tpu.memory_space<vmem>>, vector<16xf32>,
      %mul3A_421 = arith.mulf %get3A_420, %gather3A : vector<16xf32>
      %get3A_422 = arith.index_cast %add3A_176 : i32 to index
      %get3A_423 = arith.constant 320 : index
      %get3A_424 = tpu.vector_load %arg11[%get3A_422, %get3A_423] {strides = array<i32>} : memref<16x1024xf32, #tpu.memory_space<vmem>>, vector<16xf32>,
      %mul3A_425 = arith.mulf %get3A_424, %gather3A_179 : vector<16xf32>
      %add3A_426 = arith.addf %mul3A_421, %mul3A_425 : vector<16xf32>
      %swap3A_427 = arith.index_cast %add3A_176 : i32 to index
      %swap3A_428 = arith.constant 320 : index
      %swap3A_429 = tpu.vector_load %arg13[%swap3A_427, %swap3A_428] {strides = array<i32>} : memref<16x1024xf32, #tpu.memory_space<vmem>>, vector<16xf32>,
      tpu.vector_store %arg13[%swap3A_427, %swap3A_428], %add3A_426 {strides = array<i32>} : memref<16x1024xf32, #tpu.memory_space<vmem>>, vector<16xf32>,
      %get3A_430 = arith.index_cast %add3A_176 : i32 to index
      %get3A_431 = arith.constant 336 : index
      %get3A_432 = tpu.vector_load %arg9[%get3A_430, %get3A_431] {strides = array<i32>} : memref<16x1024xf32, #tpu.memory_space<vmem>>, vector<16xf32>,
      %mul3A_433 = arith.mulf %get3A_432, %gather3A : vector<16xf32>
      %get3A_434 = arith.index_cast %add3A_176 : i32 to index
      %get3A_435 = arith.constant 336 : index
      %get3A_436 = tpu.vector_load %arg11[%get3A_434, %get3A_435] {strides = array<i32>} : memref<16x1024xf32, #tpu.memory_space<vmem>>, vector<16xf32>,
      %mul3A_437 = arith.mulf %get3A_436, %gather3A_179 : vector<16xf32>
      %add3A_438 = arith.addf %mul3A_433, %mul3A_437 : vector<16xf32>
      %swap3A_439 = arith.index_cast %add3A_176 : i32 to index
      %swap3A_440 = arith.constant 336 : index
      %swap3A_441 = tpu.vector_load %arg13[%swap3A_439, %swap3A_440] {strides = array<i32>} : memref<16x1024xf32, #tpu.memory_space<vmem>>, vector<16xf32>,
      tpu.vector_store %arg13[%swap3A_439, %swap3A_440], %add3A_438 {strides = array<i32>} : memref<16x1024xf32, #tpu.memory_space<vmem>>, vector<16xf32>,
      %get3A_442 = arith.index_cast %add3A_176 : i32 to index
      %get3A_443 = arith.constant 352 : index
      %get3A_444 = tpu.vector_load %arg9[%get3A_442, %get3A_443] {strides = array<i32>} : memref<16x1024xf32, #tpu.memory_space<vmem>>, vector<16xf32>,
      %mul3A_445 = arith.mulf %get3A_444, %gather3A : vector<16xf32>
      %get3A_446 = arith.index_cast %add3A_176 : i32 to index
      %get3A_447 = arith.constant 352 : index
      %get3A_448 = tpu.vector_load %arg11[%get3A_446, %get3A_447] {strides = array<i32>} : memref<16x1024xf32, #tpu.memory_space<vmem>>, vector<16xf32>,
      %mul3A_449 = arith.mulf %get3A_448, %gather3A_179 : vector<16xf32>
      %add3A_450 = arith.addf %mul3A_445, %mul3A_449 : vector<16xf32>
      %swap3A_451 = arith.index_cast %add3A_176 : i32 to index
      %swap3A_452 = arith.constant 352 : index
      %swap3A_453 = tpu.vector_load %arg13[%swap3A_451, %swap3A_452] {strides = array<i32>} : memref<16x1024xf32, #tpu.memory_space<vmem>>, vector<16xf32>,
      tpu.vector_store %arg13[%swap3A_451, %swap3A_452], %add3A_450 {strides = array<i32>} : memref<16x1024xf32, #tpu.memory_space<vmem>>, vector<16xf32>,
      %get3A_454 = arith.index_cast %add3A_176 : i32 to index
      %get3A_455 = arith.constant 368 : index
      %get3A_456 = tpu.vector_load %arg9[%get3A_454, %get3A_455] {strides = array<i32>} : memref<16x1024xf32, #tpu.memory_space<vmem>>, vector<16xf32>,
      %mul3A_457 = arith.mulf %get3A_456, %gather3A : vector<16xf32>
      %get3A_458 = arith.index_cast %add3A_176 : i32 to index
      %get3A_459 = arith.constant 368 : index
      %get3A_460 = tpu.vector_load %arg11[%get3A_458, %get3A_459] {strides = array<i32>} : memref<16x1024xf32, #tpu.memory_space<vmem>>, vector<16xf32>,
      %mul3A_461 = arith.mulf %get3A_460, %gather3A_179 : vector<16xf32>
      %add3A_462 = arith.addf %mul3A_457, %mul3A_461 : vector<16xf32>
      %swap3A_463 = arith.index_cast %add3A_176 : i32 to index
      %swap3A_464 = arith.constant 368 : index
      %swap3A_465 = tpu.vector_load %arg13[%swap3A_463, %swap3A_464] {strides = array<i32>} : memref<16x1024xf32, #tpu.memory_space<vmem>>, vector<16xf32>,
      tpu.vector_store %arg13[%swap3A_463, %swap3A_464], %add3A_462 {strides = array<i32>} : memref<16x1024xf32, #tpu.memory_space<vmem>>, vector<16xf32>,
      %get3A_466 = arith.index_cast %add3A_176 : i32 to index
      %get3A_467 = arith.constant 384 : index
      %get3A_468 = tpu.vector_load %arg9[%get3A_466, %get3A_467] {strides = array<i32>} : memref<16x1024xf32, #tpu.memory_space<vmem>>, vector<16xf32>,
      %mul3A_469 = arith.mulf %get3A_468, %gather3A : vector<16xf32>
      %get3A_470 = arith.index_cast %add3A_176 : i32 to index
      %get3A_471 = arith.constant 384 : index
      %get3A_472 = tpu.vector_load %arg11[%get3A_470, %get3A_471] {strides = array<i32>} : memref<16x1024xf32, #tpu.memory_space<vmem>>, vector<16xf32>,
      %mul3A_473 = arith.mulf %get3A_472, %gather3A_179 : vector<16xf32>
      %add3A_474 = arith.addf %mul3A_469, %mul3A_473 : vector<16xf32>
      %swap3A_475 = arith.index_cast %add3A_176 : i32 to index
      %swap3A_476 = arith.constant 384 : index
      %swap3A_477 = tpu.vector_load %arg13[%swap3A_475, %swap3A_476] {strides = array<i32>} : memref<16x1024xf32, #tpu.memory_space<vmem>>, vector<16xf32>,
      tpu.vector_store %arg13[%swap3A_475, %swap3A_476], %add3A_474 {strides = array<i32>} : memref<16x1024xf32, #tpu.memory_space<vmem>>, vector<16xf32>,
      %get3A_478 = arith.index_cast %add3A_176 : i32 to index
      %get3A_479 = arith.constant 400 : index
      %get3A_480 = tpu.vector_load %arg9[%get3A_478, %get3A_479] {strides = array<i32>} : memref<16x1024xf32, #tpu.memory_space<vmem>>, vector<16xf32>,
      %mul3A_481 = arith.mulf %get3A_480, %gather3A : vector<16xf32>
      %get3A_482 = arith.index_cast %add3A_176 : i32 to index
      %get3A_483 = arith.constant 400 : index
      %get3A_484 = tpu.vector_load %arg11[%get3A_482, %get3A_483] {strides = array<i32>} : memref<16x1024xf32, #tpu.memory_space<vmem>>, vector<16xf32>,
      %mul3A_485 = arith.mulf %get3A_484, %gather3A_179 : vector<16xf32>
      %add3A_486 = arith.addf %mul3A_481, %mul3A_485 : vector<16xf32>
      %swap3A_487 = arith.index_cast %add3A_176 : i32 to index
      %swap3A_488 = arith.constant 400 : index
      %swap3A_489 = tpu.vector_load %arg13[%swap3A_487, %swap3A_488] {strides = array<i32>} : memref<16x1024xf32, #tpu.memory_space<vmem>>, vector<16xf32>,
      tpu.vector_store %arg13[%swap3A_487, %swap3A_488], %add3A_486 {strides = array<i32>} : memref<16x1024xf32, #tpu.memory_space<vmem>>, vector<16xf32>,
      %get3A_490 = arith.index_cast %add3A_176 : i32 to index
      %get3A_491 = arith.constant 416 : index
      %get3A_492 = tpu.vector_load %arg9[%get3A_490, %get3A_491] {strides = array<i32>} : memref<16x1024xf32, #tpu.memory_space<vmem>>, vector<16xf32>,
      %mul3A_493 = arith.mulf %get3A_492, %gather3A : vector<16xf32>
      %get3A_494 = arith.index_cast %add3A_176 : i32 to index
      %get3A_495 = arith.constant 416 : index
      %get3A_496 = tpu.vector_load %arg11[%get3A_494, %get3A_495] {strides = array<i32>} : memref<16x1024xf32, #tpu.memory_space<vmem>>, vector<16xf32>,
      %mul3A_497 = arith.mulf %get3A_496, %gather3A_179 : vector<16xf32>
      %add3A_498 = arith.addf %mul3A_493, %mul3A_497 : vector<16xf32>
      %swap3A_499 = arith.index_cast %add3A_176 : i32 to index
      %swap3A_500 = arith.constant 416 : index
      %swap3A_501 = tpu.vector_load %arg13[%swap3A_499, %swap3A_500] {strides = array<i32>} : memref<16x1024xf32, #tpu.memory_space<vmem>>, vector<16xf32>,
      tpu.vector_store %arg13[%swap3A_499, %swap3A_500], %add3A_498 {strides = array<i32>} : memref<16x1024xf32, #tpu.memory_space<vmem>>, vector<16xf32>,
      %get3A_502 = arith.index_cast %add3A_176 : i32 to index
      %get3A_503 = arith.constant 432 : index
      %get3A_504 = tpu.vector_load %arg9[%get3A_502, %get3A_503] {strides = array<i32>} : memref<16x1024xf32, #tpu.memory_space<vmem>>, vector<16xf32>,
      %mul3A_505 = arith.mulf %get3A_504, %gather3A : vector<16xf32>
      %get3A_506 = arith.index_cast %add3A_176 : i32 to index
      %get3A_507 = arith.constant 432 : index
      %get3A_508 = tpu.vector_load %arg11[%get3A_506, %get3A_507] {strides = array<i32>} : memref<16x1024xf32, #tpu.memory_space<vmem>>, vector<16xf32>,
      %mul3A_509 = arith.mulf %get3A_508, %gather3A_179 : vector<16xf32>
      %add3A_510 = arith.addf %mul3A_505, %mul3A_509 : vector<16xf32>
      %swap3A_511 = arith.index_cast %add3A_176 : i32 to index
      %swap3A_512 = arith.constant 432 : index
      %swap3A_513 = tpu.vector_load %arg13[%swap3A_511, %swap3A_512] {strides = array<i32>} : memref<16x1024xf32, #tpu.memory_space<vmem>>, vector<16xf32>,
      tpu.vector_store %arg13[%swap3A_511, %swap3A_512], %add3A_510 {strides = array<i32>} : memref<16x1024xf32, #tpu.memory_space<vmem>>, vector<16xf32>,
      %get3A_514 = arith.index_cast %add3A_176 : i32 to index
      %get3A_515 = arith.constant 448 : index
      %get3A_516 = tpu.vector_load %arg9[%get3A_514, %get3A_515] {strides = array<i32>} : memref<16x1024xf32, #tpu.memory_space<vmem>>, vector<16xf32>,
      %mul3A_517 = arith.mulf %get3A_516, %gather3A : vector<16xf32>
      %get3A_518 = arith.index_cast %add3A_176 : i32 to index
      %get3A_519 = arith.constant 448 : index
      %get3A_520 = tpu.vector_load %arg11[%get3A_518, %get3A_519] {strides = array<i32>} : memref<16x1024xf32, #tpu.memory_space<vmem>>, vector<16xf32>,
      %mul3A_521 = arith.mulf %get3A_520, %gather3A_179 : vector<16xf32>
      %add3A_522 = arith.addf %mul3A_517, %mul3A_521 : vector<16xf32>
      %swap3A_523 = arith.index_cast %add3A_176 : i32 to index
      %swap3A_524 = arith.constant 448 : index
      %swap3A_525 = tpu.vector_load %arg13[%swap3A_523, %swap3A_524] {strides = array<i32>} : memref<16x1024xf32, #tpu.memory_space<vmem>>, vector<16xf32>,
      tpu.vector_store %arg13[%swap3A_523, %swap3A_524], %add3A_522 {strides = array<i32>} : memref<16x1024xf32, #tpu.memory_space<vmem>>, vector<16xf32>,
      %get3A_526 = arith.index_cast %add3A_176 : i32 to index
      %get3A_527 = arith.constant 464 : index
      %get3A_528 = tpu.vector_load %arg9[%get3A_526, %get3A_527] {strides = array<i32>} : memref<16x1024xf32, #tpu.memory_space<vmem>>, vector<16xf32>,
      %mul3A_529 = arith.mulf %get3A_528, %gather3A : vector<16xf32>
      %get3A_530 = arith.index_cast %add3A_176 : i32 to index
      %get3A_531 = arith.constant 464 : index
      %get3A_532 = tpu.vector_load %arg11[%get3A_530, %get3A_531] {strides = array<i32>} : memref<16x1024xf32, #tpu.memory_space<vmem>>, vector<16xf32>,
      %mul3A_533 = arith.mulf %get3A_532, %gather3A_179 : vector<16xf32>
      %add3A_534 = arith.addf %mul3A_529, %mul3A_533 : vector<16xf32>
      %swap3A_535 = arith.index_cast %add3A_176 : i32 to index
      %swap3A_536 = arith.constant 464 : index
      %swap3A_537 = tpu.vector_load %arg13[%swap3A_535, %swap3A_536] {strides = array<i32>} : memref<16x1024xf32, #tpu.memory_space<vmem>>, vector<16xf32>,
      tpu.vector_store %arg13[%swap3A_535, %swap3A_536], %add3A_534 {strides = array<i32>} : memref<16x1024xf32, #tpu.memory_space<vmem>>, vector<16xf32>,
      %get3A_538 = arith.index_cast %add3A_176 : i32 to index
      %get3A_539 = arith.constant 480 : index
      %get3A_540 = tpu.vector_load %arg9[%get3A_538, %get3A_539] {strides = array<i32>} : memref<16x1024xf32, #tpu.memory_space<vmem>>, vector<16xf32>,
      %mul3A_541 = arith.mulf %get3A_540, %gather3A : vector<16xf32>
      %get3A_542 = arith.index_cast %add3A_176 : i32 to index
      %get3A_543 = arith.constant 480 : index
      %get3A_544 = tpu.vector_load %arg11[%get3A_542, %get3A_543] {strides = array<i32>} : memref<16x1024xf32, #tpu.memory_space<vmem>>, vector<16xf32>,
      %mul3A_545 = arith.mulf %get3A_544, %gather3A_179 : vector<16xf32>
      %add3A_546 = arith.addf %mul3A_541, %mul3A_545 : vector<16xf32>
      %swap3A_547 = arith.index_cast %add3A_176 : i32 to index
      %swap3A_548 = arith.constant 480 : index
      %swap3A_549 = tpu.vector_load %arg13[%swap3A_547, %swap3A_548] {strides = array<i32>} : memref<16x1024xf32, #tpu.memory_space<vmem>>, vector<16xf32>,
      tpu.vector_store %arg13[%swap3A_547, %swap3A_548], %add3A_546 {strides = array<i32>} : memref<16x1024xf32, #tpu.memory_space<vmem>>, vector<16xf32>,
      %get3A_550 = arith.index_cast %add3A_176 : i32 to index
      %get3A_551 = arith.constant 496 : index
      %get3A_552 = tpu.vector_load %arg9[%get3A_550, %get3A_551] {strides = array<i32>} : memref<16x1024xf32, #tpu.memory_space<vmem>>, vector<16xf32>,
      %mul3A_553 = arith.mulf %get3A_552, %gather3A : vector<16xf32>
      %get3A_554 = arith.index_cast %add3A_176 : i32 to index
      %get3A_555 = arith.constant 496 : index
      %get3A_556 = tpu.vector_load %arg11[%get3A_554, %get3A_555] {strides = array<i32>} : memref<16x1024xf32, #tpu.memory_space<vmem>>, vector<16xf32>,
      %mul3A_557 = arith.mulf %get3A_556, %gather3A_179 : vector<16xf32>
      %add3A_558 = arith.addf %mul3A_553, %mul3A_557 : vector<16xf32>
      %swap3A_559 = arith.index_cast %add3A_176 : i32 to index
      %swap3A_560 = arith.constant 496 : index
      %swap3A_561 = tpu.vector_load %arg13[%swap3A_559, %swap3A_560] {strides = array<i32>} : memref<16x1024xf32, #tpu.memory_space<vmem>>, vector<16xf32>,
      tpu.vector_store %arg13[%swap3A_559, %swap3A_560], %add3A_558 {strides = array<i32>} : memref<16x1024xf32, #tpu.memory_space<vmem>>, vector<16xf32>,
      %get3A_562 = arith.index_cast %add3A_176 : i32 to index
      %get3A_563 = arith.constant 512 : index
      %get3A_564 = tpu.vector_load %arg9[%get3A_562, %get3A_563] {strides = array<i32>} : memref<16x1024xf32, #tpu.memory_space<vmem>>, vector<16xf32>,
      %mul3A_565 = arith.mulf %get3A_564, %gather3A : vector<16xf32>
      %get3A_566 = arith.index_cast %add3A_176 : i32 to index
      %get3A_567 = arith.constant 512 : index
      %get3A_568 = tpu.vector_load %arg11[%get3A_566, %get3A_567] {strides = array<i32>} : memref<16x1024xf32, #tpu.memory_space<vmem>>, vector<16xf32>,
      %mul3A_569 = arith.mulf %get3A_568, %gather3A_179 : vector<16xf32>
      %add3A_570 = arith.addf %mul3A_565, %mul3A_569 : vector<16xf32>
      %swap3A_571 = arith.index_cast %add3A_176 : i32 to index
      %swap3A_572 = arith.constant 512 : index
      %swap3A_573 = tpu.vector_load %arg13[%swap3A_571, %swap3A_572] {strides = array<i32>} : memref<16x1024xf32, #tpu.memory_space<vmem>>, vector<16xf32>,
      tpu.vector_store %arg13[%swap3A_571, %swap3A_572], %add3A_570 {strides = array<i32>} : memref<16x1024xf32, #tpu.memory_space<vmem>>, vector<16xf32>,
      %get3A_574 = arith.index_cast %add3A_176 : i32 to index
      %get3A_575 = arith.constant 528 : index
      %get3A_576 = tpu.vector_load %arg9[%get3A_574, %get3A_575] {strides = array<i32>} : memref<16x1024xf32, #tpu.memory_space<vmem>>, vector<16xf32>,
      %mul3A_577 = arith.mulf %get3A_576, %gather3A : vector<16xf32>
      %get3A_578 = arith.index_cast %add3A_176 : i32 to index
      %get3A_579 = arith.constant 528 : index
      %get3A_580 = tpu.vector_load %arg11[%get3A_578, %get3A_579] {strides = array<i32>} : memref<16x1024xf32, #tpu.memory_space<vmem>>, vector<16xf32>,
      %mul3A_581 = arith.mulf %get3A_580, %gather3A_179 : vector<16xf32>
      %add3A_582 = arith.addf %mul3A_577, %mul3A_581 : vector<16xf32>
      %swap3A_583 = arith.index_cast %add3A_176 : i32 to index
      %swap3A_584 = arith.constant 528 : index
      %swap3A_585 = tpu.vector_load %arg13[%swap3A_583, %swap3A_584] {strides = array<i32>} : memref<16x1024xf32, #tpu.memory_space<vmem>>, vector<16xf32>,
      tpu.vector_store %arg13[%swap3A_583, %swap3A_584], %add3A_582 {strides = array<i32>} : memref<16x1024xf32, #tpu.memory_space<vmem>>, vector<16xf32>,
      %get3A_586 = arith.index_cast %add3A_176 : i32 to index
      %get3A_587 = arith.constant 544 : index
      %get3A_588 = tpu.vector_load %arg9[%get3A_586, %get3A_587] {strides = array<i32>} : memref<16x1024xf32, #tpu.memory_space<vmem>>, vector<16xf32>,
      %mul3A_589 = arith.mulf %get3A_588, %gather3A : vector<16xf32>
      %get3A_590 = arith.index_cast %add3A_176 : i32 to index
      %get3A_591 = arith.constant 544 : index
      %get3A_592 = tpu.vector_load %arg11[%get3A_590, %get3A_591] {strides = array<i32>} : memref<16x1024xf32, #tpu.memory_space<vmem>>, vector<16xf32>,
      %mul3A_593 = arith.mulf %get3A_592, %gather3A_179 : vector<16xf32>
      %add3A_594 = arith.addf %mul3A_589, %mul3A_593 : vector<16xf32>
      %swap3A_595 = arith.index_cast %add3A_176 : i32 to index
      %swap3A_596 = arith.constant 544 : index
      %swap3A_597 = tpu.vector_load %arg13[%swap3A_595, %swap3A_596] {strides = array<i32>} : memref<16x1024xf32, #tpu.memory_space<vmem>>, vector<16xf32>,
      tpu.vector_store %arg13[%swap3A_595, %swap3A_596], %add3A_594 {strides = array<i32>} : memref<16x1024xf32, #tpu.memory_space<vmem>>, vector<16xf32>,
      %get3A_598 = arith.index_cast %add3A_176 : i32 to index
      %get3A_599 = arith.constant 560 : index
      %get3A_600 = tpu.vector_load %arg9[%get3A_598, %get3A_599] {strides = array<i32>} : memref<16x1024xf32, #tpu.memory_space<vmem>>, vector<16xf32>,
      %mul3A_601 = arith.mulf %get3A_600, %gather3A : vector<16xf32>
      %get3A_602 = arith.index_cast %add3A_176 : i32 to index
      %get3A_603 = arith.constant 560 : index
      %get3A_604 = tpu.vector_load %arg11[%get3A_602, %get3A_603] {strides = array<i32>} : memref<16x1024xf32, #tpu.memory_space<vmem>>, vector<16xf32>,
      %mul3A_605 = arith.mulf %get3A_604, %gather3A_179 : vector<16xf32>
      %add3A_606 = arith.addf %mul3A_601, %mul3A_605 : vector<16xf32>
      %swap3A_607 = arith.index_cast %add3A_176 : i32 to index
      %swap3A_608 = arith.constant 560 : index
      %swap3A_609 = tpu.vector_load %arg13[%swap3A_607, %swap3A_608] {strides = array<i32>} : memref<16x1024xf32, #tpu.memory_space<vmem>>, vector<16xf32>,
      tpu.vector_store %arg13[%swap3A_607, %swap3A_608], %add3A_606 {strides = array<i32>} : memref<16x1024xf32, #tpu.memory_space<vmem>>, vector<16xf32>,
      %get3A_610 = arith.index_cast %add3A_176 : i32 to index
      %get3A_611 = arith.constant 576 : index
      %get3A_612 = tpu.vector_load %arg9[%get3A_610, %get3A_611] {strides = array<i32>} : memref<16x1024xf32, #tpu.memory_space<vmem>>, vector<16xf32>,
      %mul3A_613 = arith.mulf %get3A_612, %gather3A : vector<16xf32>
      %get3A_614 = arith.index_cast %add3A_176 : i32 to index
      %get3A_615 = arith.constant 576 : index
      %get3A_616 = tpu.vector_load %arg11[%get3A_614, %get3A_615] {strides = array<i32>} : memref<16x1024xf32, #tpu.memory_space<vmem>>, vector<16xf32>,
      %mul3A_617 = arith.mulf %get3A_616, %gather3A_179 : vector<16xf32>
      %add3A_618 = arith.addf %mul3A_613, %mul3A_617 : vector<16xf32>
      %swap3A_619 = arith.index_cast %add3A_176 : i32 to index
      %swap3A_620 = arith.constant 576 : index
      %swap3A_621 = tpu.vector_load %arg13[%swap3A_619, %swap3A_620] {strides = array<i32>} : memref<16x1024xf32, #tpu.memory_space<vmem>>, vector<16xf32>,
      tpu.vector_store %arg13[%swap3A_619, %swap3A_620], %add3A_618 {strides = array<i32>} : memref<16x1024xf32, #tpu.memory_space<vmem>>, vector<16xf32>,
      %get3A_622 = arith.index_cast %add3A_176 : i32 to index
      %get3A_623 = arith.constant 592 : index
      %get3A_624 = tpu.vector_load %arg9[%get3A_622, %get3A_623] {strides = array<i32>} : memref<16x1024xf32, #tpu.memory_space<vmem>>, vector<16xf32>,
      %mul3A_625 = arith.mulf %get3A_624, %gather3A : vector<16xf32>
      %get3A_626 = arith.index_cast %add3A_176 : i32 to index
      %get3A_627 = arith.constant 592 : index
      %get3A_628 = tpu.vector_load %arg11[%get3A_626, %get3A_627] {strides = array<i32>} : memref<16x1024xf32, #tpu.memory_space<vmem>>, vector<16xf32>,
      %mul3A_629 = arith.mulf %get3A_628, %gather3A_179 : vector<16xf32>
      %add3A_630 = arith.addf %mul3A_625, %mul3A_629 : vector<16xf32>
      %swap3A_631 = arith.index_cast %add3A_176 : i32 to index
      %swap3A_632 = arith.constant 592 : index
      %swap3A_633 = tpu.vector_load %arg13[%swap3A_631, %swap3A_632] {strides = array<i32>} : memref<16x1024xf32, #tpu.memory_space<vmem>>, vector<16xf32>,
      tpu.vector_store %arg13[%swap3A_631, %swap3A_632], %add3A_630 {strides = array<i32>} : memref<16x1024xf32, #tpu.memory_space<vmem>>, vector<16xf32>,
      %get3A_634 = arith.index_cast %add3A_176 : i32 to index
      %get3A_635 = arith.constant 608 : index
      %get3A_636 = tpu.vector_load %arg9[%get3A_634, %get3A_635] {strides = array<i32>} : memref<16x1024xf32, #tpu.memory_space<vmem>>, vector<16xf32>,
      %mul3A_637 = arith.mulf %get3A_636, %gather3A : vector<16xf32>
      %get3A_638 = arith.index_cast %add3A_176 : i32 to index
      %get3A_639 = arith.constant 608 : index
      %get3A_640 = tpu.vector_load %arg11[%get3A_638, %get3A_639] {strides = array<i32>} : memref<16x1024xf32, #tpu.memory_space<vmem>>, vector<16xf32>,
      %mul3A_641 = arith.mulf %get3A_640, %gather3A_179 : vector<16xf32>
      %add3A_642 = arith.addf %mul3A_637, %mul3A_641 : vector<16xf32>
      %swap3A_643 = arith.index_cast %add3A_176 : i32 to index
      %swap3A_644 = arith.constant 608 : index
      %swap3A_645 = tpu.vector_load %arg13[%swap3A_643, %swap3A_644] {strides = array<i32>} : memref<16x1024xf32, #tpu.memory_space<vmem>>, vector<16xf32>,
      tpu.vector_store %arg13[%swap3A_643, %swap3A_644], %add3A_642 {strides = array<i32>} : memref<16x1024xf32, #tpu.memory_space<vmem>>, vector<16xf32>,
      %get3A_646 = arith.index_cast %add3A_176 : i32 to index
      %get3A_647 = arith.constant 624 : index
      %get3A_648 = tpu.vector_load %arg9[%get3A_646, %get3A_647] {strides = array<i32>} : memref<16x1024xf32, #tpu.memory_space<vmem>>, vector<16xf32>,
      %mul3A_649 = arith.mulf %get3A_648, %gather3A : vector<16xf32>
      %get3A_650 = arith.index_cast %add3A_176 : i32 to index
      %get3A_651 = arith.constant 624 : index
      %get3A_652 = tpu.vector_load %arg11[%get3A_650, %get3A_651] {strides = array<i32>} : memref<16x1024xf32, #tpu.memory_space<vmem>>, vector<16xf32>,
      %mul3A_653 = arith.mulf %get3A_652, %gather3A_179 : vector<16xf32>
      %add3A_654 = arith.addf %mul3A_649, %mul3A_653 : vector<16xf32>
      %swap3A_655 = arith.index_cast %add3A_176 : i32 to index
      %swap3A_656 = arith.constant 624 : index
      %swap3A_657 = tpu.vector_load %arg13[%swap3A_655, %swap3A_656] {strides = array<i32>} : memref<16x1024xf32, #tpu.memory_space<vmem>>, vector<16xf32>,
      tpu.vector_store %arg13[%swap3A_655, %swap3A_656], %add3A_654 {strides = array<i32>} : memref<16x1024xf32, #tpu.memory_space<vmem>>, vector<16xf32>,
      %get3A_658 = arith.index_cast %add3A_176 : i32 to index
      %get3A_659 = arith.constant 640 : index
      %get3A_660 = tpu.vector_load %arg9[%get3A_658, %get3A_659] {strides = array<i32>} : memref<16x1024xf32, #tpu.memory_space<vmem>>, vector<16xf32>,
      %mul3A_661 = arith.mulf %get3A_660, %gather3A : vector<16xf32>
      %get3A_662 = arith.index_cast %add3A_176 : i32 to index
      %get3A_663 = arith.constant 640 : index
      %get3A_664 = tpu.vector_load %arg11[%get3A_662, %get3A_663] {strides = array<i32>} : memref<16x1024xf32, #tpu.memory_space<vmem>>, vector<16xf32>,
      %mul3A_665 = arith.mulf %get3A_664, %gather3A_179 : vector<16xf32>
      %add3A_666 = arith.addf %mul3A_661, %mul3A_665 : vector<16xf32>
      %swap3A_667 = arith.index_cast %add3A_176 : i32 to index
      %swap3A_668 = arith.constant 640 : index
      %swap3A_669 = tpu.vector_load %arg13[%swap3A_667, %swap3A_668] {strides = array<i32>} : memref<16x1024xf32, #tpu.memory_space<vmem>>, vector<16xf32>,
      tpu.vector_store %arg13[%swap3A_667, %swap3A_668], %add3A_666 {strides = array<i32>} : memref<16x1024xf32, #tpu.memory_space<vmem>>, vector<16xf32>,
      %get3A_670 = arith.index_cast %add3A_176 : i32 to index
      %get3A_671 = arith.constant 656 : index
      %get3A_672 = tpu.vector_load %arg9[%get3A_670, %get3A_671] {strides = array<i32>} : memref<16x1024xf32, #tpu.memory_space<vmem>>, vector<16xf32>,
      %mul3A_673 = arith.mulf %get3A_672, %gather3A : vector<16xf32>
      %get3A_674 = arith.index_cast %add3A_176 : i32 to index
      %get3A_675 = arith.constant 656 : index
      %get3A_676 = tpu.vector_load %arg11[%get3A_674, %get3A_675] {strides = array<i32>} : memref<16x1024xf32, #tpu.memory_space<vmem>>, vector<16xf32>,
      %mul3A_677 = arith.mulf %get3A_676, %gather3A_179 : vector<16xf32>
      %add3A_678 = arith.addf %mul3A_673, %mul3A_677 : vector<16xf32>
      %swap3A_679 = arith.index_cast %add3A_176 : i32 to index
      %swap3A_680 = arith.constant 656 : index
      %swap3A_681 = tpu.vector_load %arg13[%swap3A_679, %swap3A_680] {strides = array<i32>} : memref<16x1024xf32, #tpu.memory_space<vmem>>, vector<16xf32>,
      tpu.vector_store %arg13[%swap3A_679, %swap3A_680], %add3A_678 {strides = array<i32>} : memref<16x1024xf32, #tpu.memory_space<vmem>>, vector<16xf32>,
      %get3A_682 = arith.index_cast %add3A_176 : i32 to index
      %get3A_683 = arith.constant 672 : index
      %get3A_684 = tpu.vector_load %arg9[%get3A_682, %get3A_683] {strides = array<i32>} : memref<16x1024xf32, #tpu.memory_space<vmem>>, vector<16xf32>,
      %mul3A_685 = arith.mulf %get3A_684, %gather3A : vector<16xf32>
      %get3A_686 = arith.index_cast %add3A_176 : i32 to index
      %get3A_687 = arith.constant 672 : index
      %get3A_688 = tpu.vector_load %arg11[%get3A_686, %get3A_687] {strides = array<i32>} : memref<16x1024xf32, #tpu.memory_space<vmem>>, vector<16xf32>,
      %mul3A_689 = arith.mulf %get3A_688, %gather3A_179 : vector<16xf32>
      %add3A_690 = arith.addf %mul3A_685, %mul3A_689 : vector<16xf32>
      %swap3A_691 = arith.index_cast %add3A_176 : i32 to index
      %swap3A_692 = arith.constant 672 : index
      %swap3A_693 = tpu.vector_load %arg13[%swap3A_691, %swap3A_692] {strides = array<i32>} : memref<16x1024xf32, #tpu.memory_space<vmem>>, vector<16xf32>,
      tpu.vector_store %arg13[%swap3A_691, %swap3A_692], %add3A_690 {strides = array<i32>} : memref<16x1024xf32, #tpu.memory_space<vmem>>, vector<16xf32>,
      %get3A_694 = arith.index_cast %add3A_176 : i32 to index
      %get3A_695 = arith.constant 688 : index
      %get3A_696 = tpu.vector_load %arg9[%get3A_694, %get3A_695] {strides = array<i32>} : memref<16x1024xf32, #tpu.memory_space<vmem>>, vector<16xf32>,
      %mul3A_697 = arith.mulf %get3A_696, %gather3A : vector<16xf32>
      %get3A_698 = arith.index_cast %add3A_176 : i32 to index
      %get3A_699 = arith.constant 688 : index
      %get3A_700 = tpu.vector_load %arg11[%get3A_698, %get3A_699] {strides = array<i32>} : memref<16x1024xf32, #tpu.memory_space<vmem>>, vector<16xf32>,
      %mul3A_701 = arith.mulf %get3A_700, %gather3A_179 : vector<16xf32>
      %add3A_702 = arith.addf %mul3A_697, %mul3A_701 : vector<16xf32>
      %swap3A_703 = arith.index_cast %add3A_176 : i32 to index
      %swap3A_704 = arith.constant 688 : index
      %swap3A_705 = tpu.vector_load %arg13[%swap3A_703, %swap3A_704] {strides = array<i32>} : memref<16x1024xf32, #tpu.memory_space<vmem>>, vector<16xf32>,
      tpu.vector_store %arg13[%swap3A_703, %swap3A_704], %add3A_702 {strides = array<i32>} : memref<16x1024xf32, #tpu.memory_space<vmem>>, vector<16xf32>,
      %get3A_706 = arith.index_cast %add3A_176 : i32 to index
      %get3A_707 = arith.constant 704 : index
      %get3A_708 = tpu.vector_load %arg9[%get3A_706, %get3A_707] {strides = array<i32>} : memref<16x1024xf32, #tpu.memory_space<vmem>>, vector<16xf32>,
      %mul3A_709 = arith.mulf %get3A_708, %gather3A : vector<16xf32>
      %get3A_710 = arith.index_cast %add3A_176 : i32 to index
      %get3A_711 = arith.constant 704 : index
      %get3A_712 = tpu.vector_load %arg11[%get3A_710, %get3A_711] {strides = array<i32>} : memref<16x1024xf32, #tpu.memory_space<vmem>>, vector<16xf32>,
      %mul3A_713 = arith.mulf %get3A_712, %gather3A_179 : vector<16xf32>
      %add3A_714 = arith.addf %mul3A_709, %mul3A_713 : vector<16xf32>
      %swap3A_715 = arith.index_cast %add3A_176 : i32 to index
      %swap3A_716 = arith.constant 704 : index
      %swap3A_717 = tpu.vector_load %arg13[%swap3A_715, %swap3A_716] {strides = array<i32>} : memref<16x1024xf32, #tpu.memory_space<vmem>>, vector<16xf32>,
      tpu.vector_store %arg13[%swap3A_715, %swap3A_716], %add3A_714 {strides = array<i32>} : memref<16x1024xf32, #tpu.memory_space<vmem>>, vector<16xf32>,
      %get3A_718 = arith.index_cast %add3A_176 : i32 to index
      %get3A_719 = arith.constant 720 : index
      %get3A_720 = tpu.vector_load %arg9[%get3A_718, %get3A_719] {strides = array<i32>} : memref<16x1024xf32, #tpu.memory_space<vmem>>, vector<16xf32>,
      %mul3A_721 = arith.mulf %get3A_720, %gather3A : vector<16xf32>
      %get3A_722 = arith.index_cast %add3A_176 : i32 to index
      %get3A_723 = arith.constant 720 : index
      %get3A_724 = tpu.vector_load %arg11[%get3A_722, %get3A_723] {strides = array<i32>} : memref<16x1024xf32, #tpu.memory_space<vmem>>, vector<16xf32>,
      %mul3A_725 = arith.mulf %get3A_724, %gather3A_179 : vector<16xf32>
      %add3A_726 = arith.addf %mul3A_721, %mul3A_725 : vector<16xf32>
      %swap3A_727 = arith.index_cast %add3A_176 : i32 to index
      %swap3A_728 = arith.constant 720 : index
      %swap3A_729 = tpu.vector_load %arg13[%swap3A_727, %swap3A_728] {strides = array<i32>} : memref<16x1024xf32, #tpu.memory_space<vmem>>, vector<16xf32>,
      tpu.vector_store %arg13[%swap3A_727, %swap3A_728], %add3A_726 {strides = array<i32>} : memref<16x1024xf32, #tpu.memory_space<vmem>>, vector<16xf32>,
      %get3A_730 = arith.index_cast %add3A_176 : i32 to index
      %get3A_731 = arith.constant 736 : index
      %get3A_732 = tpu.vector_load %arg9[%get3A_730, %get3A_731] {strides = array<i32>} : memref<16x1024xf32, #tpu.memory_space<vmem>>, vector<16xf32>,
      %mul3A_733 = arith.mulf %get3A_732, %gather3A : vector<16xf32>
      %get3A_734 = arith.index_cast %add3A_176 : i32 to index
      %get3A_735 = arith.constant 736 : index
      %get3A_736 = tpu.vector_load %arg11[%get3A_734, %get3A_735] {strides = array<i32>} : memref<16x1024xf32, #tpu.memory_space<vmem>>, vector<16xf32>,
      %mul3A_737 = arith.mulf %get3A_736, %gather3A_179 : vector<16xf32>
      %add3A_738 = arith.addf %mul3A_733, %mul3A_737 : vector<16xf32>
      %swap3A_739 = arith.index_cast %add3A_176 : i32 to index
      %swap3A_740 = arith.constant 736 : index
      %swap3A_741 = tpu.vector_load %arg13[%swap3A_739, %swap3A_740] {strides = array<i32>} : memref<16x1024xf32, #tpu.memory_space<vmem>>, vector<16xf32>,
      tpu.vector_store %arg13[%swap3A_739, %swap3A_740], %add3A_738 {strides = array<i32>} : memref<16x1024xf32, #tpu.memory_space<vmem>>, vector<16xf32>,
      %get3A_742 = arith.index_cast %add3A_176 : i32 to index
      %get3A_743 = arith.constant 752 : index
      %get3A_744 = tpu.vector_load %arg9[%get3A_742, %get3A_743] {strides = array<i32>} : memref<16x1024xf32, #tpu.memory_space<vmem>>, vector<16xf32>,
      %mul3A_745 = arith.mulf %get3A_744, %gather3A : vector<16xf32>
      %get3A_746 = arith.index_cast %add3A_176 : i32 to index
      %get3A_747 = arith.constant 752 : index
      %get3A_748 = tpu.vector_load %arg11[%get3A_746, %get3A_747] {strides = array<i32>} : memref<16x1024xf32, #tpu.memory_space<vmem>>, vector<16xf32>,
      %mul3A_749 = arith.mulf %get3A_748, %gather3A_179 : vector<16xf32>
      %add3A_750 = arith.addf %mul3A_745, %mul3A_749 : vector<16xf32>
      %swap3A_751 = arith.index_cast %add3A_176 : i32 to index
      %swap3A_752 = arith.constant 752 : index
      %swap3A_753 = tpu.vector_load %arg13[%swap3A_751, %swap3A_752] {strides = array<i32>} : memref<16x1024xf32, #tpu.memory_space<vmem>>, vector<16xf32>,
      tpu.vector_store %arg13[%swap3A_751, %swap3A_752], %add3A_750 {strides = array<i32>} : memref<16x1024xf32, #tpu.memory_space<vmem>>, vector<16xf32>,
      %get3A_754 = arith.index_cast %add3A_176 : i32 to index
      %get3A_755 = arith.constant 768 : index
      %get3A_756 = tpu.vector_load %arg9[%get3A_754, %get3A_755] {strides = array<i32>} : memref<16x1024xf32, #tpu.memory_space<vmem>>, vector<16xf32>,
      %mul3A_757 = arith.mulf %get3A_756, %gather3A : vector<16xf32>
      %get3A_758 = arith.index_cast %add3A_176 : i32 to index
      %get3A_759 = arith.constant 768 : index
      %get3A_760 = tpu.vector_load %arg11[%get3A_758, %get3A_759] {strides = array<i32>} : memref<16x1024xf32, #tpu.memory_space<vmem>>, vector<16xf32>,
      %mul3A_761 = arith.mulf %get3A_760, %gather3A_179 : vector<16xf32>
      %add3A_762 = arith.addf %mul3A_757, %mul3A_761 : vector<16xf32>
      %swap3A_763 = arith.index_cast %add3A_176 : i32 to index
      %swap3A_764 = arith.constant 768 : index
      %swap3A_765 = tpu.vector_load %arg13[%swap3A_763, %swap3A_764] {strides = array<i32>} : memref<16x1024xf32, #tpu.memory_space<vmem>>, vector<16xf32>,
      tpu.vector_store %arg13[%swap3A_763, %swap3A_764], %add3A_762 {strides = array<i32>} : memref<16x1024xf32, #tpu.memory_space<vmem>>, vector<16xf32>,
      %get3A_766 = arith.index_cast %add3A_176 : i32 to index
      %get3A_767 = arith.constant 784 : index
      %get3A_768 = tpu.vector_load %arg9[%get3A_766, %get3A_767] {strides = array<i32>} : memref<16x1024xf32, #tpu.memory_space<vmem>>, vector<16xf32>,
      %mul3A_769 = arith.mulf %get3A_768, %gather3A : vector<16xf32>
      %get3A_770 = arith.index_cast %add3A_176 : i32 to index
      %get3A_771 = arith.constant 784 : index
      %get3A_772 = tpu.vector_load %arg11[%get3A_770, %get3A_771] {strides = array<i32>} : memref<16x1024xf32, #tpu.memory_space<vmem>>, vector<16xf32>,
      %mul3A_773 = arith.mulf %get3A_772, %gather3A_179 : vector<16xf32>
      %add3A_774 = arith.addf %mul3A_769, %mul3A_773 : vector<16xf32>
      %swap3A_775 = arith.index_cast %add3A_176 : i32 to index
      %swap3A_776 = arith.constant 784 : index
      %swap3A_777 = tpu.vector_load %arg13[%swap3A_775, %swap3A_776] {strides = array<i32>} : memref<16x1024xf32, #tpu.memory_space<vmem>>, vector<16xf32>,
      tpu.vector_store %arg13[%swap3A_775, %swap3A_776], %add3A_774 {strides = array<i32>} : memref<16x1024xf32, #tpu.memory_space<vmem>>, vector<16xf32>,
      %get3A_778 = arith.index_cast %add3A_176 : i32 to index
      %get3A_779 = arith.constant 800 : index
      %get3A_780 = tpu.vector_load %arg9[%get3A_778, %get3A_779] {strides = array<i32>} : memref<16x1024xf32, #tpu.memory_space<vmem>>, vector<16xf32>,
      %mul3A_781 = arith.mulf %get3A_780, %gather3A : vector<16xf32>
      %get3A_782 = arith.index_cast %add3A_176 : i32 to index
      %get3A_783 = arith.constant 800 : index
      %get3A_784 = tpu.vector_load %arg11[%get3A_782, %get3A_783] {strides = array<i32>} : memref<16x1024xf32, #tpu.memory_space<vmem>>, vector<16xf32>,
      %mul3A_785 = arith.mulf %get3A_784, %gather3A_179 : vector<16xf32>
      %add3A_786 = arith.addf %mul3A_781, %mul3A_785 : vector<16xf32>
      %swap3A_787 = arith.index_cast %add3A_176 : i32 to index
      %swap3A_788 = arith.constant 800 : index
      %swap3A_789 = tpu.vector_load %arg13[%swap3A_787, %swap3A_788] {strides = array<i32>} : memref<16x1024xf32, #tpu.memory_space<vmem>>, vector<16xf32>,
      tpu.vector_store %arg13[%swap3A_787, %swap3A_788], %add3A_786 {strides = array<i32>} : memref<16x1024xf32, #tpu.memory_space<vmem>>, vector<16xf32>,
      %get3A_790 = arith.index_cast %add3A_176 : i32 to index
      %get3A_791 = arith.constant 816 : index
      %get3A_792 = tpu.vector_load %arg9[%get3A_790, %get3A_791] {strides = array<i32>} : memref<16x1024xf32, #tpu.memory_space<vmem>>, vector<16xf32>,
      %mul3A_793 = arith.mulf %get3A_792, %gather3A : vector<16xf32>
      %get3A_794 = arith.index_cast %add3A_176 : i32 to index
      %get3A_795 = arith.constant 816 : index
      %get3A_796 = tpu.vector_load %arg11[%get3A_794, %get3A_795] {strides = array<i32>} : memref<16x1024xf32, #tpu.memory_space<vmem>>, vector<16xf32>,
      %mul3A_797 = arith.mulf %get3A_796, %gather3A_179 : vector<16xf32>
      %add3A_798 = arith.addf %mul3A_793, %mul3A_797 : vector<16xf32>
      %swap3A_799 = arith.index_cast %add3A_176 : i32 to index
      %swap3A_800 = arith.constant 816 : index
      %swap3A_801 = tpu.vector_load %arg13[%swap3A_799, %swap3A_800] {strides = array<i32>} : memref<16x1024xf32, #tpu.memory_space<vmem>>, vector<16xf32>,
      tpu.vector_store %arg13[%swap3A_799, %swap3A_800], %add3A_798 {strides = array<i32>} : memref<16x1024xf32, #tpu.memory_space<vmem>>, vector<16xf32>,
      %get3A_802 = arith.index_cast %add3A_176 : i32 to index
      %get3A_803 = arith.constant 832 : index
      %get3A_804 = tpu.vector_load %arg9[%get3A_802, %get3A_803] {strides = array<i32>} : memref<16x1024xf32, #tpu.memory_space<vmem>>, vector<16xf32>,
      %mul3A_805 = arith.mulf %get3A_804, %gather3A : vector<16xf32>
      %get3A_806 = arith.index_cast %add3A_176 : i32 to index
      %get3A_807 = arith.constant 832 : index
      %get3A_808 = tpu.vector_load %arg11[%get3A_806, %get3A_807] {strides = array<i32>} : memref<16x1024xf32, #tpu.memory_space<vmem>>, vector<16xf32>,
      %mul3A_809 = arith.mulf %get3A_808, %gather3A_179 : vector<16xf32>
      %add3A_810 = arith.addf %mul3A_805, %mul3A_809 : vector<16xf32>
      %swap3A_811 = arith.index_cast %add3A_176 : i32 to index
      %swap3A_812 = arith.constant 832 : index
      %swap3A_813 = tpu.vector_load %arg13[%swap3A_811, %swap3A_812] {strides = array<i32>} : memref<16x1024xf32, #tpu.memory_space<vmem>>, vector<16xf32>,
      tpu.vector_store %arg13[%swap3A_811, %swap3A_812], %add3A_810 {strides = array<i32>} : memref<16x1024xf32, #tpu.memory_space<vmem>>, vector<16xf32>,
      %get3A_814 = arith.index_cast %add3A_176 : i32 to index
      %get3A_815 = arith.constant 848 : index
      %get3A_816 = tpu.vector_load %arg9[%get3A_814, %get3A_815] {strides = array<i32>} : memref<16x1024xf32, #tpu.memory_space<vmem>>, vector<16xf32>,
      %mul3A_817 = arith.mulf %get3A_816, %gather3A : vector<16xf32>
      %get3A_818 = arith.index_cast %add3A_176 : i32 to index
      %get3A_819 = arith.constant 848 : index
      %get3A_820 = tpu.vector_load %arg11[%get3A_818, %get3A_819] {strides = array<i32>} : memref<16x1024xf32, #tpu.memory_space<vmem>>, vector<16xf32>,
      %mul3A_821 = arith.mulf %get3A_820, %gather3A_179 : vector<16xf32>
      %add3A_822 = arith.addf %mul3A_817, %mul3A_821 : vector<16xf32>
      %swap3A_823 = arith.index_cast %add3A_176 : i32 to index
      %swap3A_824 = arith.constant 848 : index
      %swap3A_825 = tpu.vector_load %arg13[%swap3A_823, %swap3A_824] {strides = array<i32>} : memref<16x1024xf32, #tpu.memory_space<vmem>>, vector<16xf32>,
      tpu.vector_store %arg13[%swap3A_823, %swap3A_824], %add3A_822 {strides = array<i32>} : memref<16x1024xf32, #tpu.memory_space<vmem>>, vector<16xf32>,
      %get3A_826 = arith.index_cast %add3A_176 : i32 to index
      %get3A_827 = arith.constant 864 : index
      %get3A_828 = tpu.vector_load %arg9[%get3A_826, %get3A_827] {strides = array<i32>} : memref<16x1024xf32, #tpu.memory_space<vmem>>, vector<16xf32>,
      %mul3A_829 = arith.mulf %get3A_828, %gather3A : vector<16xf32>
      %get3A_830 = arith.index_cast %add3A_176 : i32 to index
      %get3A_831 = arith.constant 864 : index
      %get3A_832 = tpu.vector_load %arg11[%get3A_830, %get3A_831] {strides = array<i32>} : memref<16x1024xf32, #tpu.memory_space<vmem>>, vector<16xf32>,
      %mul3A_833 = arith.mulf %get3A_832, %gather3A_179 : vector<16xf32>
      %add3A_834 = arith.addf %mul3A_829, %mul3A_833 : vector<16xf32>
      %swap3A_835 = arith.index_cast %add3A_176 : i32 to index
      %swap3A_836 = arith.constant 864 : index
      %swap3A_837 = tpu.vector_load %arg13[%swap3A_835, %swap3A_836] {strides = array<i32>} : memref<16x1024xf32, #tpu.memory_space<vmem>>, vector<16xf32>,
      tpu.vector_store %arg13[%swap3A_835, %swap3A_836], %add3A_834 {strides = array<i32>} : memref<16x1024xf32, #tpu.memory_space<vmem>>, vector<16xf32>,
      %get3A_838 = arith.index_cast %add3A_176 : i32 to index
      %get3A_839 = arith.constant 880 : index
      %get3A_840 = tpu.vector_load %arg9[%get3A_838, %get3A_839] {strides = array<i32>} : memref<16x1024xf32, #tpu.memory_space<vmem>>, vector<16xf32>,
      %mul3A_841 = arith.mulf %get3A_840, %gather3A : vector<16xf32>
      %get3A_842 = arith.index_cast %add3A_176 : i32 to index
      %get3A_843 = arith.constant 880 : index
      %get3A_844 = tpu.vector_load %arg11[%get3A_842, %get3A_843] {strides = array<i32>} : memref<16x1024xf32, #tpu.memory_space<vmem>>, vector<16xf32>,
      %mul3A_845 = arith.mulf %get3A_844, %gather3A_179 : vector<16xf32>
      %add3A_846 = arith.addf %mul3A_841, %mul3A_845 : vector<16xf32>
      %swap3A_847 = arith.index_cast %add3A_176 : i32 to index
      %swap3A_848 = arith.constant 880 : index
      %swap3A_849 = tpu.vector_load %arg13[%swap3A_847, %swap3A_848] {strides = array<i32>} : memref<16x1024xf32, #tpu.memory_space<vmem>>, vector<16xf32>,
      tpu.vector_store %arg13[%swap3A_847, %swap3A_848], %add3A_846 {strides = array<i32>} : memref<16x1024xf32, #tpu.memory_space<vmem>>, vector<16xf32>,
      %get3A_850 = arith.index_cast %add3A_176 : i32 to index
      %get3A_851 = arith.constant 896 : index
      %get3A_852 = tpu.vector_load %arg9[%get3A_850, %get3A_851] {strides = array<i32>} : memref<16x1024xf32, #tpu.memory_space<vmem>>, vector<16xf32>,
      %mul3A_853 = arith.mulf %get3A_852, %gather3A : vector<16xf32>
      %get3A_854 = arith.index_cast %add3A_176 : i32 to index
      %get3A_855 = arith.constant 896 : index
      %get3A_856 = tpu.vector_load %arg11[%get3A_854, %get3A_855] {strides = array<i32>} : memref<16x1024xf32, #tpu.memory_space<vmem>>, vector<16xf32>,
      %mul3A_857 = arith.mulf %get3A_856, %gather3A_179 : vector<16xf32>
      %add3A_858 = arith.addf %mul3A_853, %mul3A_857 : vector<16xf32>
      %swap3A_859 = arith.index_cast %add3A_176 : i32 to index
      %swap3A_860 = arith.constant 896 : index
      %swap3A_861 = tpu.vector_load %arg13[%swap3A_859, %swap3A_860] {strides = array<i32>} : memref<16x1024xf32, #tpu.memory_space<vmem>>, vector<16xf32>,
      tpu.vector_store %arg13[%swap3A_859, %swap3A_860], %add3A_858 {strides = array<i32>} : memref<16x1024xf32, #tpu.memory_space<vmem>>, vector<16xf32>,
      %get3A_862 = arith.index_cast %add3A_176 : i32 to index
      %get3A_863 = arith.constant 912 : index
      %get3A_864 = tpu.vector_load %arg9[%get3A_862, %get3A_863] {strides = array<i32>} : memref<16x1024xf32, #tpu.memory_space<vmem>>, vector<16xf32>,
      %mul3A_865 = arith.mulf %get3A_864, %gather3A : vector<16xf32>
      %get3A_866 = arith.index_cast %add3A_176 : i32 to index
      %get3A_867 = arith.constant 912 : index
      %get3A_868 = tpu.vector_load %arg11[%get3A_866, %get3A_867] {strides = array<i32>} : memref<16x1024xf32, #tpu.memory_space<vmem>>, vector<16xf32>,
      %mul3A_869 = arith.mulf %get3A_868, %gather3A_179 : vector<16xf32>
      %add3A_870 = arith.addf %mul3A_865, %mul3A_869 : vector<16xf32>
      %swap3A_871 = arith.index_cast %add3A_176 : i32 to index
      %swap3A_872 = arith.constant 912 : index
      %swap3A_873 = tpu.vector_load %arg13[%swap3A_871, %swap3A_872] {strides = array<i32>} : memref<16x1024xf32, #tpu.memory_space<vmem>>, vector<16xf32>,
      tpu.vector_store %arg13[%swap3A_871, %swap3A_872], %add3A_870 {strides = array<i32>} : memref<16x1024xf32, #tpu.memory_space<vmem>>, vector<16xf32>,
      %get3A_874 = arith.index_cast %add3A_176 : i32 to index
      %get3A_875 = arith.constant 928 : index
      %get3A_876 = tpu.vector_load %arg9[%get3A_874, %get3A_875] {strides = array<i32>} : memref<16x1024xf32, #tpu.memory_space<vmem>>, vector<16xf32>,
      %mul3A_877 = arith.mulf %get3A_876, %gather3A : vector<16xf32>
      %get3A_878 = arith.index_cast %add3A_176 : i32 to index
      %get3A_879 = arith.constant 928 : index
      %get3A_880 = tpu.vector_load %arg11[%get3A_878, %get3A_879] {strides = array<i32>} : memref<16x1024xf32, #tpu.memory_space<vmem>>, vector<16xf32>,
      %mul3A_881 = arith.mulf %get3A_880, %gather3A_179 : vector<16xf32>
      %add3A_882 = arith.addf %mul3A_877, %mul3A_881 : vector<16xf32>
      %swap3A_883 = arith.index_cast %add3A_176 : i32 to index
      %swap3A_884 = arith.constant 928 : index
      %swap3A_885 = tpu.vector_load %arg13[%swap3A_883, %swap3A_884] {strides = array<i32>} : memref<16x1024xf32, #tpu.memory_space<vmem>>, vector<16xf32>,
      tpu.vector_store %arg13[%swap3A_883, %swap3A_884], %add3A_882 {strides = array<i32>} : memref<16x1024xf32, #tpu.memory_space<vmem>>, vector<16xf32>,
      %get3A_886 = arith.index_cast %add3A_176 : i32 to index
      %get3A_887 = arith.constant 944 : index
      %get3A_888 = tpu.vector_load %arg9[%get3A_886, %get3A_887] {strides = array<i32>} : memref<16x1024xf32, #tpu.memory_space<vmem>>, vector<16xf32>,
      %mul3A_889 = arith.mulf %get3A_888, %gather3A : vector<16xf32>
      %get3A_890 = arith.index_cast %add3A_176 : i32 to index
      %get3A_891 = arith.constant 944 : index
      %get3A_892 = tpu.vector_load %arg11[%get3A_890, %get3A_891] {strides = array<i32>} : memref<16x1024xf32, #tpu.memory_space<vmem>>, vector<16xf32>,
      %mul3A_893 = arith.mulf %get3A_892, %gather3A_179 : vector<16xf32>
      %add3A_894 = arith.addf %mul3A_889, %mul3A_893 : vector<16xf32>
      %swap3A_895 = arith.index_cast %add3A_176 : i32 to index
      %swap3A_896 = arith.constant 944 : index
      %swap3A_897 = tpu.vector_load %arg13[%swap3A_895, %swap3A_896] {strides = array<i32>} : memref<16x1024xf32, #tpu.memory_space<vmem>>, vector<16xf32>,
      tpu.vector_store %arg13[%swap3A_895, %swap3A_896], %add3A_894 {strides = array<i32>} : memref<16x1024xf32, #tpu.memory_space<vmem>>, vector<16xf32>,
      %get3A_898 = arith.index_cast %add3A_176 : i32 to index
      %get3A_899 = arith.constant 960 : index
      %get3A_900 = tpu.vector_load %arg9[%get3A_898, %get3A_899] {strides = array<i32>} : memref<16x1024xf32, #tpu.memory_space<vmem>>, vector<16xf32>,
      %mul3A_901 = arith.mulf %get3A_900, %gather3A : vector<16xf32>
      %get3A_902 = arith.index_cast %add3A_176 : i32 to index
      %get3A_903 = arith.constant 960 : index
      %get3A_904 = tpu.vector_load %arg11[%get3A_902, %get3A_903] {strides = array<i32>} : memref<16x1024xf32, #tpu.memory_space<vmem>>, vector<16xf32>,
      %mul3A_905 = arith.mulf %get3A_904, %gather3A_179 : vector<16xf32>
      %add3A_906 = arith.addf %mul3A_901, %mul3A_905 : vector<16xf32>
      %swap3A_907 = arith.index_cast %add3A_176 : i32 to index
      %swap3A_908 = arith.constant 960 : index
      %swap3A_909 = tpu.vector_load %arg13[%swap3A_907, %swap3A_908] {strides = array<i32>} : memref<16x1024xf32, #tpu.memory_space<vmem>>, vector<16xf32>,
      tpu.vector_store %arg13[%swap3A_907, %swap3A_908], %add3A_906 {strides = array<i32>} : memref<16x1024xf32, #tpu.memory_space<vmem>>, vector<16xf32>,
      %get3A_910 = arith.index_cast %add3A_176 : i32 to index
      %get3A_911 = arith.constant 976 : index
      %get3A_912 = tpu.vector_load %arg9[%get3A_910, %get3A_911] {strides = array<i32>} : memref<16x1024xf32, #tpu.memory_space<vmem>>, vector<16xf32>,
      %mul3A_913 = arith.mulf %get3A_912, %gather3A : vector<16xf32>
      %get3A_914 = arith.index_cast %add3A_176 : i32 to index
      %get3A_915 = arith.constant 976 : index
      %get3A_916 = tpu.vector_load %arg11[%get3A_914, %get3A_915] {strides = array<i32>} : memref<16x1024xf32, #tpu.memory_space<vmem>>, vector<16xf32>,
      %mul3A_917 = arith.mulf %get3A_916, %gather3A_179 : vector<16xf32>
      %add3A_918 = arith.addf %mul3A_913, %mul3A_917 : vector<16xf32>
      %swap3A_919 = arith.index_cast %add3A_176 : i32 to index
      %swap3A_920 = arith.constant 976 : index
      %swap3A_921 = tpu.vector_load %arg13[%swap3A_919, %swap3A_920] {strides = array<i32>} : memref<16x1024xf32, #tpu.memory_space<vmem>>, vector<16xf32>,
      tpu.vector_store %arg13[%swap3A_919, %swap3A_920], %add3A_918 {strides = array<i32>} : memref<16x1024xf32, #tpu.memory_space<vmem>>, vector<16xf32>,
      %get3A_922 = arith.index_cast %add3A_176 : i32 to index
      %get3A_923 = arith.constant 992 : index
      %get3A_924 = tpu.vector_load %arg9[%get3A_922, %get3A_923] {strides = array<i32>} : memref<16x1024xf32, #tpu.memory_space<vmem>>, vector<16xf32>,
      %mul3A_925 = arith.mulf %get3A_924, %gather3A : vector<16xf32>
      %get3A_926 = arith.index_cast %add3A_176 : i32 to index
      %get3A_927 = arith.constant 992 : index
      %get3A_928 = tpu.vector_load %arg11[%get3A_926, %get3A_927] {strides = array<i32>} : memref<16x1024xf32, #tpu.memory_space<vmem>>, vector<16xf32>,
      %mul3A_929 = arith.mulf %get3A_928, %gather3A_179 : vector<16xf32>
      %add3A_930 = arith.addf %mul3A_925, %mul3A_929 : vector<16xf32>
      %swap3A_931 = arith.index_cast %add3A_176 : i32 to index
      %swap3A_932 = arith.constant 992 : index
      %swap3A_933 = tpu.vector_load %arg13[%swap3A_931, %swap3A_932] {strides = array<i32>} : memref<16x1024xf32, #tpu.memory_space<vmem>>, vector<16xf32>,
      tpu.vector_store %arg13[%swap3A_931, %swap3A_932], %add3A_930 {strides = array<i32>} : memref<16x1024xf32, #tpu.memory_space<vmem>>, vector<16xf32>,
      %get3A_934 = arith.index_cast %add3A_176 : i32 to index
      %get3A_935 = arith.constant 1008 : index
      %get3A_936 = tpu.vector_load %arg9[%get3A_934, %get3A_935] {strides = array<i32>} : memref<16x1024xf32, #tpu.memory_space<vmem>>, vector<16xf32>,
      %mul3A_937 = arith.mulf %get3A_936, %gather3A : vector<16xf32>
      %get3A_938 = arith.index_cast %add3A_176 : i32 to index
      %get3A_939 = arith.constant 1008 : index
      %get3A_940 = tpu.vector_load %arg11[%get3A_938, %get3A_939] {strides = array<i32>} : memref<16x1024xf32, #tpu.memory_space<vmem>>, vector<16xf32>,
      %mul3A_941 = arith.mulf %get3A_940, %gather3A_179 : vector<16xf32>
      %add3A_942 = arith.addf %mul3A_937, %mul3A_941 : vector<16xf32>
      %swap3A_943 = arith.index_cast %add3A_176 : i32 to index
      %swap3A_944 = arith.constant 1008 : index
      %swap3A_945 = tpu.vector_load %arg13[%swap3A_943, %swap3A_944] {strides = array<i32>} : memref<16x1024xf32, #tpu.memory_space<vmem>>, vector<16xf32>,
      tpu.vector_store %arg13[%swap3A_943, %swap3A_944], %add3A_942 {strides = array<i32>} : memref<16x1024xf32, #tpu.memory_space<vmem>>, vector<16xf32>,
    }
    %scan3A_85 = arith.constant 16 : i32
    %add3A_86 = arith.constant 16 : i32
    %add3A_87 = arith.addi %mul3A_2, %add3A_86 : i32
    %dma_start3A_88 = arith.constant 0 : i32
    %dma_start3A_89 = tpu.memref_slice %arg7[%add3A_87, %dma_start3A_88] : memref<2048x1024xf32, #tpu.memory_space<hbm>> -> memref<16x1024xf32, #tpu.memory_space<hbm>>
    %dma_start3A_90 = arith.constant 0 : i32
    %dma_start3A_91 = tpu.memref_slice %arg7[%add3A_87, %dma_start3A_90] : memref<2048x1024xf32, #tpu.memory_space<hbm>> -> memref<16x1024xf32, #tpu.memory_space<hbm>>
    tpu.enqueue_dma source(%arg13 : memref<16x1024xf32, #tpu.memory_space<vmem>>) target(%dma_start3A_91 : memref<16x1024xf32, #tpu.memory_space<hbm>>) target_semaphore(%arg23 : memref<!tpu.dma_semaphore, #tpu.memory_space<semaphore_mem>>)
    %dma_start3A_92 = arith.constant 3 : i32
    %dma_start3A_93 = arith.constant 0 : i32
    %dma_start3A_94 = tpu.memref_slice %arg14[%dma_start3A_92, %dma_start3A_93] : memref<4x16xi32, #tpu.memory_space<vmem>> -> memref<1x16xi32, #tpu.memory_space<vmem>>
    %dma_start3A_95 = tpu.memref_squeeze %dma_start3A_94 : memref<1x16xi32, #tpu.memory_space<vmem>> -> memref<16xi32, #tpu.memory_space<vmem>>
    %dma_start3A_96 = arith.constant 0 : i32
    %dma_start3A_97 = arith.constant 0 : i32
    %dma_start3A_98 = tpu.memref_slice %arg2[%dma_start3A_96, %dma_start3A_97] : memref<8192x1024xf32, #tpu.memory_space<hbm>> -> memref<8192x1024xf32, #tpu.memory_space<hbm>>
    tpu.enqueue_indirect_dma source(%dma_start3A_98 : memref<8192x1024xf32, #tpu.memory_space<hbm>>) target(%arg9 : memref<16x1024xf32, #tpu.memory_space<vmem>>) offsets(%dma_start3A_95 : memref<16xi32, #tpu.memory_space<vmem>>) semaphore(%arg19 : memref<!tpu.dma_semaphore, #tpu.memory_space<semaphore_mem>>)
    %dma_start3A_99 = arith.constant 3 : i32
    %dma_start3A_100 = arith.constant 0 : i32
    %dma_start3A_101 = tpu.memref_slice %arg15[%dma_start3A_99, %dma_start3A_100] : memref<4x16xi32, #tpu.memory_space<vmem>> -> memref<1x16xi32, #tpu.memory_space<vmem>>
    %dma_start3A_102 = tpu.memref_squeeze %dma_start3A_101 : memref<1x16xi32, #tpu.memory_space<vmem>> -> memref<16xi32, #tpu.memory_space<vmem>>
    %dma_start3A_103 = arith.constant 0 : i32
    %dma_start3A_104 = arith.constant 0 : i32
    %dma_start3A_105 = tpu.memref_slice %arg2[%dma_start3A_103, %dma_start3A_104] : memref<8192x1024xf32, #tpu.memory_space<hbm>> -> memref<8192x1024xf32, #tpu.memory_space<hbm>>
    tpu.enqueue_indirect_dma source(%dma_start3A_105 : memref<8192x1024xf32, #tpu.memory_space<hbm>>) target(%arg11 : memref<16x1024xf32, #tpu.memory_space<vmem>>) offsets(%dma_start3A_102 : memref<16xi32, #tpu.memory_space<vmem>>) semaphore(%arg21 : memref<!tpu.dma_semaphore, #tpu.memory_space<semaphore_mem>>)
    %dma_wait3A_106 = arith.constant 2 : i32
    %dma_wait3A_107 = arith.constant 0 : i32
    %dma_wait3A_108 = tpu.memref_slice %arg14[%dma_wait3A_106, %dma_wait3A_107] : memref<4x16xi32, #tpu.memory_space<vmem>> -> memref<1x16xi32, #tpu.memory_space<vmem>>
    %dma_wait3A_109 = tpu.memref_squeeze %dma_wait3A_108 : memref<1x16xi32, #tpu.memory_space<vmem>> -> memref<16xi32, #tpu.memory_space<vmem>>
    %dma_wait3A_110 = arith.constant 0 : i32
    %dma_wait3A_111 = arith.constant 0 : i32
    %dma_wait3A_112 = tpu.memref_slice %arg2[%dma_wait3A_110, %dma_wait3A_111] : memref<8192x1024xf32, #tpu.memory_space<hbm>> -> memref<8192x1024xf32, #tpu.memory_space<hbm>>
    tpu.wait_indirect_dma semaphore(%arg18 : memref<!tpu.dma_semaphore, #tpu.memory_space<semaphore_mem>>) src(%dma_wait3A_112 : memref<8192x1024xf32, #tpu.memory_space<hbm>>) dst(%arg8 : memref<16x1024xf32, #tpu.memory_space<vmem>>)
    %dma_wait3A_113 = arith.constant 2 : i32
    %dma_wait3A_114 = arith.constant 0 : i32
    %dma_wait3A_115 = tpu.memref_slice %arg15[%dma_wait3A_113, %dma_wait3A_114] : memref<4x16xi32, #tpu.memory_space<vmem>> -> memref<1x16xi32, #tpu.memory_space<vmem>>
    %dma_wait3A_116 = tpu.memref_squeeze %dma_wait3A_115 : memref<1x16xi32, #tpu.memory_space<vmem>> -> memref<16xi32, #tpu.memory_space<vmem>>
    %dma_wait3A_117 = arith.constant 0 : i32
    %dma_wait3A_118 = arith.constant 0 : i32
    %dma_wait3A_119 = tpu.memref_slice %arg2[%dma_wait3A_117, %dma_wait3A_118] : memref<8192x1024xf32, #tpu.memory_space<hbm>> -> memref<8192x1024xf32, #tpu.memory_space<hbm>>
    tpu.wait_indirect_dma semaphore(%arg20 : memref<!tpu.dma_semaphore, #tpu.memory_space<semaphore_mem>>) src(%dma_wait3A_119 : memref<8192x1024xf32, #tpu.memory_space<hbm>>) dst(%arg10 : memref<16x1024xf32, #tpu.memory_space<vmem>>)
    %dma_wait3A_120 = arith.constant 0 : i32
    %dma_wait3A_121 = tpu.memref_slice %arg7[%add3A_48, %dma_wait3A_120] : memref<2048x1024xf32, #tpu.memory_space<hbm>> -> memref<16x1024xf32, #tpu.memory_space<hbm>>
    %dma_wait3A_122 = arith.constant 0 : i32
    %dma_wait3A_123 = tpu.memref_slice %arg7[%add3A_48, %dma_wait3A_122] : memref<2048x1024xf32, #tpu.memory_space<hbm>> -> memref<16x1024xf32, #tpu.memory_space<hbm>>
    tpu.wait_dma2 semaphore(%arg22 : memref<!tpu.dma_semaphore, #tpu.memory_space<semaphore_mem>>) src(%arg12 : memref<16x1024xf32, #tpu.memory_space<vmem>>) dst(%dma_wait3A_123 : memref<16x1024xf32, #tpu.memory_space<hbm>>)
    %scan3A_124 = arith.constant 0 : i32
    %scan3A_125 = arith.constant 16 : i32
    %scan3A_126 = arith.addi %scan3A_124, %scan3A_125 : i32
    %scan3A_127 = arith.constant 1 : i32
    scf.for %scan3A_172 = %scan3A_124 to %scan3A_126 step %scan3A_127  : i32 {
      %mul3A_173 = arith.constant 1 : i32
      %mul3A_174 = arith.muli %scan3A_172, %mul3A_173 : i32
      %add3A_175 = arith.constant 0 : i32
      %add3A_176 = arith.addi %add3A_175, %mul3A_174 : i32
      %add3A_177 = arith.constant 32 : i32
      %add3A_178 = arith.addi %add3A_177, %add3A_176 : i32
      %broadcast_in_dim3A = vector.broadcast %add3A_178 : i32 to vector<16xi32>
      %gather3A = tpu.vector_load_idx %arg16[%broadcast_in_dim3A] : memref<64xf32, #tpu.memory_space<vmem>>[vector<16xi32>], vector<16xf32>,
      %gather3A_179 = tpu.vector_load_idx %arg17[%broadcast_in_dim3A] : memref<64xf32, #tpu.memory_space<vmem>>[vector<16xi32>], vector<16xf32>,
      %get3A = arith.index_cast %add3A_176 : i32 to index
      %get3A_180 = arith.constant 0 : index
      %get3A_181 = tpu.vector_load %arg8[%get3A, %get3A_180] {strides = array<i32>} : memref<16x1024xf32, #tpu.memory_space<vmem>>, vector<16xf32>,
      %mul3A_182 = arith.mulf %get3A_181, %gather3A : vector<16xf32>
      %get3A_183 = arith.index_cast %add3A_176 : i32 to index
      %get3A_184 = arith.constant 0 : index
      %get3A_185 = tpu.vector_load %arg10[%get3A_183, %get3A_184] {strides = array<i32>} : memref<16x1024xf32, #tpu.memory_space<vmem>>, vector<16xf32>,
      %mul3A_186 = arith.mulf %get3A_185, %gather3A_179 : vector<16xf32>
      %add3A_187 = arith.addf %mul3A_182, %mul3A_186 : vector<16xf32>
      %swap3A = arith.index_cast %add3A_176 : i32 to index
      %swap3A_188 = arith.constant 0 : index
      %swap3A_189 = tpu.vector_load %arg12[%swap3A, %swap3A_188] {strides = array<i32>} : memref<16x1024xf32, #tpu.memory_space<vmem>>, vector<16xf32>,
      tpu.vector_store %arg12[%swap3A, %swap3A_188], %add3A_187 {strides = array<i32>} : memref<16x1024xf32, #tpu.memory_space<vmem>>, vector<16xf32>,
      %get3A_190 = arith.index_cast %add3A_176 : i32 to index
      %get3A_191 = arith.constant 16 : index
      %get3A_192 = tpu.vector_load %arg8[%get3A_190, %get3A_191] {strides = array<i32>} : memref<16x1024xf32, #tpu.memory_space<vmem>>, vector<16xf32>,
      %mul3A_193 = arith.mulf %get3A_192, %gather3A : vector<16xf32>
      %get3A_194 = arith.index_cast %add3A_176 : i32 to index
      %get3A_195 = arith.constant 16 : index
      %get3A_196 = tpu.vector_load %arg10[%get3A_194, %get3A_195] {strides = array<i32>} : memref<16x1024xf32, #tpu.memory_space<vmem>>, vector<16xf32>,
      %mul3A_197 = arith.mulf %get3A_196, %gather3A_179 : vector<16xf32>
      %add3A_198 = arith.addf %mul3A_193, %mul3A_197 : vector<16xf32>
      %swap3A_199 = arith.index_cast %add3A_176 : i32 to index
      %swap3A_200 = arith.constant 16 : index
      %swap3A_201 = tpu.vector_load %arg12[%swap3A_199, %swap3A_200] {strides = array<i32>} : memref<16x1024xf32, #tpu.memory_space<vmem>>, vector<16xf32>,
      tpu.vector_store %arg12[%swap3A_199, %swap3A_200], %add3A_198 {strides = array<i32>} : memref<16x1024xf32, #tpu.memory_space<vmem>>, vector<16xf32>,
      %get3A_202 = arith.index_cast %add3A_176 : i32 to index
      %get3A_203 = arith.constant 32 : index
      %get3A_204 = tpu.vector_load %arg8[%get3A_202, %get3A_203] {strides = array<i32>} : memref<16x1024xf32, #tpu.memory_space<vmem>>, vector<16xf32>,
      %mul3A_205 = arith.mulf %get3A_204, %gather3A : vector<16xf32>
      %get3A_206 = arith.index_cast %add3A_176 : i32 to index
      %get3A_207 = arith.constant 32 : index
      %get3A_208 = tpu.vector_load %arg10[%get3A_206, %get3A_207] {strides = array<i32>} : memref<16x1024xf32, #tpu.memory_space<vmem>>, vector<16xf32>,
      %mul3A_209 = arith.mulf %get3A_208, %gather3A_179 : vector<16xf32>
      %add3A_210 = arith.addf %mul3A_205, %mul3A_209 : vector<16xf32>
      %swap3A_211 = arith.index_cast %add3A_176 : i32 to index
      %swap3A_212 = arith.constant 32 : index
      %swap3A_213 = tpu.vector_load %arg12[%swap3A_211, %swap3A_212] {strides = array<i32>} : memref<16x1024xf32, #tpu.memory_space<vmem>>, vector<16xf32>,
      tpu.vector_store %arg12[%swap3A_211, %swap3A_212], %add3A_210 {strides = array<i32>} : memref<16x1024xf32, #tpu.memory_space<vmem>>, vector<16xf32>,
      %get3A_214 = arith.index_cast %add3A_176 : i32 to index
      %get3A_215 = arith.constant 48 : index
      %get3A_216 = tpu.vector_load %arg8[%get3A_214, %get3A_215] {strides = array<i32>} : memref<16x1024xf32, #tpu.memory_space<vmem>>, vector<16xf32>,
      %mul3A_217 = arith.mulf %get3A_216, %gather3A : vector<16xf32>
      %get3A_218 = arith.index_cast %add3A_176 : i32 to index
      %get3A_219 = arith.constant 48 : index
      %get3A_220 = tpu.vector_load %arg10[%get3A_218, %get3A_219] {strides = array<i32>} : memref<16x1024xf32, #tpu.memory_space<vmem>>, vector<16xf32>,
      %mul3A_221 = arith.mulf %get3A_220, %gather3A_179 : vector<16xf32>
      %add3A_222 = arith.addf %mul3A_217, %mul3A_221 : vector<16xf32>
      %swap3A_223 = arith.index_cast %add3A_176 : i32 to index
      %swap3A_224 = arith.constant 48 : index
      %swap3A_225 = tpu.vector_load %arg12[%swap3A_223, %swap3A_224] {strides = array<i32>} : memref<16x1024xf32, #tpu.memory_space<vmem>>, vector<16xf32>,
      tpu.vector_store %arg12[%swap3A_223, %swap3A_224], %add3A_222 {strides = array<i32>} : memref<16x1024xf32, #tpu.memory_space<vmem>>, vector<16xf32>,
      %get3A_226 = arith.index_cast %add3A_176 : i32 to index
      %get3A_227 = arith.constant 64 : index
      %get3A_228 = tpu.vector_load %arg8[%get3A_226, %get3A_227] {strides = array<i32>} : memref<16x1024xf32, #tpu.memory_space<vmem>>, vector<16xf32>,
      %mul3A_229 = arith.mulf %get3A_228, %gather3A : vector<16xf32>
      %get3A_230 = arith.index_cast %add3A_176 : i32 to index
      %get3A_231 = arith.constant 64 : index
      %get3A_232 = tpu.vector_load %arg10[%get3A_230, %get3A_231] {strides = array<i32>} : memref<16x1024xf32, #tpu.memory_space<vmem>>, vector<16xf32>,
      %mul3A_233 = arith.mulf %get3A_232, %gather3A_179 : vector<16xf32>
      %add3A_234 = arith.addf %mul3A_229, %mul3A_233 : vector<16xf32>
      %swap3A_235 = arith.index_cast %add3A_176 : i32 to index
      %swap3A_236 = arith.constant 64 : index
      %swap3A_237 = tpu.vector_load %arg12[%swap3A_235, %swap3A_236] {strides = array<i32>} : memref<16x1024xf32, #tpu.memory_space<vmem>>, vector<16xf32>,
      tpu.vector_store %arg12[%swap3A_235, %swap3A_236], %add3A_234 {strides = array<i32>} : memref<16x1024xf32, #tpu.memory_space<vmem>>, vector<16xf32>,
      %get3A_238 = arith.index_cast %add3A_176 : i32 to index
      %get3A_239 = arith.constant 80 : index
      %get3A_240 = tpu.vector_load %arg8[%get3A_238, %get3A_239] {strides = array<i32>} : memref<16x1024xf32, #tpu.memory_space<vmem>>, vector<16xf32>,
      %mul3A_241 = arith.mulf %get3A_240, %gather3A : vector<16xf32>
      %get3A_242 = arith.index_cast %add3A_176 : i32 to index
      %get3A_243 = arith.constant 80 : index
      %get3A_244 = tpu.vector_load %arg10[%get3A_242, %get3A_243] {strides = array<i32>} : memref<16x1024xf32, #tpu.memory_space<vmem>>, vector<16xf32>,
      %mul3A_245 = arith.mulf %get3A_244, %gather3A_179 : vector<16xf32>
      %add3A_246 = arith.addf %mul3A_241, %mul3A_245 : vector<16xf32>
      %swap3A_247 = arith.index_cast %add3A_176 : i32 to index
      %swap3A_248 = arith.constant 80 : index
      %swap3A_249 = tpu.vector_load %arg12[%swap3A_247, %swap3A_248] {strides = array<i32>} : memref<16x1024xf32, #tpu.memory_space<vmem>>, vector<16xf32>,
      tpu.vector_store %arg12[%swap3A_247, %swap3A_248], %add3A_246 {strides = array<i32>} : memref<16x1024xf32, #tpu.memory_space<vmem>>, vector<16xf32>,
      %get3A_250 = arith.index_cast %add3A_176 : i32 to index
      %get3A_251 = arith.constant 96 : index
      %get3A_252 = tpu.vector_load %arg8[%get3A_250, %get3A_251] {strides = array<i32>} : memref<16x1024xf32, #tpu.memory_space<vmem>>, vector<16xf32>,
      %mul3A_253 = arith.mulf %get3A_252, %gather3A : vector<16xf32>
      %get3A_254 = arith.index_cast %add3A_176 : i32 to index
      %get3A_255 = arith.constant 96 : index
      %get3A_256 = tpu.vector_load %arg10[%get3A_254, %get3A_255] {strides = array<i32>} : memref<16x1024xf32, #tpu.memory_space<vmem>>, vector<16xf32>,
      %mul3A_257 = arith.mulf %get3A_256, %gather3A_179 : vector<16xf32>
      %add3A_258 = arith.addf %mul3A_253, %mul3A_257 : vector<16xf32>
      %swap3A_259 = arith.index_cast %add3A_176 : i32 to index
      %swap3A_260 = arith.constant 96 : index
      %swap3A_261 = tpu.vector_load %arg12[%swap3A_259, %swap3A_260] {strides = array<i32>} : memref<16x1024xf32, #tpu.memory_space<vmem>>, vector<16xf32>,
      tpu.vector_store %arg12[%swap3A_259, %swap3A_260], %add3A_258 {strides = array<i32>} : memref<16x1024xf32, #tpu.memory_space<vmem>>, vector<16xf32>,
      %get3A_262 = arith.index_cast %add3A_176 : i32 to index
      %get3A_263 = arith.constant 112 : index
      %get3A_264 = tpu.vector_load %arg8[%get3A_262, %get3A_263] {strides = array<i32>} : memref<16x1024xf32, #tpu.memory_space<vmem>>, vector<16xf32>,
      %mul3A_265 = arith.mulf %get3A_264, %gather3A : vector<16xf32>
      %get3A_266 = arith.index_cast %add3A_176 : i32 to index
      %get3A_267 = arith.constant 112 : index
      %get3A_268 = tpu.vector_load %arg10[%get3A_266, %get3A_267] {strides = array<i32>} : memref<16x1024xf32, #tpu.memory_space<vmem>>, vector<16xf32>,
      %mul3A_269 = arith.mulf %get3A_268, %gather3A_179 : vector<16xf32>
      %add3A_270 = arith.addf %mul3A_265, %mul3A_269 : vector<16xf32>
      %swap3A_271 = arith.index_cast %add3A_176 : i32 to index
      %swap3A_272 = arith.constant 112 : index
      %swap3A_273 = tpu.vector_load %arg12[%swap3A_271, %swap3A_272] {strides = array<i32>} : memref<16x1024xf32, #tpu.memory_space<vmem>>, vector<16xf32>,
      tpu.vector_store %arg12[%swap3A_271, %swap3A_272], %add3A_270 {strides = array<i32>} : memref<16x1024xf32, #tpu.memory_space<vmem>>, vector<16xf32>,
      %get3A_274 = arith.index_cast %add3A_176 : i32 to index
      %get3A_275 = arith.constant 128 : index
      %get3A_276 = tpu.vector_load %arg8[%get3A_274, %get3A_275] {strides = array<i32>} : memref<16x1024xf32, #tpu.memory_space<vmem>>, vector<16xf32>,
      %mul3A_277 = arith.mulf %get3A_276, %gather3A : vector<16xf32>
      %get3A_278 = arith.index_cast %add3A_176 : i32 to index
      %get3A_279 = arith.constant 128 : index
      %get3A_280 = tpu.vector_load %arg10[%get3A_278, %get3A_279] {strides = array<i32>} : memref<16x1024xf32, #tpu.memory_space<vmem>>, vector<16xf32>,
      %mul3A_281 = arith.mulf %get3A_280, %gather3A_179 : vector<16xf32>
      %add3A_282 = arith.addf %mul3A_277, %mul3A_281 : vector<16xf32>
      %swap3A_283 = arith.index_cast %add3A_176 : i32 to index
      %swap3A_284 = arith.constant 128 : index
      %swap3A_285 = tpu.vector_load %arg12[%swap3A_283, %swap3A_284] {strides = array<i32>} : memref<16x1024xf32, #tpu.memory_space<vmem>>, vector<16xf32>,
      tpu.vector_store %arg12[%swap3A_283, %swap3A_284], %add3A_282 {strides = array<i32>} : memref<16x1024xf32, #tpu.memory_space<vmem>>, vector<16xf32>,
      %get3A_286 = arith.index_cast %add3A_176 : i32 to index
      %get3A_287 = arith.constant 144 : index
      %get3A_288 = tpu.vector_load %arg8[%get3A_286, %get3A_287] {strides = array<i32>} : memref<16x1024xf32, #tpu.memory_space<vmem>>, vector<16xf32>,
      %mul3A_289 = arith.mulf %get3A_288, %gather3A : vector<16xf32>
      %get3A_290 = arith.index_cast %add3A_176 : i32 to index
      %get3A_291 = arith.constant 144 : index
      %get3A_292 = tpu.vector_load %arg10[%get3A_290, %get3A_291] {strides = array<i32>} : memref<16x1024xf32, #tpu.memory_space<vmem>>, vector<16xf32>,
      %mul3A_293 = arith.mulf %get3A_292, %gather3A_179 : vector<16xf32>
      %add3A_294 = arith.addf %mul3A_289, %mul3A_293 : vector<16xf32>
      %swap3A_295 = arith.index_cast %add3A_176 : i32 to index
      %swap3A_296 = arith.constant 144 : index
      %swap3A_297 = tpu.vector_load %arg12[%swap3A_295, %swap3A_296] {strides = array<i32>} : memref<16x1024xf32, #tpu.memory_space<vmem>>, vector<16xf32>,
      tpu.vector_store %arg12[%swap3A_295, %swap3A_296], %add3A_294 {strides = array<i32>} : memref<16x1024xf32, #tpu.memory_space<vmem>>, vector<16xf32>,
      %get3A_298 = arith.index_cast %add3A_176 : i32 to index
      %get3A_299 = arith.constant 160 : index
      %get3A_300 = tpu.vector_load %arg8[%get3A_298, %get3A_299] {strides = array<i32>} : memref<16x1024xf32, #tpu.memory_space<vmem>>, vector<16xf32>,
      %mul3A_301 = arith.mulf %get3A_300, %gather3A : vector<16xf32>
      %get3A_302 = arith.index_cast %add3A_176 : i32 to index
      %get3A_303 = arith.constant 160 : index
      %get3A_304 = tpu.vector_load %arg10[%get3A_302, %get3A_303] {strides = array<i32>} : memref<16x1024xf32, #tpu.memory_space<vmem>>, vector<16xf32>,
      %mul3A_305 = arith.mulf %get3A_304, %gather3A_179 : vector<16xf32>
      %add3A_306 = arith.addf %mul3A_301, %mul3A_305 : vector<16xf32>
      %swap3A_307 = arith.index_cast %add3A_176 : i32 to index
      %swap3A_308 = arith.constant 160 : index
      %swap3A_309 = tpu.vector_load %arg12[%swap3A_307, %swap3A_308] {strides = array<i32>} : memref<16x1024xf32, #tpu.memory_space<vmem>>, vector<16xf32>,
      tpu.vector_store %arg12[%swap3A_307, %swap3A_308], %add3A_306 {strides = array<i32>} : memref<16x1024xf32, #tpu.memory_space<vmem>>, vector<16xf32>,
      %get3A_310 = arith.index_cast %add3A_176 : i32 to index
      %get3A_311 = arith.constant 176 : index
      %get3A_312 = tpu.vector_load %arg8[%get3A_310, %get3A_311] {strides = array<i32>} : memref<16x1024xf32, #tpu.memory_space<vmem>>, vector<16xf32>,
      %mul3A_313 = arith.mulf %get3A_312, %gather3A : vector<16xf32>
      %get3A_314 = arith.index_cast %add3A_176 : i32 to index
      %get3A_315 = arith.constant 176 : index
      %get3A_316 = tpu.vector_load %arg10[%get3A_314, %get3A_315] {strides = array<i32>} : memref<16x1024xf32, #tpu.memory_space<vmem>>, vector<16xf32>,
      %mul3A_317 = arith.mulf %get3A_316, %gather3A_179 : vector<16xf32>
      %add3A_318 = arith.addf %mul3A_313, %mul3A_317 : vector<16xf32>
      %swap3A_319 = arith.index_cast %add3A_176 : i32 to index
      %swap3A_320 = arith.constant 176 : index
      %swap3A_321 = tpu.vector_load %arg12[%swap3A_319, %swap3A_320] {strides = array<i32>} : memref<16x1024xf32, #tpu.memory_space<vmem>>, vector<16xf32>,
      tpu.vector_store %arg12[%swap3A_319, %swap3A_320], %add3A_318 {strides = array<i32>} : memref<16x1024xf32, #tpu.memory_space<vmem>>, vector<16xf32>,
      %get3A_322 = arith.index_cast %add3A_176 : i32 to index
      %get3A_323 = arith.constant 192 : index
      %get3A_324 = tpu.vector_load %arg8[%get3A_322, %get3A_323] {strides = array<i32>} : memref<16x1024xf32, #tpu.memory_space<vmem>>, vector<16xf32>,
      %mul3A_325 = arith.mulf %get3A_324, %gather3A : vector<16xf32>
      %get3A_326 = arith.index_cast %add3A_176 : i32 to index
      %get3A_327 = arith.constant 192 : index
      %get3A_328 = tpu.vector_load %arg10[%get3A_326, %get3A_327] {strides = array<i32>} : memref<16x1024xf32, #tpu.memory_space<vmem>>, vector<16xf32>,
      %mul3A_329 = arith.mulf %get3A_328, %gather3A_179 : vector<16xf32>
      %add3A_330 = arith.addf %mul3A_325, %mul3A_329 : vector<16xf32>
      %swap3A_331 = arith.index_cast %add3A_176 : i32 to index
      %swap3A_332 = arith.constant 192 : index
      %swap3A_333 = tpu.vector_load %arg12[%swap3A_331, %swap3A_332] {strides = array<i32>} : memref<16x1024xf32, #tpu.memory_space<vmem>>, vector<16xf32>,
      tpu.vector_store %arg12[%swap3A_331, %swap3A_332], %add3A_330 {strides = array<i32>} : memref<16x1024xf32, #tpu.memory_space<vmem>>, vector<16xf32>,
      %get3A_334 = arith.index_cast %add3A_176 : i32 to index
      %get3A_335 = arith.constant 208 : index
      %get3A_336 = tpu.vector_load %arg8[%get3A_334, %get3A_335] {strides = array<i32>} : memref<16x1024xf32, #tpu.memory_space<vmem>>, vector<16xf32>,
      %mul3A_337 = arith.mulf %get3A_336, %gather3A : vector<16xf32>
      %get3A_338 = arith.index_cast %add3A_176 : i32 to index
      %get3A_339 = arith.constant 208 : index
      %get3A_340 = tpu.vector_load %arg10[%get3A_338, %get3A_339] {strides = array<i32>} : memref<16x1024xf32, #tpu.memory_space<vmem>>, vector<16xf32>,
      %mul3A_341 = arith.mulf %get3A_340, %gather3A_179 : vector<16xf32>
      %add3A_342 = arith.addf %mul3A_337, %mul3A_341 : vector<16xf32>
      %swap3A_343 = arith.index_cast %add3A_176 : i32 to index
      %swap3A_344 = arith.constant 208 : index
      %swap3A_345 = tpu.vector_load %arg12[%swap3A_343, %swap3A_344] {strides = array<i32>} : memref<16x1024xf32, #tpu.memory_space<vmem>>, vector<16xf32>,
      tpu.vector_store %arg12[%swap3A_343, %swap3A_344], %add3A_342 {strides = array<i32>} : memref<16x1024xf32, #tpu.memory_space<vmem>>, vector<16xf32>,
      %get3A_346 = arith.index_cast %add3A_176 : i32 to index
      %get3A_347 = arith.constant 224 : index
      %get3A_348 = tpu.vector_load %arg8[%get3A_346, %get3A_347] {strides = array<i32>} : memref<16x1024xf32, #tpu.memory_space<vmem>>, vector<16xf32>,
      %mul3A_349 = arith.mulf %get3A_348, %gather3A : vector<16xf32>
      %get3A_350 = arith.index_cast %add3A_176 : i32 to index
      %get3A_351 = arith.constant 224 : index
      %get3A_352 = tpu.vector_load %arg10[%get3A_350, %get3A_351] {strides = array<i32>} : memref<16x1024xf32, #tpu.memory_space<vmem>>, vector<16xf32>,
      %mul3A_353 = arith.mulf %get3A_352, %gather3A_179 : vector<16xf32>
      %add3A_354 = arith.addf %mul3A_349, %mul3A_353 : vector<16xf32>
      %swap3A_355 = arith.index_cast %add3A_176 : i32 to index
      %swap3A_356 = arith.constant 224 : index
      %swap3A_357 = tpu.vector_load %arg12[%swap3A_355, %swap3A_356] {strides = array<i32>} : memref<16x1024xf32, #tpu.memory_space<vmem>>, vector<16xf32>,
      tpu.vector_store %arg12[%swap3A_355, %swap3A_356], %add3A_354 {strides = array<i32>} : memref<16x1024xf32, #tpu.memory_space<vmem>>, vector<16xf32>,
      %get3A_358 = arith.index_cast %add3A_176 : i32 to index
      %get3A_359 = arith.constant 240 : index
      %get3A_360 = tpu.vector_load %arg8[%get3A_358, %get3A_359] {strides = array<i32>} : memref<16x1024xf32, #tpu.memory_space<vmem>>, vector<16xf32>,
      %mul3A_361 = arith.mulf %get3A_360, %gather3A : vector<16xf32>
      %get3A_362 = arith.index_cast %add3A_176 : i32 to index
      %get3A_363 = arith.constant 240 : index
      %get3A_364 = tpu.vector_load %arg10[%get3A_362, %get3A_363] {strides = array<i32>} : memref<16x1024xf32, #tpu.memory_space<vmem>>, vector<16xf32>,
      %mul3A_365 = arith.mulf %get3A_364, %gather3A_179 : vector<16xf32>
      %add3A_366 = arith.addf %mul3A_361, %mul3A_365 : vector<16xf32>
      %swap3A_367 = arith.index_cast %add3A_176 : i32 to index
      %swap3A_368 = arith.constant 240 : index
      %swap3A_369 = tpu.vector_load %arg12[%swap3A_367, %swap3A_368] {strides = array<i32>} : memref<16x1024xf32, #tpu.memory_space<vmem>>, vector<16xf32>,
      tpu.vector_store %arg12[%swap3A_367, %swap3A_368], %add3A_366 {strides = array<i32>} : memref<16x1024xf32, #tpu.memory_space<vmem>>, vector<16xf32>,
      %get3A_370 = arith.index_cast %add3A_176 : i32 to index
      %get3A_371 = arith.constant 256 : index
      %get3A_372 = tpu.vector_load %arg8[%get3A_370, %get3A_371] {strides = array<i32>} : memref<16x1024xf32, #tpu.memory_space<vmem>>, vector<16xf32>,
      %mul3A_373 = arith.mulf %get3A_372, %gather3A : vector<16xf32>
      %get3A_374 = arith.index_cast %add3A_176 : i32 to index
      %get3A_375 = arith.constant 256 : index
      %get3A_376 = tpu.vector_load %arg10[%get3A_374, %get3A_375] {strides = array<i32>} : memref<16x1024xf32, #tpu.memory_space<vmem>>, vector<16xf32>,
      %mul3A_377 = arith.mulf %get3A_376, %gather3A_179 : vector<16xf32>
      %add3A_378 = arith.addf %mul3A_373, %mul3A_377 : vector<16xf32>
      %swap3A_379 = arith.index_cast %add3A_176 : i32 to index
      %swap3A_380 = arith.constant 256 : index
      %swap3A_381 = tpu.vector_load %arg12[%swap3A_379, %swap3A_380] {strides = array<i32>} : memref<16x1024xf32, #tpu.memory_space<vmem>>, vector<16xf32>,
      tpu.vector_store %arg12[%swap3A_379, %swap3A_380], %add3A_378 {strides = array<i32>} : memref<16x1024xf32, #tpu.memory_space<vmem>>, vector<16xf32>,
      %get3A_382 = arith.index_cast %add3A_176 : i32 to index
      %get3A_383 = arith.constant 272 : index
      %get3A_384 = tpu.vector_load %arg8[%get3A_382, %get3A_383] {strides = array<i32>} : memref<16x1024xf32, #tpu.memory_space<vmem>>, vector<16xf32>,
      %mul3A_385 = arith.mulf %get3A_384, %gather3A : vector<16xf32>
      %get3A_386 = arith.index_cast %add3A_176 : i32 to index
      %get3A_387 = arith.constant 272 : index
      %get3A_388 = tpu.vector_load %arg10[%get3A_386, %get3A_387] {strides = array<i32>} : memref<16x1024xf32, #tpu.memory_space<vmem>>, vector<16xf32>,
      %mul3A_389 = arith.mulf %get3A_388, %gather3A_179 : vector<16xf32>
      %add3A_390 = arith.addf %mul3A_385, %mul3A_389 : vector<16xf32>
      %swap3A_391 = arith.index_cast %add3A_176 : i32 to index
      %swap3A_392 = arith.constant 272 : index
      %swap3A_393 = tpu.vector_load %arg12[%swap3A_391, %swap3A_392] {strides = array<i32>} : memref<16x1024xf32, #tpu.memory_space<vmem>>, vector<16xf32>,
      tpu.vector_store %arg12[%swap3A_391, %swap3A_392], %add3A_390 {strides = array<i32>} : memref<16x1024xf32, #tpu.memory_space<vmem>>, vector<16xf32>,
      %get3A_394 = arith.index_cast %add3A_176 : i32 to index
      %get3A_395 = arith.constant 288 : index
      %get3A_396 = tpu.vector_load %arg8[%get3A_394, %get3A_395] {strides = array<i32>} : memref<16x1024xf32, #tpu.memory_space<vmem>>, vector<16xf32>,
      %mul3A_397 = arith.mulf %get3A_396, %gather3A : vector<16xf32>
      %get3A_398 = arith.index_cast %add3A_176 : i32 to index
      %get3A_399 = arith.constant 288 : index
      %get3A_400 = tpu.vector_load %arg10[%get3A_398, %get3A_399] {strides = array<i32>} : memref<16x1024xf32, #tpu.memory_space<vmem>>, vector<16xf32>,
      %mul3A_401 = arith.mulf %get3A_400, %gather3A_179 : vector<16xf32>
      %add3A_402 = arith.addf %mul3A_397, %mul3A_401 : vector<16xf32>
      %swap3A_403 = arith.index_cast %add3A_176 : i32 to index
      %swap3A_404 = arith.constant 288 : index
      %swap3A_405 = tpu.vector_load %arg12[%swap3A_403, %swap3A_404] {strides = array<i32>} : memref<16x1024xf32, #tpu.memory_space<vmem>>, vector<16xf32>,
      tpu.vector_store %arg12[%swap3A_403, %swap3A_404], %add3A_402 {strides = array<i32>} : memref<16x1024xf32, #tpu.memory_space<vmem>>, vector<16xf32>,
      %get3A_406 = arith.index_cast %add3A_176 : i32 to index
      %get3A_407 = arith.constant 304 : index
      %get3A_408 = tpu.vector_load %arg8[%get3A_406, %get3A_407] {strides = array<i32>} : memref<16x1024xf32, #tpu.memory_space<vmem>>, vector<16xf32>,
      %mul3A_409 = arith.mulf %get3A_408, %gather3A : vector<16xf32>
      %get3A_410 = arith.index_cast %add3A_176 : i32 to index
      %get3A_411 = arith.constant 304 : index
      %get3A_412 = tpu.vector_load %arg10[%get3A_410, %get3A_411] {strides = array<i32>} : memref<16x1024xf32, #tpu.memory_space<vmem>>, vector<16xf32>,
      %mul3A_413 = arith.mulf %get3A_412, %gather3A_179 : vector<16xf32>
      %add3A_414 = arith.addf %mul3A_409, %mul3A_413 : vector<16xf32>
      %swap3A_415 = arith.index_cast %add3A_176 : i32 to index
      %swap3A_416 = arith.constant 304 : index
      %swap3A_417 = tpu.vector_load %arg12[%swap3A_415, %swap3A_416] {strides = array<i32>} : memref<16x1024xf32, #tpu.memory_space<vmem>>, vector<16xf32>,
      tpu.vector_store %arg12[%swap3A_415, %swap3A_416], %add3A_414 {strides = array<i32>} : memref<16x1024xf32, #tpu.memory_space<vmem>>, vector<16xf32>,
      %get3A_418 = arith.index_cast %add3A_176 : i32 to index
      %get3A_419 = arith.constant 320 : index
      %get3A_420 = tpu.vector_load %arg8[%get3A_418, %get3A_419] {strides = array<i32>} : memref<16x1024xf32, #tpu.memory_space<vmem>>, vector<16xf32>,
      %mul3A_421 = arith.mulf %get3A_420, %gather3A : vector<16xf32>
      %get3A_422 = arith.index_cast %add3A_176 : i32 to index
      %get3A_423 = arith.constant 320 : index
      %get3A_424 = tpu.vector_load %arg10[%get3A_422, %get3A_423] {strides = array<i32>} : memref<16x1024xf32, #tpu.memory_space<vmem>>, vector<16xf32>,
      %mul3A_425 = arith.mulf %get3A_424, %gather3A_179 : vector<16xf32>
      %add3A_426 = arith.addf %mul3A_421, %mul3A_425 : vector<16xf32>
      %swap3A_427 = arith.index_cast %add3A_176 : i32 to index
      %swap3A_428 = arith.constant 320 : index
      %swap3A_429 = tpu.vector_load %arg12[%swap3A_427, %swap3A_428] {strides = array<i32>} : memref<16x1024xf32, #tpu.memory_space<vmem>>, vector<16xf32>,
      tpu.vector_store %arg12[%swap3A_427, %swap3A_428], %add3A_426 {strides = array<i32>} : memref<16x1024xf32, #tpu.memory_space<vmem>>, vector<16xf32>,
      %get3A_430 = arith.index_cast %add3A_176 : i32 to index
      %get3A_431 = arith.constant 336 : index
      %get3A_432 = tpu.vector_load %arg8[%get3A_430, %get3A_431] {strides = array<i32>} : memref<16x1024xf32, #tpu.memory_space<vmem>>, vector<16xf32>,
      %mul3A_433 = arith.mulf %get3A_432, %gather3A : vector<16xf32>
      %get3A_434 = arith.index_cast %add3A_176 : i32 to index
      %get3A_435 = arith.constant 336 : index
      %get3A_436 = tpu.vector_load %arg10[%get3A_434, %get3A_435] {strides = array<i32>} : memref<16x1024xf32, #tpu.memory_space<vmem>>, vector<16xf32>,
      %mul3A_437 = arith.mulf %get3A_436, %gather3A_179 : vector<16xf32>
      %add3A_438 = arith.addf %mul3A_433, %mul3A_437 : vector<16xf32>
      %swap3A_439 = arith.index_cast %add3A_176 : i32 to index
      %swap3A_440 = arith.constant 336 : index
      %swap3A_441 = tpu.vector_load %arg12[%swap3A_439, %swap3A_440] {strides = array<i32>} : memref<16x1024xf32, #tpu.memory_space<vmem>>, vector<16xf32>,
      tpu.vector_store %arg12[%swap3A_439, %swap3A_440], %add3A_438 {strides = array<i32>} : memref<16x1024xf32, #tpu.memory_space<vmem>>, vector<16xf32>,
      %get3A_442 = arith.index_cast %add3A_176 : i32 to index
      %get3A_443 = arith.constant 352 : index
      %get3A_444 = tpu.vector_load %arg8[%get3A_442, %get3A_443] {strides = array<i32>} : memref<16x1024xf32, #tpu.memory_space<vmem>>, vector<16xf32>,
      %mul3A_445 = arith.mulf %get3A_444, %gather3A : vector<16xf32>
      %get3A_446 = arith.index_cast %add3A_176 : i32 to index
      %get3A_447 = arith.constant 352 : index
      %get3A_448 = tpu.vector_load %arg10[%get3A_446, %get3A_447] {strides = array<i32>} : memref<16x1024xf32, #tpu.memory_space<vmem>>, vector<16xf32>,
      %mul3A_449 = arith.mulf %get3A_448, %gather3A_179 : vector<16xf32>
      %add3A_450 = arith.addf %mul3A_445, %mul3A_449 : vector<16xf32>
      %swap3A_451 = arith.index_cast %add3A_176 : i32 to index
      %swap3A_452 = arith.constant 352 : index
      %swap3A_453 = tpu.vector_load %arg12[%swap3A_451, %swap3A_452] {strides = array<i32>} : memref<16x1024xf32, #tpu.memory_space<vmem>>, vector<16xf32>,
      tpu.vector_store %arg12[%swap3A_451, %swap3A_452], %add3A_450 {strides = array<i32>} : memref<16x1024xf32, #tpu.memory_space<vmem>>, vector<16xf32>,
      %get3A_454 = arith.index_cast %add3A_176 : i32 to index
      %get3A_455 = arith.constant 368 : index
      %get3A_456 = tpu.vector_load %arg8[%get3A_454, %get3A_455] {strides = array<i32>} : memref<16x1024xf32, #tpu.memory_space<vmem>>, vector<16xf32>,
      %mul3A_457 = arith.mulf %get3A_456, %gather3A : vector<16xf32>
      %get3A_458 = arith.index_cast %add3A_176 : i32 to index
      %get3A_459 = arith.constant 368 : index
      %get3A_460 = tpu.vector_load %arg10[%get3A_458, %get3A_459] {strides = array<i32>} : memref<16x1024xf32, #tpu.memory_space<vmem>>, vector<16xf32>,
      %mul3A_461 = arith.mulf %get3A_460, %gather3A_179 : vector<16xf32>
      %add3A_462 = arith.addf %mul3A_457, %mul3A_461 : vector<16xf32>
      %swap3A_463 = arith.index_cast %add3A_176 : i32 to index
      %swap3A_464 = arith.constant 368 : index
      %swap3A_465 = tpu.vector_load %arg12[%swap3A_463, %swap3A_464] {strides = array<i32>} : memref<16x1024xf32, #tpu.memory_space<vmem>>, vector<16xf32>,
      tpu.vector_store %arg12[%swap3A_463, %swap3A_464], %add3A_462 {strides = array<i32>} : memref<16x1024xf32, #tpu.memory_space<vmem>>, vector<16xf32>,
      %get3A_466 = arith.index_cast %add3A_176 : i32 to index
      %get3A_467 = arith.constant 384 : index
      %get3A_468 = tpu.vector_load %arg8[%get3A_466, %get3A_467] {strides = array<i32>} : memref<16x1024xf32, #tpu.memory_space<vmem>>, vector<16xf32>,
      %mul3A_469 = arith.mulf %get3A_468, %gather3A : vector<16xf32>
      %get3A_470 = arith.index_cast %add3A_176 : i32 to index
      %get3A_471 = arith.constant 384 : index
      %get3A_472 = tpu.vector_load %arg10[%get3A_470, %get3A_471] {strides = array<i32>} : memref<16x1024xf32, #tpu.memory_space<vmem>>, vector<16xf32>,
      %mul3A_473 = arith.mulf %get3A_472, %gather3A_179 : vector<16xf32>
      %add3A_474 = arith.addf %mul3A_469, %mul3A_473 : vector<16xf32>
      %swap3A_475 = arith.index_cast %add3A_176 : i32 to index
      %swap3A_476 = arith.constant 384 : index
      %swap3A_477 = tpu.vector_load %arg12[%swap3A_475, %swap3A_476] {strides = array<i32>} : memref<16x1024xf32, #tpu.memory_space<vmem>>, vector<16xf32>,
      tpu.vector_store %arg12[%swap3A_475, %swap3A_476], %add3A_474 {strides = array<i32>} : memref<16x1024xf32, #tpu.memory_space<vmem>>, vector<16xf32>,
      %get3A_478 = arith.index_cast %add3A_176 : i32 to index
      %get3A_479 = arith.constant 400 : index
      %get3A_480 = tpu.vector_load %arg8[%get3A_478, %get3A_479] {strides = array<i32>} : memref<16x1024xf32, #tpu.memory_space<vmem>>, vector<16xf32>,
      %mul3A_481 = arith.mulf %get3A_480, %gather3A : vector<16xf32>
      %get3A_482 = arith.index_cast %add3A_176 : i32 to index
      %get3A_483 = arith.constant 400 : index
      %get3A_484 = tpu.vector_load %arg10[%get3A_482, %get3A_483] {strides = array<i32>} : memref<16x1024xf32, #tpu.memory_space<vmem>>, vector<16xf32>,
      %mul3A_485 = arith.mulf %get3A_484, %gather3A_179 : vector<16xf32>
      %add3A_486 = arith.addf %mul3A_481, %mul3A_485 : vector<16xf32>
      %swap3A_487 = arith.index_cast %add3A_176 : i32 to index
      %swap3A_488 = arith.constant 400 : index
      %swap3A_489 = tpu.vector_load %arg12[%swap3A_487, %swap3A_488] {strides = array<i32>} : memref<16x1024xf32, #tpu.memory_space<vmem>>, vector<16xf32>,
      tpu.vector_store %arg12[%swap3A_487, %swap3A_488], %add3A_486 {strides = array<i32>} : memref<16x1024xf32, #tpu.memory_space<vmem>>, vector<16xf32>,
      %get3A_490 = arith.index_cast %add3A_176 : i32 to index
      %get3A_491 = arith.constant 416 : index
      %get3A_492 = tpu.vector_load %arg8[%get3A_490, %get3A_491] {strides = array<i32>} : memref<16x1024xf32, #tpu.memory_space<vmem>>, vector<16xf32>,
      %mul3A_493 = arith.mulf %get3A_492, %gather3A : vector<16xf32>
      %get3A_494 = arith.index_cast %add3A_176 : i32 to index
      %get3A_495 = arith.constant 416 : index
      %get3A_496 = tpu.vector_load %arg10[%get3A_494, %get3A_495] {strides = array<i32>} : memref<16x1024xf32, #tpu.memory_space<vmem>>, vector<16xf32>,
      %mul3A_497 = arith.mulf %get3A_496, %gather3A_179 : vector<16xf32>
      %add3A_498 = arith.addf %mul3A_493, %mul3A_497 : vector<16xf32>
      %swap3A_499 = arith.index_cast %add3A_176 : i32 to index
      %swap3A_500 = arith.constant 416 : index
      %swap3A_501 = tpu.vector_load %arg12[%swap3A_499, %swap3A_500] {strides = array<i32>} : memref<16x1024xf32, #tpu.memory_space<vmem>>, vector<16xf32>,
      tpu.vector_store %arg12[%swap3A_499, %swap3A_500], %add3A_498 {strides = array<i32>} : memref<16x1024xf32, #tpu.memory_space<vmem>>, vector<16xf32>,
      %get3A_502 = arith.index_cast %add3A_176 : i32 to index
      %get3A_503 = arith.constant 432 : index
      %get3A_504 = tpu.vector_load %arg8[%get3A_502, %get3A_503] {strides = array<i32>} : memref<16x1024xf32, #tpu.memory_space<vmem>>, vector<16xf32>,
      %mul3A_505 = arith.mulf %get3A_504, %gather3A : vector<16xf32>
      %get3A_506 = arith.index_cast %add3A_176 : i32 to index
      %get3A_507 = arith.constant 432 : index
      %get3A_508 = tpu.vector_load %arg10[%get3A_506, %get3A_507] {strides = array<i32>} : memref<16x1024xf32, #tpu.memory_space<vmem>>, vector<16xf32>,
      %mul3A_509 = arith.mulf %get3A_508, %gather3A_179 : vector<16xf32>
      %add3A_510 = arith.addf %mul3A_505, %mul3A_509 : vector<16xf32>
      %swap3A_511 = arith.index_cast %add3A_176 : i32 to index
      %swap3A_512 = arith.constant 432 : index
      %swap3A_513 = tpu.vector_load %arg12[%swap3A_511, %swap3A_512] {strides = array<i32>} : memref<16x1024xf32, #tpu.memory_space<vmem>>, vector<16xf32>,
      tpu.vector_store %arg12[%swap3A_511, %swap3A_512], %add3A_510 {strides = array<i32>} : memref<16x1024xf32, #tpu.memory_space<vmem>>, vector<16xf32>,
      %get3A_514 = arith.index_cast %add3A_176 : i32 to index
      %get3A_515 = arith.constant 448 : index
      %get3A_516 = tpu.vector_load %arg8[%get3A_514, %get3A_515] {strides = array<i32>} : memref<16x1024xf32, #tpu.memory_space<vmem>>, vector<16xf32>,
      %mul3A_517 = arith.mulf %get3A_516, %gather3A : vector<16xf32>
      %get3A_518 = arith.index_cast %add3A_176 : i32 to index
      %get3A_519 = arith.constant 448 : index
      %get3A_520 = tpu.vector_load %arg10[%get3A_518, %get3A_519] {strides = array<i32>} : memref<16x1024xf32, #tpu.memory_space<vmem>>, vector<16xf32>,
      %mul3A_521 = arith.mulf %get3A_520, %gather3A_179 : vector<16xf32>
      %add3A_522 = arith.addf %mul3A_517, %mul3A_521 : vector<16xf32>
      %swap3A_523 = arith.index_cast %add3A_176 : i32 to index
      %swap3A_524 = arith.constant 448 : index
      %swap3A_525 = tpu.vector_load %arg12[%swap3A_523, %swap3A_524] {strides = array<i32>} : memref<16x1024xf32, #tpu.memory_space<vmem>>, vector<16xf32>,
      tpu.vector_store %arg12[%swap3A_523, %swap3A_524], %add3A_522 {strides = array<i32>} : memref<16x1024xf32, #tpu.memory_space<vmem>>, vector<16xf32>,
      %get3A_526 = arith.index_cast %add3A_176 : i32 to index
      %get3A_527 = arith.constant 464 : index
      %get3A_528 = tpu.vector_load %arg8[%get3A_526, %get3A_527] {strides = array<i32>} : memref<16x1024xf32, #tpu.memory_space<vmem>>, vector<16xf32>,
      %mul3A_529 = arith.mulf %get3A_528, %gather3A : vector<16xf32>
      %get3A_530 = arith.index_cast %add3A_176 : i32 to index
      %get3A_531 = arith.constant 464 : index
      %get3A_532 = tpu.vector_load %arg10[%get3A_530, %get3A_531] {strides = array<i32>} : memref<16x1024xf32, #tpu.memory_space<vmem>>, vector<16xf32>,
      %mul3A_533 = arith.mulf %get3A_532, %gather3A_179 : vector<16xf32>
      %add3A_534 = arith.addf %mul3A_529, %mul3A_533 : vector<16xf32>
      %swap3A_535 = arith.index_cast %add3A_176 : i32 to index
      %swap3A_536 = arith.constant 464 : index
      %swap3A_537 = tpu.vector_load %arg12[%swap3A_535, %swap3A_536] {strides = array<i32>} : memref<16x1024xf32, #tpu.memory_space<vmem>>, vector<16xf32>,
      tpu.vector_store %arg12[%swap3A_535, %swap3A_536], %add3A_534 {strides = array<i32>} : memref<16x1024xf32, #tpu.memory_space<vmem>>, vector<16xf32>,
      %get3A_538 = arith.index_cast %add3A_176 : i32 to index
      %get3A_539 = arith.constant 480 : index
      %get3A_540 = tpu.vector_load %arg8[%get3A_538, %get3A_539] {strides = array<i32>} : memref<16x1024xf32, #tpu.memory_space<vmem>>, vector<16xf32>,
      %mul3A_541 = arith.mulf %get3A_540, %gather3A : vector<16xf32>
      %get3A_542 = arith.index_cast %add3A_176 : i32 to index
      %get3A_543 = arith.constant 480 : index
      %get3A_544 = tpu.vector_load %arg10[%get3A_542, %get3A_543] {strides = array<i32>} : memref<16x1024xf32, #tpu.memory_space<vmem>>, vector<16xf32>,
      %mul3A_545 = arith.mulf %get3A_544, %gather3A_179 : vector<16xf32>
      %add3A_546 = arith.addf %mul3A_541, %mul3A_545 : vector<16xf32>
      %swap3A_547 = arith.index_cast %add3A_176 : i32 to index
      %swap3A_548 = arith.constant 480 : index
      %swap3A_549 = tpu.vector_load %arg12[%swap3A_547, %swap3A_548] {strides = array<i32>} : memref<16x1024xf32, #tpu.memory_space<vmem>>, vector<16xf32>,
      tpu.vector_store %arg12[%swap3A_547, %swap3A_548], %add3A_546 {strides = array<i32>} : memref<16x1024xf32, #tpu.memory_space<vmem>>, vector<16xf32>,
      %get3A_550 = arith.index_cast %add3A_176 : i32 to index
      %get3A_551 = arith.constant 496 : index
      %get3A_552 = tpu.vector_load %arg8[%get3A_550, %get3A_551] {strides = array<i32>} : memref<16x1024xf32, #tpu.memory_space<vmem>>, vector<16xf32>,
      %mul3A_553 = arith.mulf %get3A_552, %gather3A : vector<16xf32>
      %get3A_554 = arith.index_cast %add3A_176 : i32 to index
      %get3A_555 = arith.constant 496 : index
      %get3A_556 = tpu.vector_load %arg10[%get3A_554, %get3A_555] {strides = array<i32>} : memref<16x1024xf32, #tpu.memory_space<vmem>>, vector<16xf32>,
      %mul3A_557 = arith.mulf %get3A_556, %gather3A_179 : vector<16xf32>
      %add3A_558 = arith.addf %mul3A_553, %mul3A_557 : vector<16xf32>
      %swap3A_559 = arith.index_cast %add3A_176 : i32 to index
      %swap3A_560 = arith.constant 496 : index
      %swap3A_561 = tpu.vector_load %arg12[%swap3A_559, %swap3A_560] {strides = array<i32>} : memref<16x1024xf32, #tpu.memory_space<vmem>>, vector<16xf32>,
      tpu.vector_store %arg12[%swap3A_559, %swap3A_560], %add3A_558 {strides = array<i32>} : memref<16x1024xf32, #tpu.memory_space<vmem>>, vector<16xf32>,
      %get3A_562 = arith.index_cast %add3A_176 : i32 to index
      %get3A_563 = arith.constant 512 : index
      %get3A_564 = tpu.vector_load %arg8[%get3A_562, %get3A_563] {strides = array<i32>} : memref<16x1024xf32, #tpu.memory_space<vmem>>, vector<16xf32>,
      %mul3A_565 = arith.mulf %get3A_564, %gather3A : vector<16xf32>
      %get3A_566 = arith.index_cast %add3A_176 : i32 to index
      %get3A_567 = arith.constant 512 : index
      %get3A_568 = tpu.vector_load %arg10[%get3A_566, %get3A_567] {strides = array<i32>} : memref<16x1024xf32, #tpu.memory_space<vmem>>, vector<16xf32>,
      %mul3A_569 = arith.mulf %get3A_568, %gather3A_179 : vector<16xf32>
      %add3A_570 = arith.addf %mul3A_565, %mul3A_569 : vector<16xf32>
      %swap3A_571 = arith.index_cast %add3A_176 : i32 to index
      %swap3A_572 = arith.constant 512 : index
      %swap3A_573 = tpu.vector_load %arg12[%swap3A_571, %swap3A_572] {strides = array<i32>} : memref<16x1024xf32, #tpu.memory_space<vmem>>, vector<16xf32>,
      tpu.vector_store %arg12[%swap3A_571, %swap3A_572], %add3A_570 {strides = array<i32>} : memref<16x1024xf32, #tpu.memory_space<vmem>>, vector<16xf32>,
      %get3A_574 = arith.index_cast %add3A_176 : i32 to index
      %get3A_575 = arith.constant 528 : index
      %get3A_576 = tpu.vector_load %arg8[%get3A_574, %get3A_575] {strides = array<i32>} : memref<16x1024xf32, #tpu.memory_space<vmem>>, vector<16xf32>,
      %mul3A_577 = arith.mulf %get3A_576, %gather3A : vector<16xf32>
      %get3A_578 = arith.index_cast %add3A_176 : i32 to index
      %get3A_579 = arith.constant 528 : index
      %get3A_580 = tpu.vector_load %arg10[%get3A_578, %get3A_579] {strides = array<i32>} : memref<16x1024xf32, #tpu.memory_space<vmem>>, vector<16xf32>,
      %mul3A_581 = arith.mulf %get3A_580, %gather3A_179 : vector<16xf32>
      %add3A_582 = arith.addf %mul3A_577, %mul3A_581 : vector<16xf32>
      %swap3A_583 = arith.index_cast %add3A_176 : i32 to index
      %swap3A_584 = arith.constant 528 : index
      %swap3A_585 = tpu.vector_load %arg12[%swap3A_583, %swap3A_584] {strides = array<i32>} : memref<16x1024xf32, #tpu.memory_space<vmem>>, vector<16xf32>,
      tpu.vector_store %arg12[%swap3A_583, %swap3A_584], %add3A_582 {strides = array<i32>} : memref<16x1024xf32, #tpu.memory_space<vmem>>, vector<16xf32>,
      %get3A_586 = arith.index_cast %add3A_176 : i32 to index
      %get3A_587 = arith.constant 544 : index
      %get3A_588 = tpu.vector_load %arg8[%get3A_586, %get3A_587] {strides = array<i32>} : memref<16x1024xf32, #tpu.memory_space<vmem>>, vector<16xf32>,
      %mul3A_589 = arith.mulf %get3A_588, %gather3A : vector<16xf32>
      %get3A_590 = arith.index_cast %add3A_176 : i32 to index
      %get3A_591 = arith.constant 544 : index
      %get3A_592 = tpu.vector_load %arg10[%get3A_590, %get3A_591] {strides = array<i32>} : memref<16x1024xf32, #tpu.memory_space<vmem>>, vector<16xf32>,
      %mul3A_593 = arith.mulf %get3A_592, %gather3A_179 : vector<16xf32>
      %add3A_594 = arith.addf %mul3A_589, %mul3A_593 : vector<16xf32>
      %swap3A_595 = arith.index_cast %add3A_176 : i32 to index
      %swap3A_596 = arith.constant 544 : index
      %swap3A_597 = tpu.vector_load %arg12[%swap3A_595, %swap3A_596] {strides = array<i32>} : memref<16x1024xf32, #tpu.memory_space<vmem>>, vector<16xf32>,
      tpu.vector_store %arg12[%swap3A_595, %swap3A_596], %add3A_594 {strides = array<i32>} : memref<16x1024xf32, #tpu.memory_space<vmem>>, vector<16xf32>,
      %get3A_598 = arith.index_cast %add3A_176 : i32 to index
      %get3A_599 = arith.constant 560 : index
      %get3A_600 = tpu.vector_load %arg8[%get3A_598, %get3A_599] {strides = array<i32>} : memref<16x1024xf32, #tpu.memory_space<vmem>>, vector<16xf32>,
      %mul3A_601 = arith.mulf %get3A_600, %gather3A : vector<16xf32>
      %get3A_602 = arith.index_cast %add3A_176 : i32 to index
      %get3A_603 = arith.constant 560 : index
      %get3A_604 = tpu.vector_load %arg10[%get3A_602, %get3A_603] {strides = array<i32>} : memref<16x1024xf32, #tpu.memory_space<vmem>>, vector<16xf32>,
      %mul3A_605 = arith.mulf %get3A_604, %gather3A_179 : vector<16xf32>
      %add3A_606 = arith.addf %mul3A_601, %mul3A_605 : vector<16xf32>
      %swap3A_607 = arith.index_cast %add3A_176 : i32 to index
      %swap3A_608 = arith.constant 560 : index
      %swap3A_609 = tpu.vector_load %arg12[%swap3A_607, %swap3A_608] {strides = array<i32>} : memref<16x1024xf32, #tpu.memory_space<vmem>>, vector<16xf32>,
      tpu.vector_store %arg12[%swap3A_607, %swap3A_608], %add3A_606 {strides = array<i32>} : memref<16x1024xf32, #tpu.memory_space<vmem>>, vector<16xf32>,
      %get3A_610 = arith.index_cast %add3A_176 : i32 to index
      %get3A_611 = arith.constant 576 : index
      %get3A_612 = tpu.vector_load %arg8[%get3A_610, %get3A_611] {strides = array<i32>} : memref<16x1024xf32, #tpu.memory_space<vmem>>, vector<16xf32>,
      %mul3A_613 = arith.mulf %get3A_612, %gather3A : vector<16xf32>
      %get3A_614 = arith.index_cast %add3A_176 : i32 to index
      %get3A_615 = arith.constant 576 : index
      %get3A_616 = tpu.vector_load %arg10[%get3A_614, %get3A_615] {strides = array<i32>} : memref<16x1024xf32, #tpu.memory_space<vmem>>, vector<16xf32>,
      %mul3A_617 = arith.mulf %get3A_616, %gather3A_179 : vector<16xf32>
      %add3A_618 = arith.addf %mul3A_613, %mul3A_617 : vector<16xf32>
      %swap3A_619 = arith.index_cast %add3A_176 : i32 to index
      %swap3A_620 = arith.constant 576 : index
      %swap3A_621 = tpu.vector_load %arg12[%swap3A_619, %swap3A_620] {strides = array<i32>} : memref<16x1024xf32, #tpu.memory_space<vmem>>, vector<16xf32>,
      tpu.vector_store %arg12[%swap3A_619, %swap3A_620], %add3A_618 {strides = array<i32>} : memref<16x1024xf32, #tpu.memory_space<vmem>>, vector<16xf32>,
      %get3A_622 = arith.index_cast %add3A_176 : i32 to index
      %get3A_623 = arith.constant 592 : index
      %get3A_624 = tpu.vector_load %arg8[%get3A_622, %get3A_623] {strides = array<i32>} : memref<16x1024xf32, #tpu.memory_space<vmem>>, vector<16xf32>,
      %mul3A_625 = arith.mulf %get3A_624, %gather3A : vector<16xf32>
      %get3A_626 = arith.index_cast %add3A_176 : i32 to index
      %get3A_627 = arith.constant 592 : index
      %get3A_628 = tpu.vector_load %arg10[%get3A_626, %get3A_627] {strides = array<i32>} : memref<16x1024xf32, #tpu.memory_space<vmem>>, vector<16xf32>,
      %mul3A_629 = arith.mulf %get3A_628, %gather3A_179 : vector<16xf32>
      %add3A_630 = arith.addf %mul3A_625, %mul3A_629 : vector<16xf32>
      %swap3A_631 = arith.index_cast %add3A_176 : i32 to index
      %swap3A_632 = arith.constant 592 : index
      %swap3A_633 = tpu.vector_load %arg12[%swap3A_631, %swap3A_632] {strides = array<i32>} : memref<16x1024xf32, #tpu.memory_space<vmem>>, vector<16xf32>,
      tpu.vector_store %arg12[%swap3A_631, %swap3A_632], %add3A_630 {strides = array<i32>} : memref<16x1024xf32, #tpu.memory_space<vmem>>, vector<16xf32>,
      %get3A_634 = arith.index_cast %add3A_176 : i32 to index
      %get3A_635 = arith.constant 608 : index
      %get3A_636 = tpu.vector_load %arg8[%get3A_634, %get3A_635] {strides = array<i32>} : memref<16x1024xf32, #tpu.memory_space<vmem>>, vector<16xf32>,
      %mul3A_637 = arith.mulf %get3A_636, %gather3A : vector<16xf32>
      %get3A_638 = arith.index_cast %add3A_176 : i32 to index
      %get3A_639 = arith.constant 608 : index
      %get3A_640 = tpu.vector_load %arg10[%get3A_638, %get3A_639] {strides = array<i32>} : memref<16x1024xf32, #tpu.memory_space<vmem>>, vector<16xf32>,
      %mul3A_641 = arith.mulf %get3A_640, %gather3A_179 : vector<16xf32>
      %add3A_642 = arith.addf %mul3A_637, %mul3A_641 : vector<16xf32>
      %swap3A_643 = arith.index_cast %add3A_176 : i32 to index
      %swap3A_644 = arith.constant 608 : index
      %swap3A_645 = tpu.vector_load %arg12[%swap3A_643, %swap3A_644] {strides = array<i32>} : memref<16x1024xf32, #tpu.memory_space<vmem>>, vector<16xf32>,
      tpu.vector_store %arg12[%swap3A_643, %swap3A_644], %add3A_642 {strides = array<i32>} : memref<16x1024xf32, #tpu.memory_space<vmem>>, vector<16xf32>,
      %get3A_646 = arith.index_cast %add3A_176 : i32 to index
      %get3A_647 = arith.constant 624 : index
      %get3A_648 = tpu.vector_load %arg8[%get3A_646, %get3A_647] {strides = array<i32>} : memref<16x1024xf32, #tpu.memory_space<vmem>>, vector<16xf32>,
      %mul3A_649 = arith.mulf %get3A_648, %gather3A : vector<16xf32>
      %get3A_650 = arith.index_cast %add3A_176 : i32 to index
      %get3A_651 = arith.constant 624 : index
      %get3A_652 = tpu.vector_load %arg10[%get3A_650, %get3A_651] {strides = array<i32>} : memref<16x1024xf32, #tpu.memory_space<vmem>>, vector<16xf32>,
      %mul3A_653 = arith.mulf %get3A_652, %gather3A_179 : vector<16xf32>
      %add3A_654 = arith.addf %mul3A_649, %mul3A_653 : vector<16xf32>
      %swap3A_655 = arith.index_cast %add3A_176 : i32 to index
      %swap3A_656 = arith.constant 624 : index
      %swap3A_657 = tpu.vector_load %arg12[%swap3A_655, %swap3A_656] {strides = array<i32>} : memref<16x1024xf32, #tpu.memory_space<vmem>>, vector<16xf32>,
      tpu.vector_store %arg12[%swap3A_655, %swap3A_656], %add3A_654 {strides = array<i32>} : memref<16x1024xf32, #tpu.memory_space<vmem>>, vector<16xf32>,
      %get3A_658 = arith.index_cast %add3A_176 : i32 to index
      %get3A_659 = arith.constant 640 : index
      %get3A_660 = tpu.vector_load %arg8[%get3A_658, %get3A_659] {strides = array<i32>} : memref<16x1024xf32, #tpu.memory_space<vmem>>, vector<16xf32>,
      %mul3A_661 = arith.mulf %get3A_660, %gather3A : vector<16xf32>
      %get3A_662 = arith.index_cast %add3A_176 : i32 to index
      %get3A_663 = arith.constant 640 : index
      %get3A_664 = tpu.vector_load %arg10[%get3A_662, %get3A_663] {strides = array<i32>} : memref<16x1024xf32, #tpu.memory_space<vmem>>, vector<16xf32>,
      %mul3A_665 = arith.mulf %get3A_664, %gather3A_179 : vector<16xf32>
      %add3A_666 = arith.addf %mul3A_661, %mul3A_665 : vector<16xf32>
      %swap3A_667 = arith.index_cast %add3A_176 : i32 to index
      %swap3A_668 = arith.constant 640 : index
      %swap3A_669 = tpu.vector_load %arg12[%swap3A_667, %swap3A_668] {strides = array<i32>} : memref<16x1024xf32, #tpu.memory_space<vmem>>, vector<16xf32>,
      tpu.vector_store %arg12[%swap3A_667, %swap3A_668], %add3A_666 {strides = array<i32>} : memref<16x1024xf32, #tpu.memory_space<vmem>>, vector<16xf32>,
      %get3A_670 = arith.index_cast %add3A_176 : i32 to index
      %get3A_671 = arith.constant 656 : index
      %get3A_672 = tpu.vector_load %arg8[%get3A_670, %get3A_671] {strides = array<i32>} : memref<16x1024xf32, #tpu.memory_space<vmem>>, vector<16xf32>,
      %mul3A_673 = arith.mulf %get3A_672, %gather3A : vector<16xf32>
      %get3A_674 = arith.index_cast %add3A_176 : i32 to index
      %get3A_675 = arith.constant 656 : index
      %get3A_676 = tpu.vector_load %arg10[%get3A_674, %get3A_675] {strides = array<i32>} : memref<16x1024xf32, #tpu.memory_space<vmem>>, vector<16xf32>,
      %mul3A_677 = arith.mulf %get3A_676, %gather3A_179 : vector<16xf32>
      %add3A_678 = arith.addf %mul3A_673, %mul3A_677 : vector<16xf32>
      %swap3A_679 = arith.index_cast %add3A_176 : i32 to index
      %swap3A_680 = arith.constant 656 : index
      %swap3A_681 = tpu.vector_load %arg12[%swap3A_679, %swap3A_680] {strides = array<i32>} : memref<16x1024xf32, #tpu.memory_space<vmem>>, vector<16xf32>,
      tpu.vector_store %arg12[%swap3A_679, %swap3A_680], %add3A_678 {strides = array<i32>} : memref<16x1024xf32, #tpu.memory_space<vmem>>, vector<16xf32>,
      %get3A_682 = arith.index_cast %add3A_176 : i32 to index
      %get3A_683 = arith.constant 672 : index
      %get3A_684 = tpu.vector_load %arg8[%get3A_682, %get3A_683] {strides = array<i32>} : memref<16x1024xf32, #tpu.memory_space<vmem>>, vector<16xf32>,
      %mul3A_685 = arith.mulf %get3A_684, %gather3A : vector<16xf32>
      %get3A_686 = arith.index_cast %add3A_176 : i32 to index
      %get3A_687 = arith.constant 672 : index
      %get3A_688 = tpu.vector_load %arg10[%get3A_686, %get3A_687] {strides = array<i32>} : memref<16x1024xf32, #tpu.memory_space<vmem>>, vector<16xf32>,
      %mul3A_689 = arith.mulf %get3A_688, %gather3A_179 : vector<16xf32>
      %add3A_690 = arith.addf %mul3A_685, %mul3A_689 : vector<16xf32>
      %swap3A_691 = arith.index_cast %add3A_176 : i32 to index
      %swap3A_692 = arith.constant 672 : index
      %swap3A_693 = tpu.vector_load %arg12[%swap3A_691, %swap3A_692] {strides = array<i32>} : memref<16x1024xf32, #tpu.memory_space<vmem>>, vector<16xf32>,
      tpu.vector_store %arg12[%swap3A_691, %swap3A_692], %add3A_690 {strides = array<i32>} : memref<16x1024xf32, #tpu.memory_space<vmem>>, vector<16xf32>,
      %get3A_694 = arith.index_cast %add3A_176 : i32 to index
      %get3A_695 = arith.constant 688 : index
      %get3A_696 = tpu.vector_load %arg8[%get3A_694, %get3A_695] {strides = array<i32>} : memref<16x1024xf32, #tpu.memory_space<vmem>>, vector<16xf32>,
      %mul3A_697 = arith.mulf %get3A_696, %gather3A : vector<16xf32>
      %get3A_698 = arith.index_cast %add3A_176 : i32 to index
      %get3A_699 = arith.constant 688 : index
      %get3A_700 = tpu.vector_load %arg10[%get3A_698, %get3A_699] {strides = array<i32>} : memref<16x1024xf32, #tpu.memory_space<vmem>>, vector<16xf32>,
      %mul3A_701 = arith.mulf %get3A_700, %gather3A_179 : vector<16xf32>
      %add3A_702 = arith.addf %mul3A_697, %mul3A_701 : vector<16xf32>
      %swap3A_703 = arith.index_cast %add3A_176 : i32 to index
      %swap3A_704 = arith.constant 688 : index
      %swap3A_705 = tpu.vector_load %arg12[%swap3A_703, %swap3A_704] {strides = array<i32>} : memref<16x1024xf32, #tpu.memory_space<vmem>>, vector<16xf32>,
      tpu.vector_store %arg12[%swap3A_703, %swap3A_704], %add3A_702 {strides = array<i32>} : memref<16x1024xf32, #tpu.memory_space<vmem>>, vector<16xf32>,
      %get3A_706 = arith.index_cast %add3A_176 : i32 to index
      %get3A_707 = arith.constant 704 : index
      %get3A_708 = tpu.vector_load %arg8[%get3A_706, %get3A_707] {strides = array<i32>} : memref<16x1024xf32, #tpu.memory_space<vmem>>, vector<16xf32>,
      %mul3A_709 = arith.mulf %get3A_708, %gather3A : vector<16xf32>
      %get3A_710 = arith.index_cast %add3A_176 : i32 to index
      %get3A_711 = arith.constant 704 : index
      %get3A_712 = tpu.vector_load %arg10[%get3A_710, %get3A_711] {strides = array<i32>} : memref<16x1024xf32, #tpu.memory_space<vmem>>, vector<16xf32>,
      %mul3A_713 = arith.mulf %get3A_712, %gather3A_179 : vector<16xf32>
      %add3A_714 = arith.addf %mul3A_709, %mul3A_713 : vector<16xf32>
      %swap3A_715 = arith.index_cast %add3A_176 : i32 to index
      %swap3A_716 = arith.constant 704 : index
      %swap3A_717 = tpu.vector_load %arg12[%swap3A_715, %swap3A_716] {strides = array<i32>} : memref<16x1024xf32, #tpu.memory_space<vmem>>, vector<16xf32>,
      tpu.vector_store %arg12[%swap3A_715, %swap3A_716], %add3A_714 {strides = array<i32>} : memref<16x1024xf32, #tpu.memory_space<vmem>>, vector<16xf32>,
      %get3A_718 = arith.index_cast %add3A_176 : i32 to index
      %get3A_719 = arith.constant 720 : index
      %get3A_720 = tpu.vector_load %arg8[%get3A_718, %get3A_719] {strides = array<i32>} : memref<16x1024xf32, #tpu.memory_space<vmem>>, vector<16xf32>,
      %mul3A_721 = arith.mulf %get3A_720, %gather3A : vector<16xf32>
      %get3A_722 = arith.index_cast %add3A_176 : i32 to index
      %get3A_723 = arith.constant 720 : index
      %get3A_724 = tpu.vector_load %arg10[%get3A_722, %get3A_723] {strides = array<i32>} : memref<16x1024xf32, #tpu.memory_space<vmem>>, vector<16xf32>,
      %mul3A_725 = arith.mulf %get3A_724, %gather3A_179 : vector<16xf32>
      %add3A_726 = arith.addf %mul3A_721, %mul3A_725 : vector<16xf32>
      %swap3A_727 = arith.index_cast %add3A_176 : i32 to index
      %swap3A_728 = arith.constant 720 : index
      %swap3A_729 = tpu.vector_load %arg12[%swap3A_727, %swap3A_728] {strides = array<i32>} : memref<16x1024xf32, #tpu.memory_space<vmem>>, vector<16xf32>,
      tpu.vector_store %arg12[%swap3A_727, %swap3A_728], %add3A_726 {strides = array<i32>} : memref<16x1024xf32, #tpu.memory_space<vmem>>, vector<16xf32>,
      %get3A_730 = arith.index_cast %add3A_176 : i32 to index
      %get3A_731 = arith.constant 736 : index
      %get3A_732 = tpu.vector_load %arg8[%get3A_730, %get3A_731] {strides = array<i32>} : memref<16x1024xf32, #tpu.memory_space<vmem>>, vector<16xf32>,
      %mul3A_733 = arith.mulf %get3A_732, %gather3A : vector<16xf32>
      %get3A_734 = arith.index_cast %add3A_176 : i32 to index
      %get3A_735 = arith.constant 736 : index
      %get3A_736 = tpu.vector_load %arg10[%get3A_734, %get3A_735] {strides = array<i32>} : memref<16x1024xf32, #tpu.memory_space<vmem>>, vector<16xf32>,
      %mul3A_737 = arith.mulf %get3A_736, %gather3A_179 : vector<16xf32>
      %add3A_738 = arith.addf %mul3A_733, %mul3A_737 : vector<16xf32>
      %swap3A_739 = arith.index_cast %add3A_176 : i32 to index
      %swap3A_740 = arith.constant 736 : index
      %swap3A_741 = tpu.vector_load %arg12[%swap3A_739, %swap3A_740] {strides = array<i32>} : memref<16x1024xf32, #tpu.memory_space<vmem>>, vector<16xf32>,
      tpu.vector_store %arg12[%swap3A_739, %swap3A_740], %add3A_738 {strides = array<i32>} : memref<16x1024xf32, #tpu.memory_space<vmem>>, vector<16xf32>,
      %get3A_742 = arith.index_cast %add3A_176 : i32 to index
      %get3A_743 = arith.constant 752 : index
      %get3A_744 = tpu.vector_load %arg8[%get3A_742, %get3A_743] {strides = array<i32>} : memref<16x1024xf32, #tpu.memory_space<vmem>>, vector<16xf32>,
      %mul3A_745 = arith.mulf %get3A_744, %gather3A : vector<16xf32>
      %get3A_746 = arith.index_cast %add3A_176 : i32 to index
      %get3A_747 = arith.constant 752 : index
      %get3A_748 = tpu.vector_load %arg10[%get3A_746, %get3A_747] {strides = array<i32>} : memref<16x1024xf32, #tpu.memory_space<vmem>>, vector<16xf32>,
      %mul3A_749 = arith.mulf %get3A_748, %gather3A_179 : vector<16xf32>
      %add3A_750 = arith.addf %mul3A_745, %mul3A_749 : vector<16xf32>
      %swap3A_751 = arith.index_cast %add3A_176 : i32 to index
      %swap3A_752 = arith.constant 752 : index
      %swap3A_753 = tpu.vector_load %arg12[%swap3A_751, %swap3A_752] {strides = array<i32>} : memref<16x1024xf32, #tpu.memory_space<vmem>>, vector<16xf32>,
      tpu.vector_store %arg12[%swap3A_751, %swap3A_752], %add3A_750 {strides = array<i32>} : memref<16x1024xf32, #tpu.memory_space<vmem>>, vector<16xf32>,
      %get3A_754 = arith.index_cast %add3A_176 : i32 to index
      %get3A_755 = arith.constant 768 : index
      %get3A_756 = tpu.vector_load %arg8[%get3A_754, %get3A_755] {strides = array<i32>} : memref<16x1024xf32, #tpu.memory_space<vmem>>, vector<16xf32>,
      %mul3A_757 = arith.mulf %get3A_756, %gather3A : vector<16xf32>
      %get3A_758 = arith.index_cast %add3A_176 : i32 to index
      %get3A_759 = arith.constant 768 : index
      %get3A_760 = tpu.vector_load %arg10[%get3A_758, %get3A_759] {strides = array<i32>} : memref<16x1024xf32, #tpu.memory_space<vmem>>, vector<16xf32>,
      %mul3A_761 = arith.mulf %get3A_760, %gather3A_179 : vector<16xf32>
      %add3A_762 = arith.addf %mul3A_757, %mul3A_761 : vector<16xf32>
      %swap3A_763 = arith.index_cast %add3A_176 : i32 to index
      %swap3A_764 = arith.constant 768 : index
      %swap3A_765 = tpu.vector_load %arg12[%swap3A_763, %swap3A_764] {strides = array<i32>} : memref<16x1024xf32, #tpu.memory_space<vmem>>, vector<16xf32>,
      tpu.vector_store %arg12[%swap3A_763, %swap3A_764], %add3A_762 {strides = array<i32>} : memref<16x1024xf32, #tpu.memory_space<vmem>>, vector<16xf32>,
      %get3A_766 = arith.index_cast %add3A_176 : i32 to index
      %get3A_767 = arith.constant 784 : index
      %get3A_768 = tpu.vector_load %arg8[%get3A_766, %get3A_767] {strides = array<i32>} : memref<16x1024xf32, #tpu.memory_space<vmem>>, vector<16xf32>,
      %mul3A_769 = arith.mulf %get3A_768, %gather3A : vector<16xf32>
      %get3A_770 = arith.index_cast %add3A_176 : i32 to index
      %get3A_771 = arith.constant 784 : index
      %get3A_772 = tpu.vector_load %arg10[%get3A_770, %get3A_771] {strides = array<i32>} : memref<16x1024xf32, #tpu.memory_space<vmem>>, vector<16xf32>,
      %mul3A_773 = arith.mulf %get3A_772, %gather3A_179 : vector<16xf32>
      %add3A_774 = arith.addf %mul3A_769, %mul3A_773 : vector<16xf32>
      %swap3A_775 = arith.index_cast %add3A_176 : i32 to index
      %swap3A_776 = arith.constant 784 : index
      %swap3A_777 = tpu.vector_load %arg12[%swap3A_775, %swap3A_776] {strides = array<i32>} : memref<16x1024xf32, #tpu.memory_space<vmem>>, vector<16xf32>,
      tpu.vector_store %arg12[%swap3A_775, %swap3A_776], %add3A_774 {strides = array<i32>} : memref<16x1024xf32, #tpu.memory_space<vmem>>, vector<16xf32>,
      %get3A_778 = arith.index_cast %add3A_176 : i32 to index
      %get3A_779 = arith.constant 800 : index
      %get3A_780 = tpu.vector_load %arg8[%get3A_778, %get3A_779] {strides = array<i32>} : memref<16x1024xf32, #tpu.memory_space<vmem>>, vector<16xf32>,
      %mul3A_781 = arith.mulf %get3A_780, %gather3A : vector<16xf32>
      %get3A_782 = arith.index_cast %add3A_176 : i32 to index
      %get3A_783 = arith.constant 800 : index
      %get3A_784 = tpu.vector_load %arg10[%get3A_782, %get3A_783] {strides = array<i32>} : memref<16x1024xf32, #tpu.memory_space<vmem>>, vector<16xf32>,
      %mul3A_785 = arith.mulf %get3A_784, %gather3A_179 : vector<16xf32>
      %add3A_786 = arith.addf %mul3A_781, %mul3A_785 : vector<16xf32>
      %swap3A_787 = arith.index_cast %add3A_176 : i32 to index
      %swap3A_788 = arith.constant 800 : index
      %swap3A_789 = tpu.vector_load %arg12[%swap3A_787, %swap3A_788] {strides = array<i32>} : memref<16x1024xf32, #tpu.memory_space<vmem>>, vector<16xf32>,
      tpu.vector_store %arg12[%swap3A_787, %swap3A_788], %add3A_786 {strides = array<i32>} : memref<16x1024xf32, #tpu.memory_space<vmem>>, vector<16xf32>,
      %get3A_790 = arith.index_cast %add3A_176 : i32 to index
      %get3A_791 = arith.constant 816 : index
      %get3A_792 = tpu.vector_load %arg8[%get3A_790, %get3A_791] {strides = array<i32>} : memref<16x1024xf32, #tpu.memory_space<vmem>>, vector<16xf32>,
      %mul3A_793 = arith.mulf %get3A_792, %gather3A : vector<16xf32>
      %get3A_794 = arith.index_cast %add3A_176 : i32 to index
      %get3A_795 = arith.constant 816 : index
      %get3A_796 = tpu.vector_load %arg10[%get3A_794, %get3A_795] {strides = array<i32>} : memref<16x1024xf32, #tpu.memory_space<vmem>>, vector<16xf32>,
      %mul3A_797 = arith.mulf %get3A_796, %gather3A_179 : vector<16xf32>
      %add3A_798 = arith.addf %mul3A_793, %mul3A_797 : vector<16xf32>
      %swap3A_799 = arith.index_cast %add3A_176 : i32 to index
      %swap3A_800 = arith.constant 816 : index
      %swap3A_801 = tpu.vector_load %arg12[%swap3A_799, %swap3A_800] {strides = array<i32>} : memref<16x1024xf32, #tpu.memory_space<vmem>>, vector<16xf32>,
      tpu.vector_store %arg12[%swap3A_799, %swap3A_800], %add3A_798 {strides = array<i32>} : memref<16x1024xf32, #tpu.memory_space<vmem>>, vector<16xf32>,
      %get3A_802 = arith.index_cast %add3A_176 : i32 to index
      %get3A_803 = arith.constant 832 : index
      %get3A_804 = tpu.vector_load %arg8[%get3A_802, %get3A_803] {strides = array<i32>} : memref<16x1024xf32, #tpu.memory_space<vmem>>, vector<16xf32>,
      %mul3A_805 = arith.mulf %get3A_804, %gather3A : vector<16xf32>
      %get3A_806 = arith.index_cast %add3A_176 : i32 to index
      %get3A_807 = arith.constant 832 : index
      %get3A_808 = tpu.vector_load %arg10[%get3A_806, %get3A_807] {strides = array<i32>} : memref<16x1024xf32, #tpu.memory_space<vmem>>, vector<16xf32>,
      %mul3A_809 = arith.mulf %get3A_808, %gather3A_179 : vector<16xf32>
      %add3A_810 = arith.addf %mul3A_805, %mul3A_809 : vector<16xf32>
      %swap3A_811 = arith.index_cast %add3A_176 : i32 to index
      %swap3A_812 = arith.constant 832 : index
      %swap3A_813 = tpu.vector_load %arg12[%swap3A_811, %swap3A_812] {strides = array<i32>} : memref<16x1024xf32, #tpu.memory_space<vmem>>, vector<16xf32>,
      tpu.vector_store %arg12[%swap3A_811, %swap3A_812], %add3A_810 {strides = array<i32>} : memref<16x1024xf32, #tpu.memory_space<vmem>>, vector<16xf32>,
      %get3A_814 = arith.index_cast %add3A_176 : i32 to index
      %get3A_815 = arith.constant 848 : index
      %get3A_816 = tpu.vector_load %arg8[%get3A_814, %get3A_815] {strides = array<i32>} : memref<16x1024xf32, #tpu.memory_space<vmem>>, vector<16xf32>,
      %mul3A_817 = arith.mulf %get3A_816, %gather3A : vector<16xf32>
      %get3A_818 = arith.index_cast %add3A_176 : i32 to index
      %get3A_819 = arith.constant 848 : index
      %get3A_820 = tpu.vector_load %arg10[%get3A_818, %get3A_819] {strides = array<i32>} : memref<16x1024xf32, #tpu.memory_space<vmem>>, vector<16xf32>,
      %mul3A_821 = arith.mulf %get3A_820, %gather3A_179 : vector<16xf32>
      %add3A_822 = arith.addf %mul3A_817, %mul3A_821 : vector<16xf32>
      %swap3A_823 = arith.index_cast %add3A_176 : i32 to index
      %swap3A_824 = arith.constant 848 : index
      %swap3A_825 = tpu.vector_load %arg12[%swap3A_823, %swap3A_824] {strides = array<i32>} : memref<16x1024xf32, #tpu.memory_space<vmem>>, vector<16xf32>,
      tpu.vector_store %arg12[%swap3A_823, %swap3A_824], %add3A_822 {strides = array<i32>} : memref<16x1024xf32, #tpu.memory_space<vmem>>, vector<16xf32>,
      %get3A_826 = arith.index_cast %add3A_176 : i32 to index
      %get3A_827 = arith.constant 864 : index
      %get3A_828 = tpu.vector_load %arg8[%get3A_826, %get3A_827] {strides = array<i32>} : memref<16x1024xf32, #tpu.memory_space<vmem>>, vector<16xf32>,
      %mul3A_829 = arith.mulf %get3A_828, %gather3A : vector<16xf32>
      %get3A_830 = arith.index_cast %add3A_176 : i32 to index
      %get3A_831 = arith.constant 864 : index
      %get3A_832 = tpu.vector_load %arg10[%get3A_830, %get3A_831] {strides = array<i32>} : memref<16x1024xf32, #tpu.memory_space<vmem>>, vector<16xf32>,
      %mul3A_833 = arith.mulf %get3A_832, %gather3A_179 : vector<16xf32>
      %add3A_834 = arith.addf %mul3A_829, %mul3A_833 : vector<16xf32>
      %swap3A_835 = arith.index_cast %add3A_176 : i32 to index
      %swap3A_836 = arith.constant 864 : index
      %swap3A_837 = tpu.vector_load %arg12[%swap3A_835, %swap3A_836] {strides = array<i32>} : memref<16x1024xf32, #tpu.memory_space<vmem>>, vector<16xf32>,
      tpu.vector_store %arg12[%swap3A_835, %swap3A_836], %add3A_834 {strides = array<i32>} : memref<16x1024xf32, #tpu.memory_space<vmem>>, vector<16xf32>,
      %get3A_838 = arith.index_cast %add3A_176 : i32 to index
      %get3A_839 = arith.constant 880 : index
      %get3A_840 = tpu.vector_load %arg8[%get3A_838, %get3A_839] {strides = array<i32>} : memref<16x1024xf32, #tpu.memory_space<vmem>>, vector<16xf32>,
      %mul3A_841 = arith.mulf %get3A_840, %gather3A : vector<16xf32>
      %get3A_842 = arith.index_cast %add3A_176 : i32 to index
      %get3A_843 = arith.constant 880 : index
      %get3A_844 = tpu.vector_load %arg10[%get3A_842, %get3A_843] {strides = array<i32>} : memref<16x1024xf32, #tpu.memory_space<vmem>>, vector<16xf32>,
      %mul3A_845 = arith.mulf %get3A_844, %gather3A_179 : vector<16xf32>
      %add3A_846 = arith.addf %mul3A_841, %mul3A_845 : vector<16xf32>
      %swap3A_847 = arith.index_cast %add3A_176 : i32 to index
      %swap3A_848 = arith.constant 880 : index
      %swap3A_849 = tpu.vector_load %arg12[%swap3A_847, %swap3A_848] {strides = array<i32>} : memref<16x1024xf32, #tpu.memory_space<vmem>>, vector<16xf32>,
      tpu.vector_store %arg12[%swap3A_847, %swap3A_848], %add3A_846 {strides = array<i32>} : memref<16x1024xf32, #tpu.memory_space<vmem>>, vector<16xf32>,
      %get3A_850 = arith.index_cast %add3A_176 : i32 to index
      %get3A_851 = arith.constant 896 : index
      %get3A_852 = tpu.vector_load %arg8[%get3A_850, %get3A_851] {strides = array<i32>} : memref<16x1024xf32, #tpu.memory_space<vmem>>, vector<16xf32>,
      %mul3A_853 = arith.mulf %get3A_852, %gather3A : vector<16xf32>
      %get3A_854 = arith.index_cast %add3A_176 : i32 to index
      %get3A_855 = arith.constant 896 : index
      %get3A_856 = tpu.vector_load %arg10[%get3A_854, %get3A_855] {strides = array<i32>} : memref<16x1024xf32, #tpu.memory_space<vmem>>, vector<16xf32>,
      %mul3A_857 = arith.mulf %get3A_856, %gather3A_179 : vector<16xf32>
      %add3A_858 = arith.addf %mul3A_853, %mul3A_857 : vector<16xf32>
      %swap3A_859 = arith.index_cast %add3A_176 : i32 to index
      %swap3A_860 = arith.constant 896 : index
      %swap3A_861 = tpu.vector_load %arg12[%swap3A_859, %swap3A_860] {strides = array<i32>} : memref<16x1024xf32, #tpu.memory_space<vmem>>, vector<16xf32>,
      tpu.vector_store %arg12[%swap3A_859, %swap3A_860], %add3A_858 {strides = array<i32>} : memref<16x1024xf32, #tpu.memory_space<vmem>>, vector<16xf32>,
      %get3A_862 = arith.index_cast %add3A_176 : i32 to index
      %get3A_863 = arith.constant 912 : index
      %get3A_864 = tpu.vector_load %arg8[%get3A_862, %get3A_863] {strides = array<i32>} : memref<16x1024xf32, #tpu.memory_space<vmem>>, vector<16xf32>,
      %mul3A_865 = arith.mulf %get3A_864, %gather3A : vector<16xf32>
      %get3A_866 = arith.index_cast %add3A_176 : i32 to index
      %get3A_867 = arith.constant 912 : index
      %get3A_868 = tpu.vector_load %arg10[%get3A_866, %get3A_867] {strides = array<i32>} : memref<16x1024xf32, #tpu.memory_space<vmem>>, vector<16xf32>,
      %mul3A_869 = arith.mulf %get3A_868, %gather3A_179 : vector<16xf32>
      %add3A_870 = arith.addf %mul3A_865, %mul3A_869 : vector<16xf32>
      %swap3A_871 = arith.index_cast %add3A_176 : i32 to index
      %swap3A_872 = arith.constant 912 : index
      %swap3A_873 = tpu.vector_load %arg12[%swap3A_871, %swap3A_872] {strides = array<i32>} : memref<16x1024xf32, #tpu.memory_space<vmem>>, vector<16xf32>,
      tpu.vector_store %arg12[%swap3A_871, %swap3A_872], %add3A_870 {strides = array<i32>} : memref<16x1024xf32, #tpu.memory_space<vmem>>, vector<16xf32>,
      %get3A_874 = arith.index_cast %add3A_176 : i32 to index
      %get3A_875 = arith.constant 928 : index
      %get3A_876 = tpu.vector_load %arg8[%get3A_874, %get3A_875] {strides = array<i32>} : memref<16x1024xf32, #tpu.memory_space<vmem>>, vector<16xf32>,
      %mul3A_877 = arith.mulf %get3A_876, %gather3A : vector<16xf32>
      %get3A_878 = arith.index_cast %add3A_176 : i32 to index
      %get3A_879 = arith.constant 928 : index
      %get3A_880 = tpu.vector_load %arg10[%get3A_878, %get3A_879] {strides = array<i32>} : memref<16x1024xf32, #tpu.memory_space<vmem>>, vector<16xf32>,
      %mul3A_881 = arith.mulf %get3A_880, %gather3A_179 : vector<16xf32>
      %add3A_882 = arith.addf %mul3A_877, %mul3A_881 : vector<16xf32>
      %swap3A_883 = arith.index_cast %add3A_176 : i32 to index
      %swap3A_884 = arith.constant 928 : index
      %swap3A_885 = tpu.vector_load %arg12[%swap3A_883, %swap3A_884] {strides = array<i32>} : memref<16x1024xf32, #tpu.memory_space<vmem>>, vector<16xf32>,
      tpu.vector_store %arg12[%swap3A_883, %swap3A_884], %add3A_882 {strides = array<i32>} : memref<16x1024xf32, #tpu.memory_space<vmem>>, vector<16xf32>,
      %get3A_886 = arith.index_cast %add3A_176 : i32 to index
      %get3A_887 = arith.constant 944 : index
      %get3A_888 = tpu.vector_load %arg8[%get3A_886, %get3A_887] {strides = array<i32>} : memref<16x1024xf32, #tpu.memory_space<vmem>>, vector<16xf32>,
      %mul3A_889 = arith.mulf %get3A_888, %gather3A : vector<16xf32>
      %get3A_890 = arith.index_cast %add3A_176 : i32 to index
      %get3A_891 = arith.constant 944 : index
      %get3A_892 = tpu.vector_load %arg10[%get3A_890, %get3A_891] {strides = array<i32>} : memref<16x1024xf32, #tpu.memory_space<vmem>>, vector<16xf32>,
      %mul3A_893 = arith.mulf %get3A_892, %gather3A_179 : vector<16xf32>
      %add3A_894 = arith.addf %mul3A_889, %mul3A_893 : vector<16xf32>
      %swap3A_895 = arith.index_cast %add3A_176 : i32 to index
      %swap3A_896 = arith.constant 944 : index
      %swap3A_897 = tpu.vector_load %arg12[%swap3A_895, %swap3A_896] {strides = array<i32>} : memref<16x1024xf32, #tpu.memory_space<vmem>>, vector<16xf32>,
      tpu.vector_store %arg12[%swap3A_895, %swap3A_896], %add3A_894 {strides = array<i32>} : memref<16x1024xf32, #tpu.memory_space<vmem>>, vector<16xf32>,
      %get3A_898 = arith.index_cast %add3A_176 : i32 to index
      %get3A_899 = arith.constant 960 : index
      %get3A_900 = tpu.vector_load %arg8[%get3A_898, %get3A_899] {strides = array<i32>} : memref<16x1024xf32, #tpu.memory_space<vmem>>, vector<16xf32>,
      %mul3A_901 = arith.mulf %get3A_900, %gather3A : vector<16xf32>
      %get3A_902 = arith.index_cast %add3A_176 : i32 to index
      %get3A_903 = arith.constant 960 : index
      %get3A_904 = tpu.vector_load %arg10[%get3A_902, %get3A_903] {strides = array<i32>} : memref<16x1024xf32, #tpu.memory_space<vmem>>, vector<16xf32>,
      %mul3A_905 = arith.mulf %get3A_904, %gather3A_179 : vector<16xf32>
      %add3A_906 = arith.addf %mul3A_901, %mul3A_905 : vector<16xf32>
      %swap3A_907 = arith.index_cast %add3A_176 : i32 to index
      %swap3A_908 = arith.constant 960 : index
      %swap3A_909 = tpu.vector_load %arg12[%swap3A_907, %swap3A_908] {strides = array<i32>} : memref<16x1024xf32, #tpu.memory_space<vmem>>, vector<16xf32>,
      tpu.vector_store %arg12[%swap3A_907, %swap3A_908], %add3A_906 {strides = array<i32>} : memref<16x1024xf32, #tpu.memory_space<vmem>>, vector<16xf32>,
      %get3A_910 = arith.index_cast %add3A_176 : i32 to index
      %get3A_911 = arith.constant 976 : index
      %get3A_912 = tpu.vector_load %arg8[%get3A_910, %get3A_911] {strides = array<i32>} : memref<16x1024xf32, #tpu.memory_space<vmem>>, vector<16xf32>,
      %mul3A_913 = arith.mulf %get3A_912, %gather3A : vector<16xf32>
      %get3A_914 = arith.index_cast %add3A_176 : i32 to index
      %get3A_915 = arith.constant 976 : index
      %get3A_916 = tpu.vector_load %arg10[%get3A_914, %get3A_915] {strides = array<i32>} : memref<16x1024xf32, #tpu.memory_space<vmem>>, vector<16xf32>,
      %mul3A_917 = arith.mulf %get3A_916, %gather3A_179 : vector<16xf32>
      %add3A_918 = arith.addf %mul3A_913, %mul3A_917 : vector<16xf32>
      %swap3A_919 = arith.index_cast %add3A_176 : i32 to index
      %swap3A_920 = arith.constant 976 : index
      %swap3A_921 = tpu.vector_load %arg12[%swap3A_919, %swap3A_920] {strides = array<i32>} : memref<16x1024xf32, #tpu.memory_space<vmem>>, vector<16xf32>,
      tpu.vector_store %arg12[%swap3A_919, %swap3A_920], %add3A_918 {strides = array<i32>} : memref<16x1024xf32, #tpu.memory_space<vmem>>, vector<16xf32>,
      %get3A_922 = arith.index_cast %add3A_176 : i32 to index
      %get3A_923 = arith.constant 992 : index
      %get3A_924 = tpu.vector_load %arg8[%get3A_922, %get3A_923] {strides = array<i32>} : memref<16x1024xf32, #tpu.memory_space<vmem>>, vector<16xf32>,
      %mul3A_925 = arith.mulf %get3A_924, %gather3A : vector<16xf32>
      %get3A_926 = arith.index_cast %add3A_176 : i32 to index
      %get3A_927 = arith.constant 992 : index
      %get3A_928 = tpu.vector_load %arg10[%get3A_926, %get3A_927] {strides = array<i32>} : memref<16x1024xf32, #tpu.memory_space<vmem>>, vector<16xf32>,
      %mul3A_929 = arith.mulf %get3A_928, %gather3A_179 : vector<16xf32>
      %add3A_930 = arith.addf %mul3A_925, %mul3A_929 : vector<16xf32>
      %swap3A_931 = arith.index_cast %add3A_176 : i32 to index
      %swap3A_932 = arith.constant 992 : index
      %swap3A_933 = tpu.vector_load %arg12[%swap3A_931, %swap3A_932] {strides = array<i32>} : memref<16x1024xf32, #tpu.memory_space<vmem>>, vector<16xf32>,
      tpu.vector_store %arg12[%swap3A_931, %swap3A_932], %add3A_930 {strides = array<i32>} : memref<16x1024xf32, #tpu.memory_space<vmem>>, vector<16xf32>,
      %get3A_934 = arith.index_cast %add3A_176 : i32 to index
      %get3A_935 = arith.constant 1008 : index
      %get3A_936 = tpu.vector_load %arg8[%get3A_934, %get3A_935] {strides = array<i32>} : memref<16x1024xf32, #tpu.memory_space<vmem>>, vector<16xf32>,
      %mul3A_937 = arith.mulf %get3A_936, %gather3A : vector<16xf32>
      %get3A_938 = arith.index_cast %add3A_176 : i32 to index
      %get3A_939 = arith.constant 1008 : index
      %get3A_940 = tpu.vector_load %arg10[%get3A_938, %get3A_939] {strides = array<i32>} : memref<16x1024xf32, #tpu.memory_space<vmem>>, vector<16xf32>,
      %mul3A_941 = arith.mulf %get3A_940, %gather3A_179 : vector<16xf32>
      %add3A_942 = arith.addf %mul3A_937, %mul3A_941 : vector<16xf32>
      %swap3A_943 = arith.index_cast %add3A_176 : i32 to index
      %swap3A_944 = arith.constant 1008 : index
      %swap3A_945 = tpu.vector_load %arg12[%swap3A_943, %swap3A_944] {strides = array<i32>} : memref<16x1024xf32, #tpu.memory_space<vmem>>, vector<16xf32>,
      tpu.vector_store %arg12[%swap3A_943, %swap3A_944], %add3A_942 {strides = array<i32>} : memref<16x1024xf32, #tpu.memory_space<vmem>>, vector<16xf32>,
    }
    %scan3A_128 = arith.constant 16 : i32
    %add3A_129 = arith.constant 32 : i32
    %add3A_130 = arith.addi %mul3A_2, %add3A_129 : i32
    %dma_start3A_131 = arith.constant 0 : i32
    %dma_start3A_132 = tpu.memref_slice %arg7[%add3A_130, %dma_start3A_131] : memref<2048x1024xf32, #tpu.memory_space<hbm>> -> memref<16x1024xf32, #tpu.memory_space<hbm>>
    %dma_start3A_133 = arith.constant 0 : i32
    %dma_start3A_134 = tpu.memref_slice %arg7[%add3A_130, %dma_start3A_133] : memref<2048x1024xf32, #tpu.memory_space<hbm>> -> memref<16x1024xf32, #tpu.memory_space<hbm>>
    tpu.enqueue_dma source(%arg12 : memref<16x1024xf32, #tpu.memory_space<vmem>>) target(%dma_start3A_134 : memref<16x1024xf32, #tpu.memory_space<hbm>>) target_semaphore(%arg22 : memref<!tpu.dma_semaphore, #tpu.memory_space<semaphore_mem>>)
    %dma_wait3A_135 = arith.constant 3 : i32
    %dma_wait3A_136 = arith.constant 0 : i32
    %dma_wait3A_137 = tpu.memref_slice %arg14[%dma_wait3A_135, %dma_wait3A_136] : memref<4x16xi32, #tpu.memory_space<vmem>> -> memref<1x16xi32, #tpu.memory_space<vmem>>
    %dma_wait3A_138 = tpu.memref_squeeze %dma_wait3A_137 : memref<1x16xi32, #tpu.memory_space<vmem>> -> memref<16xi32, #tpu.memory_space<vmem>>
    %dma_wait3A_139 = arith.constant 0 : i32
    %dma_wait3A_140 = arith.constant 0 : i32
    %dma_wait3A_141 = tpu.memref_slice %arg2[%dma_wait3A_139, %dma_wait3A_140] : memref<8192x1024xf32, #tpu.memory_space<hbm>> -> memref<8192x1024xf32, #tpu.memory_space<hbm>>
    tpu.wait_indirect_dma semaphore(%arg19 : memref<!tpu.dma_semaphore, #tpu.memory_space<semaphore_mem>>) src(%dma_wait3A_141 : memref<8192x1024xf32, #tpu.memory_space<hbm>>) dst(%arg9 : memref<16x1024xf32, #tpu.memory_space<vmem>>)
    %dma_wait3A_142 = arith.constant 3 : i32
    %dma_wait3A_143 = arith.constant 0 : i32
    %dma_wait3A_144 = tpu.memref_slice %arg15[%dma_wait3A_142, %dma_wait3A_143] : memref<4x16xi32, #tpu.memory_space<vmem>> -> memref<1x16xi32, #tpu.memory_space<vmem>>
    %dma_wait3A_145 = tpu.memref_squeeze %dma_wait3A_144 : memref<1x16xi32, #tpu.memory_space<vmem>> -> memref<16xi32, #tpu.memory_space<vmem>>
    %dma_wait3A_146 = arith.constant 0 : i32
    %dma_wait3A_147 = arith.constant 0 : i32
    %dma_wait3A_148 = tpu.memref_slice %arg2[%dma_wait3A_146, %dma_wait3A_147] : memref<8192x1024xf32, #tpu.memory_space<hbm>> -> memref<8192x1024xf32, #tpu.memory_space<hbm>>
    tpu.wait_indirect_dma semaphore(%arg21 : memref<!tpu.dma_semaphore, #tpu.memory_space<semaphore_mem>>) src(%dma_wait3A_148 : memref<8192x1024xf32, #tpu.memory_space<hbm>>) dst(%arg11 : memref<16x1024xf32, #tpu.memory_space<vmem>>)
    %dma_wait3A_149 = arith.constant 0 : i32
    %dma_wait3A_150 = tpu.memref_slice %arg7[%add3A_87, %dma_wait3A_149] : memref<2048x1024xf32, #tpu.memory_space<hbm>> -> memref<16x1024xf32, #tpu.memory_space<hbm>>
    %dma_wait3A_151 = arith.constant 0 : i32
    %dma_wait3A_152 = tpu.memref_slice %arg7[%add3A_87, %dma_wait3A_151] : memref<2048x1024xf32, #tpu.memory_space<hbm>> -> memref<16x1024xf32, #tpu.memory_space<hbm>>
    tpu.wait_dma2 semaphore(%arg23 : memref<!tpu.dma_semaphore, #tpu.memory_space<semaphore_mem>>) src(%arg13 : memref<16x1024xf32, #tpu.memory_space<vmem>>) dst(%dma_wait3A_152 : memref<16x1024xf32, #tpu.memory_space<hbm>>)
    %scan3A_153 = arith.constant 0 : i32
    %scan3A_154 = arith.constant 16 : i32
    %scan3A_155 = arith.addi %scan3A_153, %scan3A_154 : i32
    %scan3A_156 = arith.constant 1 : i32
    scf.for %scan3A_172 = %scan3A_153 to %scan3A_155 step %scan3A_156  : i32 {
      %mul3A_173 = arith.constant 1 : i32
      %mul3A_174 = arith.muli %scan3A_172, %mul3A_173 : i32
      %add3A_175 = arith.constant 0 : i32
      %add3A_176 = arith.addi %add3A_175, %mul3A_174 : i32
      %add3A_177 = arith.constant 48 : i32
      %add3A_178 = arith.addi %add3A_177, %add3A_176 : i32
      %broadcast_in_dim3A = vector.broadcast %add3A_178 : i32 to vector<16xi32>
      %gather3A = tpu.vector_load_idx %arg16[%broadcast_in_dim3A] : memref<64xf32, #tpu.memory_space<vmem>>[vector<16xi32>], vector<16xf32>,
      %gather3A_179 = tpu.vector_load_idx %arg17[%broadcast_in_dim3A] : memref<64xf32, #tpu.memory_space<vmem>>[vector<16xi32>], vector<16xf32>,
      %get3A = arith.index_cast %add3A_176 : i32 to index
      %get3A_180 = arith.constant 0 : index
      %get3A_181 = tpu.vector_load %arg9[%get3A, %get3A_180] {strides = array<i32>} : memref<16x1024xf32, #tpu.memory_space<vmem>>, vector<16xf32>,
      %mul3A_182 = arith.mulf %get3A_181, %gather3A : vector<16xf32>
      %get3A_183 = arith.index_cast %add3A_176 : i32 to index
      %get3A_184 = arith.constant 0 : index
      %get3A_185 = tpu.vector_load %arg11[%get3A_183, %get3A_184] {strides = array<i32>} : memref<16x1024xf32, #tpu.memory_space<vmem>>, vector<16xf32>,
      %mul3A_186 = arith.mulf %get3A_185, %gather3A_179 : vector<16xf32>
      %add3A_187 = arith.addf %mul3A_182, %mul3A_186 : vector<16xf32>
      %swap3A = arith.index_cast %add3A_176 : i32 to index
      %swap3A_188 = arith.constant 0 : index
      %swap3A_189 = tpu.vector_load %arg13[%swap3A, %swap3A_188] {strides = array<i32>} : memref<16x1024xf32, #tpu.memory_space<vmem>>, vector<16xf32>,
      tpu.vector_store %arg13[%swap3A, %swap3A_188], %add3A_187 {strides = array<i32>} : memref<16x1024xf32, #tpu.memory_space<vmem>>, vector<16xf32>,
      %get3A_190 = arith.index_cast %add3A_176 : i32 to index
      %get3A_191 = arith.constant 16 : index
      %get3A_192 = tpu.vector_load %arg9[%get3A_190, %get3A_191] {strides = array<i32>} : memref<16x1024xf32, #tpu.memory_space<vmem>>, vector<16xf32>,
      %mul3A_193 = arith.mulf %get3A_192, %gather3A : vector<16xf32>
      %get3A_194 = arith.index_cast %add3A_176 : i32 to index
      %get3A_195 = arith.constant 16 : index
      %get3A_196 = tpu.vector_load %arg11[%get3A_194, %get3A_195] {strides = array<i32>} : memref<16x1024xf32, #tpu.memory_space<vmem>>, vector<16xf32>,
      %mul3A_197 = arith.mulf %get3A_196, %gather3A_179 : vector<16xf32>
      %add3A_198 = arith.addf %mul3A_193, %mul3A_197 : vector<16xf32>
      %swap3A_199 = arith.index_cast %add3A_176 : i32 to index
      %swap3A_200 = arith.constant 16 : index
      %swap3A_201 = tpu.vector_load %arg13[%swap3A_199, %swap3A_200] {strides = array<i32>} : memref<16x1024xf32, #tpu.memory_space<vmem>>, vector<16xf32>,
      tpu.vector_store %arg13[%swap3A_199, %swap3A_200], %add3A_198 {strides = array<i32>} : memref<16x1024xf32, #tpu.memory_space<vmem>>, vector<16xf32>,
      %get3A_202 = arith.index_cast %add3A_176 : i32 to index
      %get3A_203 = arith.constant 32 : index
      %get3A_204 = tpu.vector_load %arg9[%get3A_202, %get3A_203] {strides = array<i32>} : memref<16x1024xf32, #tpu.memory_space<vmem>>, vector<16xf32>,
      %mul3A_205 = arith.mulf %get3A_204, %gather3A : vector<16xf32>
      %get3A_206 = arith.index_cast %add3A_176 : i32 to index
      %get3A_207 = arith.constant 32 : index
      %get3A_208 = tpu.vector_load %arg11[%get3A_206, %get3A_207] {strides = array<i32>} : memref<16x1024xf32, #tpu.memory_space<vmem>>, vector<16xf32>,
      %mul3A_209 = arith.mulf %get3A_208, %gather3A_179 : vector<16xf32>
      %add3A_210 = arith.addf %mul3A_205, %mul3A_209 : vector<16xf32>
      %swap3A_211 = arith.index_cast %add3A_176 : i32 to index
      %swap3A_212 = arith.constant 32 : index
      %swap3A_213 = tpu.vector_load %arg13[%swap3A_211, %swap3A_212] {strides = array<i32>} : memref<16x1024xf32, #tpu.memory_space<vmem>>, vector<16xf32>,
      tpu.vector_store %arg13[%swap3A_211, %swap3A_212], %add3A_210 {strides = array<i32>} : memref<16x1024xf32, #tpu.memory_space<vmem>>, vector<16xf32>,
      %get3A_214 = arith.index_cast %add3A_176 : i32 to index
      %get3A_215 = arith.constant 48 : index
      %get3A_216 = tpu.vector_load %arg9[%get3A_214, %get3A_215] {strides = array<i32>} : memref<16x1024xf32, #tpu.memory_space<vmem>>, vector<16xf32>,
      %mul3A_217 = arith.mulf %get3A_216, %gather3A : vector<16xf32>
      %get3A_218 = arith.index_cast %add3A_176 : i32 to index
      %get3A_219 = arith.constant 48 : index
      %get3A_220 = tpu.vector_load %arg11[%get3A_218, %get3A_219] {strides = array<i32>} : memref<16x1024xf32, #tpu.memory_space<vmem>>, vector<16xf32>,
      %mul3A_221 = arith.mulf %get3A_220, %gather3A_179 : vector<16xf32>
      %add3A_222 = arith.addf %mul3A_217, %mul3A_221 : vector<16xf32>
      %swap3A_223 = arith.index_cast %add3A_176 : i32 to index
      %swap3A_224 = arith.constant 48 : index
      %swap3A_225 = tpu.vector_load %arg13[%swap3A_223, %swap3A_224] {strides = array<i32>} : memref<16x1024xf32, #tpu.memory_space<vmem>>, vector<16xf32>,
      tpu.vector_store %arg13[%swap3A_223, %swap3A_224], %add3A_222 {strides = array<i32>} : memref<16x1024xf32, #tpu.memory_space<vmem>>, vector<16xf32>,
      %get3A_226 = arith.index_cast %add3A_176 : i32 to index
      %get3A_227 = arith.constant 64 : index
      %get3A_228 = tpu.vector_load %arg9[%get3A_226, %get3A_227] {strides = array<i32>} : memref<16x1024xf32, #tpu.memory_space<vmem>>, vector<16xf32>,
      %mul3A_229 = arith.mulf %get3A_228, %gather3A : vector<16xf32>
      %get3A_230 = arith.index_cast %add3A_176 : i32 to index
      %get3A_231 = arith.constant 64 : index
      %get3A_232 = tpu.vector_load %arg11[%get3A_230, %get3A_231] {strides = array<i32>} : memref<16x1024xf32, #tpu.memory_space<vmem>>, vector<16xf32>,
      %mul3A_233 = arith.mulf %get3A_232, %gather3A_179 : vector<16xf32>
      %add3A_234 = arith.addf %mul3A_229, %mul3A_233 : vector<16xf32>
      %swap3A_235 = arith.index_cast %add3A_176 : i32 to index
      %swap3A_236 = arith.constant 64 : index
      %swap3A_237 = tpu.vector_load %arg13[%swap3A_235, %swap3A_236] {strides = array<i32>} : memref<16x1024xf32, #tpu.memory_space<vmem>>, vector<16xf32>,
      tpu.vector_store %arg13[%swap3A_235, %swap3A_236], %add3A_234 {strides = array<i32>} : memref<16x1024xf32, #tpu.memory_space<vmem>>, vector<16xf32>,
      %get3A_238 = arith.index_cast %add3A_176 : i32 to index
      %get3A_239 = arith.constant 80 : index
      %get3A_240 = tpu.vector_load %arg9[%get3A_238, %get3A_239] {strides = array<i32>} : memref<16x1024xf32, #tpu.memory_space<vmem>>, vector<16xf32>,
      %mul3A_241 = arith.mulf %get3A_240, %gather3A : vector<16xf32>
      %get3A_242 = arith.index_cast %add3A_176 : i32 to index
      %get3A_243 = arith.constant 80 : index
      %get3A_244 = tpu.vector_load %arg11[%get3A_242, %get3A_243] {strides = array<i32>} : memref<16x1024xf32, #tpu.memory_space<vmem>>, vector<16xf32>,
      %mul3A_245 = arith.mulf %get3A_244, %gather3A_179 : vector<16xf32>
      %add3A_246 = arith.addf %mul3A_241, %mul3A_245 : vector<16xf32>
      %swap3A_247 = arith.index_cast %add3A_176 : i32 to index
      %swap3A_248 = arith.constant 80 : index
      %swap3A_249 = tpu.vector_load %arg13[%swap3A_247, %swap3A_248] {strides = array<i32>} : memref<16x1024xf32, #tpu.memory_space<vmem>>, vector<16xf32>,
      tpu.vector_store %arg13[%swap3A_247, %swap3A_248], %add3A_246 {strides = array<i32>} : memref<16x1024xf32, #tpu.memory_space<vmem>>, vector<16xf32>,
      %get3A_250 = arith.index_cast %add3A_176 : i32 to index
      %get3A_251 = arith.constant 96 : index
      %get3A_252 = tpu.vector_load %arg9[%get3A_250, %get3A_251] {strides = array<i32>} : memref<16x1024xf32, #tpu.memory_space<vmem>>, vector<16xf32>,
      %mul3A_253 = arith.mulf %get3A_252, %gather3A : vector<16xf32>
      %get3A_254 = arith.index_cast %add3A_176 : i32 to index
      %get3A_255 = arith.constant 96 : index
      %get3A_256 = tpu.vector_load %arg11[%get3A_254, %get3A_255] {strides = array<i32>} : memref<16x1024xf32, #tpu.memory_space<vmem>>, vector<16xf32>,
      %mul3A_257 = arith.mulf %get3A_256, %gather3A_179 : vector<16xf32>
      %add3A_258 = arith.addf %mul3A_253, %mul3A_257 : vector<16xf32>
      %swap3A_259 = arith.index_cast %add3A_176 : i32 to index
      %swap3A_260 = arith.constant 96 : index
      %swap3A_261 = tpu.vector_load %arg13[%swap3A_259, %swap3A_260] {strides = array<i32>} : memref<16x1024xf32, #tpu.memory_space<vmem>>, vector<16xf32>,
      tpu.vector_store %arg13[%swap3A_259, %swap3A_260], %add3A_258 {strides = array<i32>} : memref<16x1024xf32, #tpu.memory_space<vmem>>, vector<16xf32>,
      %get3A_262 = arith.index_cast %add3A_176 : i32 to index
      %get3A_263 = arith.constant 112 : index
      %get3A_264 = tpu.vector_load %arg9[%get3A_262, %get3A_263] {strides = array<i32>} : memref<16x1024xf32, #tpu.memory_space<vmem>>, vector<16xf32>,
      %mul3A_265 = arith.mulf %get3A_264, %gather3A : vector<16xf32>
      %get3A_266 = arith.index_cast %add3A_176 : i32 to index
      %get3A_267 = arith.constant 112 : index
      %get3A_268 = tpu.vector_load %arg11[%get3A_266, %get3A_267] {strides = array<i32>} : memref<16x1024xf32, #tpu.memory_space<vmem>>, vector<16xf32>,
      %mul3A_269 = arith.mulf %get3A_268, %gather3A_179 : vector<16xf32>
      %add3A_270 = arith.addf %mul3A_265, %mul3A_269 : vector<16xf32>
      %swap3A_271 = arith.index_cast %add3A_176 : i32 to index
      %swap3A_272 = arith.constant 112 : index
      %swap3A_273 = tpu.vector_load %arg13[%swap3A_271, %swap3A_272] {strides = array<i32>} : memref<16x1024xf32, #tpu.memory_space<vmem>>, vector<16xf32>,
      tpu.vector_store %arg13[%swap3A_271, %swap3A_272], %add3A_270 {strides = array<i32>} : memref<16x1024xf32, #tpu.memory_space<vmem>>, vector<16xf32>,
      %get3A_274 = arith.index_cast %add3A_176 : i32 to index
      %get3A_275 = arith.constant 128 : index
      %get3A_276 = tpu.vector_load %arg9[%get3A_274, %get3A_275] {strides = array<i32>} : memref<16x1024xf32, #tpu.memory_space<vmem>>, vector<16xf32>,
      %mul3A_277 = arith.mulf %get3A_276, %gather3A : vector<16xf32>
      %get3A_278 = arith.index_cast %add3A_176 : i32 to index
      %get3A_279 = arith.constant 128 : index
      %get3A_280 = tpu.vector_load %arg11[%get3A_278, %get3A_279] {strides = array<i32>} : memref<16x1024xf32, #tpu.memory_space<vmem>>, vector<16xf32>,
      %mul3A_281 = arith.mulf %get3A_280, %gather3A_179 : vector<16xf32>
      %add3A_282 = arith.addf %mul3A_277, %mul3A_281 : vector<16xf32>
      %swap3A_283 = arith.index_cast %add3A_176 : i32 to index
      %swap3A_284 = arith.constant 128 : index
      %swap3A_285 = tpu.vector_load %arg13[%swap3A_283, %swap3A_284] {strides = array<i32>} : memref<16x1024xf32, #tpu.memory_space<vmem>>, vector<16xf32>,
      tpu.vector_store %arg13[%swap3A_283, %swap3A_284], %add3A_282 {strides = array<i32>} : memref<16x1024xf32, #tpu.memory_space<vmem>>, vector<16xf32>,
      %get3A_286 = arith.index_cast %add3A_176 : i32 to index
      %get3A_287 = arith.constant 144 : index
      %get3A_288 = tpu.vector_load %arg9[%get3A_286, %get3A_287] {strides = array<i32>} : memref<16x1024xf32, #tpu.memory_space<vmem>>, vector<16xf32>,
      %mul3A_289 = arith.mulf %get3A_288, %gather3A : vector<16xf32>
      %get3A_290 = arith.index_cast %add3A_176 : i32 to index
      %get3A_291 = arith.constant 144 : index
      %get3A_292 = tpu.vector_load %arg11[%get3A_290, %get3A_291] {strides = array<i32>} : memref<16x1024xf32, #tpu.memory_space<vmem>>, vector<16xf32>,
      %mul3A_293 = arith.mulf %get3A_292, %gather3A_179 : vector<16xf32>
      %add3A_294 = arith.addf %mul3A_289, %mul3A_293 : vector<16xf32>
      %swap3A_295 = arith.index_cast %add3A_176 : i32 to index
      %swap3A_296 = arith.constant 144 : index
      %swap3A_297 = tpu.vector_load %arg13[%swap3A_295, %swap3A_296] {strides = array<i32>} : memref<16x1024xf32, #tpu.memory_space<vmem>>, vector<16xf32>,
      tpu.vector_store %arg13[%swap3A_295, %swap3A_296], %add3A_294 {strides = array<i32>} : memref<16x1024xf32, #tpu.memory_space<vmem>>, vector<16xf32>,
      %get3A_298 = arith.index_cast %add3A_176 : i32 to index
      %get3A_299 = arith.constant 160 : index
      %get3A_300 = tpu.vector_load %arg9[%get3A_298, %get3A_299] {strides = array<i32>} : memref<16x1024xf32, #tpu.memory_space<vmem>>, vector<16xf32>,
      %mul3A_301 = arith.mulf %get3A_300, %gather3A : vector<16xf32>
      %get3A_302 = arith.index_cast %add3A_176 : i32 to index
      %get3A_303 = arith.constant 160 : index
      %get3A_304 = tpu.vector_load %arg11[%get3A_302, %get3A_303] {strides = array<i32>} : memref<16x1024xf32, #tpu.memory_space<vmem>>, vector<16xf32>,
      %mul3A_305 = arith.mulf %get3A_304, %gather3A_179 : vector<16xf32>
      %add3A_306 = arith.addf %mul3A_301, %mul3A_305 : vector<16xf32>
      %swap3A_307 = arith.index_cast %add3A_176 : i32 to index
      %swap3A_308 = arith.constant 160 : index
      %swap3A_309 = tpu.vector_load %arg13[%swap3A_307, %swap3A_308] {strides = array<i32>} : memref<16x1024xf32, #tpu.memory_space<vmem>>, vector<16xf32>,
      tpu.vector_store %arg13[%swap3A_307, %swap3A_308], %add3A_306 {strides = array<i32>} : memref<16x1024xf32, #tpu.memory_space<vmem>>, vector<16xf32>,
      %get3A_310 = arith.index_cast %add3A_176 : i32 to index
      %get3A_311 = arith.constant 176 : index
      %get3A_312 = tpu.vector_load %arg9[%get3A_310, %get3A_311] {strides = array<i32>} : memref<16x1024xf32, #tpu.memory_space<vmem>>, vector<16xf32>,
      %mul3A_313 = arith.mulf %get3A_312, %gather3A : vector<16xf32>
      %get3A_314 = arith.index_cast %add3A_176 : i32 to index
      %get3A_315 = arith.constant 176 : index
      %get3A_316 = tpu.vector_load %arg11[%get3A_314, %get3A_315] {strides = array<i32>} : memref<16x1024xf32, #tpu.memory_space<vmem>>, vector<16xf32>,
      %mul3A_317 = arith.mulf %get3A_316, %gather3A_179 : vector<16xf32>
      %add3A_318 = arith.addf %mul3A_313, %mul3A_317 : vector<16xf32>
      %swap3A_319 = arith.index_cast %add3A_176 : i32 to index
      %swap3A_320 = arith.constant 176 : index
      %swap3A_321 = tpu.vector_load %arg13[%swap3A_319, %swap3A_320] {strides = array<i32>} : memref<16x1024xf32, #tpu.memory_space<vmem>>, vector<16xf32>,
      tpu.vector_store %arg13[%swap3A_319, %swap3A_320], %add3A_318 {strides = array<i32>} : memref<16x1024xf32, #tpu.memory_space<vmem>>, vector<16xf32>,
      %get3A_322 = arith.index_cast %add3A_176 : i32 to index
      %get3A_323 = arith.constant 192 : index
      %get3A_324 = tpu.vector_load %arg9[%get3A_322, %get3A_323] {strides = array<i32>} : memref<16x1024xf32, #tpu.memory_space<vmem>>, vector<16xf32>,
      %mul3A_325 = arith.mulf %get3A_324, %gather3A : vector<16xf32>
      %get3A_326 = arith.index_cast %add3A_176 : i32 to index
      %get3A_327 = arith.constant 192 : index
      %get3A_328 = tpu.vector_load %arg11[%get3A_326, %get3A_327] {strides = array<i32>} : memref<16x1024xf32, #tpu.memory_space<vmem>>, vector<16xf32>,
      %mul3A_329 = arith.mulf %get3A_328, %gather3A_179 : vector<16xf32>
      %add3A_330 = arith.addf %mul3A_325, %mul3A_329 : vector<16xf32>
      %swap3A_331 = arith.index_cast %add3A_176 : i32 to index
      %swap3A_332 = arith.constant 192 : index
      %swap3A_333 = tpu.vector_load %arg13[%swap3A_331, %swap3A_332] {strides = array<i32>} : memref<16x1024xf32, #tpu.memory_space<vmem>>, vector<16xf32>,
      tpu.vector_store %arg13[%swap3A_331, %swap3A_332], %add3A_330 {strides = array<i32>} : memref<16x1024xf32, #tpu.memory_space<vmem>>, vector<16xf32>,
      %get3A_334 = arith.index_cast %add3A_176 : i32 to index
      %get3A_335 = arith.constant 208 : index
      %get3A_336 = tpu.vector_load %arg9[%get3A_334, %get3A_335] {strides = array<i32>} : memref<16x1024xf32, #tpu.memory_space<vmem>>, vector<16xf32>,
      %mul3A_337 = arith.mulf %get3A_336, %gather3A : vector<16xf32>
      %get3A_338 = arith.index_cast %add3A_176 : i32 to index
      %get3A_339 = arith.constant 208 : index
      %get3A_340 = tpu.vector_load %arg11[%get3A_338, %get3A_339] {strides = array<i32>} : memref<16x1024xf32, #tpu.memory_space<vmem>>, vector<16xf32>,
      %mul3A_341 = arith.mulf %get3A_340, %gather3A_179 : vector<16xf32>
      %add3A_342 = arith.addf %mul3A_337, %mul3A_341 : vector<16xf32>
      %swap3A_343 = arith.index_cast %add3A_176 : i32 to index
      %swap3A_344 = arith.constant 208 : index
      %swap3A_345 = tpu.vector_load %arg13[%swap3A_343, %swap3A_344] {strides = array<i32>} : memref<16x1024xf32, #tpu.memory_space<vmem>>, vector<16xf32>,
      tpu.vector_store %arg13[%swap3A_343, %swap3A_344], %add3A_342 {strides = array<i32>} : memref<16x1024xf32, #tpu.memory_space<vmem>>, vector<16xf32>,
      %get3A_346 = arith.index_cast %add3A_176 : i32 to index
      %get3A_347 = arith.constant 224 : index
      %get3A_348 = tpu.vector_load %arg9[%get3A_346, %get3A_347] {strides = array<i32>} : memref<16x1024xf32, #tpu.memory_space<vmem>>, vector<16xf32>,
      %mul3A_349 = arith.mulf %get3A_348, %gather3A : vector<16xf32>
      %get3A_350 = arith.index_cast %add3A_176 : i32 to index
      %get3A_351 = arith.constant 224 : index
      %get3A_352 = tpu.vector_load %arg11[%get3A_350, %get3A_351] {strides = array<i32>} : memref<16x1024xf32, #tpu.memory_space<vmem>>, vector<16xf32>,
      %mul3A_353 = arith.mulf %get3A_352, %gather3A_179 : vector<16xf32>
      %add3A_354 = arith.addf %mul3A_349, %mul3A_353 : vector<16xf32>
      %swap3A_355 = arith.index_cast %add3A_176 : i32 to index
      %swap3A_356 = arith.constant 224 : index
      %swap3A_357 = tpu.vector_load %arg13[%swap3A_355, %swap3A_356] {strides = array<i32>} : memref<16x1024xf32, #tpu.memory_space<vmem>>, vector<16xf32>,
      tpu.vector_store %arg13[%swap3A_355, %swap3A_356], %add3A_354 {strides = array<i32>} : memref<16x1024xf32, #tpu.memory_space<vmem>>, vector<16xf32>,
      %get3A_358 = arith.index_cast %add3A_176 : i32 to index
      %get3A_359 = arith.constant 240 : index
      %get3A_360 = tpu.vector_load %arg9[%get3A_358, %get3A_359] {strides = array<i32>} : memref<16x1024xf32, #tpu.memory_space<vmem>>, vector<16xf32>,
      %mul3A_361 = arith.mulf %get3A_360, %gather3A : vector<16xf32>
      %get3A_362 = arith.index_cast %add3A_176 : i32 to index
      %get3A_363 = arith.constant 240 : index
      %get3A_364 = tpu.vector_load %arg11[%get3A_362, %get3A_363] {strides = array<i32>} : memref<16x1024xf32, #tpu.memory_space<vmem>>, vector<16xf32>,
      %mul3A_365 = arith.mulf %get3A_364, %gather3A_179 : vector<16xf32>
      %add3A_366 = arith.addf %mul3A_361, %mul3A_365 : vector<16xf32>
      %swap3A_367 = arith.index_cast %add3A_176 : i32 to index
      %swap3A_368 = arith.constant 240 : index
      %swap3A_369 = tpu.vector_load %arg13[%swap3A_367, %swap3A_368] {strides = array<i32>} : memref<16x1024xf32, #tpu.memory_space<vmem>>, vector<16xf32>,
      tpu.vector_store %arg13[%swap3A_367, %swap3A_368], %add3A_366 {strides = array<i32>} : memref<16x1024xf32, #tpu.memory_space<vmem>>, vector<16xf32>,
      %get3A_370 = arith.index_cast %add3A_176 : i32 to index
      %get3A_371 = arith.constant 256 : index
      %get3A_372 = tpu.vector_load %arg9[%get3A_370, %get3A_371] {strides = array<i32>} : memref<16x1024xf32, #tpu.memory_space<vmem>>, vector<16xf32>,
      %mul3A_373 = arith.mulf %get3A_372, %gather3A : vector<16xf32>
      %get3A_374 = arith.index_cast %add3A_176 : i32 to index
      %get3A_375 = arith.constant 256 : index
      %get3A_376 = tpu.vector_load %arg11[%get3A_374, %get3A_375] {strides = array<i32>} : memref<16x1024xf32, #tpu.memory_space<vmem>>, vector<16xf32>,
      %mul3A_377 = arith.mulf %get3A_376, %gather3A_179 : vector<16xf32>
      %add3A_378 = arith.addf %mul3A_373, %mul3A_377 : vector<16xf32>
      %swap3A_379 = arith.index_cast %add3A_176 : i32 to index
      %swap3A_380 = arith.constant 256 : index
      %swap3A_381 = tpu.vector_load %arg13[%swap3A_379, %swap3A_380] {strides = array<i32>} : memref<16x1024xf32, #tpu.memory_space<vmem>>, vector<16xf32>,
      tpu.vector_store %arg13[%swap3A_379, %swap3A_380], %add3A_378 {strides = array<i32>} : memref<16x1024xf32, #tpu.memory_space<vmem>>, vector<16xf32>,
      %get3A_382 = arith.index_cast %add3A_176 : i32 to index
      %get3A_383 = arith.constant 272 : index
      %get3A_384 = tpu.vector_load %arg9[%get3A_382, %get3A_383] {strides = array<i32>} : memref<16x1024xf32, #tpu.memory_space<vmem>>, vector<16xf32>,
      %mul3A_385 = arith.mulf %get3A_384, %gather3A : vector<16xf32>
      %get3A_386 = arith.index_cast %add3A_176 : i32 to index
      %get3A_387 = arith.constant 272 : index
      %get3A_388 = tpu.vector_load %arg11[%get3A_386, %get3A_387] {strides = array<i32>} : memref<16x1024xf32, #tpu.memory_space<vmem>>, vector<16xf32>,
      %mul3A_389 = arith.mulf %get3A_388, %gather3A_179 : vector<16xf32>
      %add3A_390 = arith.addf %mul3A_385, %mul3A_389 : vector<16xf32>
      %swap3A_391 = arith.index_cast %add3A_176 : i32 to index
      %swap3A_392 = arith.constant 272 : index
      %swap3A_393 = tpu.vector_load %arg13[%swap3A_391, %swap3A_392] {strides = array<i32>} : memref<16x1024xf32, #tpu.memory_space<vmem>>, vector<16xf32>,
      tpu.vector_store %arg13[%swap3A_391, %swap3A_392], %add3A_390 {strides = array<i32>} : memref<16x1024xf32, #tpu.memory_space<vmem>>, vector<16xf32>,
      %get3A_394 = arith.index_cast %add3A_176 : i32 to index
      %get3A_395 = arith.constant 288 : index
      %get3A_396 = tpu.vector_load %arg9[%get3A_394, %get3A_395] {strides = array<i32>} : memref<16x1024xf32, #tpu.memory_space<vmem>>, vector<16xf32>,
      %mul3A_397 = arith.mulf %get3A_396, %gather3A : vector<16xf32>
      %get3A_398 = arith.index_cast %add3A_176 : i32 to index
      %get3A_399 = arith.constant 288 : index
      %get3A_400 = tpu.vector_load %arg11[%get3A_398, %get3A_399] {strides = array<i32>} : memref<16x1024xf32, #tpu.memory_space<vmem>>, vector<16xf32>,
      %mul3A_401 = arith.mulf %get3A_400, %gather3A_179 : vector<16xf32>
      %add3A_402 = arith.addf %mul3A_397, %mul3A_401 : vector<16xf32>
      %swap3A_403 = arith.index_cast %add3A_176 : i32 to index
      %swap3A_404 = arith.constant 288 : index
      %swap3A_405 = tpu.vector_load %arg13[%swap3A_403, %swap3A_404] {strides = array<i32>} : memref<16x1024xf32, #tpu.memory_space<vmem>>, vector<16xf32>,
      tpu.vector_store %arg13[%swap3A_403, %swap3A_404], %add3A_402 {strides = array<i32>} : memref<16x1024xf32, #tpu.memory_space<vmem>>, vector<16xf32>,
      %get3A_406 = arith.index_cast %add3A_176 : i32 to index
      %get3A_407 = arith.constant 304 : index
      %get3A_408 = tpu.vector_load %arg9[%get3A_406, %get3A_407] {strides = array<i32>} : memref<16x1024xf32, #tpu.memory_space<vmem>>, vector<16xf32>,
      %mul3A_409 = arith.mulf %get3A_408, %gather3A : vector<16xf32>
      %get3A_410 = arith.index_cast %add3A_176 : i32 to index
      %get3A_411 = arith.constant 304 : index
      %get3A_412 = tpu.vector_load %arg11[%get3A_410, %get3A_411] {strides = array<i32>} : memref<16x1024xf32, #tpu.memory_space<vmem>>, vector<16xf32>,
      %mul3A_413 = arith.mulf %get3A_412, %gather3A_179 : vector<16xf32>
      %add3A_414 = arith.addf %mul3A_409, %mul3A_413 : vector<16xf32>
      %swap3A_415 = arith.index_cast %add3A_176 : i32 to index
      %swap3A_416 = arith.constant 304 : index
      %swap3A_417 = tpu.vector_load %arg13[%swap3A_415, %swap3A_416] {strides = array<i32>} : memref<16x1024xf32, #tpu.memory_space<vmem>>, vector<16xf32>,
      tpu.vector_store %arg13[%swap3A_415, %swap3A_416], %add3A_414 {strides = array<i32>} : memref<16x1024xf32, #tpu.memory_space<vmem>>, vector<16xf32>,
      %get3A_418 = arith.index_cast %add3A_176 : i32 to index
      %get3A_419 = arith.constant 320 : index
      %get3A_420 = tpu.vector_load %arg9[%get3A_418, %get3A_419] {strides = array<i32>} : memref<16x1024xf32, #tpu.memory_space<vmem>>, vector<16xf32>,
      %mul3A_421 = arith.mulf %get3A_420, %gather3A : vector<16xf32>
      %get3A_422 = arith.index_cast %add3A_176 : i32 to index
      %get3A_423 = arith.constant 320 : index
      %get3A_424 = tpu.vector_load %arg11[%get3A_422, %get3A_423] {strides = array<i32>} : memref<16x1024xf32, #tpu.memory_space<vmem>>, vector<16xf32>,
      %mul3A_425 = arith.mulf %get3A_424, %gather3A_179 : vector<16xf32>
      %add3A_426 = arith.addf %mul3A_421, %mul3A_425 : vector<16xf32>
      %swap3A_427 = arith.index_cast %add3A_176 : i32 to index
      %swap3A_428 = arith.constant 320 : index
      %swap3A_429 = tpu.vector_load %arg13[%swap3A_427, %swap3A_428] {strides = array<i32>} : memref<16x1024xf32, #tpu.memory_space<vmem>>, vector<16xf32>,
      tpu.vector_store %arg13[%swap3A_427, %swap3A_428], %add3A_426 {strides = array<i32>} : memref<16x1024xf32, #tpu.memory_space<vmem>>, vector<16xf32>,
      %get3A_430 = arith.index_cast %add3A_176 : i32 to index
      %get3A_431 = arith.constant 336 : index
      %get3A_432 = tpu.vector_load %arg9[%get3A_430, %get3A_431] {strides = array<i32>} : memref<16x1024xf32, #tpu.memory_space<vmem>>, vector<16xf32>,
      %mul3A_433 = arith.mulf %get3A_432, %gather3A : vector<16xf32>
      %get3A_434 = arith.index_cast %add3A_176 : i32 to index
      %get3A_435 = arith.constant 336 : index
      %get3A_436 = tpu.vector_load %arg11[%get3A_434, %get3A_435] {strides = array<i32>} : memref<16x1024xf32, #tpu.memory_space<vmem>>, vector<16xf32>,
      %mul3A_437 = arith.mulf %get3A_436, %gather3A_179 : vector<16xf32>
      %add3A_438 = arith.addf %mul3A_433, %mul3A_437 : vector<16xf32>
      %swap3A_439 = arith.index_cast %add3A_176 : i32 to index
      %swap3A_440 = arith.constant 336 : index
      %swap3A_441 = tpu.vector_load %arg13[%swap3A_439, %swap3A_440] {strides = array<i32>} : memref<16x1024xf32, #tpu.memory_space<vmem>>, vector<16xf32>,
      tpu.vector_store %arg13[%swap3A_439, %swap3A_440], %add3A_438 {strides = array<i32>} : memref<16x1024xf32, #tpu.memory_space<vmem>>, vector<16xf32>,
      %get3A_442 = arith.index_cast %add3A_176 : i32 to index
      %get3A_443 = arith.constant 352 : index
      %get3A_444 = tpu.vector_load %arg9[%get3A_442, %get3A_443] {strides = array<i32>} : memref<16x1024xf32, #tpu.memory_space<vmem>>, vector<16xf32>,
      %mul3A_445 = arith.mulf %get3A_444, %gather3A : vector<16xf32>
      %get3A_446 = arith.index_cast %add3A_176 : i32 to index
      %get3A_447 = arith.constant 352 : index
      %get3A_448 = tpu.vector_load %arg11[%get3A_446, %get3A_447] {strides = array<i32>} : memref<16x1024xf32, #tpu.memory_space<vmem>>, vector<16xf32>,
      %mul3A_449 = arith.mulf %get3A_448, %gather3A_179 : vector<16xf32>
      %add3A_450 = arith.addf %mul3A_445, %mul3A_449 : vector<16xf32>
      %swap3A_451 = arith.index_cast %add3A_176 : i32 to index
      %swap3A_452 = arith.constant 352 : index
      %swap3A_453 = tpu.vector_load %arg13[%swap3A_451, %swap3A_452] {strides = array<i32>} : memref<16x1024xf32, #tpu.memory_space<vmem>>, vector<16xf32>,
      tpu.vector_store %arg13[%swap3A_451, %swap3A_452], %add3A_450 {strides = array<i32>} : memref<16x1024xf32, #tpu.memory_space<vmem>>, vector<16xf32>,
      %get3A_454 = arith.index_cast %add3A_176 : i32 to index
      %get3A_455 = arith.constant 368 : index
      %get3A_456 = tpu.vector_load %arg9[%get3A_454, %get3A_455] {strides = array<i32>} : memref<16x1024xf32, #tpu.memory_space<vmem>>, vector<16xf32>,
      %mul3A_457 = arith.mulf %get3A_456, %gather3A : vector<16xf32>
      %get3A_458 = arith.index_cast %add3A_176 : i32 to index
      %get3A_459 = arith.constant 368 : index
      %get3A_460 = tpu.vector_load %arg11[%get3A_458, %get3A_459] {strides = array<i32>} : memref<16x1024xf32, #tpu.memory_space<vmem>>, vector<16xf32>,
      %mul3A_461 = arith.mulf %get3A_460, %gather3A_179 : vector<16xf32>
      %add3A_462 = arith.addf %mul3A_457, %mul3A_461 : vector<16xf32>
      %swap3A_463 = arith.index_cast %add3A_176 : i32 to index
      %swap3A_464 = arith.constant 368 : index
      %swap3A_465 = tpu.vector_load %arg13[%swap3A_463, %swap3A_464] {strides = array<i32>} : memref<16x1024xf32, #tpu.memory_space<vmem>>, vector<16xf32>,
      tpu.vector_store %arg13[%swap3A_463, %swap3A_464], %add3A_462 {strides = array<i32>} : memref<16x1024xf32, #tpu.memory_space<vmem>>, vector<16xf32>,
      %get3A_466 = arith.index_cast %add3A_176 : i32 to index
      %get3A_467 = arith.constant 384 : index
      %get3A_468 = tpu.vector_load %arg9[%get3A_466, %get3A_467] {strides = array<i32>} : memref<16x1024xf32, #tpu.memory_space<vmem>>, vector<16xf32>,
      %mul3A_469 = arith.mulf %get3A_468, %gather3A : vector<16xf32>
      %get3A_470 = arith.index_cast %add3A_176 : i32 to index
      %get3A_471 = arith.constant 384 : index
      %get3A_472 = tpu.vector_load %arg11[%get3A_470, %get3A_471] {strides = array<i32>} : memref<16x1024xf32, #tpu.memory_space<vmem>>, vector<16xf32>,
      %mul3A_473 = arith.mulf %get3A_472, %gather3A_179 : vector<16xf32>
      %add3A_474 = arith.addf %mul3A_469, %mul3A_473 : vector<16xf32>
      %swap3A_475 = arith.index_cast %add3A_176 : i32 to index
      %swap3A_476 = arith.constant 384 : index
      %swap3A_477 = tpu.vector_load %arg13[%swap3A_475, %swap3A_476] {strides = array<i32>} : memref<16x1024xf32, #tpu.memory_space<vmem>>, vector<16xf32>,
      tpu.vector_store %arg13[%swap3A_475, %swap3A_476], %add3A_474 {strides = array<i32>} : memref<16x1024xf32, #tpu.memory_space<vmem>>, vector<16xf32>,
      %get3A_478 = arith.index_cast %add3A_176 : i32 to index
      %get3A_479 = arith.constant 400 : index
      %get3A_480 = tpu.vector_load %arg9[%get3A_478, %get3A_479] {strides = array<i32>} : memref<16x1024xf32, #tpu.memory_space<vmem>>, vector<16xf32>,
      %mul3A_481 = arith.mulf %get3A_480, %gather3A : vector<16xf32>
      %get3A_482 = arith.index_cast %add3A_176 : i32 to index
      %get3A_483 = arith.constant 400 : index
      %get3A_484 = tpu.vector_load %arg11[%get3A_482, %get3A_483] {strides = array<i32>} : memref<16x1024xf32, #tpu.memory_space<vmem>>, vector<16xf32>,
      %mul3A_485 = arith.mulf %get3A_484, %gather3A_179 : vector<16xf32>
      %add3A_486 = arith.addf %mul3A_481, %mul3A_485 : vector<16xf32>
      %swap3A_487 = arith.index_cast %add3A_176 : i32 to index
      %swap3A_488 = arith.constant 400 : index
      %swap3A_489 = tpu.vector_load %arg13[%swap3A_487, %swap3A_488] {strides = array<i32>} : memref<16x1024xf32, #tpu.memory_space<vmem>>, vector<16xf32>,
      tpu.vector_store %arg13[%swap3A_487, %swap3A_488], %add3A_486 {strides = array<i32>} : memref<16x1024xf32, #tpu.memory_space<vmem>>, vector<16xf32>,
      %get3A_490 = arith.index_cast %add3A_176 : i32 to index
      %get3A_491 = arith.constant 416 : index
      %get3A_492 = tpu.vector_load %arg9[%get3A_490, %get3A_491] {strides = array<i32>} : memref<16x1024xf32, #tpu.memory_space<vmem>>, vector<16xf32>,
      %mul3A_493 = arith.mulf %get3A_492, %gather3A : vector<16xf32>
      %get3A_494 = arith.index_cast %add3A_176 : i32 to index
      %get3A_495 = arith.constant 416 : index
      %get3A_496 = tpu.vector_load %arg11[%get3A_494, %get3A_495] {strides = array<i32>} : memref<16x1024xf32, #tpu.memory_space<vmem>>, vector<16xf32>,
      %mul3A_497 = arith.mulf %get3A_496, %gather3A_179 : vector<16xf32>
      %add3A_498 = arith.addf %mul3A_493, %mul3A_497 : vector<16xf32>
      %swap3A_499 = arith.index_cast %add3A_176 : i32 to index
      %swap3A_500 = arith.constant 416 : index
      %swap3A_501 = tpu.vector_load %arg13[%swap3A_499, %swap3A_500] {strides = array<i32>} : memref<16x1024xf32, #tpu.memory_space<vmem>>, vector<16xf32>,
      tpu.vector_store %arg13[%swap3A_499, %swap3A_500], %add3A_498 {strides = array<i32>} : memref<16x1024xf32, #tpu.memory_space<vmem>>, vector<16xf32>,
      %get3A_502 = arith.index_cast %add3A_176 : i32 to index
      %get3A_503 = arith.constant 432 : index
      %get3A_504 = tpu.vector_load %arg9[%get3A_502, %get3A_503] {strides = array<i32>} : memref<16x1024xf32, #tpu.memory_space<vmem>>, vector<16xf32>,
      %mul3A_505 = arith.mulf %get3A_504, %gather3A : vector<16xf32>
      %get3A_506 = arith.index_cast %add3A_176 : i32 to index
      %get3A_507 = arith.constant 432 : index
      %get3A_508 = tpu.vector_load %arg11[%get3A_506, %get3A_507] {strides = array<i32>} : memref<16x1024xf32, #tpu.memory_space<vmem>>, vector<16xf32>,
      %mul3A_509 = arith.mulf %get3A_508, %gather3A_179 : vector<16xf32>
      %add3A_510 = arith.addf %mul3A_505, %mul3A_509 : vector<16xf32>
      %swap3A_511 = arith.index_cast %add3A_176 : i32 to index
      %swap3A_512 = arith.constant 432 : index
      %swap3A_513 = tpu.vector_load %arg13[%swap3A_511, %swap3A_512] {strides = array<i32>} : memref<16x1024xf32, #tpu.memory_space<vmem>>, vector<16xf32>,
      tpu.vector_store %arg13[%swap3A_511, %swap3A_512], %add3A_510 {strides = array<i32>} : memref<16x1024xf32, #tpu.memory_space<vmem>>, vector<16xf32>,
      %get3A_514 = arith.index_cast %add3A_176 : i32 to index
      %get3A_515 = arith.constant 448 : index
      %get3A_516 = tpu.vector_load %arg9[%get3A_514, %get3A_515] {strides = array<i32>} : memref<16x1024xf32, #tpu.memory_space<vmem>>, vector<16xf32>,
      %mul3A_517 = arith.mulf %get3A_516, %gather3A : vector<16xf32>
      %get3A_518 = arith.index_cast %add3A_176 : i32 to index
      %get3A_519 = arith.constant 448 : index
      %get3A_520 = tpu.vector_load %arg11[%get3A_518, %get3A_519] {strides = array<i32>} : memref<16x1024xf32, #tpu.memory_space<vmem>>, vector<16xf32>,
      %mul3A_521 = arith.mulf %get3A_520, %gather3A_179 : vector<16xf32>
      %add3A_522 = arith.addf %mul3A_517, %mul3A_521 : vector<16xf32>
      %swap3A_523 = arith.index_cast %add3A_176 : i32 to index
      %swap3A_524 = arith.constant 448 : index
      %swap3A_525 = tpu.vector_load %arg13[%swap3A_523, %swap3A_524] {strides = array<i32>} : memref<16x1024xf32, #tpu.memory_space<vmem>>, vector<16xf32>,
      tpu.vector_store %arg13[%swap3A_523, %swap3A_524], %add3A_522 {strides = array<i32>} : memref<16x1024xf32, #tpu.memory_space<vmem>>, vector<16xf32>,
      %get3A_526 = arith.index_cast %add3A_176 : i32 to index
      %get3A_527 = arith.constant 464 : index
      %get3A_528 = tpu.vector_load %arg9[%get3A_526, %get3A_527] {strides = array<i32>} : memref<16x1024xf32, #tpu.memory_space<vmem>>, vector<16xf32>,
      %mul3A_529 = arith.mulf %get3A_528, %gather3A : vector<16xf32>
      %get3A_530 = arith.index_cast %add3A_176 : i32 to index
      %get3A_531 = arith.constant 464 : index
      %get3A_532 = tpu.vector_load %arg11[%get3A_530, %get3A_531] {strides = array<i32>} : memref<16x1024xf32, #tpu.memory_space<vmem>>, vector<16xf32>,
      %mul3A_533 = arith.mulf %get3A_532, %gather3A_179 : vector<16xf32>
      %add3A_534 = arith.addf %mul3A_529, %mul3A_533 : vector<16xf32>
      %swap3A_535 = arith.index_cast %add3A_176 : i32 to index
      %swap3A_536 = arith.constant 464 : index
      %swap3A_537 = tpu.vector_load %arg13[%swap3A_535, %swap3A_536] {strides = array<i32>} : memref<16x1024xf32, #tpu.memory_space<vmem>>, vector<16xf32>,
      tpu.vector_store %arg13[%swap3A_535, %swap3A_536], %add3A_534 {strides = array<i32>} : memref<16x1024xf32, #tpu.memory_space<vmem>>, vector<16xf32>,
      %get3A_538 = arith.index_cast %add3A_176 : i32 to index
      %get3A_539 = arith.constant 480 : index
      %get3A_540 = tpu.vector_load %arg9[%get3A_538, %get3A_539] {strides = array<i32>} : memref<16x1024xf32, #tpu.memory_space<vmem>>, vector<16xf32>,
      %mul3A_541 = arith.mulf %get3A_540, %gather3A : vector<16xf32>
      %get3A_542 = arith.index_cast %add3A_176 : i32 to index
      %get3A_543 = arith.constant 480 : index
      %get3A_544 = tpu.vector_load %arg11[%get3A_542, %get3A_543] {strides = array<i32>} : memref<16x1024xf32, #tpu.memory_space<vmem>>, vector<16xf32>,
      %mul3A_545 = arith.mulf %get3A_544, %gather3A_179 : vector<16xf32>
      %add3A_546 = arith.addf %mul3A_541, %mul3A_545 : vector<16xf32>
      %swap3A_547 = arith.index_cast %add3A_176 : i32 to index
      %swap3A_548 = arith.constant 480 : index
      %swap3A_549 = tpu.vector_load %arg13[%swap3A_547, %swap3A_548] {strides = array<i32>} : memref<16x1024xf32, #tpu.memory_space<vmem>>, vector<16xf32>,
      tpu.vector_store %arg13[%swap3A_547, %swap3A_548], %add3A_546 {strides = array<i32>} : memref<16x1024xf32, #tpu.memory_space<vmem>>, vector<16xf32>,
      %get3A_550 = arith.index_cast %add3A_176 : i32 to index
      %get3A_551 = arith.constant 496 : index
      %get3A_552 = tpu.vector_load %arg9[%get3A_550, %get3A_551] {strides = array<i32>} : memref<16x1024xf32, #tpu.memory_space<vmem>>, vector<16xf32>,
      %mul3A_553 = arith.mulf %get3A_552, %gather3A : vector<16xf32>
      %get3A_554 = arith.index_cast %add3A_176 : i32 to index
      %get3A_555 = arith.constant 496 : index
      %get3A_556 = tpu.vector_load %arg11[%get3A_554, %get3A_555] {strides = array<i32>} : memref<16x1024xf32, #tpu.memory_space<vmem>>, vector<16xf32>,
      %mul3A_557 = arith.mulf %get3A_556, %gather3A_179 : vector<16xf32>
      %add3A_558 = arith.addf %mul3A_553, %mul3A_557 : vector<16xf32>
      %swap3A_559 = arith.index_cast %add3A_176 : i32 to index
      %swap3A_560 = arith.constant 496 : index
      %swap3A_561 = tpu.vector_load %arg13[%swap3A_559, %swap3A_560] {strides = array<i32>} : memref<16x1024xf32, #tpu.memory_space<vmem>>, vector<16xf32>,
      tpu.vector_store %arg13[%swap3A_559, %swap3A_560], %add3A_558 {strides = array<i32>} : memref<16x1024xf32, #tpu.memory_space<vmem>>, vector<16xf32>,
      %get3A_562 = arith.index_cast %add3A_176 : i32 to index
      %get3A_563 = arith.constant 512 : index
      %get3A_564 = tpu.vector_load %arg9[%get3A_562, %get3A_563] {strides = array<i32>} : memref<16x1024xf32, #tpu.memory_space<vmem>>, vector<16xf32>,
      %mul3A_565 = arith.mulf %get3A_564, %gather3A : vector<16xf32>
      %get3A_566 = arith.index_cast %add3A_176 : i32 to index
      %get3A_567 = arith.constant 512 : index
      %get3A_568 = tpu.vector_load %arg11[%get3A_566, %get3A_567] {strides = array<i32>} : memref<16x1024xf32, #tpu.memory_space<vmem>>, vector<16xf32>,
      %mul3A_569 = arith.mulf %get3A_568, %gather3A_179 : vector<16xf32>
      %add3A_570 = arith.addf %mul3A_565, %mul3A_569 : vector<16xf32>
      %swap3A_571 = arith.index_cast %add3A_176 : i32 to index
      %swap3A_572 = arith.constant 512 : index
      %swap3A_573 = tpu.vector_load %arg13[%swap3A_571, %swap3A_572] {strides = array<i32>} : memref<16x1024xf32, #tpu.memory_space<vmem>>, vector<16xf32>,
      tpu.vector_store %arg13[%swap3A_571, %swap3A_572], %add3A_570 {strides = array<i32>} : memref<16x1024xf32, #tpu.memory_space<vmem>>, vector<16xf32>,
      %get3A_574 = arith.index_cast %add3A_176 : i32 to index
      %get3A_575 = arith.constant 528 : index
      %get3A_576 = tpu.vector_load %arg9[%get3A_574, %get3A_575] {strides = array<i32>} : memref<16x1024xf32, #tpu.memory_space<vmem>>, vector<16xf32>,
      %mul3A_577 = arith.mulf %get3A_576, %gather3A : vector<16xf32>
      %get3A_578 = arith.index_cast %add3A_176 : i32 to index
      %get3A_579 = arith.constant 528 : index
      %get3A_580 = tpu.vector_load %arg11[%get3A_578, %get3A_579] {strides = array<i32>} : memref<16x1024xf32, #tpu.memory_space<vmem>>, vector<16xf32>,
      %mul3A_581 = arith.mulf %get3A_580, %gather3A_179 : vector<16xf32>
      %add3A_582 = arith.addf %mul3A_577, %mul3A_581 : vector<16xf32>
      %swap3A_583 = arith.index_cast %add3A_176 : i32 to index
      %swap3A_584 = arith.constant 528 : index
      %swap3A_585 = tpu.vector_load %arg13[%swap3A_583, %swap3A_584] {strides = array<i32>} : memref<16x1024xf32, #tpu.memory_space<vmem>>, vector<16xf32>,
      tpu.vector_store %arg13[%swap3A_583, %swap3A_584], %add3A_582 {strides = array<i32>} : memref<16x1024xf32, #tpu.memory_space<vmem>>, vector<16xf32>,
      %get3A_586 = arith.index_cast %add3A_176 : i32 to index
      %get3A_587 = arith.constant 544 : index
      %get3A_588 = tpu.vector_load %arg9[%get3A_586, %get3A_587] {strides = array<i32>} : memref<16x1024xf32, #tpu.memory_space<vmem>>, vector<16xf32>,
      %mul3A_589 = arith.mulf %get3A_588, %gather3A : vector<16xf32>
      %get3A_590 = arith.index_cast %add3A_176 : i32 to index
      %get3A_591 = arith.constant 544 : index
      %get3A_592 = tpu.vector_load %arg11[%get3A_590, %get3A_591] {strides = array<i32>} : memref<16x1024xf32, #tpu.memory_space<vmem>>, vector<16xf32>,
      %mul3A_593 = arith.mulf %get3A_592, %gather3A_179 : vector<16xf32>
      %add3A_594 = arith.addf %mul3A_589, %mul3A_593 : vector<16xf32>
      %swap3A_595 = arith.index_cast %add3A_176 : i32 to index
      %swap3A_596 = arith.constant 544 : index
      %swap3A_597 = tpu.vector_load %arg13[%swap3A_595, %swap3A_596] {strides = array<i32>} : memref<16x1024xf32, #tpu.memory_space<vmem>>, vector<16xf32>,
      tpu.vector_store %arg13[%swap3A_595, %swap3A_596], %add3A_594 {strides = array<i32>} : memref<16x1024xf32, #tpu.memory_space<vmem>>, vector<16xf32>,
      %get3A_598 = arith.index_cast %add3A_176 : i32 to index
      %get3A_599 = arith.constant 560 : index
      %get3A_600 = tpu.vector_load %arg9[%get3A_598, %get3A_599] {strides = array<i32>} : memref<16x1024xf32, #tpu.memory_space<vmem>>, vector<16xf32>,
      %mul3A_601 = arith.mulf %get3A_600, %gather3A : vector<16xf32>
      %get3A_602 = arith.index_cast %add3A_176 : i32 to index
      %get3A_603 = arith.constant 560 : index
      %get3A_604 = tpu.vector_load %arg11[%get3A_602, %get3A_603] {strides = array<i32>} : memref<16x1024xf32, #tpu.memory_space<vmem>>, vector<16xf32>,
      %mul3A_605 = arith.mulf %get3A_604, %gather3A_179 : vector<16xf32>
      %add3A_606 = arith.addf %mul3A_601, %mul3A_605 : vector<16xf32>
      %swap3A_607 = arith.index_cast %add3A_176 : i32 to index
      %swap3A_608 = arith.constant 560 : index
      %swap3A_609 = tpu.vector_load %arg13[%swap3A_607, %swap3A_608] {strides = array<i32>} : memref<16x1024xf32, #tpu.memory_space<vmem>>, vector<16xf32>,
      tpu.vector_store %arg13[%swap3A_607, %swap3A_608], %add3A_606 {strides = array<i32>} : memref<16x1024xf32, #tpu.memory_space<vmem>>, vector<16xf32>,
      %get3A_610 = arith.index_cast %add3A_176 : i32 to index
      %get3A_611 = arith.constant 576 : index
      %get3A_612 = tpu.vector_load %arg9[%get3A_610, %get3A_611] {strides = array<i32>} : memref<16x1024xf32, #tpu.memory_space<vmem>>, vector<16xf32>,
      %mul3A_613 = arith.mulf %get3A_612, %gather3A : vector<16xf32>
      %get3A_614 = arith.index_cast %add3A_176 : i32 to index
      %get3A_615 = arith.constant 576 : index
      %get3A_616 = tpu.vector_load %arg11[%get3A_614, %get3A_615] {strides = array<i32>} : memref<16x1024xf32, #tpu.memory_space<vmem>>, vector<16xf32>,
      %mul3A_617 = arith.mulf %get3A_616, %gather3A_179 : vector<16xf32>
      %add3A_618 = arith.addf %mul3A_613, %mul3A_617 : vector<16xf32>
      %swap3A_619 = arith.index_cast %add3A_176 : i32 to index
      %swap3A_620 = arith.constant 576 : index
      %swap3A_621 = tpu.vector_load %arg13[%swap3A_619, %swap3A_620] {strides = array<i32>} : memref<16x1024xf32, #tpu.memory_space<vmem>>, vector<16xf32>,
      tpu.vector_store %arg13[%swap3A_619, %swap3A_620], %add3A_618 {strides = array<i32>} : memref<16x1024xf32, #tpu.memory_space<vmem>>, vector<16xf32>,
      %get3A_622 = arith.index_cast %add3A_176 : i32 to index
      %get3A_623 = arith.constant 592 : index
      %get3A_624 = tpu.vector_load %arg9[%get3A_622, %get3A_623] {strides = array<i32>} : memref<16x1024xf32, #tpu.memory_space<vmem>>, vector<16xf32>,
      %mul3A_625 = arith.mulf %get3A_624, %gather3A : vector<16xf32>
      %get3A_626 = arith.index_cast %add3A_176 : i32 to index
      %get3A_627 = arith.constant 592 : index
      %get3A_628 = tpu.vector_load %arg11[%get3A_626, %get3A_627] {strides = array<i32>} : memref<16x1024xf32, #tpu.memory_space<vmem>>, vector<16xf32>,
      %mul3A_629 = arith.mulf %get3A_628, %gather3A_179 : vector<16xf32>
      %add3A_630 = arith.addf %mul3A_625, %mul3A_629 : vector<16xf32>
      %swap3A_631 = arith.index_cast %add3A_176 : i32 to index
      %swap3A_632 = arith.constant 592 : index
      %swap3A_633 = tpu.vector_load %arg13[%swap3A_631, %swap3A_632] {strides = array<i32>} : memref<16x1024xf32, #tpu.memory_space<vmem>>, vector<16xf32>,
      tpu.vector_store %arg13[%swap3A_631, %swap3A_632], %add3A_630 {strides = array<i32>} : memref<16x1024xf32, #tpu.memory_space<vmem>>, vector<16xf32>,
      %get3A_634 = arith.index_cast %add3A_176 : i32 to index
      %get3A_635 = arith.constant 608 : index
      %get3A_636 = tpu.vector_load %arg9[%get3A_634, %get3A_635] {strides = array<i32>} : memref<16x1024xf32, #tpu.memory_space<vmem>>, vector<16xf32>,
      %mul3A_637 = arith.mulf %get3A_636, %gather3A : vector<16xf32>
      %get3A_638 = arith.index_cast %add3A_176 : i32 to index
      %get3A_639 = arith.constant 608 : index
      %get3A_640 = tpu.vector_load %arg11[%get3A_638, %get3A_639] {strides = array<i32>} : memref<16x1024xf32, #tpu.memory_space<vmem>>, vector<16xf32>,
      %mul3A_641 = arith.mulf %get3A_640, %gather3A_179 : vector<16xf32>
      %add3A_642 = arith.addf %mul3A_637, %mul3A_641 : vector<16xf32>
      %swap3A_643 = arith.index_cast %add3A_176 : i32 to index
      %swap3A_644 = arith.constant 608 : index
      %swap3A_645 = tpu.vector_load %arg13[%swap3A_643, %swap3A_644] {strides = array<i32>} : memref<16x1024xf32, #tpu.memory_space<vmem>>, vector<16xf32>,
      tpu.vector_store %arg13[%swap3A_643, %swap3A_644], %add3A_642 {strides = array<i32>} : memref<16x1024xf32, #tpu.memory_space<vmem>>, vector<16xf32>,
      %get3A_646 = arith.index_cast %add3A_176 : i32 to index
      %get3A_647 = arith.constant 624 : index
      %get3A_648 = tpu.vector_load %arg9[%get3A_646, %get3A_647] {strides = array<i32>} : memref<16x1024xf32, #tpu.memory_space<vmem>>, vector<16xf32>,
      %mul3A_649 = arith.mulf %get3A_648, %gather3A : vector<16xf32>
      %get3A_650 = arith.index_cast %add3A_176 : i32 to index
      %get3A_651 = arith.constant 624 : index
      %get3A_652 = tpu.vector_load %arg11[%get3A_650, %get3A_651] {strides = array<i32>} : memref<16x1024xf32, #tpu.memory_space<vmem>>, vector<16xf32>,
      %mul3A_653 = arith.mulf %get3A_652, %gather3A_179 : vector<16xf32>
      %add3A_654 = arith.addf %mul3A_649, %mul3A_653 : vector<16xf32>
      %swap3A_655 = arith.index_cast %add3A_176 : i32 to index
      %swap3A_656 = arith.constant 624 : index
      %swap3A_657 = tpu.vector_load %arg13[%swap3A_655, %swap3A_656] {strides = array<i32>} : memref<16x1024xf32, #tpu.memory_space<vmem>>, vector<16xf32>,
      tpu.vector_store %arg13[%swap3A_655, %swap3A_656], %add3A_654 {strides = array<i32>} : memref<16x1024xf32, #tpu.memory_space<vmem>>, vector<16xf32>,
      %get3A_658 = arith.index_cast %add3A_176 : i32 to index
      %get3A_659 = arith.constant 640 : index
      %get3A_660 = tpu.vector_load %arg9[%get3A_658, %get3A_659] {strides = array<i32>} : memref<16x1024xf32, #tpu.memory_space<vmem>>, vector<16xf32>,
      %mul3A_661 = arith.mulf %get3A_660, %gather3A : vector<16xf32>
      %get3A_662 = arith.index_cast %add3A_176 : i32 to index
      %get3A_663 = arith.constant 640 : index
      %get3A_664 = tpu.vector_load %arg11[%get3A_662, %get3A_663] {strides = array<i32>} : memref<16x1024xf32, #tpu.memory_space<vmem>>, vector<16xf32>,
      %mul3A_665 = arith.mulf %get3A_664, %gather3A_179 : vector<16xf32>
      %add3A_666 = arith.addf %mul3A_661, %mul3A_665 : vector<16xf32>
      %swap3A_667 = arith.index_cast %add3A_176 : i32 to index
      %swap3A_668 = arith.constant 640 : index
      %swap3A_669 = tpu.vector_load %arg13[%swap3A_667, %swap3A_668] {strides = array<i32>} : memref<16x1024xf32, #tpu.memory_space<vmem>>, vector<16xf32>,
      tpu.vector_store %arg13[%swap3A_667, %swap3A_668], %add3A_666 {strides = array<i32>} : memref<16x1024xf32, #tpu.memory_space<vmem>>, vector<16xf32>,
      %get3A_670 = arith.index_cast %add3A_176 : i32 to index
      %get3A_671 = arith.constant 656 : index
      %get3A_672 = tpu.vector_load %arg9[%get3A_670, %get3A_671] {strides = array<i32>} : memref<16x1024xf32, #tpu.memory_space<vmem>>, vector<16xf32>,
      %mul3A_673 = arith.mulf %get3A_672, %gather3A : vector<16xf32>
      %get3A_674 = arith.index_cast %add3A_176 : i32 to index
      %get3A_675 = arith.constant 656 : index
      %get3A_676 = tpu.vector_load %arg11[%get3A_674, %get3A_675] {strides = array<i32>} : memref<16x1024xf32, #tpu.memory_space<vmem>>, vector<16xf32>,
      %mul3A_677 = arith.mulf %get3A_676, %gather3A_179 : vector<16xf32>
      %add3A_678 = arith.addf %mul3A_673, %mul3A_677 : vector<16xf32>
      %swap3A_679 = arith.index_cast %add3A_176 : i32 to index
      %swap3A_680 = arith.constant 656 : index
      %swap3A_681 = tpu.vector_load %arg13[%swap3A_679, %swap3A_680] {strides = array<i32>} : memref<16x1024xf32, #tpu.memory_space<vmem>>, vector<16xf32>,
      tpu.vector_store %arg13[%swap3A_679, %swap3A_680], %add3A_678 {strides = array<i32>} : memref<16x1024xf32, #tpu.memory_space<vmem>>, vector<16xf32>,
      %get3A_682 = arith.index_cast %add3A_176 : i32 to index
      %get3A_683 = arith.constant 672 : index
      %get3A_684 = tpu.vector_load %arg9[%get3A_682, %get3A_683] {strides = array<i32>} : memref<16x1024xf32, #tpu.memory_space<vmem>>, vector<16xf32>,
      %mul3A_685 = arith.mulf %get3A_684, %gather3A : vector<16xf32>
      %get3A_686 = arith.index_cast %add3A_176 : i32 to index
      %get3A_687 = arith.constant 672 : index
      %get3A_688 = tpu.vector_load %arg11[%get3A_686, %get3A_687] {strides = array<i32>} : memref<16x1024xf32, #tpu.memory_space<vmem>>, vector<16xf32>,
      %mul3A_689 = arith.mulf %get3A_688, %gather3A_179 : vector<16xf32>
      %add3A_690 = arith.addf %mul3A_685, %mul3A_689 : vector<16xf32>
      %swap3A_691 = arith.index_cast %add3A_176 : i32 to index
      %swap3A_692 = arith.constant 672 : index
      %swap3A_693 = tpu.vector_load %arg13[%swap3A_691, %swap3A_692] {strides = array<i32>} : memref<16x1024xf32, #tpu.memory_space<vmem>>, vector<16xf32>,
      tpu.vector_store %arg13[%swap3A_691, %swap3A_692], %add3A_690 {strides = array<i32>} : memref<16x1024xf32, #tpu.memory_space<vmem>>, vector<16xf32>,
      %get3A_694 = arith.index_cast %add3A_176 : i32 to index
      %get3A_695 = arith.constant 688 : index
      %get3A_696 = tpu.vector_load %arg9[%get3A_694, %get3A_695] {strides = array<i32>} : memref<16x1024xf32, #tpu.memory_space<vmem>>, vector<16xf32>,
      %mul3A_697 = arith.mulf %get3A_696, %gather3A : vector<16xf32>
      %get3A_698 = arith.index_cast %add3A_176 : i32 to index
      %get3A_699 = arith.constant 688 : index
      %get3A_700 = tpu.vector_load %arg11[%get3A_698, %get3A_699] {strides = array<i32>} : memref<16x1024xf32, #tpu.memory_space<vmem>>, vector<16xf32>,
      %mul3A_701 = arith.mulf %get3A_700, %gather3A_179 : vector<16xf32>
      %add3A_702 = arith.addf %mul3A_697, %mul3A_701 : vector<16xf32>
      %swap3A_703 = arith.index_cast %add3A_176 : i32 to index
      %swap3A_704 = arith.constant 688 : index
      %swap3A_705 = tpu.vector_load %arg13[%swap3A_703, %swap3A_704] {strides = array<i32>} : memref<16x1024xf32, #tpu.memory_space<vmem>>, vector<16xf32>,
      tpu.vector_store %arg13[%swap3A_703, %swap3A_704], %add3A_702 {strides = array<i32>} : memref<16x1024xf32, #tpu.memory_space<vmem>>, vector<16xf32>,
      %get3A_706 = arith.index_cast %add3A_176 : i32 to index
      %get3A_707 = arith.constant 704 : index
      %get3A_708 = tpu.vector_load %arg9[%get3A_706, %get3A_707] {strides = array<i32>} : memref<16x1024xf32, #tpu.memory_space<vmem>>, vector<16xf32>,
      %mul3A_709 = arith.mulf %get3A_708, %gather3A : vector<16xf32>
      %get3A_710 = arith.index_cast %add3A_176 : i32 to index
      %get3A_711 = arith.constant 704 : index
      %get3A_712 = tpu.vector_load %arg11[%get3A_710, %get3A_711] {strides = array<i32>} : memref<16x1024xf32, #tpu.memory_space<vmem>>, vector<16xf32>,
      %mul3A_713 = arith.mulf %get3A_712, %gather3A_179 : vector<16xf32>
      %add3A_714 = arith.addf %mul3A_709, %mul3A_713 : vector<16xf32>
      %swap3A_715 = arith.index_cast %add3A_176 : i32 to index
      %swap3A_716 = arith.constant 704 : index
      %swap3A_717 = tpu.vector_load %arg13[%swap3A_715, %swap3A_716] {strides = array<i32>} : memref<16x1024xf32, #tpu.memory_space<vmem>>, vector<16xf32>,
      tpu.vector_store %arg13[%swap3A_715, %swap3A_716], %add3A_714 {strides = array<i32>} : memref<16x1024xf32, #tpu.memory_space<vmem>>, vector<16xf32>,
      %get3A_718 = arith.index_cast %add3A_176 : i32 to index
      %get3A_719 = arith.constant 720 : index
      %get3A_720 = tpu.vector_load %arg9[%get3A_718, %get3A_719] {strides = array<i32>} : memref<16x1024xf32, #tpu.memory_space<vmem>>, vector<16xf32>,
      %mul3A_721 = arith.mulf %get3A_720, %gather3A : vector<16xf32>
      %get3A_722 = arith.index_cast %add3A_176 : i32 to index
      %get3A_723 = arith.constant 720 : index
      %get3A_724 = tpu.vector_load %arg11[%get3A_722, %get3A_723] {strides = array<i32>} : memref<16x1024xf32, #tpu.memory_space<vmem>>, vector<16xf32>,
      %mul3A_725 = arith.mulf %get3A_724, %gather3A_179 : vector<16xf32>
      %add3A_726 = arith.addf %mul3A_721, %mul3A_725 : vector<16xf32>
      %swap3A_727 = arith.index_cast %add3A_176 : i32 to index
      %swap3A_728 = arith.constant 720 : index
      %swap3A_729 = tpu.vector_load %arg13[%swap3A_727, %swap3A_728] {strides = array<i32>} : memref<16x1024xf32, #tpu.memory_space<vmem>>, vector<16xf32>,
      tpu.vector_store %arg13[%swap3A_727, %swap3A_728], %add3A_726 {strides = array<i32>} : memref<16x1024xf32, #tpu.memory_space<vmem>>, vector<16xf32>,
      %get3A_730 = arith.index_cast %add3A_176 : i32 to index
      %get3A_731 = arith.constant 736 : index
      %get3A_732 = tpu.vector_load %arg9[%get3A_730, %get3A_731] {strides = array<i32>} : memref<16x1024xf32, #tpu.memory_space<vmem>>, vector<16xf32>,
      %mul3A_733 = arith.mulf %get3A_732, %gather3A : vector<16xf32>
      %get3A_734 = arith.index_cast %add3A_176 : i32 to index
      %get3A_735 = arith.constant 736 : index
      %get3A_736 = tpu.vector_load %arg11[%get3A_734, %get3A_735] {strides = array<i32>} : memref<16x1024xf32, #tpu.memory_space<vmem>>, vector<16xf32>,
      %mul3A_737 = arith.mulf %get3A_736, %gather3A_179 : vector<16xf32>
      %add3A_738 = arith.addf %mul3A_733, %mul3A_737 : vector<16xf32>
      %swap3A_739 = arith.index_cast %add3A_176 : i32 to index
      %swap3A_740 = arith.constant 736 : index
      %swap3A_741 = tpu.vector_load %arg13[%swap3A_739, %swap3A_740] {strides = array<i32>} : memref<16x1024xf32, #tpu.memory_space<vmem>>, vector<16xf32>,
      tpu.vector_store %arg13[%swap3A_739, %swap3A_740], %add3A_738 {strides = array<i32>} : memref<16x1024xf32, #tpu.memory_space<vmem>>, vector<16xf32>,
      %get3A_742 = arith.index_cast %add3A_176 : i32 to index
      %get3A_743 = arith.constant 752 : index
      %get3A_744 = tpu.vector_load %arg9[%get3A_742, %get3A_743] {strides = array<i32>} : memref<16x1024xf32, #tpu.memory_space<vmem>>, vector<16xf32>,
      %mul3A_745 = arith.mulf %get3A_744, %gather3A : vector<16xf32>
      %get3A_746 = arith.index_cast %add3A_176 : i32 to index
      %get3A_747 = arith.constant 752 : index
      %get3A_748 = tpu.vector_load %arg11[%get3A_746, %get3A_747] {strides = array<i32>} : memref<16x1024xf32, #tpu.memory_space<vmem>>, vector<16xf32>,
      %mul3A_749 = arith.mulf %get3A_748, %gather3A_179 : vector<16xf32>
      %add3A_750 = arith.addf %mul3A_745, %mul3A_749 : vector<16xf32>
      %swap3A_751 = arith.index_cast %add3A_176 : i32 to index
      %swap3A_752 = arith.constant 752 : index
      %swap3A_753 = tpu.vector_load %arg13[%swap3A_751, %swap3A_752] {strides = array<i32>} : memref<16x1024xf32, #tpu.memory_space<vmem>>, vector<16xf32>,
      tpu.vector_store %arg13[%swap3A_751, %swap3A_752], %add3A_750 {strides = array<i32>} : memref<16x1024xf32, #tpu.memory_space<vmem>>, vector<16xf32>,
      %get3A_754 = arith.index_cast %add3A_176 : i32 to index
      %get3A_755 = arith.constant 768 : index
      %get3A_756 = tpu.vector_load %arg9[%get3A_754, %get3A_755] {strides = array<i32>} : memref<16x1024xf32, #tpu.memory_space<vmem>>, vector<16xf32>,
      %mul3A_757 = arith.mulf %get3A_756, %gather3A : vector<16xf32>
      %get3A_758 = arith.index_cast %add3A_176 : i32 to index
      %get3A_759 = arith.constant 768 : index
      %get3A_760 = tpu.vector_load %arg11[%get3A_758, %get3A_759] {strides = array<i32>} : memref<16x1024xf32, #tpu.memory_space<vmem>>, vector<16xf32>,
      %mul3A_761 = arith.mulf %get3A_760, %gather3A_179 : vector<16xf32>
      %add3A_762 = arith.addf %mul3A_757, %mul3A_761 : vector<16xf32>
      %swap3A_763 = arith.index_cast %add3A_176 : i32 to index
      %swap3A_764 = arith.constant 768 : index
      %swap3A_765 = tpu.vector_load %arg13[%swap3A_763, %swap3A_764] {strides = array<i32>} : memref<16x1024xf32, #tpu.memory_space<vmem>>, vector<16xf32>,
      tpu.vector_store %arg13[%swap3A_763, %swap3A_764], %add3A_762 {strides = array<i32>} : memref<16x1024xf32, #tpu.memory_space<vmem>>, vector<16xf32>,
      %get3A_766 = arith.index_cast %add3A_176 : i32 to index
      %get3A_767 = arith.constant 784 : index
      %get3A_768 = tpu.vector_load %arg9[%get3A_766, %get3A_767] {strides = array<i32>} : memref<16x1024xf32, #tpu.memory_space<vmem>>, vector<16xf32>,
      %mul3A_769 = arith.mulf %get3A_768, %gather3A : vector<16xf32>
      %get3A_770 = arith.index_cast %add3A_176 : i32 to index
      %get3A_771 = arith.constant 784 : index
      %get3A_772 = tpu.vector_load %arg11[%get3A_770, %get3A_771] {strides = array<i32>} : memref<16x1024xf32, #tpu.memory_space<vmem>>, vector<16xf32>,
      %mul3A_773 = arith.mulf %get3A_772, %gather3A_179 : vector<16xf32>
      %add3A_774 = arith.addf %mul3A_769, %mul3A_773 : vector<16xf32>
      %swap3A_775 = arith.index_cast %add3A_176 : i32 to index
      %swap3A_776 = arith.constant 784 : index
      %swap3A_777 = tpu.vector_load %arg13[%swap3A_775, %swap3A_776] {strides = array<i32>} : memref<16x1024xf32, #tpu.memory_space<vmem>>, vector<16xf32>,
      tpu.vector_store %arg13[%swap3A_775, %swap3A_776], %add3A_774 {strides = array<i32>} : memref<16x1024xf32, #tpu.memory_space<vmem>>, vector<16xf32>,
      %get3A_778 = arith.index_cast %add3A_176 : i32 to index
      %get3A_779 = arith.constant 800 : index
      %get3A_780 = tpu.vector_load %arg9[%get3A_778, %get3A_779] {strides = array<i32>} : memref<16x1024xf32, #tpu.memory_space<vmem>>, vector<16xf32>,
      %mul3A_781 = arith.mulf %get3A_780, %gather3A : vector<16xf32>
      %get3A_782 = arith.index_cast %add3A_176 : i32 to index
      %get3A_783 = arith.constant 800 : index
      %get3A_784 = tpu.vector_load %arg11[%get3A_782, %get3A_783] {strides = array<i32>} : memref<16x1024xf32, #tpu.memory_space<vmem>>, vector<16xf32>,
      %mul3A_785 = arith.mulf %get3A_784, %gather3A_179 : vector<16xf32>
      %add3A_786 = arith.addf %mul3A_781, %mul3A_785 : vector<16xf32>
      %swap3A_787 = arith.index_cast %add3A_176 : i32 to index
      %swap3A_788 = arith.constant 800 : index
      %swap3A_789 = tpu.vector_load %arg13[%swap3A_787, %swap3A_788] {strides = array<i32>} : memref<16x1024xf32, #tpu.memory_space<vmem>>, vector<16xf32>,
      tpu.vector_store %arg13[%swap3A_787, %swap3A_788], %add3A_786 {strides = array<i32>} : memref<16x1024xf32, #tpu.memory_space<vmem>>, vector<16xf32>,
      %get3A_790 = arith.index_cast %add3A_176 : i32 to index
      %get3A_791 = arith.constant 816 : index
      %get3A_792 = tpu.vector_load %arg9[%get3A_790, %get3A_791] {strides = array<i32>} : memref<16x1024xf32, #tpu.memory_space<vmem>>, vector<16xf32>,
      %mul3A_793 = arith.mulf %get3A_792, %gather3A : vector<16xf32>
      %get3A_794 = arith.index_cast %add3A_176 : i32 to index
      %get3A_795 = arith.constant 816 : index
      %get3A_796 = tpu.vector_load %arg11[%get3A_794, %get3A_795] {strides = array<i32>} : memref<16x1024xf32, #tpu.memory_space<vmem>>, vector<16xf32>,
      %mul3A_797 = arith.mulf %get3A_796, %gather3A_179 : vector<16xf32>
      %add3A_798 = arith.addf %mul3A_793, %mul3A_797 : vector<16xf32>
      %swap3A_799 = arith.index_cast %add3A_176 : i32 to index
      %swap3A_800 = arith.constant 816 : index
      %swap3A_801 = tpu.vector_load %arg13[%swap3A_799, %swap3A_800] {strides = array<i32>} : memref<16x1024xf32, #tpu.memory_space<vmem>>, vector<16xf32>,
      tpu.vector_store %arg13[%swap3A_799, %swap3A_800], %add3A_798 {strides = array<i32>} : memref<16x1024xf32, #tpu.memory_space<vmem>>, vector<16xf32>,
      %get3A_802 = arith.index_cast %add3A_176 : i32 to index
      %get3A_803 = arith.constant 832 : index
      %get3A_804 = tpu.vector_load %arg9[%get3A_802, %get3A_803] {strides = array<i32>} : memref<16x1024xf32, #tpu.memory_space<vmem>>, vector<16xf32>,
      %mul3A_805 = arith.mulf %get3A_804, %gather3A : vector<16xf32>
      %get3A_806 = arith.index_cast %add3A_176 : i32 to index
      %get3A_807 = arith.constant 832 : index
      %get3A_808 = tpu.vector_load %arg11[%get3A_806, %get3A_807] {strides = array<i32>} : memref<16x1024xf32, #tpu.memory_space<vmem>>, vector<16xf32>,
      %mul3A_809 = arith.mulf %get3A_808, %gather3A_179 : vector<16xf32>
      %add3A_810 = arith.addf %mul3A_805, %mul3A_809 : vector<16xf32>
      %swap3A_811 = arith.index_cast %add3A_176 : i32 to index
      %swap3A_812 = arith.constant 832 : index
      %swap3A_813 = tpu.vector_load %arg13[%swap3A_811, %swap3A_812] {strides = array<i32>} : memref<16x1024xf32, #tpu.memory_space<vmem>>, vector<16xf32>,
      tpu.vector_store %arg13[%swap3A_811, %swap3A_812], %add3A_810 {strides = array<i32>} : memref<16x1024xf32, #tpu.memory_space<vmem>>, vector<16xf32>,
      %get3A_814 = arith.index_cast %add3A_176 : i32 to index
      %get3A_815 = arith.constant 848 : index
      %get3A_816 = tpu.vector_load %arg9[%get3A_814, %get3A_815] {strides = array<i32>} : memref<16x1024xf32, #tpu.memory_space<vmem>>, vector<16xf32>,
      %mul3A_817 = arith.mulf %get3A_816, %gather3A : vector<16xf32>
      %get3A_818 = arith.index_cast %add3A_176 : i32 to index
      %get3A_819 = arith.constant 848 : index
      %get3A_820 = tpu.vector_load %arg11[%get3A_818, %get3A_819] {strides = array<i32>} : memref<16x1024xf32, #tpu.memory_space<vmem>>, vector<16xf32>,
      %mul3A_821 = arith.mulf %get3A_820, %gather3A_179 : vector<16xf32>
      %add3A_822 = arith.addf %mul3A_817, %mul3A_821 : vector<16xf32>
      %swap3A_823 = arith.index_cast %add3A_176 : i32 to index
      %swap3A_824 = arith.constant 848 : index
      %swap3A_825 = tpu.vector_load %arg13[%swap3A_823, %swap3A_824] {strides = array<i32>} : memref<16x1024xf32, #tpu.memory_space<vmem>>, vector<16xf32>,
      tpu.vector_store %arg13[%swap3A_823, %swap3A_824], %add3A_822 {strides = array<i32>} : memref<16x1024xf32, #tpu.memory_space<vmem>>, vector<16xf32>,
      %get3A_826 = arith.index_cast %add3A_176 : i32 to index
      %get3A_827 = arith.constant 864 : index
      %get3A_828 = tpu.vector_load %arg9[%get3A_826, %get3A_827] {strides = array<i32>} : memref<16x1024xf32, #tpu.memory_space<vmem>>, vector<16xf32>,
      %mul3A_829 = arith.mulf %get3A_828, %gather3A : vector<16xf32>
      %get3A_830 = arith.index_cast %add3A_176 : i32 to index
      %get3A_831 = arith.constant 864 : index
      %get3A_832 = tpu.vector_load %arg11[%get3A_830, %get3A_831] {strides = array<i32>} : memref<16x1024xf32, #tpu.memory_space<vmem>>, vector<16xf32>,
      %mul3A_833 = arith.mulf %get3A_832, %gather3A_179 : vector<16xf32>
      %add3A_834 = arith.addf %mul3A_829, %mul3A_833 : vector<16xf32>
      %swap3A_835 = arith.index_cast %add3A_176 : i32 to index
      %swap3A_836 = arith.constant 864 : index
      %swap3A_837 = tpu.vector_load %arg13[%swap3A_835, %swap3A_836] {strides = array<i32>} : memref<16x1024xf32, #tpu.memory_space<vmem>>, vector<16xf32>,
      tpu.vector_store %arg13[%swap3A_835, %swap3A_836], %add3A_834 {strides = array<i32>} : memref<16x1024xf32, #tpu.memory_space<vmem>>, vector<16xf32>,
      %get3A_838 = arith.index_cast %add3A_176 : i32 to index
      %get3A_839 = arith.constant 880 : index
      %get3A_840 = tpu.vector_load %arg9[%get3A_838, %get3A_839] {strides = array<i32>} : memref<16x1024xf32, #tpu.memory_space<vmem>>, vector<16xf32>,
      %mul3A_841 = arith.mulf %get3A_840, %gather3A : vector<16xf32>
      %get3A_842 = arith.index_cast %add3A_176 : i32 to index
      %get3A_843 = arith.constant 880 : index
      %get3A_844 = tpu.vector_load %arg11[%get3A_842, %get3A_843] {strides = array<i32>} : memref<16x1024xf32, #tpu.memory_space<vmem>>, vector<16xf32>,
      %mul3A_845 = arith.mulf %get3A_844, %gather3A_179 : vector<16xf32>
      %add3A_846 = arith.addf %mul3A_841, %mul3A_845 : vector<16xf32>
      %swap3A_847 = arith.index_cast %add3A_176 : i32 to index
      %swap3A_848 = arith.constant 880 : index
      %swap3A_849 = tpu.vector_load %arg13[%swap3A_847, %swap3A_848] {strides = array<i32>} : memref<16x1024xf32, #tpu.memory_space<vmem>>, vector<16xf32>,
      tpu.vector_store %arg13[%swap3A_847, %swap3A_848], %add3A_846 {strides = array<i32>} : memref<16x1024xf32, #tpu.memory_space<vmem>>, vector<16xf32>,
      %get3A_850 = arith.index_cast %add3A_176 : i32 to index
      %get3A_851 = arith.constant 896 : index
      %get3A_852 = tpu.vector_load %arg9[%get3A_850, %get3A_851] {strides = array<i32>} : memref<16x1024xf32, #tpu.memory_space<vmem>>, vector<16xf32>,
      %mul3A_853 = arith.mulf %get3A_852, %gather3A : vector<16xf32>
      %get3A_854 = arith.index_cast %add3A_176 : i32 to index
      %get3A_855 = arith.constant 896 : index
      %get3A_856 = tpu.vector_load %arg11[%get3A_854, %get3A_855] {strides = array<i32>} : memref<16x1024xf32, #tpu.memory_space<vmem>>, vector<16xf32>,
      %mul3A_857 = arith.mulf %get3A_856, %gather3A_179 : vector<16xf32>
      %add3A_858 = arith.addf %mul3A_853, %mul3A_857 : vector<16xf32>
      %swap3A_859 = arith.index_cast %add3A_176 : i32 to index
      %swap3A_860 = arith.constant 896 : index
      %swap3A_861 = tpu.vector_load %arg13[%swap3A_859, %swap3A_860] {strides = array<i32>} : memref<16x1024xf32, #tpu.memory_space<vmem>>, vector<16xf32>,
      tpu.vector_store %arg13[%swap3A_859, %swap3A_860], %add3A_858 {strides = array<i32>} : memref<16x1024xf32, #tpu.memory_space<vmem>>, vector<16xf32>,
      %get3A_862 = arith.index_cast %add3A_176 : i32 to index
      %get3A_863 = arith.constant 912 : index
      %get3A_864 = tpu.vector_load %arg9[%get3A_862, %get3A_863] {strides = array<i32>} : memref<16x1024xf32, #tpu.memory_space<vmem>>, vector<16xf32>,
      %mul3A_865 = arith.mulf %get3A_864, %gather3A : vector<16xf32>
      %get3A_866 = arith.index_cast %add3A_176 : i32 to index
      %get3A_867 = arith.constant 912 : index
      %get3A_868 = tpu.vector_load %arg11[%get3A_866, %get3A_867] {strides = array<i32>} : memref<16x1024xf32, #tpu.memory_space<vmem>>, vector<16xf32>,
      %mul3A_869 = arith.mulf %get3A_868, %gather3A_179 : vector<16xf32>
      %add3A_870 = arith.addf %mul3A_865, %mul3A_869 : vector<16xf32>
      %swap3A_871 = arith.index_cast %add3A_176 : i32 to index
      %swap3A_872 = arith.constant 912 : index
      %swap3A_873 = tpu.vector_load %arg13[%swap3A_871, %swap3A_872] {strides = array<i32>} : memref<16x1024xf32, #tpu.memory_space<vmem>>, vector<16xf32>,
      tpu.vector_store %arg13[%swap3A_871, %swap3A_872], %add3A_870 {strides = array<i32>} : memref<16x1024xf32, #tpu.memory_space<vmem>>, vector<16xf32>,
      %get3A_874 = arith.index_cast %add3A_176 : i32 to index
      %get3A_875 = arith.constant 928 : index
      %get3A_876 = tpu.vector_load %arg9[%get3A_874, %get3A_875] {strides = array<i32>} : memref<16x1024xf32, #tpu.memory_space<vmem>>, vector<16xf32>,
      %mul3A_877 = arith.mulf %get3A_876, %gather3A : vector<16xf32>
      %get3A_878 = arith.index_cast %add3A_176 : i32 to index
      %get3A_879 = arith.constant 928 : index
      %get3A_880 = tpu.vector_load %arg11[%get3A_878, %get3A_879] {strides = array<i32>} : memref<16x1024xf32, #tpu.memory_space<vmem>>, vector<16xf32>,
      %mul3A_881 = arith.mulf %get3A_880, %gather3A_179 : vector<16xf32>
      %add3A_882 = arith.addf %mul3A_877, %mul3A_881 : vector<16xf32>
      %swap3A_883 = arith.index_cast %add3A_176 : i32 to index
      %swap3A_884 = arith.constant 928 : index
      %swap3A_885 = tpu.vector_load %arg13[%swap3A_883, %swap3A_884] {strides = array<i32>} : memref<16x1024xf32, #tpu.memory_space<vmem>>, vector<16xf32>,
      tpu.vector_store %arg13[%swap3A_883, %swap3A_884], %add3A_882 {strides = array<i32>} : memref<16x1024xf32, #tpu.memory_space<vmem>>, vector<16xf32>,
      %get3A_886 = arith.index_cast %add3A_176 : i32 to index
      %get3A_887 = arith.constant 944 : index
      %get3A_888 = tpu.vector_load %arg9[%get3A_886, %get3A_887] {strides = array<i32>} : memref<16x1024xf32, #tpu.memory_space<vmem>>, vector<16xf32>,
      %mul3A_889 = arith.mulf %get3A_888, %gather3A : vector<16xf32>
      %get3A_890 = arith.index_cast %add3A_176 : i32 to index
      %get3A_891 = arith.constant 944 : index
      %get3A_892 = tpu.vector_load %arg11[%get3A_890, %get3A_891] {strides = array<i32>} : memref<16x1024xf32, #tpu.memory_space<vmem>>, vector<16xf32>,
      %mul3A_893 = arith.mulf %get3A_892, %gather3A_179 : vector<16xf32>
      %add3A_894 = arith.addf %mul3A_889, %mul3A_893 : vector<16xf32>
      %swap3A_895 = arith.index_cast %add3A_176 : i32 to index
      %swap3A_896 = arith.constant 944 : index
      %swap3A_897 = tpu.vector_load %arg13[%swap3A_895, %swap3A_896] {strides = array<i32>} : memref<16x1024xf32, #tpu.memory_space<vmem>>, vector<16xf32>,
      tpu.vector_store %arg13[%swap3A_895, %swap3A_896], %add3A_894 {strides = array<i32>} : memref<16x1024xf32, #tpu.memory_space<vmem>>, vector<16xf32>,
      %get3A_898 = arith.index_cast %add3A_176 : i32 to index
      %get3A_899 = arith.constant 960 : index
      %get3A_900 = tpu.vector_load %arg9[%get3A_898, %get3A_899] {strides = array<i32>} : memref<16x1024xf32, #tpu.memory_space<vmem>>, vector<16xf32>,
      %mul3A_901 = arith.mulf %get3A_900, %gather3A : vector<16xf32>
      %get3A_902 = arith.index_cast %add3A_176 : i32 to index
      %get3A_903 = arith.constant 960 : index
      %get3A_904 = tpu.vector_load %arg11[%get3A_902, %get3A_903] {strides = array<i32>} : memref<16x1024xf32, #tpu.memory_space<vmem>>, vector<16xf32>,
      %mul3A_905 = arith.mulf %get3A_904, %gather3A_179 : vector<16xf32>
      %add3A_906 = arith.addf %mul3A_901, %mul3A_905 : vector<16xf32>
      %swap3A_907 = arith.index_cast %add3A_176 : i32 to index
      %swap3A_908 = arith.constant 960 : index
      %swap3A_909 = tpu.vector_load %arg13[%swap3A_907, %swap3A_908] {strides = array<i32>} : memref<16x1024xf32, #tpu.memory_space<vmem>>, vector<16xf32>,
      tpu.vector_store %arg13[%swap3A_907, %swap3A_908], %add3A_906 {strides = array<i32>} : memref<16x1024xf32, #tpu.memory_space<vmem>>, vector<16xf32>,
      %get3A_910 = arith.index_cast %add3A_176 : i32 to index
      %get3A_911 = arith.constant 976 : index
      %get3A_912 = tpu.vector_load %arg9[%get3A_910, %get3A_911] {strides = array<i32>} : memref<16x1024xf32, #tpu.memory_space<vmem>>, vector<16xf32>,
      %mul3A_913 = arith.mulf %get3A_912, %gather3A : vector<16xf32>
      %get3A_914 = arith.index_cast %add3A_176 : i32 to index
      %get3A_915 = arith.constant 976 : index
      %get3A_916 = tpu.vector_load %arg11[%get3A_914, %get3A_915] {strides = array<i32>} : memref<16x1024xf32, #tpu.memory_space<vmem>>, vector<16xf32>,
      %mul3A_917 = arith.mulf %get3A_916, %gather3A_179 : vector<16xf32>
      %add3A_918 = arith.addf %mul3A_913, %mul3A_917 : vector<16xf32>
      %swap3A_919 = arith.index_cast %add3A_176 : i32 to index
      %swap3A_920 = arith.constant 976 : index
      %swap3A_921 = tpu.vector_load %arg13[%swap3A_919, %swap3A_920] {strides = array<i32>} : memref<16x1024xf32, #tpu.memory_space<vmem>>, vector<16xf32>,
      tpu.vector_store %arg13[%swap3A_919, %swap3A_920], %add3A_918 {strides = array<i32>} : memref<16x1024xf32, #tpu.memory_space<vmem>>, vector<16xf32>,
      %get3A_922 = arith.index_cast %add3A_176 : i32 to index
      %get3A_923 = arith.constant 992 : index
      %get3A_924 = tpu.vector_load %arg9[%get3A_922, %get3A_923] {strides = array<i32>} : memref<16x1024xf32, #tpu.memory_space<vmem>>, vector<16xf32>,
      %mul3A_925 = arith.mulf %get3A_924, %gather3A : vector<16xf32>
      %get3A_926 = arith.index_cast %add3A_176 : i32 to index
      %get3A_927 = arith.constant 992 : index
      %get3A_928 = tpu.vector_load %arg11[%get3A_926, %get3A_927] {strides = array<i32>} : memref<16x1024xf32, #tpu.memory_space<vmem>>, vector<16xf32>,
      %mul3A_929 = arith.mulf %get3A_928, %gather3A_179 : vector<16xf32>
      %add3A_930 = arith.addf %mul3A_925, %mul3A_929 : vector<16xf32>
      %swap3A_931 = arith.index_cast %add3A_176 : i32 to index
      %swap3A_932 = arith.constant 992 : index
      %swap3A_933 = tpu.vector_load %arg13[%swap3A_931, %swap3A_932] {strides = array<i32>} : memref<16x1024xf32, #tpu.memory_space<vmem>>, vector<16xf32>,
      tpu.vector_store %arg13[%swap3A_931, %swap3A_932], %add3A_930 {strides = array<i32>} : memref<16x1024xf32, #tpu.memory_space<vmem>>, vector<16xf32>,
      %get3A_934 = arith.index_cast %add3A_176 : i32 to index
      %get3A_935 = arith.constant 1008 : index
      %get3A_936 = tpu.vector_load %arg9[%get3A_934, %get3A_935] {strides = array<i32>} : memref<16x1024xf32, #tpu.memory_space<vmem>>, vector<16xf32>,
      %mul3A_937 = arith.mulf %get3A_936, %gather3A : vector<16xf32>
      %get3A_938 = arith.index_cast %add3A_176 : i32 to index
      %get3A_939 = arith.constant 1008 : index
      %get3A_940 = tpu.vector_load %arg11[%get3A_938, %get3A_939] {strides = array<i32>} : memref<16x1024xf32, #tpu.memory_space<vmem>>, vector<16xf32>,
      %mul3A_941 = arith.mulf %get3A_940, %gather3A_179 : vector<16xf32>
      %add3A_942 = arith.addf %mul3A_937, %mul3A_941 : vector<16xf32>
      %swap3A_943 = arith.index_cast %add3A_176 : i32 to index
      %swap3A_944 = arith.constant 1008 : index
      %swap3A_945 = tpu.vector_load %arg13[%swap3A_943, %swap3A_944] {strides = array<i32>} : memref<16x1024xf32, #tpu.memory_space<vmem>>, vector<16xf32>,
      tpu.vector_store %arg13[%swap3A_943, %swap3A_944], %add3A_942 {strides = array<i32>} : memref<16x1024xf32, #tpu.memory_space<vmem>>, vector<16xf32>,
    }
    %scan3A_157 = arith.constant 16 : i32
    %add3A_158 = arith.constant 48 : i32
    %add3A_159 = arith.addi %mul3A_2, %add3A_158 : i32
    %dma_start3A_160 = arith.constant 0 : i32
    %dma_start3A_161 = tpu.memref_slice %arg7[%add3A_159, %dma_start3A_160] : memref<2048x1024xf32, #tpu.memory_space<hbm>> -> memref<16x1024xf32, #tpu.memory_space<hbm>>
    %dma_start3A_162 = arith.constant 0 : i32
    %dma_start3A_163 = tpu.memref_slice %arg7[%add3A_159, %dma_start3A_162] : memref<2048x1024xf32, #tpu.memory_space<hbm>> -> memref<16x1024xf32, #tpu.memory_space<hbm>>
    tpu.enqueue_dma source(%arg13 : memref<16x1024xf32, #tpu.memory_space<vmem>>) target(%dma_start3A_163 : memref<16x1024xf32, #tpu.memory_space<hbm>>) target_semaphore(%arg23 : memref<!tpu.dma_semaphore, #tpu.memory_space<semaphore_mem>>)
    %dma_wait3A_164 = arith.constant 0 : i32
    %dma_wait3A_165 = tpu.memref_slice %arg7[%add3A_130, %dma_wait3A_164] : memref<2048x1024xf32, #tpu.memory_space<hbm>> -> memref<16x1024xf32, #tpu.memory_space<hbm>>
    %dma_wait3A_166 = arith.constant 0 : i32
    %dma_wait3A_167 = tpu.memref_slice %arg7[%add3A_130, %dma_wait3A_166] : memref<2048x1024xf32, #tpu.memory_space<hbm>> -> memref<16x1024xf32, #tpu.memory_space<hbm>>
    tpu.wait_dma2 semaphore(%arg22 : memref<!tpu.dma_semaphore, #tpu.memory_space<semaphore_mem>>) src(%arg12 : memref<16x1024xf32, #tpu.memory_space<vmem>>) dst(%dma_wait3A_167 : memref<16x1024xf32, #tpu.memory_space<hbm>>)
    %dma_wait3A_168 = arith.constant 0 : i32
    %dma_wait3A_169 = tpu.memref_slice %arg7[%add3A_159, %dma_wait3A_168] : memref<2048x1024xf32, #tpu.memory_space<hbm>> -> memref<16x1024xf32, #tpu.memory_space<hbm>>
    %dma_wait3A_170 = arith.constant 0 : i32
    %dma_wait3A_171 = tpu.memref_slice %arg7[%add3A_159, %dma_wait3A_170] : memref<2048x1024xf32, #tpu.memory_space<hbm>> -> memref<16x1024xf32, #tpu.memory_space<hbm>>
    tpu.wait_dma2 semaphore(%arg23 : memref<!tpu.dma_semaphore, #tpu.memory_space<semaphore_mem>>) src(%arg13 : memref<16x1024xf32, #tpu.memory_space<vmem>>) dst(%dma_wait3A_171 : memref<16x1024xf32, #tpu.memory_space<hbm>>)
    return
  }
}

module attributes {stable_mosaic.version = 14 : i64} {
  func.func @_meta_body(%arg0: memref<8x2048xf32, #tpu.memory_space<vmem>>, %arg1: memref<1x2048xi32, #tpu.memory_space<vmem>>, %arg2: memref<1x2048xi32, #tpu.memory_space<vmem>>, %arg3: memref<1x2048xf32, #tpu.memory_space<vmem>>, %arg4: memref<1x2048xf32, #tpu.memory_space<vmem>>, %arg5: memref<1x16xi32, #tpu.memory_space<vmem>>, %arg6: memref<1x1xi32, #tpu.memory_space<vmem>>) attributes {dimension_semantics = [], scalar_prefetch = 0 : i64, scratch_operands = 0 : i64, tpu.core_type = #tpu.core_type<tc>} {
    %get3A = arith.constant 0 : index
    %get3A_0 = arith.constant 0 : index
    %get3A_1 = vector.load %arg0[%get3A, %get3A_0] : memref<8x2048xf32, #tpu.memory_space<vmem>>, vector<8x2048xf32>
    %broadcast_in_dim3A = arith.constant -1.000000e+30 : f32
    %broadcast_in_dim3A_2 = vector.broadcast %broadcast_in_dim3A : f32 to vector<1x2048xf32>
    %broadcast_in_dim3A_3 = arith.constant 0 : i32
    %broadcast_in_dim3A_4 = vector.broadcast %broadcast_in_dim3A_3 : i32 to vector<1x2048xi32>
    %slice3A = vector.extract_strided_slice %get3A_1 {offsets = [0, 0], sizes = [1, 2048], strides = [1, 1]} : vector<8x2048xf32> to vector<1x2048xf32>
    %gt3A = arith.cmpf ogt, %slice3A, %broadcast_in_dim3A_2 : vector<1x2048xf32>
    %jit3A = arith.constant 0 : i32
    %broadcast_in_dim3A_5 = vector.broadcast %jit3A : i32 to vector<1x2048xi32>
    %select_n3A = arith.select %gt3A, %broadcast_in_dim3A_5, %broadcast_in_dim3A_4 : vector<1x2048xi1>, vector<1x2048xi32>
    %select_n3A_6 = arith.select %gt3A, %slice3A, %broadcast_in_dim3A_2 : vector<1x2048xi1>, vector<1x2048xf32>
    %slice3A_7 = vector.extract_strided_slice %get3A_1 {offsets = [1, 0], sizes = [1, 2048], strides = [1, 1]} : vector<8x2048xf32> to vector<1x2048xf32>
    %gt3A_8 = arith.cmpf ogt, %slice3A_7, %select_n3A_6 : vector<1x2048xf32>
    %jit3A_9 = arith.constant 1 : i32
    %broadcast_in_dim3A_10 = vector.broadcast %jit3A_9 : i32 to vector<1x2048xi32>
    %select_n3A_11 = arith.select %gt3A_8, %broadcast_in_dim3A_10, %select_n3A : vector<1x2048xi1>, vector<1x2048xi32>
    %select_n3A_12 = arith.select %gt3A_8, %slice3A_7, %select_n3A_6 : vector<1x2048xi1>, vector<1x2048xf32>
    %slice3A_13 = vector.extract_strided_slice %get3A_1 {offsets = [2, 0], sizes = [1, 2048], strides = [1, 1]} : vector<8x2048xf32> to vector<1x2048xf32>
    %gt3A_14 = arith.cmpf ogt, %slice3A_13, %select_n3A_12 : vector<1x2048xf32>
    %jit3A_15 = arith.constant 2 : i32
    %broadcast_in_dim3A_16 = vector.broadcast %jit3A_15 : i32 to vector<1x2048xi32>
    %select_n3A_17 = arith.select %gt3A_14, %broadcast_in_dim3A_16, %select_n3A_11 : vector<1x2048xi1>, vector<1x2048xi32>
    %select_n3A_18 = arith.select %gt3A_14, %slice3A_13, %select_n3A_12 : vector<1x2048xi1>, vector<1x2048xf32>
    %slice3A_19 = vector.extract_strided_slice %get3A_1 {offsets = [3, 0], sizes = [1, 2048], strides = [1, 1]} : vector<8x2048xf32> to vector<1x2048xf32>
    %gt3A_20 = arith.cmpf ogt, %slice3A_19, %select_n3A_18 : vector<1x2048xf32>
    %jit3A_21 = arith.constant 3 : i32
    %broadcast_in_dim3A_22 = vector.broadcast %jit3A_21 : i32 to vector<1x2048xi32>
    %select_n3A_23 = arith.select %gt3A_20, %broadcast_in_dim3A_22, %select_n3A_17 : vector<1x2048xi1>, vector<1x2048xi32>
    %select_n3A_24 = arith.select %gt3A_20, %slice3A_19, %select_n3A_18 : vector<1x2048xi1>, vector<1x2048xf32>
    %slice3A_25 = vector.extract_strided_slice %get3A_1 {offsets = [4, 0], sizes = [1, 2048], strides = [1, 1]} : vector<8x2048xf32> to vector<1x2048xf32>
    %gt3A_26 = arith.cmpf ogt, %slice3A_25, %select_n3A_24 : vector<1x2048xf32>
    %jit3A_27 = arith.constant 4 : i32
    %broadcast_in_dim3A_28 = vector.broadcast %jit3A_27 : i32 to vector<1x2048xi32>
    %select_n3A_29 = arith.select %gt3A_26, %broadcast_in_dim3A_28, %select_n3A_23 : vector<1x2048xi1>, vector<1x2048xi32>
    %select_n3A_30 = arith.select %gt3A_26, %slice3A_25, %select_n3A_24 : vector<1x2048xi1>, vector<1x2048xf32>
    %slice3A_31 = vector.extract_strided_slice %get3A_1 {offsets = [5, 0], sizes = [1, 2048], strides = [1, 1]} : vector<8x2048xf32> to vector<1x2048xf32>
    %gt3A_32 = arith.cmpf ogt, %slice3A_31, %select_n3A_30 : vector<1x2048xf32>
    %jit3A_33 = arith.constant 5 : i32
    %broadcast_in_dim3A_34 = vector.broadcast %jit3A_33 : i32 to vector<1x2048xi32>
    %select_n3A_35 = arith.select %gt3A_32, %broadcast_in_dim3A_34, %select_n3A_29 : vector<1x2048xi1>, vector<1x2048xi32>
    %select_n3A_36 = arith.select %gt3A_32, %slice3A_31, %select_n3A_30 : vector<1x2048xi1>, vector<1x2048xf32>
    %slice3A_37 = vector.extract_strided_slice %get3A_1 {offsets = [6, 0], sizes = [1, 2048], strides = [1, 1]} : vector<8x2048xf32> to vector<1x2048xf32>
    %gt3A_38 = arith.cmpf ogt, %slice3A_37, %select_n3A_36 : vector<1x2048xf32>
    %jit3A_39 = arith.constant 6 : i32
    %broadcast_in_dim3A_40 = vector.broadcast %jit3A_39 : i32 to vector<1x2048xi32>
    %select_n3A_41 = arith.select %gt3A_38, %broadcast_in_dim3A_40, %select_n3A_35 : vector<1x2048xi1>, vector<1x2048xi32>
    %select_n3A_42 = arith.select %gt3A_38, %slice3A_37, %select_n3A_36 : vector<1x2048xi1>, vector<1x2048xf32>
    %slice3A_43 = vector.extract_strided_slice %get3A_1 {offsets = [7, 0], sizes = [1, 2048], strides = [1, 1]} : vector<8x2048xf32> to vector<1x2048xf32>
    %gt3A_44 = arith.cmpf ogt, %slice3A_43, %select_n3A_42 : vector<1x2048xf32>
    %jit3A_45 = arith.constant 7 : i32
    %broadcast_in_dim3A_46 = vector.broadcast %jit3A_45 : i32 to vector<1x2048xi32>
    %select_n3A_47 = arith.select %gt3A_44, %broadcast_in_dim3A_46, %select_n3A_41 : vector<1x2048xi1>, vector<1x2048xi32>
    %select_n3A_48 = arith.select %gt3A_44, %slice3A_43, %select_n3A_42 : vector<1x2048xi1>, vector<1x2048xf32>
    %broadcast_in_dim3A_49 = arith.constant -1.000000e+30 : f32
    %broadcast_in_dim3A_50 = vector.broadcast %broadcast_in_dim3A_49 : f32 to vector<1x2048xf32>
    %broadcast_in_dim3A_51 = arith.constant 0 : i32
    %broadcast_in_dim3A_52 = vector.broadcast %broadcast_in_dim3A_51 : i32 to vector<1x2048xi32>
    %eq3A = arith.constant 0 : i32
    %eq3A_53 = vector.broadcast %eq3A : i32 to vector<1x2048xi32>
    %eq3A_54 = arith.cmpi eq, %select_n3A_47, %eq3A_53 : vector<1x2048xi32>
    %slice3A_55 = vector.extract_strided_slice %get3A_1 {offsets = [0, 0], sizes = [1, 2048], strides = [1, 1]} : vector<8x2048xf32> to vector<1x2048xf32>
    %jit3A_56 = arith.constant -1.000000e+30 : f32
    %broadcast_in_dim3A_57 = vector.broadcast %jit3A_56 : f32 to vector<1x2048xf32>
    %select_n3A_58 = arith.select %eq3A_54, %broadcast_in_dim3A_57, %slice3A_55 : vector<1x2048xi1>, vector<1x2048xf32>
    %gt3A_59 = arith.cmpf ogt, %select_n3A_58, %broadcast_in_dim3A_50 : vector<1x2048xf32>
    %jit3A_60 = arith.constant 0 : i32
    %broadcast_in_dim3A_61 = vector.broadcast %jit3A_60 : i32 to vector<1x2048xi32>
    %select_n3A_62 = arith.select %gt3A_59, %broadcast_in_dim3A_61, %broadcast_in_dim3A_52 : vector<1x2048xi1>, vector<1x2048xi32>
    %select_n3A_63 = arith.select %gt3A_59, %select_n3A_58, %broadcast_in_dim3A_50 : vector<1x2048xi1>, vector<1x2048xf32>
    %eq3A_64 = arith.constant 1 : i32
    %eq3A_65 = vector.broadcast %eq3A_64 : i32 to vector<1x2048xi32>
    %eq3A_66 = arith.cmpi eq, %select_n3A_47, %eq3A_65 : vector<1x2048xi32>
    %slice3A_67 = vector.extract_strided_slice %get3A_1 {offsets = [1, 0], sizes = [1, 2048], strides = [1, 1]} : vector<8x2048xf32> to vector<1x2048xf32>
    %jit3A_68 = arith.constant -1.000000e+30 : f32
    %broadcast_in_dim3A_69 = vector.broadcast %jit3A_68 : f32 to vector<1x2048xf32>
    %select_n3A_70 = arith.select %eq3A_66, %broadcast_in_dim3A_69, %slice3A_67 : vector<1x2048xi1>, vector<1x2048xf32>
    %gt3A_71 = arith.cmpf ogt, %select_n3A_70, %select_n3A_63 : vector<1x2048xf32>
    %jit3A_72 = arith.constant 1 : i32
    %broadcast_in_dim3A_73 = vector.broadcast %jit3A_72 : i32 to vector<1x2048xi32>
    %select_n3A_74 = arith.select %gt3A_71, %broadcast_in_dim3A_73, %select_n3A_62 : vector<1x2048xi1>, vector<1x2048xi32>
    %select_n3A_75 = arith.select %gt3A_71, %select_n3A_70, %select_n3A_63 : vector<1x2048xi1>, vector<1x2048xf32>
    %eq3A_76 = arith.constant 2 : i32
    %eq3A_77 = vector.broadcast %eq3A_76 : i32 to vector<1x2048xi32>
    %eq3A_78 = arith.cmpi eq, %select_n3A_47, %eq3A_77 : vector<1x2048xi32>
    %slice3A_79 = vector.extract_strided_slice %get3A_1 {offsets = [2, 0], sizes = [1, 2048], strides = [1, 1]} : vector<8x2048xf32> to vector<1x2048xf32>
    %jit3A_80 = arith.constant -1.000000e+30 : f32
    %broadcast_in_dim3A_81 = vector.broadcast %jit3A_80 : f32 to vector<1x2048xf32>
    %select_n3A_82 = arith.select %eq3A_78, %broadcast_in_dim3A_81, %slice3A_79 : vector<1x2048xi1>, vector<1x2048xf32>
    %gt3A_83 = arith.cmpf ogt, %select_n3A_82, %select_n3A_75 : vector<1x2048xf32>
    %jit3A_84 = arith.constant 2 : i32
    %broadcast_in_dim3A_85 = vector.broadcast %jit3A_84 : i32 to vector<1x2048xi32>
    %select_n3A_86 = arith.select %gt3A_83, %broadcast_in_dim3A_85, %select_n3A_74 : vector<1x2048xi1>, vector<1x2048xi32>
    %select_n3A_87 = arith.select %gt3A_83, %select_n3A_82, %select_n3A_75 : vector<1x2048xi1>, vector<1x2048xf32>
    %eq3A_88 = arith.constant 3 : i32
    %eq3A_89 = vector.broadcast %eq3A_88 : i32 to vector<1x2048xi32>
    %eq3A_90 = arith.cmpi eq, %select_n3A_47, %eq3A_89 : vector<1x2048xi32>
    %slice3A_91 = vector.extract_strided_slice %get3A_1 {offsets = [3, 0], sizes = [1, 2048], strides = [1, 1]} : vector<8x2048xf32> to vector<1x2048xf32>
    %jit3A_92 = arith.constant -1.000000e+30 : f32
    %broadcast_in_dim3A_93 = vector.broadcast %jit3A_92 : f32 to vector<1x2048xf32>
    %select_n3A_94 = arith.select %eq3A_90, %broadcast_in_dim3A_93, %slice3A_91 : vector<1x2048xi1>, vector<1x2048xf32>
    %gt3A_95 = arith.cmpf ogt, %select_n3A_94, %select_n3A_87 : vector<1x2048xf32>
    %jit3A_96 = arith.constant 3 : i32
    %broadcast_in_dim3A_97 = vector.broadcast %jit3A_96 : i32 to vector<1x2048xi32>
    %select_n3A_98 = arith.select %gt3A_95, %broadcast_in_dim3A_97, %select_n3A_86 : vector<1x2048xi1>, vector<1x2048xi32>
    %select_n3A_99 = arith.select %gt3A_95, %select_n3A_94, %select_n3A_87 : vector<1x2048xi1>, vector<1x2048xf32>
    %eq3A_100 = arith.constant 4 : i32
    %eq3A_101 = vector.broadcast %eq3A_100 : i32 to vector<1x2048xi32>
    %eq3A_102 = arith.cmpi eq, %select_n3A_47, %eq3A_101 : vector<1x2048xi32>
    %slice3A_103 = vector.extract_strided_slice %get3A_1 {offsets = [4, 0], sizes = [1, 2048], strides = [1, 1]} : vector<8x2048xf32> to vector<1x2048xf32>
    %jit3A_104 = arith.constant -1.000000e+30 : f32
    %broadcast_in_dim3A_105 = vector.broadcast %jit3A_104 : f32 to vector<1x2048xf32>
    %select_n3A_106 = arith.select %eq3A_102, %broadcast_in_dim3A_105, %slice3A_103 : vector<1x2048xi1>, vector<1x2048xf32>
    %gt3A_107 = arith.cmpf ogt, %select_n3A_106, %select_n3A_99 : vector<1x2048xf32>
    %jit3A_108 = arith.constant 4 : i32
    %broadcast_in_dim3A_109 = vector.broadcast %jit3A_108 : i32 to vector<1x2048xi32>
    %select_n3A_110 = arith.select %gt3A_107, %broadcast_in_dim3A_109, %select_n3A_98 : vector<1x2048xi1>, vector<1x2048xi32>
    %select_n3A_111 = arith.select %gt3A_107, %select_n3A_106, %select_n3A_99 : vector<1x2048xi1>, vector<1x2048xf32>
    %eq3A_112 = arith.constant 5 : i32
    %eq3A_113 = vector.broadcast %eq3A_112 : i32 to vector<1x2048xi32>
    %eq3A_114 = arith.cmpi eq, %select_n3A_47, %eq3A_113 : vector<1x2048xi32>
    %slice3A_115 = vector.extract_strided_slice %get3A_1 {offsets = [5, 0], sizes = [1, 2048], strides = [1, 1]} : vector<8x2048xf32> to vector<1x2048xf32>
    %jit3A_116 = arith.constant -1.000000e+30 : f32
    %broadcast_in_dim3A_117 = vector.broadcast %jit3A_116 : f32 to vector<1x2048xf32>
    %select_n3A_118 = arith.select %eq3A_114, %broadcast_in_dim3A_117, %slice3A_115 : vector<1x2048xi1>, vector<1x2048xf32>
    %gt3A_119 = arith.cmpf ogt, %select_n3A_118, %select_n3A_111 : vector<1x2048xf32>
    %jit3A_120 = arith.constant 5 : i32
    %broadcast_in_dim3A_121 = vector.broadcast %jit3A_120 : i32 to vector<1x2048xi32>
    %select_n3A_122 = arith.select %gt3A_119, %broadcast_in_dim3A_121, %select_n3A_110 : vector<1x2048xi1>, vector<1x2048xi32>
    %select_n3A_123 = arith.select %gt3A_119, %select_n3A_118, %select_n3A_111 : vector<1x2048xi1>, vector<1x2048xf32>
    %eq3A_124 = arith.constant 6 : i32
    %eq3A_125 = vector.broadcast %eq3A_124 : i32 to vector<1x2048xi32>
    %eq3A_126 = arith.cmpi eq, %select_n3A_47, %eq3A_125 : vector<1x2048xi32>
    %slice3A_127 = vector.extract_strided_slice %get3A_1 {offsets = [6, 0], sizes = [1, 2048], strides = [1, 1]} : vector<8x2048xf32> to vector<1x2048xf32>
    %jit3A_128 = arith.constant -1.000000e+30 : f32
    %broadcast_in_dim3A_129 = vector.broadcast %jit3A_128 : f32 to vector<1x2048xf32>
    %select_n3A_130 = arith.select %eq3A_126, %broadcast_in_dim3A_129, %slice3A_127 : vector<1x2048xi1>, vector<1x2048xf32>
    %gt3A_131 = arith.cmpf ogt, %select_n3A_130, %select_n3A_123 : vector<1x2048xf32>
    %jit3A_132 = arith.constant 6 : i32
    %broadcast_in_dim3A_133 = vector.broadcast %jit3A_132 : i32 to vector<1x2048xi32>
    %select_n3A_134 = arith.select %gt3A_131, %broadcast_in_dim3A_133, %select_n3A_122 : vector<1x2048xi1>, vector<1x2048xi32>
    %select_n3A_135 = arith.select %gt3A_131, %select_n3A_130, %select_n3A_123 : vector<1x2048xi1>, vector<1x2048xf32>
    %eq3A_136 = arith.constant 7 : i32
    %eq3A_137 = vector.broadcast %eq3A_136 : i32 to vector<1x2048xi32>
    %eq3A_138 = arith.cmpi eq, %select_n3A_47, %eq3A_137 : vector<1x2048xi32>
    %slice3A_139 = vector.extract_strided_slice %get3A_1 {offsets = [7, 0], sizes = [1, 2048], strides = [1, 1]} : vector<8x2048xf32> to vector<1x2048xf32>
    %jit3A_140 = arith.constant -1.000000e+30 : f32
    %broadcast_in_dim3A_141 = vector.broadcast %jit3A_140 : f32 to vector<1x2048xf32>
    %select_n3A_142 = arith.select %eq3A_138, %broadcast_in_dim3A_141, %slice3A_139 : vector<1x2048xi1>, vector<1x2048xf32>
    %gt3A_143 = arith.cmpf ogt, %select_n3A_142, %select_n3A_135 : vector<1x2048xf32>
    %jit3A_144 = arith.constant 7 : i32
    %broadcast_in_dim3A_145 = vector.broadcast %jit3A_144 : i32 to vector<1x2048xi32>
    %select_n3A_146 = arith.select %gt3A_143, %broadcast_in_dim3A_145, %select_n3A_134 : vector<1x2048xi1>, vector<1x2048xi32>
    %select_n3A_147 = arith.select %gt3A_143, %select_n3A_142, %select_n3A_135 : vector<1x2048xi1>, vector<1x2048xf32>
    %sub3A = arith.subf %select_n3A_48, %select_n3A_147 : vector<1x2048xf32>
    %logistic3A = arith.negf %sub3A : vector<1x2048xf32>
    %logistic3A_148 = math.exp %logistic3A : vector<1x2048xf32>
    %logistic3A_149 = arith.constant 1.000000e+00 : f32
    %logistic3A_150 = vector.broadcast %logistic3A_149 : f32 to vector<1x2048xf32>
    %logistic3A_151 = arith.addf %logistic3A_150, %logistic3A_148 : vector<1x2048xf32>
    %logistic3A_152 = arith.divf %logistic3A_150, %logistic3A_151 : vector<1x2048xf32>
    %swap3A = arith.constant 0 : index
    %swap3A_153 = arith.constant 0 : index
    %swap3A_154 = vector.load %arg3[%swap3A, %swap3A_153] : memref<1x2048xf32, #tpu.memory_space<vmem>>, vector<1x2048xf32>
    tpu.vector_store %arg3[%swap3A, %swap3A_153], %logistic3A_152 {strides = array<i32>} : memref<1x2048xf32, #tpu.memory_space<vmem>>, vector<1x2048xf32>,
    %sub3A_155 = arith.subf %select_n3A_147, %select_n3A_48 : vector<1x2048xf32>
    %logistic3A_156 = arith.negf %sub3A_155 : vector<1x2048xf32>
    %logistic3A_157 = math.exp %logistic3A_156 : vector<1x2048xf32>
    %logistic3A_158 = arith.constant 1.000000e+00 : f32
    %logistic3A_159 = vector.broadcast %logistic3A_158 : f32 to vector<1x2048xf32>
    %logistic3A_160 = arith.addf %logistic3A_159, %logistic3A_157 : vector<1x2048xf32>
    %logistic3A_161 = arith.divf %logistic3A_159, %logistic3A_160 : vector<1x2048xf32>
    %swap3A_162 = arith.constant 0 : index
    %swap3A_163 = arith.constant 0 : index
    %swap3A_164 = vector.load %arg4[%swap3A_162, %swap3A_163] : memref<1x2048xf32, #tpu.memory_space<vmem>>, vector<1x2048xf32>
    tpu.vector_store %arg4[%swap3A_162, %swap3A_163], %logistic3A_161 {strides = array<i32>} : memref<1x2048xf32, #tpu.memory_space<vmem>>, vector<1x2048xf32>,
    %concatenate3A = tpu.concatenate %select_n3A_47, %select_n3A_146 in 1 : vector<1x2048xi32>, vector<1x2048xi32> -> vector<1x4096xi32>
    %iota3A = tpu.iota {dimensions = array<i32: 0>} : vector<8x4096xi32>
    %eq3A_165 = vector.broadcast %concatenate3A : vector<1x4096xi32> to vector<8x4096xi32>
    %eq3A_166 = arith.cmpi eq, %eq3A_165, %iota3A : vector<8x4096xi32>
    %convert_element_type3A = arith.extui %eq3A_166 : vector<8x4096xi1> to vector<8x4096xi32>
    %convert_element_type3A_167 = arith.sitofp %convert_element_type3A : vector<8x4096xi32> to vector<8x4096xf32>
    %iota3A_168 = tpu.iota {dimensions = array<i32: 1>} : vector<8x4096xi32>
    %ge3A = arith.constant 1 : i32
    %ge3A_169 = vector.broadcast %ge3A : i32 to vector<8x4096xi32>
    %ge3A_170 = arith.cmpi sge, %iota3A_168, %ge3A_169 : vector<8x4096xi32>
    %roll3A = arith.constant 1 : i32
    %roll3A_171 = tpu.dynamic_rotate %convert_element_type3A_167 by %roll3A dim 1 : vector<8x4096xf32>, i32 -> vector<8x4096xf32>
    %jit3A_172 = arith.constant 0.000000e+00 : f32
    %broadcast_in_dim3A_173 = vector.broadcast %jit3A_172 : f32 to vector<8x4096xf32>
    %select_n3A_174 = arith.select %ge3A_170, %roll3A_171, %broadcast_in_dim3A_173 : vector<8x4096xi1>, vector<8x4096xf32>
    %add3A = arith.addf %convert_element_type3A_167, %select_n3A_174 : vector<8x4096xf32>
    %ge3A_175 = arith.constant 2 : i32
    %ge3A_176 = vector.broadcast %ge3A_175 : i32 to vector<8x4096xi32>
    %ge3A_177 = arith.cmpi sge, %iota3A_168, %ge3A_176 : vector<8x4096xi32>
    %roll3A_178 = arith.constant 2 : i32
    %roll3A_179 = tpu.dynamic_rotate %add3A by %roll3A_178 dim 1 : vector<8x4096xf32>, i32 -> vector<8x4096xf32>
    %jit3A_180 = arith.constant 0.000000e+00 : f32
    %broadcast_in_dim3A_181 = vector.broadcast %jit3A_180 : f32 to vector<8x4096xf32>
    %select_n3A_182 = arith.select %ge3A_177, %roll3A_179, %broadcast_in_dim3A_181 : vector<8x4096xi1>, vector<8x4096xf32>
    %add3A_183 = arith.addf %add3A, %select_n3A_182 : vector<8x4096xf32>
    %ge3A_184 = arith.constant 4 : i32
    %ge3A_185 = vector.broadcast %ge3A_184 : i32 to vector<8x4096xi32>
    %ge3A_186 = arith.cmpi sge, %iota3A_168, %ge3A_185 : vector<8x4096xi32>
    %roll3A_187 = arith.constant 4 : i32
    %roll3A_188 = tpu.dynamic_rotate %add3A_183 by %roll3A_187 dim 1 : vector<8x4096xf32>, i32 -> vector<8x4096xf32>
    %jit3A_189 = arith.constant 0.000000e+00 : f32
    %broadcast_in_dim3A_190 = vector.broadcast %jit3A_189 : f32 to vector<8x4096xf32>
    %select_n3A_191 = arith.select %ge3A_186, %roll3A_188, %broadcast_in_dim3A_190 : vector<8x4096xi1>, vector<8x4096xf32>
    %add3A_192 = arith.addf %add3A_183, %select_n3A_191 : vector<8x4096xf32>
    %ge3A_193 = arith.constant 8 : i32
    %ge3A_194 = vector.broadcast %ge3A_193 : i32 to vector<8x4096xi32>
    %ge3A_195 = arith.cmpi sge, %iota3A_168, %ge3A_194 : vector<8x4096xi32>
    %roll3A_196 = arith.constant 8 : i32
    %roll3A_197 = tpu.dynamic_rotate %add3A_192 by %roll3A_196 dim 1 : vector<8x4096xf32>, i32 -> vector<8x4096xf32>
    %jit3A_198 = arith.constant 0.000000e+00 : f32
    %broadcast_in_dim3A_199 = vector.broadcast %jit3A_198 : f32 to vector<8x4096xf32>
    %select_n3A_200 = arith.select %ge3A_195, %roll3A_197, %broadcast_in_dim3A_199 : vector<8x4096xi1>, vector<8x4096xf32>
    %add3A_201 = arith.addf %add3A_192, %select_n3A_200 : vector<8x4096xf32>
    %ge3A_202 = arith.constant 16 : i32
    %ge3A_203 = vector.broadcast %ge3A_202 : i32 to vector<8x4096xi32>
    %ge3A_204 = arith.cmpi sge, %iota3A_168, %ge3A_203 : vector<8x4096xi32>
    %roll3A_205 = arith.constant 16 : i32
    %roll3A_206 = tpu.dynamic_rotate %add3A_201 by %roll3A_205 dim 1 : vector<8x4096xf32>, i32 -> vector<8x4096xf32>
    %jit3A_207 = arith.constant 0.000000e+00 : f32
    %broadcast_in_dim3A_208 = vector.broadcast %jit3A_207 : f32 to vector<8x4096xf32>
    %select_n3A_209 = arith.select %ge3A_204, %roll3A_206, %broadcast_in_dim3A_208 : vector<8x4096xi1>, vector<8x4096xf32>
    %add3A_210 = arith.addf %add3A_201, %select_n3A_209 : vector<8x4096xf32>
    %ge3A_211 = arith.constant 32 : i32
    %ge3A_212 = vector.broadcast %ge3A_211 : i32 to vector<8x4096xi32>
    %ge3A_213 = arith.cmpi sge, %iota3A_168, %ge3A_212 : vector<8x4096xi32>
    %roll3A_214 = arith.constant 32 : i32
    %roll3A_215 = tpu.dynamic_rotate %add3A_210 by %roll3A_214 dim 1 : vector<8x4096xf32>, i32 -> vector<8x4096xf32>
    %jit3A_216 = arith.constant 0.000000e+00 : f32
    %broadcast_in_dim3A_217 = vector.broadcast %jit3A_216 : f32 to vector<8x4096xf32>
    %select_n3A_218 = arith.select %ge3A_213, %roll3A_215, %broadcast_in_dim3A_217 : vector<8x4096xi1>, vector<8x4096xf32>
    %add3A_219 = arith.addf %add3A_210, %select_n3A_218 : vector<8x4096xf32>
    %ge3A_220 = arith.constant 64 : i32
    %ge3A_221 = vector.broadcast %ge3A_220 : i32 to vector<8x4096xi32>
    %ge3A_222 = arith.cmpi sge, %iota3A_168, %ge3A_221 : vector<8x4096xi32>
    %roll3A_223 = arith.constant 64 : i32
    %roll3A_224 = tpu.dynamic_rotate %add3A_219 by %roll3A_223 dim 1 : vector<8x4096xf32>, i32 -> vector<8x4096xf32>
    %jit3A_225 = arith.constant 0.000000e+00 : f32
    %broadcast_in_dim3A_226 = vector.broadcast %jit3A_225 : f32 to vector<8x4096xf32>
    %select_n3A_227 = arith.select %ge3A_222, %roll3A_224, %broadcast_in_dim3A_226 : vector<8x4096xi1>, vector<8x4096xf32>
    %add3A_228 = arith.addf %add3A_219, %select_n3A_227 : vector<8x4096xf32>
    %ge3A_229 = arith.constant 128 : i32
    %ge3A_230 = vector.broadcast %ge3A_229 : i32 to vector<8x4096xi32>
    %ge3A_231 = arith.cmpi sge, %iota3A_168, %ge3A_230 : vector<8x4096xi32>
    %roll3A_232 = arith.constant 128 : i32
    %roll3A_233 = tpu.dynamic_rotate %add3A_228 by %roll3A_232 dim 1 : vector<8x4096xf32>, i32 -> vector<8x4096xf32>
    %jit3A_234 = arith.constant 0.000000e+00 : f32
    %broadcast_in_dim3A_235 = vector.broadcast %jit3A_234 : f32 to vector<8x4096xf32>
    %select_n3A_236 = arith.select %ge3A_231, %roll3A_233, %broadcast_in_dim3A_235 : vector<8x4096xi1>, vector<8x4096xf32>
    %add3A_237 = arith.addf %add3A_228, %select_n3A_236 : vector<8x4096xf32>
    %ge3A_238 = arith.constant 256 : i32
    %ge3A_239 = vector.broadcast %ge3A_238 : i32 to vector<8x4096xi32>
    %ge3A_240 = arith.cmpi sge, %iota3A_168, %ge3A_239 : vector<8x4096xi32>
    %roll3A_241 = arith.constant 256 : i32
    %roll3A_242 = tpu.dynamic_rotate %add3A_237 by %roll3A_241 dim 1 : vector<8x4096xf32>, i32 -> vector<8x4096xf32>
    %jit3A_243 = arith.constant 0.000000e+00 : f32
    %broadcast_in_dim3A_244 = vector.broadcast %jit3A_243 : f32 to vector<8x4096xf32>
    %select_n3A_245 = arith.select %ge3A_240, %roll3A_242, %broadcast_in_dim3A_244 : vector<8x4096xi1>, vector<8x4096xf32>
    %add3A_246 = arith.addf %add3A_237, %select_n3A_245 : vector<8x4096xf32>
    %ge3A_247 = arith.constant 512 : i32
    %ge3A_248 = vector.broadcast %ge3A_247 : i32 to vector<8x4096xi32>
    %ge3A_249 = arith.cmpi sge, %iota3A_168, %ge3A_248 : vector<8x4096xi32>
    %roll3A_250 = arith.constant 512 : i32
    %roll3A_251 = tpu.dynamic_rotate %add3A_246 by %roll3A_250 dim 1 : vector<8x4096xf32>, i32 -> vector<8x4096xf32>
    %jit3A_252 = arith.constant 0.000000e+00 : f32
    %broadcast_in_dim3A_253 = vector.broadcast %jit3A_252 : f32 to vector<8x4096xf32>
    %select_n3A_254 = arith.select %ge3A_249, %roll3A_251, %broadcast_in_dim3A_253 : vector<8x4096xi1>, vector<8x4096xf32>
    %add3A_255 = arith.addf %add3A_246, %select_n3A_254 : vector<8x4096xf32>
    %ge3A_256 = arith.constant 1024 : i32
    %ge3A_257 = vector.broadcast %ge3A_256 : i32 to vector<8x4096xi32>
    %ge3A_258 = arith.cmpi sge, %iota3A_168, %ge3A_257 : vector<8x4096xi32>
    %roll3A_259 = arith.constant 1024 : i32
    %roll3A_260 = tpu.dynamic_rotate %add3A_255 by %roll3A_259 dim 1 : vector<8x4096xf32>, i32 -> vector<8x4096xf32>
    %jit3A_261 = arith.constant 0.000000e+00 : f32
    %broadcast_in_dim3A_262 = vector.broadcast %jit3A_261 : f32 to vector<8x4096xf32>
    %select_n3A_263 = arith.select %ge3A_258, %roll3A_260, %broadcast_in_dim3A_262 : vector<8x4096xi1>, vector<8x4096xf32>
    %add3A_264 = arith.addf %add3A_255, %select_n3A_263 : vector<8x4096xf32>
    %ge3A_265 = arith.constant 2048 : i32
    %ge3A_266 = vector.broadcast %ge3A_265 : i32 to vector<8x4096xi32>
    %ge3A_267 = arith.cmpi sge, %iota3A_168, %ge3A_266 : vector<8x4096xi32>
    %roll3A_268 = arith.constant 2048 : i32
    %roll3A_269 = tpu.dynamic_rotate %add3A_264 by %roll3A_268 dim 1 : vector<8x4096xf32>, i32 -> vector<8x4096xf32>
    %jit3A_270 = arith.constant 0.000000e+00 : f32
    %broadcast_in_dim3A_271 = vector.broadcast %jit3A_270 : f32 to vector<8x4096xf32>
    %select_n3A_272 = arith.select %ge3A_267, %roll3A_269, %broadcast_in_dim3A_271 : vector<8x4096xi1>, vector<8x4096xf32>
    %add3A_273 = arith.addf %add3A_264, %select_n3A_272 : vector<8x4096xf32>
    %slice3A_274 = vector.extract_strided_slice %add3A_273 {offsets = [0, 4095], sizes = [8, 1], strides = [1, 1]} : vector<8x4096xf32> to vector<8x1xf32>
    %sub3A_275 = arith.constant 1.000000e+00 : f32
    %sub3A_276 = vector.broadcast %sub3A_275 : f32 to vector<8x4096xf32>
    %sub3A_277 = arith.subf %add3A_273, %sub3A_276 : vector<8x4096xf32>
    %mul3A = arith.mulf %convert_element_type3A_167, %sub3A_277 : vector<8x4096xf32>
    %reduce_sum3A = arith.constant dense<0.000000e+00> : vector<4096xf32>
    %reduce_sum3A_278 = vector.multi_reduction <add>, %mul3A, %reduce_sum3A [0] : vector<8x4096xf32> to vector<4096xf32>
    %broadcast_in_dim3A_279 = vector.shape_cast %reduce_sum3A_278 : vector<4096xf32> to vector<1x4096xf32>
    %div3A = arith.constant 5.120000e+02 : f32
    %div3A_280 = vector.broadcast %div3A : f32 to vector<8x1xf32>
    %div3A_281 = arith.divf %slice3A_274, %div3A_280 : vector<8x1xf32>
    %ceil3A = math.ceil %div3A_281 : vector<8x1xf32>
    %iota3A_282 = tpu.iota {dimensions = array<i32: 0>} : vector<8x1xi32>
    %ge3A_283 = arith.constant 1 : i32
    %ge3A_284 = vector.broadcast %ge3A_283 : i32 to vector<8x1xi32>
    %ge3A_285 = arith.cmpi sge, %iota3A_282, %ge3A_284 : vector<8x1xi32>
    %roll3A_286 = arith.constant 1 : i32
    %roll3A_287 = tpu.dynamic_rotate %ceil3A by %roll3A_286 dim 0 : vector<8x1xf32>, i32 -> vector<8x1xf32>
    %jit3A_288 = arith.constant 0.000000e+00 : f32
    %broadcast_in_dim3A_289 = vector.broadcast %jit3A_288 : f32 to vector<8x1xf32>
    %select_n3A_290 = arith.select %ge3A_285, %roll3A_287, %broadcast_in_dim3A_289 : vector<8x1xi1>, vector<8x1xf32>
    %add3A_291 = arith.addf %ceil3A, %select_n3A_290 : vector<8x1xf32>
    %ge3A_292 = arith.constant 2 : i32
    %ge3A_293 = vector.broadcast %ge3A_292 : i32 to vector<8x1xi32>
    %ge3A_294 = arith.cmpi sge, %iota3A_282, %ge3A_293 : vector<8x1xi32>
    %roll3A_295 = arith.constant 2 : i32
    %roll3A_296 = tpu.dynamic_rotate %add3A_291 by %roll3A_295 dim 0 : vector<8x1xf32>, i32 -> vector<8x1xf32>
    %jit3A_297 = arith.constant 0.000000e+00 : f32
    %broadcast_in_dim3A_298 = vector.broadcast %jit3A_297 : f32 to vector<8x1xf32>
    %select_n3A_299 = arith.select %ge3A_294, %roll3A_296, %broadcast_in_dim3A_298 : vector<8x1xi1>, vector<8x1xf32>
    %add3A_300 = arith.addf %add3A_291, %select_n3A_299 : vector<8x1xf32>
    %ge3A_301 = arith.constant 4 : i32
    %ge3A_302 = vector.broadcast %ge3A_301 : i32 to vector<8x1xi32>
    %ge3A_303 = arith.cmpi sge, %iota3A_282, %ge3A_302 : vector<8x1xi32>
    %roll3A_304 = arith.constant 4 : i32
    %roll3A_305 = tpu.dynamic_rotate %add3A_300 by %roll3A_304 dim 0 : vector<8x1xf32>, i32 -> vector<8x1xf32>
    %jit3A_306 = arith.constant 0.000000e+00 : f32
    %broadcast_in_dim3A_307 = vector.broadcast %jit3A_306 : f32 to vector<8x1xf32>
    %select_n3A_308 = arith.select %ge3A_303, %roll3A_305, %broadcast_in_dim3A_307 : vector<8x1xi1>, vector<8x1xf32>
    %add3A_309 = arith.addf %add3A_300, %select_n3A_308 : vector<8x1xf32>
    %sub3A_310 = arith.subf %add3A_309, %ceil3A : vector<8x1xf32>
    %mul3A_311 = arith.constant 5.120000e+02 : f32
    %mul3A_312 = vector.broadcast %mul3A_311 : f32 to vector<8x1xf32>
    %mul3A_313 = arith.mulf %sub3A_310, %mul3A_312 : vector<8x1xf32>
    %mul3A_314 = vector.broadcast %mul3A_313 : vector<8x1xf32> to vector<8x4096xf32>
    %mul3A_315 = arith.mulf %convert_element_type3A_167, %mul3A_314 : vector<8x4096xf32>
    %reduce_sum3A_316 = arith.constant dense<0.000000e+00> : vector<4096xf32>
    %reduce_sum3A_317 = vector.multi_reduction <add>, %mul3A_315, %reduce_sum3A_316 [0] : vector<8x4096xf32> to vector<4096xf32>
    %broadcast_in_dim3A_318 = vector.shape_cast %reduce_sum3A_317 : vector<4096xf32> to vector<1x4096xf32>
    %add3A_319 = arith.addf %broadcast_in_dim3A_279, %broadcast_in_dim3A_318 : vector<1x4096xf32>
    %convert_element_type3A_320 = arith.fptosi %add3A_319 : vector<1x4096xf32> to vector<1x4096xi32>
    %slice3A_321 = vector.extract_strided_slice %convert_element_type3A_320 {offsets = [0, 0], sizes = [1, 2048], strides = [1, 1]} : vector<1x4096xi32> to vector<1x2048xi32>
    %swap3A_322 = arith.constant 0 : index
    %swap3A_323 = arith.constant 0 : index
    %swap3A_324 = vector.load %arg1[%swap3A_322, %swap3A_323] : memref<1x2048xi32, #tpu.memory_space<vmem>>, vector<1x2048xi32>
    tpu.vector_store %arg1[%swap3A_322, %swap3A_323], %slice3A_321 {strides = array<i32>} : memref<1x2048xi32, #tpu.memory_space<vmem>>, vector<1x2048xi32>,
    %slice3A_325 = vector.extract_strided_slice %convert_element_type3A_320 {offsets = [0, 2048], sizes = [1, 2048], strides = [1, 1]} : vector<1x4096xi32> to vector<1x2048xi32>
    %swap3A_326 = arith.constant 0 : index
    %swap3A_327 = arith.constant 0 : index
    %swap3A_328 = vector.load %arg2[%swap3A_326, %swap3A_327] : memref<1x2048xi32, #tpu.memory_space<vmem>>, vector<1x2048xi32>
    tpu.vector_store %arg2[%swap3A_326, %swap3A_327], %slice3A_325 {strides = array<i32>} : memref<1x2048xi32, #tpu.memory_space<vmem>>, vector<1x2048xi32>,
    %iota3A_329 = tpu.iota {dimensions = array<i32: 1>} : vector<8x16xi32>
    %convert_element_type3A_330 = arith.sitofp %iota3A_329 : vector<8x16xi32> to vector<8x16xf32>
    %ge3A_331 = vector.broadcast %add3A_309 : vector<8x1xf32> to vector<8x16xf32>
    %ge3A_332 = arith.cmpf oge, %convert_element_type3A_330, %ge3A_331 : vector<8x16xf32>
    %convert_element_type3A_333 = arith.extui %ge3A_332 : vector<8x16xi1> to vector<8x16xi32>
    %reduce_sum3A_334 = arith.constant dense<0> : vector<16xi32>
    %reduce_sum3A_335 = vector.multi_reduction <add>, %convert_element_type3A_333, %reduce_sum3A_334 [0] : vector<8x16xi32> to vector<16xi32>
    %broadcast_in_dim3A_336 = vector.shape_cast %reduce_sum3A_335 : vector<16xi32> to vector<1x16xi32>
    %gt3A_337 = arith.constant 0.000000e+00 : f32
    %gt3A_338 = vector.broadcast %gt3A_337 : f32 to vector<8x1xf32>
    %gt3A_339 = arith.cmpf ogt, %ceil3A, %gt3A_338 : vector<8x1xf32>
    %jit3A_340 = arith.constant 0 : i32
    %broadcast_in_dim3A_341 = vector.broadcast %jit3A_340 : i32 to vector<8x1xi32>
    %select_n3A_342 = arith.select %gt3A_339, %iota3A_282, %broadcast_in_dim3A_341 : vector<8x1xi1>, vector<8x1xi32>
    %reduce_max3A = arith.constant dense<-2147483648> : vector<1xi32>
    %reduce_max3A_343 = vector.multi_reduction <maxsi>, %select_n3A_342, %reduce_max3A [0] : vector<8x1xi32> to vector<1xi32>
    %broadcast_in_dim3A_344 = vector.shape_cast %reduce_max3A_343 : vector<1xi32> to vector<1x1xi32>
    %min3A = vector.broadcast %broadcast_in_dim3A_344 : vector<1x1xi32> to vector<1x16xi32>
    %min3A_345 = arith.minsi %broadcast_in_dim3A_336, %min3A : vector<1x16xi32>
    %swap3A_346 = arith.constant 0 : index
    %swap3A_347 = arith.constant 0 : index
    %swap3A_348 = vector.load %arg5[%swap3A_346, %swap3A_347] : memref<1x16xi32, #tpu.memory_space<vmem>>, vector<1x16xi32>
    tpu.vector_store %arg5[%swap3A_346, %swap3A_347], %min3A_345 {strides = array<i32>} : memref<1x16xi32, #tpu.memory_space<vmem>>, vector<1x16xi32>,
    %slice3A_349 = vector.extract_strided_slice %add3A_309 {offsets = [7, 0], sizes = [1, 1], strides = [1, 1]} : vector<8x1xf32> to vector<1x1xf32>
    %convert_element_type3A_350 = arith.fptosi %slice3A_349 : vector<1x1xf32> to vector<1x1xi32>
    %swap3A_351 = arith.constant 0 : index
    %swap3A_352 = arith.constant 0 : index
    %swap3A_353 = vector.load %arg6[%swap3A_351, %swap3A_352] : memref<1x1xi32, #tpu.memory_space<vmem>>, vector<1x1xi32>
    tpu.vector_store %arg6[%swap3A_351, %swap3A_352], %convert_element_type3A_350 {strides = array<i32>} : memref<1x1xi32, #tpu.memory_space<vmem>>, vector<1x1xi32>,
    return
  }
}

module attributes {stable_mosaic.version = 14 : i64} {
  func.func @_ffn_block(%arg0: i32, %arg1: memref<16xi32, #tpu.memory_space<smem>>, %arg2: memref<1xi32, #tpu.memory_space<smem>>, %arg3: memref<512x1024xf32, #tpu.memory_space<vmem>>, %arg4: memref<1x2816x1024xf32, #tpu.memory_space<vmem>>, %arg5: memref<1x1024x1408xf32, #tpu.memory_space<vmem>>, %arg6: memref<512x1024xf32, #tpu.memory_space<vmem>>, %arg7: memref<2816x1024xbf16, #tpu.memory_space<vmem>>, %arg8: memref<1024x1408xbf16, #tpu.memory_space<vmem>>) attributes {dimension_semantics = [#tpu.dimension_semantics<arbitrary>], iteration_bounds = array<i64: 16>, scalar_prefetch = 2 : i64, scratch_operands = 2 : i64, tpu.core_type = #tpu.core_type<tc>, window_params = [{transform_indices = @transform_0, window_bounds = array<i64: 512, 1024>}, {transform_indices = @transform_1, window_bounds = array<i64: 1, 2816, 1024>}, {transform_indices = @transform_2, window_bounds = array<i64: 1, 1024, 1408>}, {transform_indices = @transform_3, window_bounds = array<i64: 512, 1024>}]} {
    %get3A = arith.constant 0 : index
    %get3A_0 = memref.load %arg2[%get3A] : memref<1xi32, #tpu.memory_space<smem>>
    %lt3A = arith.cmpi slt, %arg0, %get3A_0 : i32
    %convert_element_type3A = arith.extui %lt3A : i1 to i32
    %cond3A = arith.constant 0 : i32
    %cond3A_1 = arith.cmpi ne, %convert_element_type3A, %cond3A : i32
    scf.if %cond3A_1 {
      %sub3A = arith.constant 1 : i32
      %sub3A_2 = arith.subi %arg0, %sub3A : i32
      %max3A = arith.constant 0 : i32
      %max3A_3 = arith.maxsi %sub3A_2, %max3A : i32
      %get3A_4 = arith.index_cast %max3A_3 : i32 to index
      %get3A_5 = memref.load %arg1[%get3A_4] : memref<16xi32, #tpu.memory_space<smem>>
      %eq3A = arith.constant 0 : i32
      %eq3A_6 = arith.cmpi eq, %arg0, %eq3A : i32
      %get3A_7 = arith.index_cast %arg0 : i32 to index
      %get3A_8 = memref.load %arg1[%get3A_7] : memref<16xi32, #tpu.memory_space<smem>>
      %ne3A = arith.cmpi ne, %get3A_8, %get3A_5 : i32
      %or3A = arith.ori %eq3A_6, %ne3A : i1
      %convert_element_type3A_9 = arith.extui %or3A : i1 to i32
      %cond3A_10 = arith.constant 0 : i32
      %cond3A_11 = arith.cmpi ne, %convert_element_type3A_9, %cond3A_10 : i32
      scf.if %cond3A_11 {
        %get3A_35 = arith.constant 0 : index
        %get3A_36 = arith.constant 0 : index
        %get3A_37 = arith.constant 0 : index
        %get3A_38 = vector.load %arg4[%get3A_35, %get3A_36, %get3A_37] : memref<1x2816x1024xf32, #tpu.memory_space<vmem>>, vector<1x2816x1024xf32>
        %get3A_39 = vector.shape_cast %get3A_38 : vector<1x2816x1024xf32> to vector<2816x1024xf32>
        %convert_element_type3A_40 = arith.truncf %get3A_39 : vector<2816x1024xf32> to vector<2816x1024xbf16>
        %swap3A_41 = arith.constant 0 : index
        %swap3A_42 = arith.constant 0 : index
        %swap3A_43 = vector.load %arg7[%swap3A_41, %swap3A_42] : memref<2816x1024xbf16, #tpu.memory_space<vmem>>, vector<2816x1024xbf16>
        tpu.vector_store %arg7[%swap3A_41, %swap3A_42], %convert_element_type3A_40 {strides = array<i32>} : memref<2816x1024xbf16, #tpu.memory_space<vmem>>, vector<2816x1024xbf16>,
        %get3A_44 = arith.constant 0 : index
        %get3A_45 = arith.constant 0 : index
        %get3A_46 = arith.constant 0 : index
        %get3A_47 = vector.load %arg5[%get3A_44, %get3A_45, %get3A_46] : memref<1x1024x1408xf32, #tpu.memory_space<vmem>>, vector<1x1024x1408xf32>
        %get3A_48 = vector.shape_cast %get3A_47 : vector<1x1024x1408xf32> to vector<1024x1408xf32>
        %convert_element_type3A_49 = arith.truncf %get3A_48 : vector<1024x1408xf32> to vector<1024x1408xbf16>
        %swap3A_50 = arith.constant 0 : index
        %swap3A_51 = arith.constant 0 : index
        %swap3A_52 = vector.load %arg8[%swap3A_50, %swap3A_51] : memref<1024x1408xbf16, #tpu.memory_space<vmem>>, vector<1024x1408xbf16>
        tpu.vector_store %arg8[%swap3A_50, %swap3A_51], %convert_element_type3A_49 {strides = array<i32>} : memref<1024x1408xbf16, #tpu.memory_space<vmem>>, vector<1024x1408xbf16>,
      } else {
      }
      %get3A_12 = arith.constant 0 : index
      %get3A_13 = arith.constant 0 : index
      %get3A_14 = vector.load %arg3[%get3A_12, %get3A_13] : memref<512x1024xf32, #tpu.memory_space<vmem>>, vector<512x1024xf32>
      %convert_element_type3A_15 = arith.truncf %get3A_14 : vector<512x1024xf32> to vector<512x1024xbf16>
      %get3A_16 = arith.constant 0 : index
      %get3A_17 = arith.constant 0 : index
      %get3A_18 = vector.load %arg7[%get3A_16, %get3A_17] : memref<2816x1024xbf16, #tpu.memory_space<vmem>>, vector<2816x1024xbf16>
      %dot_general3A = arith.constant dense<0.000000e+00> : vector<512x2816xf32>
      %dot_general3A_19 = tpu.matmul %convert_element_type3A_15, %get3A_18, %dot_general3A {dimension_numbers = #tpu.dot_dimension_numbers<[1], [1], [0], [0], [0, 0, 1, 0], [], []>, transpose_lhs_hint = false} : vector<512x1024xbf16>, vector<2816x1024xbf16>, vector<512x2816xf32> -> vector<512x2816xf32>
      %slice3A = vector.extract_strided_slice %dot_general3A_19 {offsets = [0, 0], sizes = [512, 1408], strides = [1, 1]} : vector<512x2816xf32> to vector<512x1408xf32>
      %slice3A_20 = vector.extract_strided_slice %dot_general3A_19 {offsets = [0, 1408], sizes = [512, 1408], strides = [1, 1]} : vector<512x2816xf32> to vector<512x1408xf32>
      %logistic3A = arith.negf %slice3A : vector<512x1408xf32>
      %logistic3A_21 = math.exp %logistic3A : vector<512x1408xf32>
      %logistic3A_22 = arith.constant 1.000000e+00 : f32
      %logistic3A_23 = vector.broadcast %logistic3A_22 : f32 to vector<512x1408xf32>
      %logistic3A_24 = arith.addf %logistic3A_23, %logistic3A_21 : vector<512x1408xf32>
      %logistic3A_25 = arith.divf %logistic3A_23, %logistic3A_24 : vector<512x1408xf32>
      %mul3A = arith.mulf %slice3A, %logistic3A_25 : vector<512x1408xf32>
      %mul3A_26 = arith.mulf %mul3A, %slice3A_20 : vector<512x1408xf32>
      %convert_element_type3A_27 = arith.truncf %mul3A_26 : vector<512x1408xf32> to vector<512x1408xbf16>
      %get3A_28 = arith.constant 0 : index
      %get3A_29 = arith.constant 0 : index
      %get3A_30 = vector.load %arg8[%get3A_28, %get3A_29] : memref<1024x1408xbf16, #tpu.memory_space<vmem>>, vector<1024x1408xbf16>
      %dot_general3A_31 = arith.constant dense<0.000000e+00> : vector<512x1024xf32>
      %dot_general3A_32 = tpu.matmul %convert_element_type3A_27, %get3A_30, %dot_general3A_31 {dimension_numbers = #tpu.dot_dimension_numbers<[1], [1], [0], [0], [0, 0, 1, 0], [], []>, transpose_lhs_hint = false} : vector<512x1408xbf16>, vector<1024x1408xbf16>, vector<512x1024xf32> -> vector<512x1024xf32>
      %swap3A = arith.constant 0 : index
      %swap3A_33 = arith.constant 0 : index
      %swap3A_34 = vector.load %arg6[%swap3A, %swap3A_33] : memref<512x1024xf32, #tpu.memory_space<vmem>>, vector<512x1024xf32>
      tpu.vector_store %arg6[%swap3A, %swap3A_33], %dot_general3A_32 {strides = array<i32>} : memref<512x1024xf32, #tpu.memory_space<vmem>>, vector<512x1024xf32>,
    } else {
    }
    return
  }
  func.func @transform_0(%arg0: i32, %arg1: memref<16xi32, #tpu.memory_space<smem>>, %arg2: memref<1xi32, #tpu.memory_space<smem>>) -> (i32, i32) {
    %get3A = arith.constant 0 : index
    %get3A_0 = memref.load %arg2[%get3A] : memref<1xi32, #tpu.memory_space<smem>>
    %sub3A = arith.constant 1 : i32
    %sub3A_1 = arith.subi %get3A_0, %sub3A : i32
    %min3A = arith.minsi %arg0, %sub3A_1 : i32
    %c0_i32 = arith.constant 0 : i32
    %c0_i32_2 = arith.constant 0 : i32
    return %min3A, %c0_i32 : i32, i32
  }
  func.func @transform_1(%arg0: i32, %arg1: memref<16xi32, #tpu.memory_space<smem>>, %arg2: memref<1xi32, #tpu.memory_space<smem>>) -> (i32, i32, i32) {
    %get3A = arith.index_cast %arg0 : i32 to index
    %get3A_0 = memref.load %arg1[%get3A] : memref<16xi32, #tpu.memory_space<smem>>
    %c0_i32 = arith.constant 0 : i32
    %c0_i32_1 = arith.constant 0 : i32
    %c0_i32_2 = arith.constant 0 : i32
    return %get3A_0, %c0_i32, %c0_i32_1 : i32, i32, i32
  }
  func.func @transform_2(%arg0: i32, %arg1: memref<16xi32, #tpu.memory_space<smem>>, %arg2: memref<1xi32, #tpu.memory_space<smem>>) -> (i32, i32, i32) {
    %get3A = arith.index_cast %arg0 : i32 to index
    %get3A_0 = memref.load %arg1[%get3A] : memref<16xi32, #tpu.memory_space<smem>>
    %c0_i32 = arith.constant 0 : i32
    %c0_i32_1 = arith.constant 0 : i32
    %c0_i32_2 = arith.constant 0 : i32
    return %get3A_0, %c0_i32, %c0_i32_1 : i32, i32, i32
  }
  func.func @transform_3(%arg0: i32, %arg1: memref<16xi32, #tpu.memory_space<smem>>, %arg2: memref<1xi32, #tpu.memory_space<smem>>) -> (i32, i32) {
    %get3A = arith.constant 0 : index
    %get3A_0 = memref.load %arg2[%get3A] : memref<1xi32, #tpu.memory_space<smem>>
    %sub3A = arith.constant 1 : i32
    %sub3A_1 = arith.subi %get3A_0, %sub3A : i32
    %min3A = arith.minsi %arg0, %sub3A_1 : i32
    %c0_i32 = arith.constant 0 : i32
    %c0_i32_2 = arith.constant 0 : i32
    return %min3A, %c0_i32 : i32, i32
  }
}

</mosaic_0001>

<sc_bundles>
// kernel: kernel.6.cloned.1.call-start
scs
__scs_entry_jumppad:
0x0: {  	(pc) =	sbr.rel $0x88, $3  }
0x1: {  	(tag) =	ssettag $0x0;
	lr =	simm.s32 $0x1  }
0x2: {  	[smem:$0x3F9D] =	sst lr;
	_ =	strace $0xD0000000  }
0x3: {  	_ = 	snop  }
0x4: {  	_ = 	snop  }
0x5: {  	_ = 	snop  }
0x6: {  	_ = 	snop  }
0x7: {  	_ = 	snop  }
__scs_overlays_trampoline_lowered:
0x8: {  	[smem:$0x3FAC] =	sst s0  }
0x9: {  	[smem:$0x3FAD] =	sst s1  }
0xa: {  	[smem:$0x3FAE] =	sst s2  }
0xb: {  	[smem:$0x3FAF] =	sst s3  }
0xc: {  	[smem:$0x3FB0] =	sst s4  }
0xd: {  	[smem:$0x3FB1] =	sst s5  }
0xe: {  	[smem:$0x3FB2] =	sst s6  }
0xf: {  	[smem:$0x3FB3] =	sst s7  }
0x10: {  	[smem:$0x3FB4] =	sst s8  }
0x11: {  	[smem:$0x3FB5] =	sst s9;
	s0 =	simm.s32 @!p0 $0x0  }
0x12: {  	s1 =	sld [smem:$0x3F9B];
	s0 =	simm.s32 @p0 $0x1  }
0x13: {  	[smem:$0x3FB6] =	sst s0;
	s0 =	simm.s32 @!p1 $0x0  }
0x14: {  	s2 =	sld [smem:$0x3F9A];
	s0 =	simm.s32 @p1 $0x1  }
0x15: {  	[smem:$0x3FB7] =	sst s0;
	s0 =	simm.s32 @!p2 $0x0  }
0x16: {  	s3 =	sld [smem:$0x3FDB];
	s0 =	simm.s32 @p2 $0x1  }
0x17: {  	s4 =	simm.s32 $0x1BF5;
	[smem:$0x3FB9] =	sst s0  }
0x18: {  	s0 =	sld [smem:$0x3F9C];
	_ =	swait.ge [sflag:s4], $0x0  }
0x19: {  	s7 =	sld [smem:$0x3F9D]  }
0x1a: {  	s8 =	sadd.s32 $0xFFFFE003, lr  }
0x1b: {  	s9 =	sadd.s32 $0xFFFFFEF7, lr;
	s5 =	simm.s32 $0xFFFFFFFF;
	p2 =	slt.u32 s8, $0xFFFFF086  }
0x1c: {  	p1 =	slt.u32 s9, $0xF7A;
	s5 =	simm.s32 @!p2 $0x0  }
0x1d: {  	s5 =	simm.s32 @p1 $0x1;
	p0 =	seq.s32 s7, s2  }
0x1e: {  	s7 =	smul.u32 @!p0 $0xF7A, s2;
	p2 =	seq.s32 @!p0 s5, $0x0  }
0x1f: {  	s9 =	smul.u32 $0xF7A, s1;
	s8 =	simm.s32 @!p0 $0x1BF5;
	p2 =	por !p2, p0  }
0x20: {  	[sflag:s8] =	ssyncset.s32 @!p0 $0xFFFFF086;
	s6 =	sadd.s32 @!p0 s3, s7;
	s7 =	simm.s32 @!p0 $0x108  }
0x21: {  	s3 =	sadd.s32 s3, s9;
	s6 =	sadd.s32 @!p0 $0x88, s6;
	s7 =	simm.s32 @p2 $0x1082  }
0x22: {  	[simem:s7], [sflag:s8] =	dma.local @!p0 [hbm:s6], $0xF7A  }
0x23: {  	s9 =	sor.u32 $0xD0000000, s2;
	s6 =	simm.s32 $0x108;
	_ =	swait.ge @!p0 [sflag:s8], $0x0  }
0x24: {  	s3 =	sadd.s32 $0x88, s3;
	s6 =	simm.s32 @!p1 $0x1082;
	[sflag:s4] =	ssyncset.s32 $0xFFFFF086  }
0x25: {  	[simem:s6], [sflag:s4] =	dma.local [hbm:s3], $0xF7A  }
0x26: {  	[smem:$0x3F9D] =	sst s1;
	(tag) =	ssettag s2;
	_ =	strace s9  }
0x27: {  	s1 =	sld [smem:$0x3FAD]  }
0x28: {  	s2 =	sld [smem:$0x3FAE]  }
0x29: {  	s4 =	sld [smem:$0x3FB0]  }
0x2a: {  	p0 =	seq.s32 s5, $0x0;
	s5 =	sld [smem:$0x3FB1]  }
0x2b: {  	s6 =	sld [smem:$0x3FB2]  }
0x2c: {  	s7 =	sld [smem:$0x3FB3]  }
0x2d: {  	s3 =	simm.s32 $0x108;
	s8 =	sld [smem:$0x3FB4]  }
0x2e: {  	s3 =	simm.s32 @!p0 $0x1082;
	s9 =	sld [smem:$0x3FB5]  }
0x2f: {  	lr =	sadd.s32 s0, s3;
	s0 =	sld [smem:$0x3FAC]  }
0x30: {  	s3 =	sld [smem:$0x3FAF]  }
0x31: {  	[smem:$0x3FB8] =	sst s10  }
0x32: {  	s10 =	sld [smem:$0x3FB6];
	_ =	sdelay $0x3  }
0x33: {  	p0 =	seq.s32 s10, $0x1;
	s10 =	sld [smem:$0x3FB8];
	_ =	sdelay $0x3  }
0x34: {  	[smem:$0x3FB8] =	sst s10  }
0x35: {  	s10 =	sld [smem:$0x3FB7];
	_ =	sdelay $0x3  }
0x36: {  	p1 =	seq.s32 s10, $0x1;
	s10 =	sld [smem:$0x3FB8];
	_ =	sdelay $0x3  }
0x37: {  	[smem:$0x3FB8] =	sst s10  }
0x38: {  	s10 =	sld [smem:$0x3FB9]  }
0x39: {  	_ = 	snop;
	(pc) =	sbr.ind lr, $3  }
0x3a: {  	_ = 	snop  }
0x3b: {  	_ = 	snop  }
0x3c: {  	p2 =	seq.s32 s10, $0x1;
	s10 =	sld [smem:$0x3FB8]  }
0x3d: {  	_ =	shalt  }
0x3e: {  	_ =	shalt  }
0x3f: {  	_ =	shalt  }
0x40: {  	_ =	shalt  }
0x41: {  	_ =	shalt  }
0x42: {  	_ =	shalt  }
0x43: {  	_ =	shalt  }
0x44: {  	_ =	shalt  }
0x45: {  	_ =	shalt  }
0x46: {  	_ =	shalt  }
0x47: {  	_ =	shalt  }
0x48: {  	_ =	shalt  }
0x49: {  	_ =	shalt  }
0x4a: {  	_ =	shalt  }
0x4b: {  	_ =	shalt  }
0x4c: {  	_ =	shalt  }
0x4d: {  	_ =	shalt  }
0x4e: {  	_ =	shalt  }
0x4f: {  	_ =	shalt  }
0x50: {  	_ =	shalt  }
0x51: {  	_ =	shalt  }
0x52: {  	_ =	shalt  }
0x53: {  	_ =	shalt  }
0x54: {  	_ =	shalt  }
0x55: {  	_ =	shalt  }
0x56: {  	_ =	shalt  }
0x57: {  	_ =	shalt  }
0x58: {  	_ =	shalt  }
0x59: {  	_ =	shalt  }
0x5a: {  	_ =	shalt  }
0x5b: {  	_ =	shalt  }
0x5c: {  	_ =	shalt  }
0x5d: {  	_ =	shalt  }
0x5e: {  	_ =	shalt  }
0x5f: {  	_ =	shalt  }
0x60: {  	_ =	shalt  }
0x61: {  	_ =	shalt  }
0x62: {  	_ =	shalt  }
0x63: {  	_ =	shalt  }
0x64: {  	_ =	shalt  }
0x65: {  	_ =	shalt  }
0x66: {  	_ =	shalt  }
0x67: {  	_ =	shalt  }
0x68: {  	_ =	shalt  }
0x69: {  	_ =	shalt  }
0x6a: {  	_ =	shalt  }
0x6b: {  	_ =	shalt  }
0x6c: {  	_ =	shalt  }
0x6d: {  	_ =	shalt  }
0x6e: {  	_ =	shalt  }
0x6f: {  	_ =	shalt  }
0x70: {  	_ =	shalt  }
0x71: {  	_ =	shalt  }
0x72: {  	_ =	shalt  }
0x73: {  	_ =	shalt  }
0x74: {  	_ =	shalt  }
0x75: {  	_ =	shalt  }
0x76: {  	_ =	shalt  }
0x77: {  	_ =	shalt  }
0x78: {  	_ =	shalt  }
0x79: {  	_ =	shalt  }
0x7a: {  	_ =	shalt  }
0x7b: {  	_ =	shalt  }
0x7c: {  	_ =	shalt  }
0x7d: {  	_ =	shalt  }
0x7e: {  	_ =	shalt  }
0x7f: {  	_ =	shalt  }
0x80: {  	_ =	shalt  }
0x81: {  	_ =	shalt  }
0x82: {  	_ =	shalt  }
0x83: {  	_ =	shalt  }
0x84: {  	_ =	shalt  }
0x85: {  	_ =	shalt  }
0x86: {  	_ =	shalt  }
0x87: {  	_ =	shalt  }
.Lfunc_end0:
.L_simem_size_0:
called_computation_lowered:
.L_overlay_start_0:
0x88: {  	s2 =	sld [smem:$0x3FD9]  }
0x89: {  	s3 =	sld [smem:$0x3FFE];
	_ =	sdelay $0x1  }
0x8a: {  	s1 =	srdreg.scid  }
0x8b: {  	s0 =	sand.u32 $0x1, s1  }
0x8c: {  	s17 =	sshll.u32 s0, $0xA;
	s2 =	sadd.s32 s3, s2  }
0x8d: {  	s2 =	sadd.s32 s2, s17  }
0x8e: {  	[smem:$0x3FC4] =	sst s2  }
0x8f: {  	_ = 	snop  }
0x90: {  	s2 =	sld [smem:$0x3FC9]  }
0x91: {  	s18 =	sld [smem:$0x3FD0];
	(tm) =	ssettm $0x1  }
0x92: {  	s4 =	sld [smem:$0x3FFB];
	_ =	sdelay $0x3  }
0x93: {  	_ =	strace s4  }
0x94: {  	s4 =	sld [smem:$0x3FFC];
	_ =	sdelay $0x3  }
0x95: {  	_ =	strace s4  }
0x96: {  	s4 =	sld [smem:$0x3FFD];
	_ =	sdelay $0x3  }
0x97: {  	_ =	strace s4  }
0x98: {  	_ =	strace $0x8FFFFFFF  }
0x99: {  	s19 =	sld [smem:$0x3FDB];
	_ =	sdelay $0x1  }
0x9a: {  	s5 =	simm.s32 $_scs_section_size  }
0x9b: {  	s6 =	simm.s32 $_size__tile_overlayer_lowered;
	s7 =	simm.s32 $_tile_overlayer_lowered  }
0x9c: {  	s22 =	simm.s32 $0x1BFF;
	s21 =	sshll.u32 s7, $0x1;
	s4 =	sadd.s32 s5, s19  }
0x9d: {  	s8 =	simm.s32 $0x0;
	s20 =	sshll.u32 s6, $0x1;
	s6 =	sadd.s32 s21, s4  }
0x9e: {  	[timem:s8], [sflag:s22] =	dma.local [hbm:s6], s20  }
0x9f: {  	_ =	swait.ge [sflag:s22], s20  }
0xa0: {  	s5 =	ssub.s32 $0x0, s20;
	[sflag:s22] =	ssyncset.done $0x0  }
0xa1: {  	[sflag:s22] =	ssyncadd.s32 s5;
	_ =	sdelay $0x1  }
0xa2: {  	s23 =	simm.s32 $0x1B8B  }
0xa3: {  	_ =	swait.ge [sflag:s23], $0x1  }
0xa4: {  	[sflag:s23] =	ssyncset.done $0x0  }
0xa5: {  	s25 =	simm.s32 $0x1B8E;
	s24 =	sld [smem:$0x3FFE];
	[sflag:s23] =	ssyncadd.s32 $0xFFFFFFFF  }
0xa6: {  	s26 =	simm.s32 $execute0_lowered;
	[smem:$0x3FD2] =	sst s25  }
0xa7: {  	s6 =	sshll.u32 s26, $0x1;
	_ =	strace $0x80000046;
	[dreg:$0x1] =	wrdreg $0xFFFFFFFF  }
0xa8: {  	s28 =	simm.s32 $_size_execute0_lowered;
	s4 =	sadd.s32 s4, s6;
	[dreg:$0x0] =	wrdreg $0x0  }
0xa9: {  	s6 =	sshll.u32 s28, $0x1;
	[dreg:$0x2] =	wrdreg s4  }
0xaa: {  	[dreg:$0x3] =	wrdreg s6  }
0xab: {  	[dreg:$0x4] =	wrdreg $0xC0  }
0xac: {  	_ =	task [dreg:s8], $0x5FFFF  }
0xad: {  	[dreg:$0x1] =	wrdreg $0xFFFFFFFF  }
0xae: {  	[dreg:$0x0] =	wrdreg $0x60  }
0xaf: {  	[dreg:$0x2] =	wrdreg s2  }
0xb0: {  	[dreg:$0x3] =	wrdreg s18  }
0xb1: {  	[dreg:$0x4] =	wrdreg s24  }
0xb2: {  	[dreg:$0x5] =	wrdreg $0x9  }
0xb3: {  	_ =	task.clear_ibuf [dreg:s8], $0x6FFFF;
	_ =	strace $0x90000046  }
0xb4: {  	s29 =	simm.s32 $0x9;
	_ =	strace $0x80000048  }
0xb5: {  	_ =	swait.ge [sflag:s29], $0x1  }
0xb6: {  	[sflag:s29] =	ssyncadd.s32 $0xFFFFFFFF  }
0xb7: {  	_ =	strace $0x90000048  }
0xb8: {  	_ =	sfence  }
0xb9: {  	s30 =	sld [smem:$0x0];
	_ =	sdelay $0x2  }
0xba: {  	s31 =	sshll.u32 s1, $0xD;
	s1 =	sshrl.u32 s1, $0x2  }
0xbb: {  	s3 =	sand.u32 $0x4000, s31;
	s1 =	sadd.s32 s1, s30  }
0xbc: {  	s0 =	sor.u32 s3, s0;
	s1 =	sshll.u32 s1, $0x11  }
0xbd: {  	s0 =	sor.u32 s1, s0  }
0xbe: {  	s0 =	sadd.s32 $0x8F2B, s0  }
0xbf: {  	[sflag:s0] =	ssyncadd.remote.s32 $0x1  }
0xc0: {  	_ =	sfence.sel $0xFFFF  }
0xc1: {  	[dreg:$0x0] =	wrdreg $0xFFFFFFFF;
	(pc) =	sbr.abs _section_cstart, $3  }
0xc2: {  	[dreg:$0x1] =	wrdreg $0xFFFFFFFF  }
0xc3: {  	_ =	task.clear_ibuf [dreg:s8], $0x2FFFF;
	_ =	strace $0x9FFFFFFF  }
0xc4: {  	(tm) =	ssettm $0x7FFFFFFF  }
0xc5: {  	_ =	shalt  }
tec
execute0_lowered:
.L_overlay_start_1:
0x0: {  	(tag) =	ssettag $0x1  }
0x1: {  	s0 =	rddreg [dreg:$0x0]  }
0x2: {  	s1 =	rddreg [dreg:$0x1]  }
0x3: {  	s4 =	rddreg [dreg:$0x2]  }
0x4: {  	s3 =	srdreg.scid;
	s6 =	stileid.u32;
	s2 =	simm.s32 $0x0  }
0x5: {  	s25 =	simm.s32 $0x10000;
	s26 =	simm.s32 $0x10100;
	s10 =	simm.s32 $0x8000  }
0x6: {  	s11 =	simm.s32 $0x1;
	s28 =	simm.s32 $0x2;
	s17 =	simm.s32 $0xE000  }
0x7: {  	s18 =	simm.s32 $0xE800;
	s19 =	simm.s32 $0xF000;
	s20 =	simm.s32 $0xF800  }
0x8: {  	s29 =	simm.s32 $0x2800;
	s30 =	simm.s32 $0x3000;
	s31 =	simm.s32 $0x3800  }
0x9: {  	s5 =	sand.u32 $0x1, s3;
	s21 =	sshll.u32 s6, $0x1;
	[smem:$0x7FF] =	sst s2  }
0xa: {  	s3 =	sadd.s32 $0x800, s4;
	_ =	strace $0x80000047;
	[dreg:$0x7] =	wrdreg s25  }
0xb: {  	s6 =	sor.u32 s5, s21;
	s5 =	ssub.s32 $0x2, s5;
	[dreg:$0x8] =	wrdreg s26  }
0xc: {  	s21 =	simm.s32 $0x3;
	s26 =	simm.s32 $0x2000;
	s7 =	sshll.u32 s6, $0x5  }
0xd: {  	s9 =	sshrl.u32 s5, $0x1;
	s6 =	sshll.u32 s6, $0xD;
	s8 =	sadd.s32 s7, s4  }
0xe: {  	s1 =	sadd.s32 s1, s7;
	s6 =	sadd.s32 s0, s6;
	s23 =	ssub.s32 s5, s9  }
0xf: {  	s5 =	sadd.s32 $0x900, s4;
	s7 =	sadd.s32 $0xB00, s4;
	[dreg:$0x4] =	wrdreg s1  }
0x10: {  	v2 =	vlaneseq.u32;
	s9 =	simm.s32 $0x5;
	s22 =	sadd.s32 $0x400, s8;
	[dreg:$0x9] =	wrdreg s6  }
0x11: {  	vm0 =	vmmov $0xffff;
	v1 =	vshrl.u32 v2, $0x3;
	s24 =	sadd.s32 $0x1000, s6;
	s6 =	sadd.s32 $0xA00, s4;
	[dreg:$0x5] =	wrdreg s22  }
0x12: {  	v0 =	vand.u32 $0x7, v2;
	v2 =	vor.u32 $0x8, v2;
	v1 =	vmul.u32 $0x8, v1;
	s8 =	smax.u32 s23, $0x1;
	[dreg:$0x6] =	wrdreg s24;
	s22 =	simm.s32 $0x4  }
.LBB2_1:
0x13: {  	s23 =	rddreg [dreg:$0x4]  }
0x14: {  	s24 =	rddreg [dreg:$0x7]  }
0x15: {  	[tilespmem:s24], [sflag:$0x5] =	stream.linear.gather [hbm4b:s23+s2], $0x100, $0x38;
	[tilespmem:$0x10200] =	vst v63  }
0x16: {  	_ =	swait.ge [sflag:s9], $0x100  }
0x17: {  	s14 =	rddreg [dreg:$0x5];
	[sflag:s9] =	ssyncset.done $0x0  }
0x18: {  	s15 =	rddreg [dreg:$0x8];
	[sflag:s9] =	ssyncadd.s32 $0xFFFFFF00  }
0x19: {  	[tilespmem:s15], [sflag:$0x5] =	stream.linear.gather [hbm4b:s14+s2], $0x100, $0x38;
	[tilespmem:$0x10200] =	vst v63  }
0x1a: {  	_ =	swait.ge [sflag:s9], $0x100  }
0x1b: {  	[sflag:s9] =	ssyncset.done $0x0  }
0x1c: {  	s25 =	rddreg [dreg:$0x9];
	[sflag:s9] =	ssyncadd.s32 $0xFFFFFF00  }
0x1d: {  	[tilespmem:s2], [sflag:$0x1] =	stream.linear.gather [hbm4b:s25+s2], $0x8000, $0x38;
	[tilespmem:$0x10200] =	vst v63  }
0x1e: {  	s16 =	rddreg [dreg:$0x6]  }
0x1f: {  	[tilespmem:s10], [sflag:$0x2] =	stream.linear.gather [hbm4b:s16+s2], $0x8000, $0x38;
	[tilespmem:$0x10200] =	vst v63  }
0x20: {  	_ =	swait.ge [sflag:s11], $0x8000  }
0x21: {  	[sflag:s11] =	ssyncset.done $0x0  }
0x22: {  	[sflag:s11] =	ssyncadd.s32 $0xFFFF8000  }
0x23: {  	v3 =	vld [tilespmem:$0x10000];
	_ =	sdelay $0x4  }
0x24: {  	v4 =	vshll.u32 v3, $0x3  }
0x25: {  	v3 =	vand.u32 $0x7, v3;
	v4 =	vand.u32 $0xFFFFFFC0, v4  }
0x26: {  	v3 =	vor.u32 v3, v4  }
0x27: {  	v4 =	vperm.xlane v3, v0;
	_ =	sdelay $0x1  }
0x28: {  	v4 =	vadd.s32 v1, v4;
	_ =	sdelay $0x4  }
0x29: {  	[hbm4b:s3+s2] =	stream.indirect_vreg.scatter [tilespmem:s2], [sflag:$0x3], $0x80, v4, vm0, $0xb8;
	[tilespmem:$0x10200] =	vst v63  }
0x2a: {  	s23 =	simm.s32 $0x800;
	v3 =	vperm.xlane v3, v2  }
0x2b: {  	[hbm4b:s5+s2] =	stream.indirect_vreg.scatter [tilespmem:s23], [sflag:$0x3], $0x80, v4, vm0, $0xb8;
	[tilespmem:$0x10200] =	vst v63  }
0x2c: {  	s24 =	simm.s32 $0x1000;
	v3 =	vadd.s32 v1, v3  }
0x2d: {  	[hbm4b:s6+s2] =	stream.indirect_vreg.scatter [tilespmem:s24], [sflag:$0x3], $0x80, v4, vm0, $0xb8;
	[tilespmem:$0x10200] =	vst v63  }
0x2e: {  	s25 =	simm.s32 $0x1800  }
0x2f: {  	[hbm4b:s7+s2] =	stream.indirect_vreg.scatter [tilespmem:s25], [sflag:$0x3], $0x80, v4, vm0, $0xb8;
	[tilespmem:$0x10200] =	vst v63  }
0x30: {  	_ = 	snop  }
0x31: {  	[hbm4b:s3+s2] =	stream.indirect_vreg.scatter [tilespmem:s26], [sflag:$0x3], $0x80, v3, vm0, $0xb8;
	[tilespmem:$0x10200] =	vst v63  }
0x32: {  	_ = 	snop  }
0x33: {  	[hbm4b:s5+s2] =	stream.indirect_vreg.scatter [tilespmem:s29], [sflag:$0x3], $0x80, v3, vm0, $0xb8;
	[tilespmem:$0x10200] =	vst v63  }
0x34: {  	_ = 	snop  }
0x35: {  	[hbm4b:s6+s2] =	stream.indirect_vreg.scatter [tilespmem:s30], [sflag:$0x3], $0x80, v3, vm0, $0xb8;
	[tilespmem:$0x10200] =	vst v63  }
0x36: {  	_ = 	snop  }
0x37: {  	[hbm4b:s7+s2] =	stream.indirect_vreg.scatter [tilespmem:s31], [sflag:$0x3], $0x80, v3, vm0, $0xb8;
	[tilespmem:$0x10200] =	vst v63  }
0x38: {  	v3 =	vld [tilespmem:$0x10010];
	_ =	sdelay $0x4  }
0x39: {  	v57 =	vshll.u32 v3, $0x3  }
0x3a: {  	v3 =	vand.u32 $0x7, v3;
	v4 =	vand.u32 $0xFFFFFFC0, v57  }
0x3b: {  	v3 =	vor.u32 v3, v4  }
0x3c: {  	v4 =	vperm.xlane v3, v0;
	_ =	sdelay $0x1  }
0x3d: {  	v4 =	vadd.s32 v1, v4;
	_ =	sdelay $0x3  }
0x3e: {  	s0 =	simm.s32 $0x4000  }
0x3f: {  	[hbm4b:s3+s2] =	stream.indirect_vreg.scatter [tilespmem:s0], [sflag:$0x3], $0x80, v4, vm0, $0xb8;
	[tilespmem:$0x10200] =	vst v63  }
0x40: {  	s1 =	simm.s32 $0x4800;
	v3 =	vperm.xlane v3, v2  }
0x41: {  	[hbm4b:s5+s2] =	stream.indirect_vreg.scatter [tilespmem:s1], [sflag:$0x3], $0x80, v4, vm0, $0xb8;
	[tilespmem:$0x10200] =	vst v63  }
0x42: {  	s4 =	simm.s32 $0x5000;
	v3 =	vadd.s32 v1, v3  }
0x43: {  	[hbm4b:s6+s2] =	stream.indirect_vreg.scatter [tilespmem:s4], [sflag:$0x3], $0x80, v4, vm0, $0xb8;
	[tilespmem:$0x10200] =	vst v63  }
0x44: {  	s12 =	simm.s32 $0x5800  }
0x45: {  	[hbm4b:s7+s2] =	stream.indirect_vreg.scatter [tilespmem:s12], [sflag:$0x3], $0x80, v4, vm0, $0xb8;
	[tilespmem:$0x10200] =	vst v63  }
0x46: {  	s13 =	simm.s32 $0x6000  }
0x47: {  	[hbm4b:s3+s2] =	stream.indirect_vreg.scatter [tilespmem:s13], [sflag:$0x3], $0x80, v3, vm0, $0xb8;
	[tilespmem:$0x10200] =	vst v63  }
0x48: {  	s14 =	simm.s32 $0x6800  }
0x49: {  	[hbm4b:s5+s2] =	stream.indirect_vreg.scatter [tilespmem:s14], [sflag:$0x3], $0x80, v3, vm0, $0xb8;
	[tilespmem:$0x10200] =	vst v63  }
0x4a: {  	s15 =	simm.s32 $0x7000  }
0x4b: {  	[hbm4b:s6+s2] =	stream.indirect_vreg.scatter [tilespmem:s15], [sflag:$0x3], $0x80, v3, vm0, $0xb8;
	[tilespmem:$0x10200] =	vst v63  }
0x4c: {  	s16 =	simm.s32 $0x7800  }
0x4d: {  	[hbm4b:s7+s2] =	stream.indirect_vreg.scatter [tilespmem:s16], [sflag:$0x3], $0x80, v3, vm0, $0xb8;
	[tilespmem:$0x10200] =	vst v63  }
0x4e: {  	v3 =	vld [tilespmem:$0x10100];
	_ =	sdelay $0x4  }
0x4f: {  	v58 =	vshll.u32 v3, $0x3  }
0x50: {  	v3 =	vand.u32 $0x7, v3;
	v4 =	vand.u32 $0xFFFFFFC0, v58  }
0x51: {  	v3 =	vor.u32 v3, v4  }
0x52: {  	v4 =	vperm.xlane v3, v0;
	_ =	sdelay $0x1  }
0x53: {  	v4 =	vadd.s32 v1, v4;
	_ =	sdelay $0x4  }
0x54: {  	[hbm4b:s3+s2] =	stream.indirect_vreg.scatter [tilespmem:s2], [sflag:$0x3], $0x80, v4, vm0, $0xb8;
	[tilespmem:$0x10200] =	vst v63  }
0x55: {  	v3 =	vperm.xlane v3, v2  }
0x56: {  	[hbm4b:s5+s2] =	stream.indirect_vreg.scatter [tilespmem:s23], [sflag:$0x3], $0x80, v4, vm0, $0xb8;
	[tilespmem:$0x10200] =	vst v63  }
0x57: {  	v3 =	vadd.s32 v1, v3  }
0x58: {  	[hbm4b:s6+s2] =	stream.indirect_vreg.scatter [tilespmem:s24], [sflag:$0x3], $0x80, v4, vm0, $0xb8;
	[tilespmem:$0x10200] =	vst v63  }
0x59: {  	_ = 	snop  }
0x5a: {  	[hbm4b:s7+s2] =	stream.indirect_vreg.scatter [tilespmem:s25], [sflag:$0x3], $0x80, v4, vm0, $0xb8;
	[tilespmem:$0x10200] =	vst v63  }
0x5b: {  	_ = 	snop  }
0x5c: {  	[hbm4b:s3+s2] =	stream.indirect_vreg.scatter [tilespmem:s26], [sflag:$0x3], $0x80, v3, vm0, $0xb8;
	[tilespmem:$0x10200] =	vst v63  }
0x5d: {  	_ = 	snop  }
0x5e: {  	[hbm4b:s5+s2] =	stream.indirect_vreg.scatter [tilespmem:s29], [sflag:$0x3], $0x80, v3, vm0, $0xb8;
	[tilespmem:$0x10200] =	vst v63  }
0x5f: {  	_ = 	snop  }
0x60: {  	[hbm4b:s6+s2] =	stream.indirect_vreg.scatter [tilespmem:s30], [sflag:$0x3], $0x80, v3, vm0, $0xb8;
	[tilespmem:$0x10200] =	vst v63  }
0x61: {  	_ = 	snop  }
0x62: {  	[hbm4b:s7+s2] =	stream.indirect_vreg.scatter [tilespmem:s31], [sflag:$0x3], $0x80, v3, vm0, $0xb8;
	[tilespmem:$0x10200] =	vst v63  }
0x63: {  	v3 =	vld [tilespmem:$0x10110];
	_ =	sdelay $0x4  }
0x64: {  	v59 =	vshll.u32 v3, $0x3  }
0x65: {  	v3 =	vand.u32 $0x7, v3;
	v4 =	vand.u32 $0xFFFFFFC0, v59  }
0x66: {  	v3 =	vor.u32 v3, v4  }
0x67: {  	v4 =	vperm.xlane v3, v0;
	_ =	sdelay $0x1  }
0x68: {  	v4 =	vadd.s32 v1, v4;
	_ =	sdelay $0x4  }
0x69: {  	[hbm4b:s3+s2] =	stream.indirect_vreg.scatter [tilespmem:s0], [sflag:$0x3], $0x80, v4, vm0, $0xb8;
	[tilespmem:$0x10200] =	vst v63  }
0x6a: {  	v3 =	vperm.xlane v3, v2  }
0x6b: {  	[hbm4b:s5+s2] =	stream.indirect_vreg.scatter [tilespmem:s1], [sflag:$0x3], $0x80, v4, vm0, $0xb8;
	[tilespmem:$0x10200] =	vst v63  }
0x6c: {  	v3 =	vadd.s32 v1, v3  }
0x6d: {  	[hbm4b:s6+s2] =	stream.indirect_vreg.scatter [tilespmem:s4], [sflag:$0x3], $0x80, v4, vm0, $0xb8;
	[tilespmem:$0x10200] =	vst v63  }
0x6e: {  	_ = 	snop  }
0x6f: {  	[hbm4b:s7+s2] =	stream.indirect_vreg.scatter [tilespmem:s12], [sflag:$0x3], $0x80, v4, vm0, $0xb8;
	[tilespmem:$0x10200] =	vst v63  }
0x70: {  	_ = 	snop  }
0x71: {  	[hbm4b:s3+s2] =	stream.indirect_vreg.scatter [tilespmem:s13], [sflag:$0x3], $0x80, v3, vm0, $0xb8;
	[tilespmem:$0x10200] =	vst v63  }
0x72: {  	_ = 	snop  }
0x73: {  	[hbm4b:s5+s2] =	stream.indirect_vreg.scatter [tilespmem:s14], [sflag:$0x3], $0x80, v3, vm0, $0xb8;
	[tilespmem:$0x10200] =	vst v63  }
0x74: {  	_ = 	snop  }
0x75: {  	[hbm4b:s6+s2] =	stream.indirect_vreg.scatter [tilespmem:s15], [sflag:$0x3], $0x80, v3, vm0, $0xb8;
	[tilespmem:$0x10200] =	vst v63  }
0x76: {  	_ = 	snop  }
0x77: {  	[hbm4b:s7+s2] =	stream.indirect_vreg.scatter [tilespmem:s16], [sflag:$0x3], $0x80, v3, vm0, $0xb8;
	[tilespmem:$0x10200] =	vst v63  }
0x78: {  	_ =	swait.ge [sflag:s28], $0x8000  }
0x79: {  	[sflag:s28] =	ssyncset.done $0x0  }
0x7a: {  	[sflag:s28] =	ssyncadd.s32 $0xFFFF8000  }
0x7b: {  	v3 =	vld [tilespmem:$0x10080];
	_ =	sdelay $0x4  }
0x7c: {  	v60 =	vshll.u32 v3, $0x3  }
0x7d: {  	v3 =	vand.u32 $0x7, v3;
	v4 =	vand.u32 $0xFFFFFFC0, v60  }
0x7e: {  	v3 =	vor.u32 v3, v4  }
0x7f: {  	v4 =	vperm.xlane v3, v0;
	_ =	sdelay $0x1  }
0x80: {  	v4 =	vadd.s32 v1, v4;
	_ =	sdelay $0x4  }
0x81: {  	[hbm4b:s3+s2] =	stream.indirect_vreg.scatter [tilespmem:s10], [sflag:$0x4], $0x80, v4, vm0, $0xb8;
	[tilespmem:$0x10200] =	vst v63  }
0x82: {  	s0 =	simm.s32 $0x8800;
	v3 =	vperm.xlane v3, v2  }
0x83: {  	[hbm4b:s5+s2] =	stream.indirect_vreg.scatter [tilespmem:s0], [sflag:$0x4], $0x80, v4, vm0, $0xb8;
	[tilespmem:$0x10200] =	vst v63  }
0x84: {  	s1 =	simm.s32 $0x9000;
	v3 =	vadd.s32 v1, v3  }
0x85: {  	[hbm4b:s6+s2] =	stream.indirect_vreg.scatter [tilespmem:s1], [sflag:$0x4], $0x80, v4, vm0, $0xb8;
	[tilespmem:$0x10200] =	vst v63  }
0x86: {  	s4 =	simm.s32 $0x9800  }
0x87: {  	[hbm4b:s7+s2] =	stream.indirect_vreg.scatter [tilespmem:s4], [sflag:$0x4], $0x80, v4, vm0, $0xb8;
	[tilespmem:$0x10200] =	vst v63  }
0x88: {  	s12 =	simm.s32 $0xA000  }
0x89: {  	[hbm4b:s3+s2] =	stream.indirect_vreg.scatter [tilespmem:s12], [sflag:$0x4], $0x80, v3, vm0, $0xb8;
	[tilespmem:$0x10200] =	vst v63  }
0x8a: {  	s13 =	simm.s32 $0xA800  }
0x8b: {  	[hbm4b:s5+s2] =	stream.indirect_vreg.scatter [tilespmem:s13], [sflag:$0x4], $0x80, v3, vm0, $0xb8;
	[tilespmem:$0x10200] =	vst v63  }
0x8c: {  	s14 =	simm.s32 $0xB000  }
0x8d: {  	[hbm4b:s6+s2] =	stream.indirect_vreg.scatter [tilespmem:s14], [sflag:$0x4], $0x80, v3, vm0, $0xb8;
	[tilespmem:$0x10200] =	vst v63  }
0x8e: {  	s15 =	simm.s32 $0xB800  }
0x8f: {  	[hbm4b:s7+s2] =	stream.indirect_vreg.scatter [tilespmem:s15], [sflag:$0x4], $0x80, v3, vm0, $0xb8;
	[tilespmem:$0x10200] =	vst v63  }
0x90: {  	v3 =	vld [tilespmem:$0x10090];
	_ =	sdelay $0x4  }
0x91: {  	v61 =	vshll.u32 v3, $0x3  }
0x92: {  	v3 =	vand.u32 $0x7, v3;
	v4 =	vand.u32 $0xFFFFFFC0, v61  }
0x93: {  	v3 =	vor.u32 v3, v4  }
0x94: {  	v4 =	vperm.xlane v3, v0;
	_ =	sdelay $0x1  }
0x95: {  	v4 =	vadd.s32 v1, v4;
	_ =	sdelay $0x3  }
0x96: {  	s16 =	simm.s32 $0xC000  }
0x97: {  	[hbm4b:s3+s2] =	stream.indirect_vreg.scatter [tilespmem:s16], [sflag:$0x4], $0x80, v4, vm0, $0xb8;
	[tilespmem:$0x10200] =	vst v63  }
0x98: {  	s23 =	simm.s32 $0xC800;
	v3 =	vperm.xlane v3, v2  }
0x99: {  	[hbm4b:s5+s2] =	stream.indirect_vreg.scatter [tilespmem:s23], [sflag:$0x4], $0x80, v4, vm0, $0xb8;
	[tilespmem:$0x10200] =	vst v63  }
0x9a: {  	s24 =	simm.s32 $0xD000;
	v3 =	vadd.s32 v1, v3  }
0x9b: {  	[hbm4b:s6+s2] =	stream.indirect_vreg.scatter [tilespmem:s24], [sflag:$0x4], $0x80, v4, vm0, $0xb8;
	[tilespmem:$0x10200] =	vst v63  }
0x9c: {  	s25 =	simm.s32 $0xD800  }
0x9d: {  	[hbm4b:s7+s2] =	stream.indirect_vreg.scatter [tilespmem:s25], [sflag:$0x4], $0x80, v4, vm0, $0xb8;
	[tilespmem:$0x10200] =	vst v63  }
0x9e: {  	_ = 	snop  }
0x9f: {  	[hbm4b:s3+s2] =	stream.indirect_vreg.scatter [tilespmem:s17], [sflag:$0x4], $0x80, v3, vm0, $0xb8;
	[tilespmem:$0x10200] =	vst v63  }
0xa0: {  	_ = 	snop  }
0xa1: {  	[hbm4b:s5+s2] =	stream.indirect_vreg.scatter [tilespmem:s18], [sflag:$0x4], $0x80, v3, vm0, $0xb8;
	[tilespmem:$0x10200] =	vst v63  }
0xa2: {  	_ = 	snop  }
0xa3: {  	[hbm4b:s6+s2] =	stream.indirect_vreg.scatter [tilespmem:s19], [sflag:$0x4], $0x80, v3, vm0, $0xb8;
	[tilespmem:$0x10200] =	vst v63  }
0xa4: {  	_ = 	snop  }
0xa5: {  	[hbm4b:s7+s2] =	stream.indirect_vreg.scatter [tilespmem:s20], [sflag:$0x4], $0x80, v3, vm0, $0xb8;
	[tilespmem:$0x10200] =	vst v63  }
0xa6: {  	v3 =	vld [tilespmem:$0x10180];
	_ =	sdelay $0x4  }
0xa7: {  	v62 =	vshll.u32 v3, $0x3  }
0xa8: {  	v3 =	vand.u32 $0x7, v3;
	v4 =	vand.u32 $0xFFFFFFC0, v62  }
0xa9: {  	v3 =	vor.u32 v3, v4  }
0xaa: {  	v4 =	vperm.xlane v3, v0;
	_ =	sdelay $0x1  }
0xab: {  	v4 =	vadd.s32 v1, v4;
	_ =	sdelay $0x4  }
0xac: {  	[hbm4b:s3+s2] =	stream.indirect_vreg.scatter [tilespmem:s10], [sflag:$0x4], $0x80, v4, vm0, $0xb8;
	[tilespmem:$0x10200] =	vst v63  }
0xad: {  	v3 =	vperm.xlane v3, v2  }
0xae: {  	[hbm4b:s5+s2] =	stream.indirect_vreg.scatter [tilespmem:s0], [sflag:$0x4], $0x80, v4, vm0, $0xb8;
	[tilespmem:$0x10200] =	vst v63  }
0xaf: {  	v3 =	vadd.s32 v1, v3  }
0xb0: {  	[hbm4b:s6+s2] =	stream.indirect_vreg.scatter [tilespmem:s1], [sflag:$0x4], $0x80, v4, vm0, $0xb8;
	[tilespmem:$0x10200] =	vst v63  }
0xb1: {  	_ = 	snop  }
0xb2: {  	[hbm4b:s7+s2] =	stream.indirect_vreg.scatter [tilespmem:s4], [sflag:$0x4], $0x80, v4, vm0, $0xb8;
	[tilespmem:$0x10200] =	vst v63  }
0xb3: {  	_ = 	snop  }
0xb4: {  	[hbm4b:s3+s2] =	stream.indirect_vreg.scatter [tilespmem:s12], [sflag:$0x4], $0x80, v3, vm0, $0xb8;
	[tilespmem:$0x10200] =	vst v63  }
0xb5: {  	_ = 	snop  }
0xb6: {  	[hbm4b:s5+s2] =	stream.indirect_vreg.scatter [tilespmem:s13], [sflag:$0x4], $0x80, v3, vm0, $0xb8;
	[tilespmem:$0x10200] =	vst v63  }
0xb7: {  	_ = 	snop  }
0xb8: {  	[hbm4b:s6+s2] =	stream.indirect_vreg.scatter [tilespmem:s14], [sflag:$0x4], $0x80, v3, vm0, $0xb8;
	[tilespmem:$0x10200] =	vst v63  }
0xb9: {  	_ = 	snop  }
0xba: {  	[hbm4b:s7+s2] =	stream.indirect_vreg.scatter [tilespmem:s15], [sflag:$0x4], $0x80, v3, vm0, $0xb8;
	[tilespmem:$0x10200] =	vst v63  }
0xbb: {  	v3 =	vld [tilespmem:$0x10190];
	_ =	sdelay $0x4  }
0xbc: {  	v63 =	vshll.u32 v3, $0x3  }
0xbd: {  	v3 =	vand.u32 $0x7, v3;
	v4 =	vand.u32 $0xFFFFFFC0, v63  }
0xbe: {  	v3 =	vor.u32 v3, v4  }
0xbf: {  	v4 =	vperm.xlane v3, v0;
	_ =	sdelay $0x1  }
0xc0: {  	v4 =	vadd.s32 v1, v4;
	_ =	sdelay $0x4  }
0xc1: {  	[hbm4b:s3+s2] =	stream.indirect_vreg.scatter [tilespmem:s16], [sflag:$0x4], $0x80, v4, vm0, $0xb8;
	[tilespmem:$0x10200] =	vst v63  }
0xc2: {  	v3 =	vperm.xlane v3, v2  }
0xc3: {  	[hbm4b:s5+s2] =	stream.indirect_vreg.scatter [tilespmem:s23], [sflag:$0x4], $0x80, v4, vm0, $0xb8;
	[tilespmem:$0x10200] =	vst v63  }
0xc4: {  	v3 =	vadd.s32 v1, v3  }
0xc5: {  	[hbm4b:s6+s2] =	stream.indirect_vreg.scatter [tilespmem:s24], [sflag:$0x4], $0x80, v4, vm0, $0xb8;
	[tilespmem:$0x10200] =	vst v63  }
0xc6: {  	_ = 	snop  }
0xc7: {  	[hbm4b:s7+s2] =	stream.indirect_vreg.scatter [tilespmem:s25], [sflag:$0x4], $0x80, v4, vm0, $0xb8;
	[tilespmem:$0x10200] =	vst v63  }
0xc8: {  	_ = 	snop  }
0xc9: {  	[hbm4b:s3+s2] =	stream.indirect_vreg.scatter [tilespmem:s17], [sflag:$0x4], $0x80, v3, vm0, $0xb8;
	[tilespmem:$0x10200] =	vst v63  }
0xca: {  	_ = 	snop  }
0xcb: {  	[hbm4b:s5+s2] =	stream.indirect_vreg.scatter [tilespmem:s18], [sflag:$0x4], $0x80, v3, vm0, $0xb8;
	[tilespmem:$0x10200] =	vst v63  }
0xcc: {  	_ = 	snop  }
0xcd: {  	[hbm4b:s6+s2] =	stream.indirect_vreg.scatter [tilespmem:s19], [sflag:$0x4], $0x80, v3, vm0, $0xb8;
	[tilespmem:$0x10200] =	vst v63  }
0xce: {  	_ = 	snop  }
0xcf: {  	[hbm4b:s7+s2] =	stream.indirect_vreg.scatter [tilespmem:s20], [sflag:$0x4], $0x80, v3, vm0, $0xb8;
	[tilespmem:$0x10200] =	vst v63  }
0xd0: {  	_ =	swait.ge [sflag:s21], $0x8000  }
0xd1: {  	[sflag:s21] =	ssyncset.done $0x0  }
0xd2: {  	[sflag:s21] =	ssyncadd.s32 $0xFFFF8000  }
0xd3: {  	_ =	swait.ge [sflag:s21], $0x8000  }
0xd4: {  	[sflag:s21] =	ssyncset.done $0x0  }
0xd5: {  	[sflag:s21] =	ssyncadd.s32 $0xFFFF8000  }
0xd6: {  	p0 =	sne.s32 s8, $0x1;
	_ =	swait.ge [sflag:s22], $0x8000  }
.Ltmp0:
0xd7: {  	[sflag:s22] =	ssyncset.done $0x0;
	(pc) =	sbr.rel @p0 .LBB2_1-.Ltmp0, $4  }
0xd8: {  	[sflag:s22] =	ssyncadd.s32 $0xFFFF8000  }
0xd9: {  	_ =	swait.ge [sflag:s22], $0x8000  }
0xda: {  	[sflag:s22] =	ssyncset.done $0x0  }
0xdb: {  	s8 =	sadd.s32 $0xFFFFFFFF, s8;
	[sflag:s22] =	ssyncadd.s32 $0xFFFF8000  }
0xdc: {  	_ =	sfence.sel $0x180000  }
0xdd: {  	[bflag:$0x0] =	sbarrier.arrive $0xFFFF  }
0xde: {  	_ =	strace $0x90000047  }
0xdf: {  	s0 =	stileid.u32;
	[bflag:$0x2] =	sbarrier.arrive $0xFFFF  }
0xe0: {  	p0 =	sne.s32 s0, $0x0;
	s0 =	rddreg [dreg:$0x3]  }
0xe1: {  	s0 =	sadd.s32 @!p0 $0x100000, s0  }
0xe2: {  	[sflag:s0] =	ssyncadd.tile.s32 @!p0 $0x1;
	_ =	shalt  }
.Lfunc_end2:
_tile_overlayer_lowered:
.L_overlay_start_2:
0xe3: {  	(tag) =	ssettag $0x2  }
0xe4: {  	s0 =	rddreg [dreg:$0x0];
	s2 =	stileid.u32  }
0xe5: {  	s1 =	rddreg [dreg:$0x1];
	p0 =	sne.s32 s2, $0x0  }
0xe6: {  	s3 =	rddreg [dreg:$0x2];
	[bflag:$0x3] =	sbarrier.arrive $0xFFFF;
	s2 =	simm.s32 @!p0 $0x1C05  }
0xe7: {  	[timem:s3], [sflag:s2] =	dma.local @!p0 [hbm:s0], s1  }
0xe8: {  	s0 =	simm.s32 @!p0 $0x5  }
0xe9: {  	_ =	swait.ge @!p0 [sflag:s0], s1  }
0xea: {  	s1 =	ssub.s32 @!p0 $0x0, s1;
	[sflag:s0] =	ssyncset.done @!p0 $0x0  }
0xeb: {  	[sflag:s0] =	ssyncadd.s32 @!p0 s1  }
0xec: {  	[bflag:$0x3] =	sbarrier.arrive $0xFFFF  }
0xed: {  	_ =	shalt  }

// kernel: kernel.9.cloned.1.call-start
scs
__scs_entry_jumppad:
0x0: {  	(pc) =	sbr.rel $0x88, $3  }
0x1: {  	(tag) =	ssettag $0x0;
	lr =	simm.s32 $0x1  }
0x2: {  	[smem:$0x3F9D] =	sst lr;
	_ =	strace $0xD0000000  }
0x3: {  	_ = 	snop  }
0x4: {  	_ = 	snop  }
0x5: {  	_ = 	snop  }
0x6: {  	_ = 	snop  }
0x7: {  	_ = 	snop  }
__scs_overlays_trampoline_lowered:
0x8: {  	[smem:$0x3FAC] =	sst s0  }
0x9: {  	[smem:$0x3FAD] =	sst s1  }
0xa: {  	[smem:$0x3FAE] =	sst s2  }
0xb: {  	[smem:$0x3FAF] =	sst s3  }
0xc: {  	[smem:$0x3FB0] =	sst s4  }
0xd: {  	[smem:$0x3FB1] =	sst s5  }
0xe: {  	[smem:$0x3FB2] =	sst s6  }
0xf: {  	[smem:$0x3FB3] =	sst s7  }
0x10: {  	[smem:$0x3FB4] =	sst s8  }
0x11: {  	[smem:$0x3FB5] =	sst s9;
	s0 =	simm.s32 @!p0 $0x0  }
0x12: {  	s1 =	sld [smem:$0x3F9B];
	s0 =	simm.s32 @p0 $0x1  }
0x13: {  	[smem:$0x3FB6] =	sst s0;
	s0 =	simm.s32 @!p1 $0x0  }
0x14: {  	s2 =	sld [smem:$0x3F9A];
	s0 =	simm.s32 @p1 $0x1  }
0x15: {  	[smem:$0x3FB7] =	sst s0;
	s0 =	simm.s32 @!p2 $0x0  }
0x16: {  	s3 =	sld [smem:$0x3FDB];
	s0 =	simm.s32 @p2 $0x1  }
0x17: {  	s4 =	simm.s32 $0x1BF5;
	[smem:$0x3FB9] =	sst s0  }
0x18: {  	s0 =	sld [smem:$0x3F9C];
	_ =	swait.ge [sflag:s4], $0x0  }
0x19: {  	s7 =	sld [smem:$0x3F9D]  }
0x1a: {  	s8 =	sadd.s32 $0xFFFFE003, lr  }
0x1b: {  	s9 =	sadd.s32 $0xFFFFFEF7, lr;
	s5 =	simm.s32 $0xFFFFFFFF;
	p2 =	slt.u32 s8, $0xFFFFF086  }
0x1c: {  	p1 =	slt.u32 s9, $0xF7A;
	s5 =	simm.s32 @!p2 $0x0  }
0x1d: {  	s5 =	simm.s32 @p1 $0x1;
	p0 =	seq.s32 s7, s2  }
0x1e: {  	s7 =	smul.u32 @!p0 $0xF7A, s2;
	p2 =	seq.s32 @!p0 s5, $0x0  }
0x1f: {  	s9 =	smul.u32 $0xF7A, s1;
	s8 =	simm.s32 @!p0 $0x1BF5;
	p2 =	por !p2, p0  }
0x20: {  	[sflag:s8] =	ssyncset.s32 @!p0 $0xFFFFF086;
	s6 =	sadd.s32 @!p0 s3, s7;
	s7 =	simm.s32 @!p0 $0x108  }
0x21: {  	s3 =	sadd.s32 s3, s9;
	s6 =	sadd.s32 @!p0 $0x88, s6;
	s7 =	simm.s32 @p2 $0x1082  }
0x22: {  	[simem:s7], [sflag:s8] =	dma.local @!p0 [hbm:s6], $0xF7A  }
0x23: {  	s9 =	sor.u32 $0xD0000000, s2;
	s6 =	simm.s32 $0x108;
	_ =	swait.ge @!p0 [sflag:s8], $0x0  }
0x24: {  	s3 =	sadd.s32 $0x88, s3;
	s6 =	simm.s32 @!p1 $0x1082;
	[sflag:s4] =	ssyncset.s32 $0xFFFFF086  }
0x25: {  	[simem:s6], [sflag:s4] =	dma.local [hbm:s3], $0xF7A  }
0x26: {  	[smem:$0x3F9D] =	sst s1;
	(tag) =	ssettag s2;
	_ =	strace s9  }
0x27: {  	s1 =	sld [smem:$0x3FAD]  }
0x28: {  	s2 =	sld [smem:$0x3FAE]  }
0x29: {  	s4 =	sld [smem:$0x3FB0]  }
0x2a: {  	p0 =	seq.s32 s5, $0x0;
	s5 =	sld [smem:$0x3FB1]  }
0x2b: {  	s6 =	sld [smem:$0x3FB2]  }
0x2c: {  	s7 =	sld [smem:$0x3FB3]  }
0x2d: {  	s3 =	simm.s32 $0x108;
	s8 =	sld [smem:$0x3FB4]  }
0x2e: {  	s3 =	simm.s32 @!p0 $0x1082;
	s9 =	sld [smem:$0x3FB5]  }
0x2f: {  	lr =	sadd.s32 s0, s3;
	s0 =	sld [smem:$0x3FAC]  }
0x30: {  	s3 =	sld [smem:$0x3FAF]  }
0x31: {  	[smem:$0x3FB8] =	sst s10  }
0x32: {  	s10 =	sld [smem:$0x3FB6];
	_ =	sdelay $0x3  }
0x33: {  	p0 =	seq.s32 s10, $0x1;
	s10 =	sld [smem:$0x3FB8];
	_ =	sdelay $0x3  }
0x34: {  	[smem:$0x3FB8] =	sst s10  }
0x35: {  	s10 =	sld [smem:$0x3FB7];
	_ =	sdelay $0x3  }
0x36: {  	p1 =	seq.s32 s10, $0x1;
	s10 =	sld [smem:$0x3FB8];
	_ =	sdelay $0x3  }
0x37: {  	[smem:$0x3FB8] =	sst s10  }
0x38: {  	s10 =	sld [smem:$0x3FB9]  }
0x39: {  	_ = 	snop;
	(pc) =	sbr.ind lr, $3  }
0x3a: {  	_ = 	snop  }
0x3b: {  	_ = 	snop  }
0x3c: {  	p2 =	seq.s32 s10, $0x1;
	s10 =	sld [smem:$0x3FB8]  }
0x3d: {  	_ =	shalt  }
0x3e: {  	_ =	shalt  }
0x3f: {  	_ =	shalt  }
0x40: {  	_ =	shalt  }
0x41: {  	_ =	shalt  }
0x42: {  	_ =	shalt  }
0x43: {  	_ =	shalt  }
0x44: {  	_ =	shalt  }
0x45: {  	_ =	shalt  }
0x46: {  	_ =	shalt  }
0x47: {  	_ =	shalt  }
0x48: {  	_ =	shalt  }
0x49: {  	_ =	shalt  }
0x4a: {  	_ =	shalt  }
0x4b: {  	_ =	shalt  }
0x4c: {  	_ =	shalt  }
0x4d: {  	_ =	shalt  }
0x4e: {  	_ =	shalt  }
0x4f: {  	_ =	shalt  }
0x50: {  	_ =	shalt  }
0x51: {  	_ =	shalt  }
0x52: {  	_ =	shalt  }
0x53: {  	_ =	shalt  }
0x54: {  	_ =	shalt  }
0x55: {  	_ =	shalt  }
0x56: {  	_ =	shalt  }
0x57: {  	_ =	shalt  }
0x58: {  	_ =	shalt  }
0x59: {  	_ =	shalt  }
0x5a: {  	_ =	shalt  }
0x5b: {  	_ =	shalt  }
0x5c: {  	_ =	shalt  }
0x5d: {  	_ =	shalt  }
0x5e: {  	_ =	shalt  }
0x5f: {  	_ =	shalt  }
0x60: {  	_ =	shalt  }
0x61: {  	_ =	shalt  }
0x62: {  	_ =	shalt  }
0x63: {  	_ =	shalt  }
0x64: {  	_ =	shalt  }
0x65: {  	_ =	shalt  }
0x66: {  	_ =	shalt  }
0x67: {  	_ =	shalt  }
0x68: {  	_ =	shalt  }
0x69: {  	_ =	shalt  }
0x6a: {  	_ =	shalt  }
0x6b: {  	_ =	shalt  }
0x6c: {  	_ =	shalt  }
0x6d: {  	_ =	shalt  }
0x6e: {  	_ =	shalt  }
0x6f: {  	_ =	shalt  }
0x70: {  	_ =	shalt  }
0x71: {  	_ =	shalt  }
0x72: {  	_ =	shalt  }
0x73: {  	_ =	shalt  }
0x74: {  	_ =	shalt  }
0x75: {  	_ =	shalt  }
0x76: {  	_ =	shalt  }
0x77: {  	_ =	shalt  }
0x78: {  	_ =	shalt  }
0x79: {  	_ =	shalt  }
0x7a: {  	_ =	shalt  }
0x7b: {  	_ =	shalt  }
0x7c: {  	_ =	shalt  }
0x7d: {  	_ =	shalt  }
0x7e: {  	_ =	shalt  }
0x7f: {  	_ =	shalt  }
0x80: {  	_ =	shalt  }
0x81: {  	_ =	shalt  }
0x82: {  	_ =	shalt  }
0x83: {  	_ =	shalt  }
0x84: {  	_ =	shalt  }
0x85: {  	_ =	shalt  }
0x86: {  	_ =	shalt  }
0x87: {  	_ =	shalt  }
.Lfunc_end0:
.L_simem_size_0:
called_computation.1_lowered:
.L_overlay_start_0:
0x88: {  	s2 =	sld [smem:$0x3FD9]  }
0x89: {  	s3 =	sld [smem:$0x3FFE];
	_ =	sdelay $0x1  }
0x8a: {  	s1 =	srdreg.scid  }
0x8b: {  	s0 =	sand.u32 $0x1, s1  }
0x8c: {  	s17 =	sshll.u32 s0, $0xA;
	s2 =	sadd.s32 s3, s2  }
0x8d: {  	s2 =	sadd.s32 s2, s17  }
0x8e: {  	[smem:$0x3FC4] =	sst s2  }
0x8f: {  	_ = 	snop  }
0x90: {  	s2 =	sld [smem:$0x3FD0];
	(tm) =	ssettm $0x1  }
0x91: {  	s18 =	sld [smem:$0x3FFB];
	_ =	sdelay $0x3  }
0x92: {  	_ =	strace s18  }
0x93: {  	s3 =	sld [smem:$0x3FFC];
	_ =	sdelay $0x3  }
0x94: {  	_ =	strace s3  }
0x95: {  	s3 =	sld [smem:$0x3FFD];
	_ =	sdelay $0x3  }
0x96: {  	_ =	strace s3  }
0x97: {  	_ =	strace $0x8FFFFFFF  }
0x98: {  	s19 =	sld [smem:$0x3FDB];
	_ =	sdelay $0x1  }
0x99: {  	s4 =	simm.s32 $_scs_section_size  }
0x9a: {  	s5 =	simm.s32 $_size__tile_overlayer_lowered;
	s6 =	simm.s32 $_tile_overlayer_lowered  }
0x9b: {  	s22 =	simm.s32 $0x1BFF;
	s21 =	sshll.u32 s6, $0x1;
	s3 =	sadd.s32 s4, s19  }
0x9c: {  	s7 =	simm.s32 $0x0;
	s20 =	sshll.u32 s5, $0x1;
	s5 =	sadd.s32 s21, s3  }
0x9d: {  	[timem:s7], [sflag:s22] =	dma.local [hbm:s5], s20  }
0x9e: {  	_ =	swait.ge [sflag:s22], s20  }
0x9f: {  	s4 =	ssub.s32 $0x0, s20;
	[sflag:s22] =	ssyncset.done $0x0  }
0xa0: {  	[sflag:s22] =	ssyncadd.s32 s4;
	_ =	sdelay $0x1  }
0xa1: {  	s23 =	simm.s32 $0x1B8B  }
0xa2: {  	_ =	swait.ge [sflag:s23], $0x1  }
0xa3: {  	[sflag:s23] =	ssyncset.done $0x0  }
0xa4: {  	s25 =	simm.s32 $0x1B8E;
	s24 =	sld [smem:$0x3FFE];
	[sflag:s23] =	ssyncadd.s32 $0xFFFFFFFF  }
0xa5: {  	s26 =	simm.s32 $execute0_lowered;
	[smem:$0x3FD2] =	sst s25  }
0xa6: {  	s5 =	sshll.u32 s26, $0x1;
	_ =	strace $0x80000049;
	[dreg:$0x1] =	wrdreg $0xFFFFFFFF  }
0xa7: {  	s28 =	simm.s32 $_size_execute0_lowered;
	s3 =	sadd.s32 s3, s5;
	[dreg:$0x0] =	wrdreg $0x0  }
0xa8: {  	s5 =	sshll.u32 s28, $0x1;
	[dreg:$0x2] =	wrdreg s3  }
0xa9: {  	[dreg:$0x3] =	wrdreg s5  }
0xaa: {  	[dreg:$0x4] =	wrdreg $0xC0  }
0xab: {  	_ =	task [dreg:s7], $0x5FFFF  }
0xac: {  	[dreg:$0x1] =	wrdreg $0xFFFFFFFF  }
0xad: {  	[dreg:$0x0] =	wrdreg $0x60  }
0xae: {  	[dreg:$0x2] =	wrdreg s24  }
0xaf: {  	[dreg:$0x3] =	wrdreg s2  }
0xb0: {  	[dreg:$0x4] =	wrdreg $0x9  }
0xb1: {  	_ =	task.clear_ibuf [dreg:s7], $0x5FFFF;
	_ =	strace $0x90000049  }
0xb2: {  	s29 =	simm.s32 $0x9;
	_ =	strace $0x8000004B  }
0xb3: {  	_ =	swait.ge [sflag:s29], $0x1  }
0xb4: {  	[sflag:s29] =	ssyncadd.s32 $0xFFFFFFFF  }
0xb5: {  	_ =	strace $0x9000004B  }
0xb6: {  	_ =	sfence  }
0xb7: {  	s30 =	sld [smem:$0x0];
	_ =	sdelay $0x2  }
0xb8: {  	s31 =	sshll.u32 s1, $0xD;
	s1 =	sshrl.u32 s1, $0x2  }
0xb9: {  	s3 =	sand.u32 $0x4000, s31;
	s1 =	sadd.s32 s1, s30  }
0xba: {  	s0 =	sor.u32 s3, s0;
	s1 =	sshll.u32 s1, $0x11  }
0xbb: {  	s0 =	sor.u32 s1, s0  }
0xbc: {  	s0 =	sadd.s32 $0x8F2B, s0  }
0xbd: {  	[sflag:s0] =	ssyncadd.remote.s32 $0x1  }
0xbe: {  	_ =	sfence.sel $0xFFFF  }
0xbf: {  	[dreg:$0x0] =	wrdreg $0xFFFFFFFF;
	(pc) =	sbr.abs _section_cstart, $3  }
0xc0: {  	[dreg:$0x1] =	wrdreg $0xFFFFFFFF  }
0xc1: {  	_ =	task.clear_ibuf [dreg:s7], $0x2FFFF;
	_ =	strace $0x9FFFFFFF  }
0xc2: {  	(tm) =	ssettm $0x7FFFFFFF  }
0xc3: {  	_ =	shalt  }
tec
execute0_lowered:
.L_overlay_start_1:
0x0: {  	(tag) =	ssettag $0x1  }
0x1: {  	s0 =	rddreg [dreg:$0x0]  }
0x2: {  	s1 =	rddreg [dreg:$0x1];
	s2 =	simm.s32 $0x0;
	s3 =	srdreg.scid  }
0x3: {  	s5 =	stileid.u32;
	s17 =	simm.s32 $0x7;
	s19 =	simm.s32 $0x18400  }
0x4: {  	s20 =	simm.s32 $0x18480;
	s16 =	simm.s32 $0xE000;
	s18 =	simm.s32 $0xF000  }
0x5: {  	s21 =	simm.s32 $0x1;
	s28 =	simm.s32 $0x6;
	s12 =	simm.s32 $0x0  }
0x6: {  	[smem:$0x7FF] =	sst s2;
	s4 =	sand.u32 $0x1, s3;
	s3 =	sadd.s32 $0x101E00, s0  }
0x7: {  	s22 =	sshll.u32 s5, $0x1;
	s10 =	sadd.s32 $0x102000, s0;
	s11 =	sadd.s32 $0x102100, s0  }
0x8: {  	_ =	strace $0x8000004A;
	s5 =	sor.u32 s4, s22;
	s4 =	ssub.s32 $0x2, s4  }
0x9: {  	s22 =	simm.s32 $0x3;
	s6 =	sshll.u32 s5, $0x6;
	s7 =	sshll.u32 s5, $0x4  }
0xa: {  	s8 =	sshrl.u32 s4, $0x1;
	s5 =	sshll.u32 s5, $0xD;
	s6 =	sadd.s32 s6, s0  }
0xb: {  	s7 =	sadd.s32 s7, s0;
	s4 =	ssub.s32 s4, s8;
	s23 =	sadd.s32 $0x100800, s6  }
0xc: {  	s8 =	sadd.s32 $0x101F00, s0;
	s6 =	sadd.s32 $0x101000, s6;
	[dreg:$0x3] =	wrdreg s23  }
0xd: {  	s9 =	sadd.s32 s1, s5;
	s24 =	sadd.s32 $0x101A00, s7;
	[dreg:$0x4] =	wrdreg s6  }
0xe: {  	s0 =	simm.s32 $0xC800;
	s25 =	sadd.s32 $0x101C00, s7;
	[dreg:$0x5] =	wrdreg s24  }
0xf: {  	s1 =	simm.s32 $0xD000;
	s26 =	sadd.s32 $0x800, s9;
	[dreg:$0x6] =	wrdreg s25  }
0x10: {  	v2 =	vlaneseq.u32;
	s5 =	simm.s32 $0xE800;
	s29 =	sadd.s32 $0x1000, s9;
	[dreg:$0x7] =	wrdreg s26  }
0x11: {  	v0 =	vand.u32 $0x7, v2;
	v1 =	vshrl.u32 v2, $0x3;
	s30 =	sadd.s32 $0x1800, s9;
	s31 =	smax.u32 s4, $0x1;
	[dreg:$0x8] =	wrdreg s29  }
0x12: {  	v63 =	vor.u32 $0x8, v2;
	[tilespmem:$0x1FFD0] =	vst v0;
	v62 =	vmul.u32 $0x8, v1;
	s4 =	simm.s32 $0xD800;
	s7 =	simm.s32 $0x10000;
	[dreg:$0x9] =	wrdreg s30  }
0x13: {  	[tilespmem:$0x1FFF0] =	vst v63;
	[dreg:$0xa] =	wrdreg s31;
	s6 =	simm.s32 $0xF800;
	s23 =	simm.s32 $0x2  }
0x14: {  	vm0 =	vmmov $0xffff;
	[tilespmem:$0x1FFE0] =	vst v62;
	s24 =	simm.s32 $0x4;
	s25 =	simm.s32 $0x14000;
	s26 =	simm.s32 $0x5  }
.LBB2_1:
0x15: {  	s13 =	rddreg [dreg:$0x3];
	s14 =	simm.s32 $0x18000  }
0x16: {  	[tilespmem:s14], [sflag:$0x7] =	stream.linear.gather [hbm4b:s13+s2], $0x200, $0x38;
	[tilespmem:$0x18500] =	vst v63  }
0x17: {  	_ =	swait.ge [sflag:s17], $0x200  }
0x18: {  	[sflag:s17] =	ssyncset.done $0x0  }
0x19: {  	s31 =	simm.s32 $0x18200;
	s15 =	rddreg [dreg:$0x4];
	[sflag:s17] =	ssyncadd.s32 $0xFFFFFE00  }
0x1a: {  	[tilespmem:s31], [sflag:$0x7] =	stream.linear.gather [hbm4b:s15+s2], $0x200, $0x38;
	[tilespmem:$0x18500] =	vst v63  }
0x1b: {  	_ =	swait.ge [sflag:s17], $0x200  }
0x1c: {  	[sflag:s17] =	ssyncset.done $0x0  }
0x1d: {  	s15 =	rddreg [dreg:$0x5];
	[sflag:s17] =	ssyncadd.s32 $0xFFFFFE00  }
0x1e: {  	[tilespmem:s19], [sflag:$0x7] =	stream.linear.gather [hbm4b:s15+s2], $0x80, $0x38;
	[tilespmem:$0x18500] =	vst v63  }
0x1f: {  	_ =	swait.ge [sflag:s17], $0x80  }
0x20: {  	[sflag:s17] =	ssyncset.done $0x0  }
0x21: {  	s31 =	rddreg [dreg:$0x6];
	[sflag:s17] =	ssyncadd.s32 $0xFFFFFF80  }
0x22: {  	[tilespmem:s20], [sflag:$0x7] =	stream.linear.gather [hbm4b:s31+s2], $0x80, $0x38;
	[tilespmem:$0x18500] =	vst v63  }
0x23: {  	_ =	swait.ge [sflag:s17], $0x80  }
0x24: {  	[sflag:s17] =	ssyncset.done $0x0  }
0x25: {  	[sflag:s17] =	ssyncadd.s32 $0xFFFFFF80  }
0x26: {  	v3 =	vld [tilespmem:$0x18000];
	_ =	sdelay $0x2  }
0x27: {  	v0 =	vld [tilespmem:$0x1FFD0];
	_ =	sdelay $0x1  }
0x28: {  	v1 =	vld [tilespmem:$0x1FFE0];
	v4 =	vshll.u32 v3, $0x3  }
0x29: {  	v3 =	vand.u32 $0x7, v3;
	v4 =	vand.u32 $0xFFFFFFC0, v4  }
0x2a: {  	v3 =	vor.u32 v3, v4  }
0x2b: {  	v4 =	vperm.xlane v3, v0;
	_ =	sdelay $0x1  }
0x2c: {  	v4 =	vadd.s32 v1, v4  }
0x2d: {  	v2 =	vld [tilespmem:$0x1FFF0];
	_ =	sdelay $0x3  }
0x2e: {  	[tilespmem:s2], [sflag:$0x1] =	stream.indirect_vreg.gather [hbm4b:s3+s2], $0x80, v4, vm0, $0xb8;
	[tilespmem:$0x18500] =	vst v63  }
0x2f: {  	s14 =	simm.s32 $0x800;
	v3 =	vperm.xlane v3, v2  }
0x30: {  	[tilespmem:s14], [sflag:$0x1] =	stream.indirect_vreg.gather [hbm4b:s8+s2], $0x80, v4, vm0, $0xb8;
	[tilespmem:$0x18500] =	vst v63  }
0x31: {  	s15 =	simm.s32 $0x1000;
	v3 =	vadd.s32 v1, v3  }
0x32: {  	[tilespmem:s15], [sflag:$0x1] =	stream.indirect_vreg.gather [hbm4b:s10+s2], $0x80, v4, vm0, $0xb8;
	[tilespmem:$0x18500] =	vst v63  }
0x33: {  	s31 =	simm.s32 $0x1800  }
0x34: {  	[tilespmem:s31], [sflag:$0x1] =	stream.indirect_vreg.gather [hbm4b:s11+s2], $0x80, v4, vm0, $0xb8;
	[tilespmem:$0x18500] =	vst v63  }
0x35: {  	s14 =	simm.s32 $0x2000  }
0x36: {  	[tilespmem:s14], [sflag:$0x1] =	stream.indirect_vreg.gather [hbm4b:s3+s2], $0x80, v3, vm0, $0xb8;
	[tilespmem:$0x18500] =	vst v63  }
0x37: {  	s15 =	simm.s32 $0x2800  }
0x38: {  	[tilespmem:s15], [sflag:$0x1] =	stream.indirect_vreg.gather [hbm4b:s8+s2], $0x80, v3, vm0, $0xb8;
	[tilespmem:$0x18500] =	vst v63  }
0x39: {  	s31 =	simm.s32 $0x3000  }
0x3a: {  	[tilespmem:s31], [sflag:$0x1] =	stream.indirect_vreg.gather [hbm4b:s10+s2], $0x80, v3, vm0, $0xb8;
	[tilespmem:$0x18500] =	vst v63  }
0x3b: {  	s14 =	simm.s32 $0x3800  }
0x3c: {  	[tilespmem:s14], [sflag:$0x1] =	stream.indirect_vreg.gather [hbm4b:s11+s2], $0x80, v3, vm0, $0xb8;
	[tilespmem:$0x18500] =	vst v63  }
0x3d: {  	v3 =	vld [tilespmem:$0x18200];
	_ =	sdelay $0x4  }
0x3e: {  	v61 =	vshll.u32 v3, $0x3  }
0x3f: {  	v3 =	vand.u32 $0x7, v3;
	v4 =	vand.u32 $0xFFFFFFC0, v61  }
0x40: {  	v3 =	vor.u32 v3, v4  }
0x41: {  	v4 =	vperm.xlane v3, v0;
	_ =	sdelay $0x1  }
0x42: {  	v4 =	vadd.s32 v1, v4;
	_ =	sdelay $0x3  }
0x43: {  	s15 =	simm.s32 $0x8000  }
0x44: {  	[tilespmem:s15], [sflag:$0x3] =	stream.indirect_vreg.gather [hbm4b:s3+s2], $0x80, v4, vm0, $0xb8;
	[tilespmem:$0x18500] =	vst v63  }
0x45: {  	s31 =	simm.s32 $0x8800;
	v3 =	vperm.xlane v3, v2  }
0x46: {  	[tilespmem:s31], [sflag:$0x3] =	stream.indirect_vreg.gather [hbm4b:s8+s2], $0x80, v4, vm0, $0xb8;
	[tilespmem:$0x18500] =	vst v63  }
0x47: {  	s14 =	simm.s32 $0x9000;
	v3 =	vadd.s32 v1, v3  }
0x48: {  	[tilespmem:s14], [sflag:$0x3] =	stream.indirect_vreg.gather [hbm4b:s10+s2], $0x80, v4, vm0, $0xb8;
	[tilespmem:$0x18500] =	vst v63  }
0x49: {  	s15 =	simm.s32 $0x9800  }
0x4a: {  	[tilespmem:s15], [sflag:$0x3] =	stream.indirect_vreg.gather [hbm4b:s11+s2], $0x80, v4, vm0, $0xb8;
	[tilespmem:$0x18500] =	vst v63  }
0x4b: {  	s31 =	simm.s32 $0xA000  }
0x4c: {  	[tilespmem:s31], [sflag:$0x3] =	stream.indirect_vreg.gather [hbm4b:s3+s2], $0x80, v3, vm0, $0xb8;
	[tilespmem:$0x18500] =	vst v63  }
0x4d: {  	s14 =	simm.s32 $0xA800  }
0x4e: {  	[tilespmem:s14], [sflag:$0x3] =	stream.indirect_vreg.gather [hbm4b:s8+s2], $0x80, v3, vm0, $0xb8;
	[tilespmem:$0x18500] =	vst v63  }
0x4f: {  	s15 =	simm.s32 $0xB000  }
0x50: {  	[tilespmem:s15], [sflag:$0x3] =	stream.indirect_vreg.gather [hbm4b:s10+s2], $0x80, v3, vm0, $0xb8;
	[tilespmem:$0x18500] =	vst v63  }
0x51: {  	s31 =	simm.s32 $0xB800  }
0x52: {  	[tilespmem:s31], [sflag:$0x3] =	stream.indirect_vreg.gather [hbm4b:s11+s2], $0x80, v3, vm0, $0xb8;
	[tilespmem:$0x18500] =	vst v63  }
0x53: {  	v3 =	vld [tilespmem:$0x18080];
	_ =	sdelay $0x4  }
0x54: {  	v62 =	vshll.u32 v3, $0x3  }
0x55: {  	v3 =	vand.u32 $0x7, v3;
	v4 =	vand.u32 $0xFFFFFFC0, v62  }
0x56: {  	v3 =	vor.u32 v3, v4  }
0x57: {  	v4 =	vperm.xlane v3, v0;
	_ =	sdelay $0x1  }
0x58: {  	v4 =	vadd.s32 v1, v4;
	_ =	sdelay $0x3  }
0x59: {  	s14 =	simm.s32 $0x4000  }
0x5a: {  	[tilespmem:s14], [sflag:$0x2] =	stream.indirect_vreg.gather [hbm4b:s3+s2], $0x80, v4, vm0, $0xb8;
	[tilespmem:$0x18500] =	vst v63  }
0x5b: {  	s15 =	simm.s32 $0x4800;
	v3 =	vperm.xlane v3, v2  }
0x5c: {  	[tilespmem:s15], [sflag:$0x2] =	stream.indirect_vreg.gather [hbm4b:s8+s2], $0x80, v4, vm0, $0xb8;
	[tilespmem:$0x18500] =	vst v63  }
0x5d: {  	s31 =	simm.s32 $0x5000;
	v3 =	vadd.s32 v1, v3  }
0x5e: {  	[tilespmem:s31], [sflag:$0x2] =	stream.indirect_vreg.gather [hbm4b:s10+s2], $0x80, v4, vm0, $0xb8;
	[tilespmem:$0x18500] =	vst v63  }
0x5f: {  	s14 =	simm.s32 $0x5800  }
0x60: {  	[tilespmem:s14], [sflag:$0x2] =	stream.indirect_vreg.gather [hbm4b:s11+s2], $0x80, v4, vm0, $0xb8;
	[tilespmem:$0x18500] =	vst v63  }
0x61: {  	s15 =	simm.s32 $0x6000  }
0x62: {  	[tilespmem:s15], [sflag:$0x2] =	stream.indirect_vreg.gather [hbm4b:s3+s2], $0x80, v3, vm0, $0xb8;
	[tilespmem:$0x18500] =	vst v63  }
0x63: {  	s31 =	simm.s32 $0x6800  }
0x64: {  	[tilespmem:s31], [sflag:$0x2] =	stream.indirect_vreg.gather [hbm4b:s8+s2], $0x80, v3, vm0, $0xb8;
	[tilespmem:$0x18500] =	vst v63  }
0x65: {  	s14 =	simm.s32 $0x7000  }
0x66: {  	[tilespmem:s14], [sflag:$0x2] =	stream.indirect_vreg.gather [hbm4b:s10+s2], $0x80, v3, vm0, $0xb8;
	[tilespmem:$0x18500] =	vst v63  }
0x67: {  	s15 =	simm.s32 $0x7800  }
0x68: {  	[tilespmem:s15], [sflag:$0x2] =	stream.indirect_vreg.gather [hbm4b:s11+s2], $0x80, v3, vm0, $0xb8;
	[tilespmem:$0x18500] =	vst v63  }
0x69: {  	v3 =	vld [tilespmem:$0x18280];
	_ =	sdelay $0x4  }
0x6a: {  	v63 =	vshll.u32 v3, $0x3  }
0x6b: {  	v3 =	vand.u32 $0x7, v3;
	v4 =	vand.u32 $0xFFFFFFC0, v63  }
0x6c: {  	v3 =	vor.u32 v3, v4  }
0x6d: {  	v4 =	vperm.xlane v3, v0;
	_ =	sdelay $0x1  }
0x6e: {  	v4 =	vadd.s32 v1, v4;
	_ =	sdelay $0x3  }
0x6f: {  	s31 =	simm.s32 $0xC000  }
0x70: {  	[tilespmem:s31], [sflag:$0x4] =	stream.indirect_vreg.gather [hbm4b:s3+s2], $0x80, v4, vm0, $0xb8;
	[tilespmem:$0x18500] =	vst v63  }
0x71: {  	v3 =	vperm.xlane v3, v2  }
0x72: {  	[tilespmem:s0], [sflag:$0x4] =	stream.indirect_vreg.gather [hbm4b:s8+s2], $0x80, v4, vm0, $0xb8;
	[tilespmem:$0x18500] =	vst v63  }
0x73: {  	v3 =	vadd.s32 v1, v3  }
0x74: {  	[tilespmem:s1], [sflag:$0x4] =	stream.indirect_vreg.gather [hbm4b:s10+s2], $0x80, v4, vm0, $0xb8;
	[tilespmem:$0x18500] =	vst v63  }
0x75: {  	_ = 	snop  }
0x76: {  	[tilespmem:s4], [sflag:$0x4] =	stream.indirect_vreg.gather [hbm4b:s11+s2], $0x80, v4, vm0, $0xb8;
	[tilespmem:$0x18500] =	vst v63  }
0x77: {  	_ = 	snop  }
0x78: {  	[tilespmem:s16], [sflag:$0x4] =	stream.indirect_vreg.gather [hbm4b:s3+s2], $0x80, v3, vm0, $0xb8;
	[tilespmem:$0x18500] =	vst v63  }
0x79: {  	_ = 	snop  }
0x7a: {  	[tilespmem:s5], [sflag:$0x4] =	stream.indirect_vreg.gather [hbm4b:s8+s2], $0x80, v3, vm0, $0xb8;
	[tilespmem:$0x18500] =	vst v63  }
0x7b: {  	_ = 	snop  }
0x7c: {  	[tilespmem:s18], [sflag:$0x4] =	stream.indirect_vreg.gather [hbm4b:s10+s2], $0x80, v3, vm0, $0xb8;
	[tilespmem:$0x18500] =	vst v63  }
0x7d: {  	_ = 	snop  }
0x7e: {  	[tilespmem:s6], [sflag:$0x4] =	stream.indirect_vreg.gather [hbm4b:s11+s2], $0x80, v3, vm0, $0xb8;
	[tilespmem:$0x18500] =	vst v63  }
0x7f: {  	_ =	swait.ge [sflag:s21], $0x4000  }
0x80: {  	[sflag:s21] =	ssyncset.done $0x0  }
0x81: {  	[sflag:s21] =	ssyncadd.s32 $0xFFFFC000  }
0x82: {  	_ =	swait.ge [sflag:s22], $0x4000  }
0x83: {  	s29 =	simm.s32 $0x0;
	s30 =	simm.s32 $0x0;
	[sflag:s22] =	ssyncset.done $0x0  }
0x84: {  	s13 =	simm.s32 $0x0;
	s14 =	simm.s32 $0x0;
	[sflag:s22] =	ssyncadd.s32 $0xFFFFC000  }
.LBB2_2:
0x85: {  	s31 =	sand.u32 $0x2000, s13;
	s15 =	sand.u32 $0x380, s30  }
0x86: {  	s31 =	sor.u32 s15, s31  }
0x87: {  	v6 =	vld [tilespmem:s31+$0x0]  }
0x88: {  	v7 =	vld [tilespmem:s31+$0x8000]  }
0x89: {  	v10 =	vld [tilespmem:s31+$0x10]  }
0x8a: {  	v11 =	vld [tilespmem:s31+$0x8010]  }
0x8b: {  	v14 =	vld [tilespmem:s31+$0x20]  }
0x8c: {  	v17 =	vld [tilespmem:s31+$0x8020]  }
0x8d: {  	v20 =	vld [tilespmem:s31+$0x30]  }
0x8e: {  	v21 =	vld [tilespmem:s31+$0x8030]  }
0x8f: {  	v26 =	vld [tilespmem:s31+$0x40]  }
0x90: {  	v27 =	vld [tilespmem:s31+$0x8040]  }
0x91: {  	v28 =	vld [tilespmem:s31+$0x50]  }
0x92: {  	v29 =	vld [tilespmem:s31+$0x8050]  }
0x93: {  	v30 =	vld [tilespmem:s31+$0x60]  }
0x94: {  	v31 =	vld [tilespmem:s31+$0x8060]  }
0x95: {  	v32 =	vld [tilespmem:s31+$0x70]  }
0x96: {  	v33 =	vld [tilespmem:s31+$0x8070]  }
0x97: {  	v34 =	vld [tilespmem:s31+$0x400]  }
0x98: {  	v35 =	vld [tilespmem:s31+$0x8400]  }
0x99: {  	v36 =	vld [tilespmem:s31+$0x410]  }
0x9a: {  	v37 =	vld [tilespmem:s31+$0x8410]  }
0x9b: {  	v38 =	vld [tilespmem:s31+$0x420]  }
0x9c: {  	v39 =	vld [tilespmem:s31+$0x8420]  }
0x9d: {  	v40 =	vld [tilespmem:s31+$0x430]  }
0x9e: {  	v41 =	vld [tilespmem:s31+$0x8430]  }
0x9f: {  	v42 =	vld [tilespmem:s31+$0x440]  }
0xa0: {  	v43 =	vld [tilespmem:s31+$0x8440]  }
0xa1: {  	v44 =	vld [tilespmem:s31+$0x450]  }
0xa2: {  	v45 =	vld [tilespmem:s31+$0x8450]  }
0xa3: {  	v46 =	vld [tilespmem:s31+$0x460]  }
0xa4: {  	v47 =	vld [tilespmem:s31+$0x8460]  }
0xa5: {  	v48 =	vld [tilespmem:s31+$0x470]  }
0xa6: {  	v49 =	vld [tilespmem:s31+$0x8470]  }
0xa7: {  	v50 =	vld [tilespmem:s31+$0x800]  }
0xa8: {  	v51 =	vld [tilespmem:s31+$0x8800]  }
0xa9: {  	v52 =	vld [tilespmem:s31+$0x810]  }
0xaa: {  	v53 =	vld [tilespmem:s31+$0x8810]  }
0xab: {  	v54 =	vld [tilespmem:s31+$0x820]  }
0xac: {  	v55 =	vld [tilespmem:s31+$0x8820]  }
0xad: {  	v56 =	vld [tilespmem:s31+$0x830]  }
0xae: {  	v57 =	vld [tilespmem:s31+$0x8830]  }
0xaf: {  	v58 =	vld [tilespmem:s31+$0x840]  }
0xb0: {  	v59 =	vld [tilespmem:s31+$0x8840]  }
0xb1: {  	v60 =	vld [tilespmem:s31+$0x850]  }
0xb2: {  	v61 =	vld [tilespmem:s31+$0x8850]  }
0xb3: {  	v62 =	vld [tilespmem:s31+$0x860]  }
0xb4: {  	v63 =	vld [tilespmem:s31+$0x8860]  }
0xb5: {  	v5 =	vld [tilespmem:s31+$0x870]  }
0xb6: {  	v2 =	vld [tilespmem:s31+$0x8870]  }
0xb7: {  	v24 =	vld [tilespmem:s31+$0xC00]  }
0xb8: {  	v25 =	vld [tilespmem:s31+$0x8C00]  }
0xb9: {  	v22 =	vld [tilespmem:s31+$0xC10]  }
0xba: {  	v4 =	vmov s14;
	v23 =	vld [tilespmem:s31+$0x8C10]  }
0xbb: {  	v18 =	vld [tilespmem:s31+$0xC20]  }
0xbc: {  	v19 =	vld [tilespmem:s31+$0x8C20]  }
0xbd: {  	v15 =	vld [tilespmem:s31+$0xC30]  }
0xbe: {  	v0 =	vld [tilespmem:s31+$0xC60]  }
0xbf: {  	v3 =	vld.idx.msk [tilespmem:v4+s19+$0x0], $0xffff  }
0xc0: {  	v4 =	vld.idx.msk [tilespmem:v4+s20+$0x0], $0xffff  }
0xc1: {  	v16 =	vld [tilespmem:s31+$0x8C30]  }
0xc2: {  	v12 =	vld [tilespmem:s31+$0xC40]  }
0xc3: {  	v13 =	vld [tilespmem:s31+$0x8C40]  }
0xc4: {  	v8 =	vld [tilespmem:s31+$0xC50];
	v1 =	vmul.f32 v6, v3  }
0xc5: {  	v9 =	vld [tilespmem:s31+$0x8C50];
	[tilespmem:$0x1FFC0] =	vst v0;
	v0 =	vmul.f32 v7, v4;
	v10 =	vmul.f32 v10, v3  }
0xc6: {  	v7 =	vld [tilespmem:s31+$0x8C60];
	v11 =	vmul.f32 v11, v4;
	v14 =	vmul.f32 v14, v3  }
0xc7: {  	v6 =	vld [tilespmem:s31+$0xC70];
	v17 =	vmul.f32 v17, v4;
	v20 =	vmul.f32 v20, v3  }
0xc8: {  	v21 =	vmul.f32 v21, v4;
	v26 =	vmul.f32 v26, v3;
	v1 =	vadd.f32 v0, v1;
	v0 =	vld [tilespmem:s31+$0x8C70]  }
0xc9: {  	v5 =	vmul.f32 v5, v3;
	v2 =	vmul.f32 v2, v4;
	v10 =	vadd.f32 v11, v10;
	v11 =	vld [tilespmem:s31+$0x1000]  }
0xca: {  	v24 =	vmul.f32 v24, v3;
	v25 =	vmul.f32 v25, v4;
	[tilespmem:s31+$0x10000] =	vst v1;
	v1 =	vadd.f32 v17, v14;
	v14 =	vld [tilespmem:s31+$0x9000]  }
0xcb: {  	[tilespmem:s31+$0x10010] =	vst v10;
	v10 =	vadd.f32 v21, v20;
	v21 =	vmul.f32 v28, v3;
	v28 =	vmul.f32 v29, v4;
	v17 =	vld [tilespmem:s31+$0x1010]  }
0xcc: {  	v27 =	vmul.f32 v27, v4;
	v34 =	vmul.f32 v34, v3;
	v2 =	vadd.f32 v2, v5;
	v20 =	vld [tilespmem:s31+$0x9010]  }
0xcd: {  	v35 =	vmul.f32 v35, v4;
	v25 =	vadd.f32 v25, v24;
	[tilespmem:s31+$0x10030] =	vst v10;
	v10 =	vadd.f32 v28, v21;
	v21 =	vld [tilespmem:s31+$0x1020]  }
0xce: {  	v29 =	vmul.f32 v33, v4;
	[tilespmem:s31+$0x10020] =	vst v1;
	v1 =	vadd.f32 v27, v26;
	v27 =	vmul.f32 v31, v4;
	v31 =	vld [tilespmem:s31+$0x1030]  }
0xcf: {  	[tilespmem:s31+$0x10870] =	vst v2;
	v26 =	vmul.f32 v30, v3;
	v28 =	vmul.f32 v32, v3;
	v32 =	vld [tilespmem:s31+$0x9030]  }
0xd0: {  	v38 =	vmul.f32 v38, v3;
	[tilespmem:s31+$0x10C00] =	vst v25;
	v30 =	vmul.f32 v15, v3;
	v15 =	vld [tilespmem:s31+$0x1440]  }
0xd1: {  	v39 =	vmul.f32 v39, v4;
	v33 =	vadd.f32 v27, v26;
	v26 =	vld [tilespmem:s31+$0x9020];
	[tilespmem:s31+$0x10050] =	vst v10;
	v10 =	vadd.f32 v29, v28  }
0xd2: {  	[tilespmem:s31+$0x10040] =	vst v1;
	v28 =	vmul.f32 v36, v3;
	v36 =	vmul.f32 v37, v4;
	v37 =	vadd.f32 v35, v34;
	v34 =	vld [tilespmem:s31+$0x9040]  }
0xd3: {  	v40 =	vmul.f32 v40, v3;
	v52 =	vmul.f32 v52, v3;
	v35 =	vld [tilespmem:s31+$0x1050];
	[tilespmem:s31+$0x10060] =	vst v33  }
0xd4: {  	v18 =	vmul.f32 v18, v3;
	v27 =	vld [tilespmem:s31+$0x9420];
	[tilespmem:s31+$0x10070] =	vst v10;
	v10 =	vadd.f32 v36, v28;
	v36 =	vmul.f32 v41, v4  }
0xd5: {  	v33 =	vld [tilespmem:s31+$0x1040];
	[tilespmem:s31+$0x10400] =	vst v37;
	v37 =	vadd.f32 v39, v38;
	v38 =	vmul.f32 v42, v3;
	v39 =	vmul.f32 v43, v4  }
0xd6: {  	v41 =	vmul.f32 v45, v4;
	v28 =	vld [tilespmem:s31+$0x1420];
	[tilespmem:s31+$0x10410] =	vst v10;
	v10 =	vadd.f32 v36, v40;
	v40 =	vmul.f32 v44, v3  }
0xd7: {  	v43 =	vmul.f32 v46, v3;
	[tilespmem:s31+$0x10420] =	vst v37;
	v42 =	vadd.f32 v39, v38;
	v44 =	vmul.f32 v47, v4;
	v36 =	vld [tilespmem:s31+$0x9050]  }
0xd8: {  	v46 =	vmul.f32 v48, v3;
	v47 =	vmul.f32 v49, v4;
	v37 =	vld [tilespmem:s31+$0x1060];
	[tilespmem:s31+$0x10430] =	vst v10;
	v45 =	vadd.f32 v41, v40  }
0xd9: {  	v49 =	vmul.f32 v50, v3;
	v50 =	vmul.f32 v51, v4;
	v38 =	vld [tilespmem:s31+$0x9060];
	[tilespmem:s31+$0x10440] =	vst v42;
	v48 =	vadd.f32 v44, v43  }
0xda: {  	v19 =	vmul.f32 v19, v4;
	v39 =	vld [tilespmem:s31+$0x1070];
	v51 =	vadd.f32 v47, v46;
	v44 =	vmul.f32 v53, v4;
	[tilespmem:s31+$0x10450] =	vst v45  }
0xdb: {  	v46 =	vmul.f32 v54, v3;
	v47 =	vmul.f32 v55, v4;
	v40 =	vld [tilespmem:s31+$0x9070];
	[tilespmem:s31+$0x10460] =	vst v48;
	v45 =	vadd.f32 v50, v49  }
0xdc: {  	v41 =	vld [tilespmem:s31+$0x1400];
	v53 =	vmul.f32 v59, v4;
	v55 =	vmul.f32 v60, v3;
	[tilespmem:s31+$0x10470] =	vst v51;
	v48 =	vadd.f32 v44, v52  }
0xdd: {  	v42 =	vld [tilespmem:s31+$0x9400];
	v49 =	vmul.f32 v56, v3;
	v50 =	vmul.f32 v57, v4;
	v51 =	vadd.f32 v47, v46;
	[tilespmem:s31+$0x10800] =	vst v45  }
0xde: {  	v43 =	vld [tilespmem:s31+$0x1410];
	v59 =	vmul.f32 v63, v4;
	v52 =	vmul.f32 v58, v3;
	v46 =	vadd.f32 v19, v18;
	[tilespmem:s31+$0x10810] =	vst v48  }
0xdf: {  	v63 =	vmul.f32 v23, v4;
	v23 =	vld [tilespmem:s31+$0x9430];
	v56 =	vmul.f32 v61, v4;
	v54 =	vadd.f32 v50, v49;
	[tilespmem:s31+$0x10820] =	vst v51  }
0xe0: {  	v58 =	vmul.f32 v62, v3;
	v44 =	vld [tilespmem:s31+$0x9410];
	v57 =	vadd.f32 v53, v52;
	[tilespmem:s31+$0x10C20] =	vst v46  }
0xe1: {  	v62 =	vmul.f32 v22, v3;
	v22 =	vld [tilespmem:s31+$0x1430];
	v60 =	vadd.f32 v56, v55;
	[tilespmem:s31+$0x10830] =	vst v54  }
0xe2: {  	v12 =	vmul.f32 v12, v3;
	v13 =	vmul.f32 v13, v4;
	v18 =	vld [tilespmem:s31+$0x1810];
	v61 =	vadd.f32 v59, v58;
	[tilespmem:s31+$0x10840] =	vst v57  }
0xe3: {  	v25 =	vmul.f32 v34, v4;
	v24 =	vmul.f32 v33, v3;
	v19 =	vld [tilespmem:s31+$0x9810];
	v29 =	vadd.f32 v63, v62;
	[tilespmem:s31+$0x10850] =	vst v60  }
0xe4: {  	v45 =	vmul.f32 v16, v4;
	v16 =	vld [tilespmem:s31+$0x9440];
	v48 =	vmul.f32 v8, v3;
	v50 =	vadd.f32 v13, v12;
	[tilespmem:s31+$0x10860] =	vst v61  }
0xe5: {  	v49 =	vmul.f32 v9, v4;
	v9 =	vld [tilespmem:s31+$0x1450];
	v63 =	vmul.f32 v31, v3;
	v31 =	vadd.f32 v25, v24;
	[tilespmem:s31+$0x10C10] =	vst v29  }
0xe6: {  	v0 =	vmul.f32 v0, v4;
	v51 =	vld [tilespmem:$0x1FFC0];
	v53 =	vmul.f32 v6, v3;
	v47 =	vadd.f32 v45, v30;
	[tilespmem:s31+$0x10C40] =	vst v50  }
0xe7: {  	v12 =	vld [tilespmem:s31+$0x9450];
	v55 =	vmul.f32 v11, v3;
	v56 =	vmul.f32 v14, v4;
	v52 =	vadd.f32 v49, v48;
	[tilespmem:s31+$0x11040] =	vst v31  }
0xe8: {  	v6 =	vld [tilespmem:s31+$0x1460];
	v58 =	vmul.f32 v20, v4;
	v20 =	vmul.f32 v32, v4;
	v0 =	vadd.f32 v0, v53;
	[tilespmem:s31+$0x10C30] =	vst v47  }
0xe9: {  	v33 =	vmul.f32 v38, v4;
	v11 =	vld [tilespmem:s31+$0x1470];
	v32 =	vmul.f32 v37, v3;
	v59 =	vadd.f32 v56, v55;
	[tilespmem:s31+$0x10C50] =	vst v52  }
0xea: {  	v13 =	vld [tilespmem:s31+$0x9470];
	v57 =	vmul.f32 v17, v3;
	v61 =	vmul.f32 v26, v4;
	v26 =	vadd.f32 v20, v63;
	[tilespmem:s31+$0x10C70] =	vst v0  }
0xeb: {  	v7 =	vmul.f32 v7, v4;
	v14 =	vld [tilespmem:s31+$0x1800];
	v60 =	vmul.f32 v21, v3;
	v37 =	vadd.f32 v33, v32;
	[tilespmem:s31+$0x11000] =	vst v59  }
0xec: {  	v17 =	vld [tilespmem:s31+$0x9800];
	v29 =	vmul.f32 v35, v3;
	v30 =	vmul.f32 v36, v4;
	v62 =	vadd.f32 v58, v57;
	[tilespmem:s31+$0x11030] =	vst v26  }
0xed: {  	v35 =	vmul.f32 v39, v3;
	v36 =	vmul.f32 v40, v4;
	v20 =	vld [tilespmem:s31+$0x1820];
	v21 =	vadd.f32 v61, v60;
	[tilespmem:s31+$0x11060] =	vst v37  }
0xee: {  	v38 =	vmul.f32 v41, v3;
	v39 =	vmul.f32 v42, v4;
	v40 =	vld [tilespmem:s31+$0x9820];
	v34 =	vadd.f32 v30, v29;
	[tilespmem:s31+$0x11010] =	vst v62  }
0xef: {  	v42 =	vmul.f32 v43, v3;
	v48 =	vld [tilespmem:s31+$0x9830];
	v43 =	vmul.f32 v44, v4;
	v41 =	vadd.f32 v36, v35;
	[tilespmem:s31+$0x11020] =	vst v21  }
0xf0: {  	v46 =	vmul.f32 v28, v3;
	v56 =	vld [tilespmem:s31+$0x9840];
	v45 =	vadd.f32 v39, v38;
	v47 =	vmul.f32 v27, v4;
	[tilespmem:s31+$0x11050] =	vst v34  }
0xf1: {  	v63 =	vld [tilespmem:s31+$0x9850];
	v50 =	vmul.f32 v22, v3;
	v10 =	vmul.f32 v51, v3;
	v49 =	vadd.f32 v43, v42;
	[tilespmem:s31+$0x11070] =	vst v41  }
0xf2: {  	v31 =	vld [tilespmem:s31+$0x9860];
	v33 =	vmul.f32 v18, v3;
	v51 =	vmul.f32 v23, v4;
	[tilespmem:s31+$0x11400] =	vst v45;
	v53 =	vadd.f32 v47, v46  }
0xf3: {  	v44 =	vld [tilespmem:s31+$0x1830];
	v58 =	vmul.f32 v9, v3;
	v59 =	vmul.f32 v12, v4;
	v54 =	vadd.f32 v7, v10;
	[tilespmem:s31+$0x11410] =	vst v49  }
0xf4: {  	v52 =	vld [tilespmem:s31+$0x1840];
	v23 =	vmul.f32 v11, v3;
	v26 =	vmul.f32 v13, v4;
	v57 =	vadd.f32 v51, v50;
	[tilespmem:s31+$0x11420] =	vst v53  }
0xf5: {  	v60 =	vld [tilespmem:s31+$0x1850];
	v55 =	vmul.f32 v16, v4;
	v34 =	vmul.f32 v19, v4;
	v16 =	vadd.f32 v59, v58;
	[tilespmem:s31+$0x10C60] =	vst v54  }
0xf6: {  	v27 =	vld [tilespmem:s31+$0x1860];
	v29 =	vmul.f32 v14, v3;
	v30 =	vmul.f32 v17, v4;
	v32 =	vadd.f32 v26, v23;
	[tilespmem:s31+$0x11430] =	vst v57  }
0xf7: {  	v35 =	vld [tilespmem:s31+$0x1870];
	v37 =	vmul.f32 v20, v3;
	v38 =	vmul.f32 v40, v4;
	v40 =	vadd.f32 v34, v33;
	[tilespmem:s31+$0x11450] =	vst v16  }
0xf8: {  	v39 =	vld [tilespmem:s31+$0x9870];
	v42 =	vmul.f32 v48, v4;
	v41 =	vmul.f32 v44, v3;
	v36 =	vadd.f32 v30, v29;
	[tilespmem:s31+$0x11470] =	vst v32  }
0xf9: {  	v10 =	vld [tilespmem:s31+$0x9460];
	v54 =	vmul.f32 v15, v3;
	v43 =	vadd.f32 v38, v37;
	[tilespmem:s31+$0x11810] =	vst v40  }
0xfa: {  	v45 =	vmul.f32 v56, v4;
	v44 =	vmul.f32 v52, v3;
	v46 =	vadd.f32 v42, v41;
	[tilespmem:s31+$0x11800] =	vst v36  }
0xfb: {  	v48 =	vmul.f32 v63, v4;
	v47 =	vmul.f32 v60, v3;
	v61 =	vadd.f32 v55, v54;
	[tilespmem:s31+$0x11820] =	vst v43  }
0xfc: {  	v51 =	vmul.f32 v31, v4;
	v50 =	vmul.f32 v27, v3;
	v49 =	vadd.f32 v45, v44;
	[tilespmem:s31+$0x11830] =	vst v46  }
0xfd: {  	v53 =	vmul.f32 v35, v3;
	v52 =	vadd.f32 v48, v47;
	v54 =	vmul.f32 v39, v4;
	[tilespmem:s31+$0x11440] =	vst v61  }
0xfe: {  	v6 =	vmul.f32 v6, v3;
	v55 =	vadd.f32 v51, v50;
	v62 =	vmul.f32 v10, v4;
	[tilespmem:s31+$0x11840] =	vst v49  }
0xff: {  	s15 =	sand.u32 $0x7, s29;
	[tilespmem:s31+$0x11850] =	vst v52;
	v56 =	vadd.f32 v54, v53  }
0x100: {  	s15 =	sshll.u32 s15, $0x7;
	[tilespmem:s31+$0x11860] =	vst v55;
	v28 =	vadd.f32 v62, v6  }
0x101: {  	s15 =	sadd.s32 s15, s13;
	[tilespmem:s31+$0x11870] =	vst v56  }
0x102: {  	[tilespmem:s31+$0x11460] =	vst v28;
	s31 =	sor.u32 $0x1C00, s15  }
0x103: {  	v0 =	vld [tilespmem:s31+$0x0]  }
0x104: {  	v1 =	vld [tilespmem:s31+$0x8000];
	_ =	sdelay $0x4  }
0x105: {  	v0 =	vmul.f32 v0, v3;
	v1 =	vmul.f32 v1, v4;
	_ =	sdelay $0x1  }
0x106: {  	v0 =	vadd.f32 v1, v0;
	_ =	sdelay $0x1  }
0x107: {  	[tilespmem:s31+$0x10000] =	vst v0;
	s31 =	sor.u32 $0x1C10, s15  }
0x108: {  	v0 =	vld [tilespmem:s31+$0x0]  }
0x109: {  	v57 =	vld [tilespmem:s31+$0x8000];
	_ =	sdelay $0x4  }
0x10a: {  	v0 =	vmul.f32 v0, v3;
	v1 =	vmul.f32 v57, v4;
	_ =	sdelay $0x1  }
0x10b: {  	v0 =	vadd.f32 v1, v0;
	_ =	sdelay $0x1  }
0x10c: {  	[tilespmem:s31+$0x10000] =	vst v0;
	s31 =	sor.u32 $0x1C20, s15  }
0x10d: {  	v0 =	vld [tilespmem:s31+$0x0]  }
0x10e: {  	v58 =	vld [tilespmem:s31+$0x8000];
	_ =	sdelay $0x4  }
0x10f: {  	v0 =	vmul.f32 v0, v3;
	v1 =	vmul.f32 v58, v4;
	_ =	sdelay $0x1  }
0x110: {  	v0 =	vadd.f32 v1, v0;
	_ =	sdelay $0x1  }
0x111: {  	[tilespmem:s31+$0x10000] =	vst v0;
	s31 =	sor.u32 $0x1C30, s15  }
0x112: {  	v0 =	vld [tilespmem:s31+$0x0]  }
0x113: {  	v59 =	vld [tilespmem:s31+$0x8000];
	_ =	sdelay $0x4  }
0x114: {  	v0 =	vmul.f32 v0, v3;
	v1 =	vmul.f32 v59, v4;
	_ =	sdelay $0x1  }
0x115: {  	v0 =	vadd.f32 v1, v0;
	_ =	sdelay $0x1  }
0x116: {  	[tilespmem:s31+$0x10000] =	vst v0;
	s31 =	sor.u32 $0x1C40, s15  }
0x117: {  	v0 =	vld [tilespmem:s31+$0x0]  }
0x118: {  	v60 =	vld [tilespmem:s31+$0x8000];
	_ =	sdelay $0x4  }
0x119: {  	v0 =	vmul.f32 v0, v3;
	v1 =	vmul.f32 v60, v4;
	_ =	sdelay $0x1  }
0x11a: {  	v0 =	vadd.f32 v1, v0;
	_ =	sdelay $0x1  }
0x11b: {  	[tilespmem:s31+$0x10000] =	vst v0;
	s31 =	sor.u32 $0x1C50, s15  }
0x11c: {  	v0 =	vld [tilespmem:s31+$0x0]  }
0x11d: {  	v61 =	vld [tilespmem:s31+$0x8000];
	_ =	sdelay $0x4  }
0x11e: {  	v0 =	vmul.f32 v0, v3;
	v1 =	vmul.f32 v61, v4;
	_ =	sdelay $0x1  }
0x11f: {  	v0 =	vadd.f32 v1, v0;
	_ =	sdelay $0x1  }
0x120: {  	[tilespmem:s31+$0x10000] =	vst v0;
	s31 =	sor.u32 $0x1C60, s15  }
0x121: {  	v0 =	vld [tilespmem:s31+$0x0]  }
0x122: {  	v62 =	vld [tilespmem:s31+$0x8000];
	_ =	sdelay $0x4  }
0x123: {  	v0 =	vmul.f32 v0, v3;
	v1 =	vmul.f32 v62, v4;
	_ =	sdelay $0x1  }
0x124: {  	v0 =	vadd.f32 v1, v0;
	_ =	sdelay $0x1  }
0x125: {  	s15 =	sor.u32 $0x1C70, s15;
	[tilespmem:s31+$0x10000] =	vst v0  }
0x126: {  	v0 =	vld [tilespmem:s15+$0x0]  }
0x127: {  	v63 =	vld [tilespmem:s15+$0x8000];
	_ =	sdelay $0x3  }
0x128: {  	p0 =	sne.s32 s14, $0xF  }
.Ltmp0:
0x129: {  	v0 =	vmul.f32 v0, v3;
	v1 =	vmul.f32 v63, v4;
	(pc) =	sbr.rel @p0 .LBB2_2-.Ltmp0, $4  }
0x12a: {  	_ = 	snop  }
0x12b: {  	v0 =	vadd.f32 v1, v0  }
0x12c: {  	s30 =	sadd.s32 $0x80, s30  }
0x12d: {  	s14 =	sadd.s32 $0x1, s14;
	s29 =	sadd.s32 $0x1, s29;
	s13 =	sadd.s32 $0x400, s13;
	[tilespmem:s15+$0x10000] =	vst v0  }
0x12e: {  	s29 =	simm.s32 $0x0  }
0x12f: {  	[hbm4b:s9+s29] =	stream.linear.scatter [tilespmem:s7], [sflag:$0x5], $0x4000, $0x38;
	[tilespmem:$0x18500] =	vst v63  }
0x130: {  	v0 =	vld [tilespmem:$0x18100];
	_ =	sdelay $0x2  }
0x131: {  	v2 =	vld [tilespmem:$0x1FFD0];
	_ =	sdelay $0x1  }
0x132: {  	v3 =	vld [tilespmem:$0x1FFE0];
	v1 =	vshll.u32 v0, $0x3  }
0x133: {  	v0 =	vand.u32 $0x7, v0;
	v1 =	vand.u32 $0xFFFFFFC0, v1  }
0x134: {  	v0 =	vor.u32 v0, v1  }
0x135: {  	v1 =	vperm.xlane v0, v2;
	_ =	sdelay $0x1  }
0x136: {  	v1 =	vadd.s32 v3, v1  }
0x137: {  	v4 =	vld [tilespmem:$0x1FFF0];
	_ =	sdelay $0x3  }
0x138: {  	[tilespmem:s29], [sflag:$0x1] =	stream.indirect_vreg.gather [hbm4b:s3+s29], $0x80, v1, vm0, $0xb8;
	[tilespmem:$0x18500] =	vst v63  }
0x139: {  	s13 =	simm.s32 $0x800;
	v0 =	vperm.xlane v0, v4  }
0x13a: {  	[tilespmem:s13], [sflag:$0x1] =	stream.indirect_vreg.gather [hbm4b:s8+s29], $0x80, v1, vm0, $0xb8;
	[tilespmem:$0x18500] =	vst v63  }
0x13b: {  	s15 =	simm.s32 $0x1000;
	v0 =	vadd.s32 v3, v0  }
0x13c: {  	[tilespmem:s15], [sflag:$0x1] =	stream.indirect_vreg.gather [hbm4b:s10+s29], $0x80, v1, vm0, $0xb8;
	[tilespmem:$0x18500] =	vst v63  }
0x13d: {  	s31 =	simm.s32 $0x1800  }
0x13e: {  	[tilespmem:s31], [sflag:$0x1] =	stream.indirect_vreg.gather [hbm4b:s11+s29], $0x80, v1, vm0, $0xb8;
	[tilespmem:$0x18500] =	vst v63  }
0x13f: {  	s14 =	simm.s32 $0x2000  }
0x140: {  	[tilespmem:s14], [sflag:$0x1] =	stream.indirect_vreg.gather [hbm4b:s3+s29], $0x80, v0, vm0, $0xb8;
	[tilespmem:$0x18500] =	vst v63  }
0x141: {  	s15 =	simm.s32 $0x2800  }
0x142: {  	[tilespmem:s15], [sflag:$0x1] =	stream.indirect_vreg.gather [hbm4b:s8+s29], $0x80, v0, vm0, $0xb8;
	[tilespmem:$0x18500] =	vst v63  }
0x143: {  	s31 =	simm.s32 $0x3000  }
0x144: {  	[tilespmem:s31], [sflag:$0x1] =	stream.indirect_vreg.gather [hbm4b:s10+s29], $0x80, v0, vm0, $0xb8;
	[tilespmem:$0x18500] =	vst v63  }
0x145: {  	s14 =	simm.s32 $0x3800  }
0x146: {  	[tilespmem:s14], [sflag:$0x1] =	stream.indirect_vreg.gather [hbm4b:s11+s29], $0x80, v0, vm0, $0xb8;
	[tilespmem:$0x18500] =	vst v63  }
0x147: {  	v0 =	vld [tilespmem:$0x18300];
	_ =	sdelay $0x4  }
0x148: {  	v63 =	vshll.u32 v0, $0x3  }
0x149: {  	v0 =	vand.u32 $0x7, v0;
	v1 =	vand.u32 $0xFFFFFFC0, v63  }
0x14a: {  	v0 =	vor.u32 v0, v1  }
0x14b: {  	v1 =	vperm.xlane v0, v2;
	_ =	sdelay $0x1  }
0x14c: {  	v1 =	vadd.s32 v3, v1;
	_ =	sdelay $0x3  }
0x14d: {  	s15 =	simm.s32 $0x8000  }
0x14e: {  	[tilespmem:s15], [sflag:$0x3] =	stream.indirect_vreg.gather [hbm4b:s3+s29], $0x80, v1, vm0, $0xb8;
	[tilespmem:$0x18500] =	vst v63  }
0x14f: {  	s31 =	simm.s32 $0x8800;
	v0 =	vperm.xlane v0, v4  }
0x150: {  	[tilespmem:s31], [sflag:$0x3] =	stream.indirect_vreg.gather [hbm4b:s8+s29], $0x80, v1, vm0, $0xb8;
	[tilespmem:$0x18500] =	vst v63  }
0x151: {  	s14 =	simm.s32 $0x9000;
	v0 =	vadd.s32 v3, v0  }
0x152: {  	[tilespmem:s14], [sflag:$0x3] =	stream.indirect_vreg.gather [hbm4b:s10+s29], $0x80, v1, vm0, $0xb8;
	[tilespmem:$0x18500] =	vst v63  }
0x153: {  	s15 =	simm.s32 $0x9800  }
0x154: {  	[tilespmem:s15], [sflag:$0x3] =	stream.indirect_vreg.gather [hbm4b:s11+s29], $0x80, v1, vm0, $0xb8;
	[tilespmem:$0x18500] =	vst v63  }
0x155: {  	s31 =	simm.s32 $0xA000  }
0x156: {  	[tilespmem:s31], [sflag:$0x3] =	stream.indirect_vreg.gather [hbm4b:s3+s29], $0x80, v0, vm0, $0xb8;
	[tilespmem:$0x18500] =	vst v63  }
0x157: {  	s14 =	simm.s32 $0xA800  }
0x158: {  	[tilespmem:s14], [sflag:$0x3] =	stream.indirect_vreg.gather [hbm4b:s8+s29], $0x80, v0, vm0, $0xb8;
	[tilespmem:$0x18500] =	vst v63  }
0x159: {  	s15 =	simm.s32 $0xB000  }
0x15a: {  	[tilespmem:s15], [sflag:$0x3] =	stream.indirect_vreg.gather [hbm4b:s10+s29], $0x80, v0, vm0, $0xb8;
	[tilespmem:$0x18500] =	vst v63  }
0x15b: {  	s31 =	simm.s32 $0xB800  }
0x15c: {  	[tilespmem:s31], [sflag:$0x3] =	stream.indirect_vreg.gather [hbm4b:s11+s29], $0x80, v0, vm0, $0xb8;
	[tilespmem:$0x18500] =	vst v63  }
0x15d: {  	_ =	swait.ge [sflag:s23], $0x4000  }
0x15e: {  	[sflag:s23] =	ssyncset.done $0x0  }
0x15f: {  	[sflag:s23] =	ssyncadd.s32 $0xFFFFC000  }
0x160: {  	_ =	swait.ge [sflag:s24], $0x4000  }
0x161: {  	s30 =	simm.s32 $0x0;
	[sflag:s24] =	ssyncset.done $0x0  }
0x162: {  	s13 =	simm.s32 $0x10;
	s14 =	simm.s32 $0x0;
	[sflag:s24] =	ssyncadd.s32 $0xFFFFC000  }
.LBB2_4:
0x163: {  	s15 =	sand.u32 $0x2000, s30;
	s31 =	sand.u32 $0x380, s14  }
0x164: {  	s31 =	sor.u32 s31, s15  }
0x165: {  	v1 =	vld [tilespmem:s31+$0xC000]  }
0x166: {  	v2 =	vld [tilespmem:s31+$0x4010]  }
0x167: {  	v6 =	vld [tilespmem:s31+$0xC010]  }
0x168: {  	v10 =	vld [tilespmem:s31+$0x4020]  }
0x169: {  	v11 =	vld [tilespmem:s31+$0xC020]  }
0x16a: {  	v14 =	vld [tilespmem:s31+$0x4030]  }
0x16b: {  	v17 =	vld [tilespmem:s31+$0xC030]  }
0x16c: {  	v20 =	vld [tilespmem:s31+$0x4040]  }
0x16d: {  	v21 =	vld [tilespmem:s31+$0xC040]  }
0x16e: {  	v26 =	vld [tilespmem:s31+$0x4050]  }
0x16f: {  	v27 =	vld [tilespmem:s31+$0xC050]  }
0x170: {  	v28 =	vld [tilespmem:s31+$0x4060]  }
0x171: {  	v29 =	vld [tilespmem:s31+$0xC060]  }
0x172: {  	v30 =	vld [tilespmem:s31+$0x4070]  }
0x173: {  	v31 =	vld [tilespmem:s31+$0xC070]  }
0x174: {  	v32 =	vld [tilespmem:s31+$0x4400]  }
0x175: {  	v33 =	vld [tilespmem:s31+$0xC400]  }
0x176: {  	v34 =	vld [tilespmem:s31+$0x4410]  }
0x177: {  	v35 =	vld [tilespmem:s31+$0xC410]  }
0x178: {  	v36 =	vld [tilespmem:s31+$0x4420]  }
0x179: {  	v37 =	vld [tilespmem:s31+$0xC420]  }
0x17a: {  	v38 =	vld [tilespmem:s31+$0x4430]  }
0x17b: {  	v39 =	vld [tilespmem:s31+$0xC430]  }
0x17c: {  	v40 =	vld [tilespmem:s31+$0x4440]  }
0x17d: {  	v41 =	vld [tilespmem:s31+$0xC440]  }
0x17e: {  	v42 =	vld [tilespmem:s31+$0x4450]  }
0x17f: {  	v43 =	vld [tilespmem:s31+$0xC450]  }
0x180: {  	v44 =	vld [tilespmem:s31+$0x4460]  }
0x181: {  	v45 =	vld [tilespmem:s31+$0xC460]  }
0x182: {  	v46 =	vld [tilespmem:s31+$0x4470]  }
0x183: {  	v47 =	vld [tilespmem:s31+$0xC470]  }
0x184: {  	v48 =	vld [tilespmem:s31+$0x4800]  }
0x185: {  	v49 =	vld [tilespmem:s31+$0xC800]  }
0x186: {  	v50 =	vld [tilespmem:s31+$0x4810]  }
0x187: {  	v51 =	vld [tilespmem:s31+$0xC810]  }
0x188: {  	v52 =	vld [tilespmem:s31+$0x4820]  }
0x189: {  	v53 =	vld [tilespmem:s31+$0xC820]  }
0x18a: {  	v54 =	vld [tilespmem:s31+$0x4830]  }
0x18b: {  	v55 =	vld [tilespmem:s31+$0xC830]  }
0x18c: {  	v56 =	vld [tilespmem:s31+$0x4840]  }
0x18d: {  	v57 =	vld [tilespmem:s31+$0xC840]  }
0x18e: {  	v58 =	vld [tilespmem:s31+$0x4850]  }
0x18f: {  	v59 =	vld [tilespmem:s31+$0xC850]  }
0x190: {  	v60 =	vld [tilespmem:s31+$0x4860]  }
0x191: {  	v61 =	vld [tilespmem:s31+$0xC860]  }
0x192: {  	v62 =	vld [tilespmem:s31+$0x4870]  }
0x193: {  	v63 =	vld [tilespmem:s31+$0xC870]  }
0x194: {  	v24 =	vld [tilespmem:s31+$0x4C00]  }
0x195: {  	v25 =	vld [tilespmem:s31+$0xCC00]  }
0x196: {  	v22 =	vld [tilespmem:s31+$0x4C10]  }
0x197: {  	v0 =	vmov s13;
	v23 =	vld [tilespmem:s31+$0xCC10]  }
0x198: {  	v18 =	vld [tilespmem:s31+$0x4C20]  }
0x199: {  	v19 =	vld [tilespmem:s31+$0xCC20]  }
0x19a: {  	v15 =	vld [tilespmem:s31+$0x4C30]  }
0x19b: {  	v16 =	vld [tilespmem:s31+$0xCC30]  }
0x19c: {  	v3 =	vld.idx.msk [tilespmem:v0+s19+$0x0], $0xffff  }
0x19d: {  	v4 =	vld.idx.msk [tilespmem:v0+s20+$0x0], $0xffff  }
0x19e: {  	v0 =	vld [tilespmem:s31+$0x4000]  }
0x19f: {  	v5 =	vld [tilespmem:s31+$0x4C60]  }
0x1a0: {  	v12 =	vld [tilespmem:s31+$0x4C40]  }
0x1a1: {  	v13 =	vld [tilespmem:s31+$0xCC40]  }
0x1a2: {  	v8 =	vld [tilespmem:s31+$0x4C50]  }
0x1a3: {  	v9 =	vld [tilespmem:s31+$0xCC50];
	v0 =	vmul.f32 v0, v3;
	v1 =	vmul.f32 v1, v4  }
0x1a4: {  	v7 =	vld [tilespmem:s31+$0xCC60];
	[tilespmem:$0x1FFA0] =	vst v5;
	v5 =	vmul.f32 v2, v3;
	v2 =	vmul.f32 v6, v4  }
0x1a5: {  	v6 =	vld [tilespmem:s31+$0x4C70];
	v17 =	vmul.f32 v17, v4;
	v0 =	vadd.f32 v1, v0  }
0x1a6: {  	v1 =	vmul.f32 v10, v3;
	v10 =	vld [tilespmem:s31+$0xCC70];
	v5 =	vadd.f32 v2, v5;
	v2 =	vmul.f32 v14, v3  }
0x1a7: {  	v11 =	vmul.f32 v11, v4;
	v14 =	vld [tilespmem:s31+$0xD000]  }
0x1a8: {  	v26 =	vmul.f32 v26, v3;
	v2 =	vadd.f32 v17, v2;
	v17 =	vld [tilespmem:s31+$0x5010]  }
0x1a9: {  	[tilespmem:s31+$0x14000] =	vst v0;
	v0 =	vadd.f32 v11, v1;
	v1 =	vmul.f32 v20, v3;
	v11 =	vmul.f32 v21, v4;
	v20 =	vld [tilespmem:s31+$0xD010]  }
0x1aa: {  	v27 =	vmul.f32 v27, v4;
	v30 =	vmul.f32 v30, v3;
	v21 =	vld [tilespmem:s31+$0x5020];
	[tilespmem:$0x1FFB0] =	vst v6  }
0x1ab: {  	v31 =	vmul.f32 v31, v4;
	v33 =	vmul.f32 v33, v4;
	v6 =	vld [tilespmem:s31+$0x5000];
	[tilespmem:s31+$0x14020] =	vst v0;
	v0 =	vadd.f32 v11, v1  }
0x1ac: {  	v1 =	vmul.f32 v28, v3;
	v11 =	vmul.f32 v29, v4;
	[tilespmem:s31+$0x14030] =	vst v2;
	v2 =	vadd.f32 v27, v26;
	v26 =	vld [tilespmem:s31+$0xD020]  }
0x1ad: {  	[tilespmem:s31+$0x14010] =	vst v5;
	v5 =	vmul.f32 v34, v3;
	v34 =	vmul.f32 v37, v4;
	v28 =	vld [tilespmem:s31+$0x5030]  }
0x1ae: {  	v37 =	vmul.f32 v39, v4;
	v29 =	vld [tilespmem:s31+$0xD030];
	[tilespmem:s31+$0x14040] =	vst v0;
	v0 =	vadd.f32 v11, v1;
	v1 =	vmul.f32 v32, v3  }
0x1af: {  	v27 =	vmul.f32 v16, v4;
	v16 =	vld [tilespmem:s31+$0x5440];
	[tilespmem:s31+$0x14050] =	vst v2;
	v2 =	vadd.f32 v31, v30;
	v32 =	vmul.f32 v35, v4  }
0x1b0: {  	v30 =	vld [tilespmem:s31+$0x5040];
	[tilespmem:s31+$0x14060] =	vst v0;
	v0 =	vadd.f32 v33, v1;
	v33 =	vmul.f32 v36, v3;
	v36 =	vmul.f32 v38, v3  }
0x1b1: {  	v39 =	vmul.f32 v40, v3;
	v40 =	vmul.f32 v41, v4;
	v31 =	vld [tilespmem:s31+$0xD040];
	[tilespmem:s31+$0x14070] =	vst v2;
	v35 =	vadd.f32 v32, v5  }
0x1b2: {  	v42 =	vmul.f32 v42, v3;
	v11 =	vld [tilespmem:s31+$0xD450];
	[tilespmem:s31+$0x14400] =	vst v0;
	v38 =	vadd.f32 v34, v33;
	v41 =	vadd.f32 v37, v36  }
0x1b3: {  	v32 =	vld [tilespmem:s31+$0x5050];
	[tilespmem:s31+$0x14410] =	vst v35;
	v36 =	vmul.f32 v43, v4;
	v37 =	vadd.f32 v40, v39;
	v39 =	vmul.f32 v45, v4  }
0x1b4: {  	v33 =	vld [tilespmem:s31+$0xD050];
	v45 =	vmul.f32 v49, v4;
	[tilespmem:s31+$0x14420] =	vst v38;
	v38 =	vmul.f32 v44, v3  }
0x1b5: {  	v34 =	vld [tilespmem:s31+$0x5060];
	[tilespmem:s31+$0x14430] =	vst v41;
	v40 =	vadd.f32 v36, v42;
	v41 =	vmul.f32 v46, v3;
	v42 =	vmul.f32 v47, v4  }
0x1b6: {  	v35 =	vld [tilespmem:s31+$0xD060];
	[tilespmem:s31+$0x14440] =	vst v37;
	v44 =	vmul.f32 v48, v3;
	v47 =	vmul.f32 v50, v3;
	v43 =	vadd.f32 v39, v38  }
0x1b7: {  	v48 =	vmul.f32 v51, v4;
	v36 =	vld [tilespmem:s31+$0x5070];
	v50 =	vmul.f32 v52, v3;
	[tilespmem:s31+$0x14450] =	vst v40;
	v46 =	vadd.f32 v42, v41  }
0x1b8: {  	v51 =	vmul.f32 v53, v4;
	v37 =	vld [tilespmem:s31+$0xD070];
	v53 =	vmul.f32 v54, v3;
	v49 =	vadd.f32 v45, v44;
	[tilespmem:s31+$0x14460] =	vst v43  }
0x1b9: {  	v54 =	vmul.f32 v55, v4;
	v52 =	vadd.f32 v48, v47;
	v38 =	vld [tilespmem:s31+$0x5400];
	v44 =	vmul.f32 v56, v3;
	[tilespmem:s31+$0x14470] =	vst v46  }
0x1ba: {  	v55 =	vadd.f32 v51, v50;
	v45 =	vmul.f32 v57, v4;
	v39 =	vld [tilespmem:s31+$0xD400];
	v47 =	vmul.f32 v58, v3;
	[tilespmem:s31+$0x14800] =	vst v49  }
0x1bb: {  	v48 =	vmul.f32 v59, v4;
	v40 =	vld [tilespmem:s31+$0x5410];
	v50 =	vmul.f32 v60, v3;
	[tilespmem:s31+$0x14810] =	vst v52;
	v46 =	vadd.f32 v54, v53  }
0x1bc: {  	v51 =	vmul.f32 v61, v4;
	v41 =	vld [tilespmem:s31+$0xD410];
	v56 =	vmul.f32 v24, v3;
	[tilespmem:s31+$0x14820] =	vst v55;
	v49 =	vadd.f32 v45, v44  }
0x1bd: {  	v42 =	vld [tilespmem:s31+$0x5420];
	v57 =	vmul.f32 v25, v4;
	v59 =	vmul.f32 v22, v3;
	v52 =	vadd.f32 v48, v47;
	[tilespmem:s31+$0x14830] =	vst v46  }
0x1be: {  	v24 =	vld [tilespmem:s31+$0xD420];
	v60 =	vmul.f32 v23, v4;
	v25 =	vmul.f32 v15, v3;
	v55 =	vadd.f32 v51, v50;
	[tilespmem:s31+$0x14840] =	vst v49  }
0x1bf: {  	v23 =	vld [tilespmem:s31+$0x5430];
	v53 =	vmul.f32 v62, v3;
	v54 =	vmul.f32 v63, v4;
	v61 =	vadd.f32 v57, v56;
	[tilespmem:s31+$0x14850] =	vst v52  }
0x1c0: {  	v15 =	vld [tilespmem:s31+$0x5800];
	v62 =	vmul.f32 v18, v3;
	v63 =	vmul.f32 v19, v4;
	v22 =	vadd.f32 v60, v59;
	[tilespmem:s31+$0x14860] =	vst v55  }
0x1c1: {  	v18 =	vld [tilespmem:s31+$0xD430];
	v44 =	vmul.f32 v12, v3;
	v45 =	vmul.f32 v13, v4;
	v58 =	vadd.f32 v54, v53;
	[tilespmem:s31+$0x14C00] =	vst v61  }
0x1c2: {  	v12 =	vld [tilespmem:s31+$0xD440];
	v47 =	vmul.f32 v8, v3;
	v48 =	vmul.f32 v9, v4;
	v43 =	vadd.f32 v63, v62;
	[tilespmem:s31+$0x14C10] =	vst v22  }
0x1c3: {  	v9 =	vld [tilespmem:s31+$0x5450];
	v56 =	vmul.f32 v14, v4;
	v59 =	vmul.f32 v20, v4;
	v46 =	vadd.f32 v27, v25;
	[tilespmem:s31+$0x14870] =	vst v58  }
0x1c4: {  	v50 =	vld [tilespmem:$0x1FFA0];
	v20 =	vmul.f32 v28, v3;
	v49 =	vadd.f32 v45, v44;
	v55 =	vmul.f32 v6, v3;
	[tilespmem:s31+$0x14C20] =	vst v43  }
0x1c5: {  	v13 =	vld [tilespmem:s31+$0x5470];
	v51 =	vadd.f32 v48, v47;
	v61 =	vmul.f32 v21, v3;
	v62 =	vmul.f32 v26, v4;
	[tilespmem:s31+$0x14C30] =	vst v46  }
0x1c6: {  	v14 =	vld [tilespmem:s31+$0xD470];
	v28 =	vmul.f32 v32, v3;
	v21 =	vmul.f32 v29, v4;
	[tilespmem:s31+$0x14C40] =	vst v49;
	v60 =	vadd.f32 v56, v55  }
0x1c7: {  	v19 =	vld [tilespmem:s31+$0x5810];
	v25 =	vmul.f32 v30, v3;
	v26 =	vmul.f32 v31, v4;
	[tilespmem:s31+$0x14C50] =	vst v51;
	v22 =	vadd.f32 v62, v61  }
0x1c8: {  	v32 =	vmul.f32 v35, v4;
	v52 =	vld [tilespmem:$0x1FFB0];
	v29 =	vmul.f32 v33, v4;
	v27 =	vadd.f32 v21, v20;
	[tilespmem:s31+$0x15000] =	vst v60  }
0x1c9: {  	v53 =	vmul.f32 v10, v4;
	v10 =	vld [tilespmem:s31+$0x5460];
	v31 =	vmul.f32 v34, v3;
	v30 =	vadd.f32 v26, v25;
	[tilespmem:s31+$0x15020] =	vst v22  }
0x1ca: {  	v35 =	vmul.f32 v37, v4;
	v34 =	vmul.f32 v36, v3;
	v44 =	vld [tilespmem:s31+$0x5830];
	v33 =	vadd.f32 v29, v28;
	[tilespmem:s31+$0x15030] =	vst v27  }
0x1cb: {  	v48 =	vld [tilespmem:s31+$0xD830];
	v37 =	vmul.f32 v38, v3;
	v38 =	vmul.f32 v39, v4;
	v36 =	vadd.f32 v32, v31;
	[tilespmem:s31+$0x15040] =	vst v30  }
0x1cc: {  	v58 =	vmul.f32 v17, v3;
	v17 =	vld [tilespmem:s31+$0xD800];
	v39 =	vadd.f32 v35, v34;
	[tilespmem:s31+$0x15050] =	vst v33  }
0x1cd: {  	v40 =	vmul.f32 v40, v3;
	v20 =	vld [tilespmem:s31+$0xD810];
	v43 =	vmul.f32 v41, v4;
	v45 =	vadd.f32 v38, v37;
	[tilespmem:s31+$0x15060] =	vst v36  }
0x1ce: {  	v7 =	vmul.f32 v7, v4;
	v21 =	vld [tilespmem:s31+$0x5820];
	v1 =	vmul.f32 v50, v3;
	v63 =	vadd.f32 v59, v58;
	[tilespmem:s31+$0x15070] =	vst v39  }
0x1cf: {  	v56 =	vld [tilespmem:s31+$0xD840];
	v49 =	vadd.f32 v43, v40;
	v58 =	vmul.f32 v9, v3;
	v59 =	vmul.f32 v11, v4;
	[tilespmem:s31+$0x15400] =	vst v45  }
0x1d0: {  	v28 =	vld [tilespmem:s31+$0x5860];
	v26 =	vmul.f32 v13, v3;
	v27 =	vmul.f32 v14, v4;
	v54 =	vadd.f32 v7, v1;
	[tilespmem:s31+$0x15010] =	vst v63  }
0x1d1: {  	v32 =	vld [tilespmem:s31+$0xD860];
	v50 =	vmul.f32 v23, v3;
	v5 =	vmul.f32 v52, v3;
	[tilespmem:s31+$0x15410] =	vst v49;
	v23 =	vadd.f32 v59, v58  }
0x1d2: {  	v47 =	vmul.f32 v24, v4;
	v46 =	vmul.f32 v42, v3;
	v22 =	vld [tilespmem:s31+$0xD820];
	v33 =	vadd.f32 v27, v26;
	[tilespmem:s31+$0x14C60] =	vst v54  }
0x1d3: {  	v60 =	vld [tilespmem:s31+$0x5850];
	v42 =	vmul.f32 v44, v3;
	v43 =	vmul.f32 v48, v4;
	v57 =	vadd.f32 v53, v5;
	[tilespmem:s31+$0x15450] =	vst v23  }
0x1d4: {  	v51 =	vmul.f32 v18, v4;
	v36 =	vld [tilespmem:s31+$0x5870];
	v53 =	vadd.f32 v47, v46;
	[tilespmem:s31+$0x15470] =	vst v33  }
0x1d5: {  	v55 =	vmul.f32 v12, v4;
	v40 =	vld [tilespmem:s31+$0xD870];
	v54 =	vmul.f32 v16, v3;
	v47 =	vadd.f32 v43, v42;
	[tilespmem:s31+$0x14C70] =	vst v57  }
0x1d6: {  	v30 =	vmul.f32 v15, v3;
	v7 =	vld [tilespmem:s31+$0xD460];
	v31 =	vmul.f32 v17, v4;
	v57 =	vadd.f32 v51, v50;
	[tilespmem:s31+$0x15420] =	vst v53  }
0x1d7: {  	v34 =	vmul.f32 v19, v3;
	v52 =	vld [tilespmem:s31+$0x5840];
	v35 =	vmul.f32 v20, v4;
	v61 =	vadd.f32 v55, v54;
	[tilespmem:s31+$0x15830] =	vst v47  }
0x1d8: {  	v16 =	vld [tilespmem:s31+$0xD850];
	v38 =	vmul.f32 v21, v3;
	v37 =	vadd.f32 v31, v30;
	v39 =	vmul.f32 v22, v4;
	[tilespmem:s31+$0x15430] =	vst v57  }
0x1d9: {  	v41 =	vadd.f32 v35, v34;
	v50 =	vmul.f32 v28, v3;
	v51 =	vmul.f32 v32, v4;
	[tilespmem:s31+$0x15440] =	vst v61  }
0x1da: {  	v53 =	vmul.f32 v36, v3;
	v54 =	vmul.f32 v40, v4;
	[tilespmem:s31+$0x15800] =	vst v37;
	v44 =	vadd.f32 v39, v38  }
0x1db: {  	v62 =	vmul.f32 v10, v3;
	v63 =	vmul.f32 v7, v4;
	[tilespmem:s31+$0x15810] =	vst v41;
	v55 =	vadd.f32 v51, v50  }
0x1dc: {  	v46 =	vmul.f32 v56, v4;
	v45 =	vmul.f32 v52, v3;
	v56 =	vadd.f32 v54, v53;
	[tilespmem:s31+$0x15820] =	vst v44  }
0x1dd: {  	v48 =	vmul.f32 v60, v3;
	v29 =	vadd.f32 v63, v62;
	v7 =	vmul.f32 v16, v4;
	[tilespmem:s31+$0x15860] =	vst v55  }
0x1de: {  	s15 =	sand.u32 $0x7, s29;
	v49 =	vadd.f32 v46, v45;
	[tilespmem:s31+$0x15870] =	vst v56  }
0x1df: {  	s15 =	sshll.u32 s15, $0x7;
	[tilespmem:s31+$0x15460] =	vst v29;
	v52 =	vadd.f32 v7, v48  }
0x1e0: {  	s15 =	sadd.s32 s15, s30;
	[tilespmem:s31+$0x15840] =	vst v49  }
0x1e1: {  	[tilespmem:s31+$0x15850] =	vst v52;
	s31 =	sor.u32 $0x1C00, s15  }
0x1e2: {  	v0 =	vld [tilespmem:s31+$0x4000]  }
0x1e3: {  	v1 =	vld [tilespmem:s31+$0xC000];
	_ =	sdelay $0x4  }
0x1e4: {  	v0 =	vmul.f32 v0, v3;
	v1 =	vmul.f32 v1, v4;
	_ =	sdelay $0x1  }
0x1e5: {  	v0 =	vadd.f32 v1, v0;
	_ =	sdelay $0x1  }
0x1e6: {  	[tilespmem:s31+$0x14000] =	vst v0;
	s31 =	sor.u32 $0x1C10, s15  }
0x1e7: {  	v0 =	vld [tilespmem:s31+$0x4000]  }
0x1e8: {  	v57 =	vld [tilespmem:s31+$0xC000];
	_ =	sdelay $0x4  }
0x1e9: {  	v0 =	vmul.f32 v0, v3;
	v1 =	vmul.f32 v57, v4;
	_ =	sdelay $0x1  }
0x1ea: {  	v0 =	vadd.f32 v1, v0;
	_ =	sdelay $0x1  }
0x1eb: {  	[tilespmem:s31+$0x14000] =	vst v0;
	s31 =	sor.u32 $0x1C20, s15  }
0x1ec: {  	v0 =	vld [tilespmem:s31+$0x4000]  }
0x1ed: {  	v58 =	vld [tilespmem:s31+$0xC000];
	_ =	sdelay $0x4  }
0x1ee: {  	v0 =	vmul.f32 v0, v3;
	v1 =	vmul.f32 v58, v4;
	_ =	sdelay $0x1  }
0x1ef: {  	v0 =	vadd.f32 v1, v0;
	_ =	sdelay $0x1  }
0x1f0: {  	[tilespmem:s31+$0x14000] =	vst v0;
	s31 =	sor.u32 $0x1C30, s15  }
0x1f1: {  	v0 =	vld [tilespmem:s31+$0x4000]  }
0x1f2: {  	v59 =	vld [tilespmem:s31+$0xC000];
	_ =	sdelay $0x4  }
0x1f3: {  	v0 =	vmul.f32 v0, v3;
	v1 =	vmul.f32 v59, v4;
	_ =	sdelay $0x1  }
0x1f4: {  	v0 =	vadd.f32 v1, v0;
	_ =	sdelay $0x1  }
0x1f5: {  	[tilespmem:s31+$0x14000] =	vst v0;
	s31 =	sor.u32 $0x1C40, s15  }
0x1f6: {  	v0 =	vld [tilespmem:s31+$0x4000]  }
0x1f7: {  	v60 =	vld [tilespmem:s31+$0xC000];
	_ =	sdelay $0x4  }
0x1f8: {  	v0 =	vmul.f32 v0, v3;
	v1 =	vmul.f32 v60, v4;
	_ =	sdelay $0x1  }
0x1f9: {  	v0 =	vadd.f32 v1, v0;
	_ =	sdelay $0x1  }
0x1fa: {  	[tilespmem:s31+$0x14000] =	vst v0;
	s31 =	sor.u32 $0x1C50, s15  }
0x1fb: {  	v0 =	vld [tilespmem:s31+$0x4000]  }
0x1fc: {  	v61 =	vld [tilespmem:s31+$0xC000];
	_ =	sdelay $0x4  }
0x1fd: {  	v0 =	vmul.f32 v0, v3;
	v1 =	vmul.f32 v61, v4;
	_ =	sdelay $0x1  }
0x1fe: {  	v0 =	vadd.f32 v1, v0;
	_ =	sdelay $0x1  }
0x1ff: {  	[tilespmem:s31+$0x14000] =	vst v0;
	s31 =	sor.u32 $0x1C60, s15  }
0x200: {  	v0 =	vld [tilespmem:s31+$0x4000]  }
0x201: {  	v62 =	vld [tilespmem:s31+$0xC000];
	_ =	sdelay $0x4  }
0x202: {  	v0 =	vmul.f32 v0, v3;
	v1 =	vmul.f32 v62, v4;
	_ =	sdelay $0x1  }
0x203: {  	v0 =	vadd.f32 v1, v0;
	_ =	sdelay $0x1  }
0x204: {  	s15 =	sor.u32 $0x1C70, s15;
	[tilespmem:s31+$0x14000] =	vst v0  }
0x205: {  	v0 =	vld [tilespmem:s15+$0x4000]  }
0x206: {  	v63 =	vld [tilespmem:s15+$0xC000];
	_ =	sdelay $0x3  }
0x207: {  	p0 =	sne.s32 s13, $0x1F  }
.Ltmp1:
0x208: {  	v0 =	vmul.f32 v0, v3;
	v1 =	vmul.f32 v63, v4;
	(pc) =	sbr.rel @p0 .LBB2_4-.Ltmp1, $4  }
0x209: {  	_ = 	snop  }
0x20a: {  	v0 =	vadd.f32 v1, v0  }
0x20b: {  	s14 =	sadd.s32 $0x80, s14  }
0x20c: {  	s13 =	sadd.s32 $0x1, s13;
	s29 =	sadd.s32 $0x1, s29;
	s30 =	sadd.s32 $0x400, s30;
	[tilespmem:s15+$0x14000] =	vst v0  }
0x20d: {  	s29 =	simm.s32 $0x0;
	s13 =	rddreg [dreg:$0x7]  }
0x20e: {  	[hbm4b:s13+s29] =	stream.linear.scatter [tilespmem:s25], [sflag:$0x6], $0x4000, $0x38;
	[tilespmem:$0x18500] =	vst v63  }
0x20f: {  	v0 =	vld [tilespmem:$0x18180];
	_ =	sdelay $0x2  }
0x210: {  	v2 =	vld [tilespmem:$0x1FFD0];
	_ =	sdelay $0x1  }
0x211: {  	v3 =	vld [tilespmem:$0x1FFE0];
	v1 =	vshll.u32 v0, $0x3  }
0x212: {  	v0 =	vand.u32 $0x7, v0;
	v1 =	vand.u32 $0xFFFFFFC0, v1  }
0x213: {  	v0 =	vor.u32 v0, v1  }
0x214: {  	v1 =	vperm.xlane v0, v2;
	_ =	sdelay $0x1  }
0x215: {  	v1 =	vadd.s32 v3, v1  }
0x216: {  	v4 =	vld [tilespmem:$0x1FFF0];
	_ =	sdelay $0x2  }
0x217: {  	s14 =	simm.s32 $0x4000  }
0x218: {  	[tilespmem:s14], [sflag:$0x2] =	stream.indirect_vreg.gather [hbm4b:s3+s29], $0x80, v1, vm0, $0xb8;
	[tilespmem:$0x18500] =	vst v63  }
0x219: {  	s15 =	simm.s32 $0x4800;
	v0 =	vperm.xlane v0, v4  }
0x21a: {  	[tilespmem:s15], [sflag:$0x2] =	stream.indirect_vreg.gather [hbm4b:s8+s29], $0x80, v1, vm0, $0xb8;
	[tilespmem:$0x18500] =	vst v63  }
0x21b: {  	s31 =	simm.s32 $0x5000;
	v0 =	vadd.s32 v3, v0  }
0x21c: {  	[tilespmem:s31], [sflag:$0x2] =	stream.indirect_vreg.gather [hbm4b:s10+s29], $0x80, v1, vm0, $0xb8;
	[tilespmem:$0x18500] =	vst v63  }
0x21d: {  	s14 =	simm.s32 $0x5800  }
0x21e: {  	[tilespmem:s14], [sflag:$0x2] =	stream.indirect_vreg.gather [hbm4b:s11+s29], $0x80, v1, vm0, $0xb8;
	[tilespmem:$0x18500] =	vst v63  }
0x21f: {  	s15 =	simm.s32 $0x6000  }
0x220: {  	[tilespmem:s15], [sflag:$0x2] =	stream.indirect_vreg.gather [hbm4b:s3+s29], $0x80, v0, vm0, $0xb8;
	[tilespmem:$0x18500] =	vst v63  }
0x221: {  	s31 =	simm.s32 $0x6800  }
0x222: {  	[tilespmem:s31], [sflag:$0x2] =	stream.indirect_vreg.gather [hbm4b:s8+s29], $0x80, v0, vm0, $0xb8;
	[tilespmem:$0x18500] =	vst v63  }
0x223: {  	s14 =	simm.s32 $0x7000  }
0x224: {  	[tilespmem:s14], [sflag:$0x2] =	stream.indirect_vreg.gather [hbm4b:s10+s29], $0x80, v0, vm0, $0xb8;
	[tilespmem:$0x18500] =	vst v63  }
0x225: {  	s15 =	simm.s32 $0x7800  }
0x226: {  	[tilespmem:s15], [sflag:$0x2] =	stream.indirect_vreg.gather [hbm4b:s11+s29], $0x80, v0, vm0, $0xb8;
	[tilespmem:$0x18500] =	vst v63  }
0x227: {  	v0 =	vld [tilespmem:$0x18380];
	_ =	sdelay $0x4  }
0x228: {  	v63 =	vshll.u32 v0, $0x3  }
0x229: {  	v0 =	vand.u32 $0x7, v0;
	v1 =	vand.u32 $0xFFFFFFC0, v63  }
0x22a: {  	v0 =	vor.u32 v0, v1  }
0x22b: {  	v1 =	vperm.xlane v0, v2;
	_ =	sdelay $0x1  }
0x22c: {  	v1 =	vadd.s32 v3, v1;
	_ =	sdelay $0x3  }
0x22d: {  	s31 =	simm.s32 $0xC000  }
0x22e: {  	[tilespmem:s31], [sflag:$0x4] =	stream.indirect_vreg.gather [hbm4b:s3+s29], $0x80, v1, vm0, $0xb8;
	[tilespmem:$0x18500] =	vst v63  }
0x22f: {  	v0 =	vperm.xlane v0, v4  }
0x230: {  	[tilespmem:s0], [sflag:$0x4] =	stream.indirect_vreg.gather [hbm4b:s8+s29], $0x80, v1, vm0, $0xb8;
	[tilespmem:$0x18500] =	vst v63  }
0x231: {  	v0 =	vadd.s32 v3, v0  }
0x232: {  	[tilespmem:s1], [sflag:$0x4] =	stream.indirect_vreg.gather [hbm4b:s10+s29], $0x80, v1, vm0, $0xb8;
	[tilespmem:$0x18500] =	vst v63  }
0x233: {  	_ = 	snop  }
0x234: {  	[tilespmem:s4], [sflag:$0x4] =	stream.indirect_vreg.gather [hbm4b:s11+s29], $0x80, v1, vm0, $0xb8;
	[tilespmem:$0x18500] =	vst v63  }
0x235: {  	_ = 	snop  }
0x236: {  	[tilespmem:s16], [sflag:$0x4] =	stream.indirect_vreg.gather [hbm4b:s3+s29], $0x80, v0, vm0, $0xb8;
	[tilespmem:$0x18500] =	vst v63  }
0x237: {  	_ = 	snop  }
0x238: {  	[tilespmem:s5], [sflag:$0x4] =	stream.indirect_vreg.gather [hbm4b:s8+s29], $0x80, v0, vm0, $0xb8;
	[tilespmem:$0x18500] =	vst v63  }
0x239: {  	_ = 	snop  }
0x23a: {  	[tilespmem:s18], [sflag:$0x4] =	stream.indirect_vreg.gather [hbm4b:s10+s29], $0x80, v0, vm0, $0xb8;
	[tilespmem:$0x18500] =	vst v63  }
0x23b: {  	_ = 	snop  }
0x23c: {  	[tilespmem:s6], [sflag:$0x4] =	stream.indirect_vreg.gather [hbm4b:s11+s29], $0x80, v0, vm0, $0xb8;
	[tilespmem:$0x18500] =	vst v63  }
0x23d: {  	_ =	swait.ge [sflag:s21], $0x4000  }
0x23e: {  	[sflag:s21] =	ssyncset.done $0x0  }
0x23f: {  	[sflag:s21] =	ssyncadd.s32 $0xFFFFC000  }
0x240: {  	_ =	swait.ge [sflag:s22], $0x4000  }
0x241: {  	[sflag:s22] =	ssyncset.done $0x0  }
0x242: {  	[sflag:s22] =	ssyncadd.s32 $0xFFFFC000  }
0x243: {  	_ =	swait.ge [sflag:s26], $0x4000  }
0x244: {  	s30 =	simm.s32 $0x0;
	[sflag:s26] =	ssyncset.done $0x0  }
0x245: {  	s13 =	simm.s32 $0x20;
	s14 =	simm.s32 $0x0;
	[sflag:s26] =	ssyncadd.s32 $0xFFFFC000  }
.LBB2_6:
0x246: {  	s15 =	sand.u32 $0x2000, s30;
	s31 =	sand.u32 $0x380, s14  }
0x247: {  	s31 =	sor.u32 s31, s15  }
0x248: {  	v1 =	vld [tilespmem:s31+$0x8000]  }
0x249: {  	v2 =	vld [tilespmem:s31+$0x10]  }
0x24a: {  	v6 =	vld [tilespmem:s31+$0x8010]  }
0x24b: {  	v10 =	vld [tilespmem:s31+$0x20]  }
0x24c: {  	v11 =	vld [tilespmem:s31+$0x8020]  }
0x24d: {  	v14 =	vld [tilespmem:s31+$0x30]  }
0x24e: {  	v17 =	vld [tilespmem:s31+$0x8030]  }
0x24f: {  	v20 =	vld [tilespmem:s31+$0x40]  }
0x250: {  	v21 =	vld [tilespmem:s31+$0x8040]  }
0x251: {  	v26 =	vld [tilespmem:s31+$0x50]  }
0x252: {  	v27 =	vld [tilespmem:s31+$0x8050]  }
0x253: {  	v28 =	vld [tilespmem:s31+$0x60]  }
0x254: {  	v29 =	vld [tilespmem:s31+$0x8060]  }
0x255: {  	v30 =	vld [tilespmem:s31+$0x70]  }
0x256: {  	v31 =	vld [tilespmem:s31+$0x8070]  }
0x257: {  	v32 =	vld [tilespmem:s31+$0x400]  }
0x258: {  	v33 =	vld [tilespmem:s31+$0x8400]  }
0x259: {  	v34 =	vld [tilespmem:s31+$0x410]  }
0x25a: {  	v35 =	vld [tilespmem:s31+$0x8410]  }
0x25b: {  	v36 =	vld [tilespmem:s31+$0x420]  }
0x25c: {  	v37 =	vld [tilespmem:s31+$0x8420]  }
0x25d: {  	v38 =	vld [tilespmem:s31+$0x430]  }
0x25e: {  	v39 =	vld [tilespmem:s31+$0x8430]  }
0x25f: {  	v40 =	vld [tilespmem:s31+$0x440]  }
0x260: {  	v41 =	vld [tilespmem:s31+$0x8440]  }
0x261: {  	v42 =	vld [tilespmem:s31+$0x450]  }
0x262: {  	v43 =	vld [tilespmem:s31+$0x8450]  }
0x263: {  	v44 =	vld [tilespmem:s31+$0x460]  }
0x264: {  	v45 =	vld [tilespmem:s31+$0x8460]  }
0x265: {  	v46 =	vld [tilespmem:s31+$0x470]  }
0x266: {  	v47 =	vld [tilespmem:s31+$0x8470]  }
0x267: {  	v48 =	vld [tilespmem:s31+$0x800]  }
0x268: {  	v49 =	vld [tilespmem:s31+$0x8800]  }
0x269: {  	v50 =	vld [tilespmem:s31+$0x810]  }
0x26a: {  	v51 =	vld [tilespmem:s31+$0x8810]  }
0x26b: {  	v52 =	vld [tilespmem:s31+$0x820]  }
0x26c: {  	v53 =	vld [tilespmem:s31+$0x8820]  }
0x26d: {  	v54 =	vld [tilespmem:s31+$0x830]  }
0x26e: {  	v55 =	vld [tilespmem:s31+$0x8830]  }
0x26f: {  	v56 =	vld [tilespmem:s31+$0x840]  }
0x270: {  	v57 =	vld [tilespmem:s31+$0x8840]  }
0x271: {  	v58 =	vld [tilespmem:s31+$0x850]  }
0x272: {  	v59 =	vld [tilespmem:s31+$0x8850]  }
0x273: {  	v60 =	vld [tilespmem:s31+$0x860]  }
0x274: {  	v61 =	vld [tilespmem:s31+$0x8860]  }
0x275: {  	v62 =	vld [tilespmem:s31+$0x870]  }
0x276: {  	v63 =	vld [tilespmem:s31+$0x8870]  }
0x277: {  	v24 =	vld [tilespmem:s31+$0xC00]  }
0x278: {  	v25 =	vld [tilespmem:s31+$0x8C00]  }
0x279: {  	v22 =	vld [tilespmem:s31+$0xC10]  }
0x27a: {  	v0 =	vmov s13;
	v23 =	vld [tilespmem:s31+$0x8C10]  }
0x27b: {  	v18 =	vld [tilespmem:s31+$0xC20]  }
0x27c: {  	v19 =	vld [tilespmem:s31+$0x8C20]  }
0x27d: {  	v15 =	vld [tilespmem:s31+$0xC30]  }
0x27e: {  	v16 =	vld [tilespmem:s31+$0x8C30]  }
0x27f: {  	v3 =	vld.idx.msk [tilespmem:v0+s19+$0x0], $0xffff  }
0x280: {  	v4 =	vld.idx.msk [tilespmem:v0+s20+$0x0], $0xffff  }
0x281: {  	v0 =	vld [tilespmem:s31+$0x0]  }
0x282: {  	v5 =	vld [tilespmem:s31+$0xC60]  }
0x283: {  	v12 =	vld [tilespmem:s31+$0xC40]  }
0x284: {  	v13 =	vld [tilespmem:s31+$0x8C40]  }
0x285: {  	v8 =	vld [tilespmem:s31+$0xC50]  }
0x286: {  	v9 =	vld [tilespmem:s31+$0x8C50];
	v0 =	vmul.f32 v0, v3;
	v1 =	vmul.f32 v1, v4  }
0x287: {  	v7 =	vld [tilespmem:s31+$0x8C60];
	[tilespmem:$0x1FF80] =	vst v5;
	v5 =	vmul.f32 v2, v3;
	v2 =	vmul.f32 v6, v4  }
0x288: {  	v6 =	vld [tilespmem:s31+$0xC70];
	v17 =	vmul.f32 v17, v4;
	v0 =	vadd.f32 v1, v0  }
0x289: {  	v1 =	vmul.f32 v10, v3;
	v10 =	vld [tilespmem:s31+$0x8C70];
	v5 =	vadd.f32 v2, v5;
	v2 =	vmul.f32 v14, v3  }
0x28a: {  	v11 =	vmul.f32 v11, v4;
	v14 =	vld [tilespmem:s31+$0x9000]  }
0x28b: {  	v26 =	vmul.f32 v26, v3;
	v2 =	vadd.f32 v17, v2;
	v17 =	vld [tilespmem:s31+$0x1010]  }
0x28c: {  	[tilespmem:s31+$0x10000] =	vst v0;
	v0 =	vadd.f32 v11, v1;
	v1 =	vmul.f32 v20, v3;
	v11 =	vmul.f32 v21, v4;
	v20 =	vld [tilespmem:s31+$0x9010]  }
0x28d: {  	v27 =	vmul.f32 v27, v4;
	v30 =	vmul.f32 v30, v3;
	v21 =	vld [tilespmem:s31+$0x1020];
	[tilespmem:$0x1FF90] =	vst v6  }
0x28e: {  	v31 =	vmul.f32 v31, v4;
	v33 =	vmul.f32 v33, v4;
	v6 =	vld [tilespmem:s31+$0x1000];
	[tilespmem:s31+$0x10020] =	vst v0;
	v0 =	vadd.f32 v11, v1  }
0x28f: {  	v1 =	vmul.f32 v28, v3;
	v11 =	vmul.f32 v29, v4;
	[tilespmem:s31+$0x10030] =	vst v2;
	v2 =	vadd.f32 v27, v26;
	v26 =	vld [tilespmem:s31+$0x9020]  }
0x290: {  	[tilespmem:s31+$0x10010] =	vst v5;
	v5 =	vmul.f32 v34, v3;
	v34 =	vmul.f32 v37, v4;
	v28 =	vld [tilespmem:s31+$0x1030]  }
0x291: {  	v37 =	vmul.f32 v39, v4;
	v29 =	vld [tilespmem:s31+$0x9030];
	[tilespmem:s31+$0x10040] =	vst v0;
	v0 =	vadd.f32 v11, v1;
	v1 =	vmul.f32 v32, v3  }
0x292: {  	v27 =	vmul.f32 v16, v4;
	v16 =	vld [tilespmem:s31+$0x1440];
	[tilespmem:s31+$0x10050] =	vst v2;
	v2 =	vadd.f32 v31, v30;
	v32 =	vmul.f32 v35, v4  }
0x293: {  	v30 =	vld [tilespmem:s31+$0x1040];
	[tilespmem:s31+$0x10060] =	vst v0;
	v0 =	vadd.f32 v33, v1;
	v33 =	vmul.f32 v36, v3;
	v36 =	vmul.f32 v38, v3  }
0x294: {  	v39 =	vmul.f32 v40, v3;
	v40 =	vmul.f32 v41, v4;
	v31 =	vld [tilespmem:s31+$0x9040];
	[tilespmem:s31+$0x10070] =	vst v2;
	v35 =	vadd.f32 v32, v5  }
0x295: {  	v42 =	vmul.f32 v42, v3;
	v11 =	vld [tilespmem:s31+$0x9450];
	[tilespmem:s31+$0x10400] =	vst v0;
	v38 =	vadd.f32 v34, v33;
	v41 =	vadd.f32 v37, v36  }
0x296: {  	v32 =	vld [tilespmem:s31+$0x1050];
	[tilespmem:s31+$0x10410] =	vst v35;
	v36 =	vmul.f32 v43, v4;
	v37 =	vadd.f32 v40, v39;
	v39 =	vmul.f32 v45, v4  }
0x297: {  	v33 =	vld [tilespmem:s31+$0x9050];
	v45 =	vmul.f32 v49, v4;
	[tilespmem:s31+$0x10420] =	vst v38;
	v38 =	vmul.f32 v44, v3  }
0x298: {  	v34 =	vld [tilespmem:s31+$0x1060];
	[tilespmem:s31+$0x10430] =	vst v41;
	v40 =	vadd.f32 v36, v42;
	v41 =	vmul.f32 v46, v3;
	v42 =	vmul.f32 v47, v4  }
0x299: {  	v35 =	vld [tilespmem:s31+$0x9060];
	[tilespmem:s31+$0x10440] =	vst v37;
	v44 =	vmul.f32 v48, v3;
	v47 =	vmul.f32 v50, v3;
	v43 =	vadd.f32 v39, v38  }
0x29a: {  	v48 =	vmul.f32 v51, v4;
	v36 =	vld [tilespmem:s31+$0x1070];
	v50 =	vmul.f32 v52, v3;
	[tilespmem:s31+$0x10450] =	vst v40;
	v46 =	vadd.f32 v42, v41  }
0x29b: {  	v51 =	vmul.f32 v53, v4;
	v37 =	vld [tilespmem:s31+$0x9070];
	v53 =	vmul.f32 v54, v3;
	v49 =	vadd.f32 v45, v44;
	[tilespmem:s31+$0x10460] =	vst v43  }
0x29c: {  	v54 =	vmul.f32 v55, v4;
	v52 =	vadd.f32 v48, v47;
	v38 =	vld [tilespmem:s31+$0x1400];
	v44 =	vmul.f32 v56, v3;
	[tilespmem:s31+$0x10470] =	vst v46  }
0x29d: {  	v55 =	vadd.f32 v51, v50;
	v45 =	vmul.f32 v57, v4;
	v39 =	vld [tilespmem:s31+$0x9400];
	v47 =	vmul.f32 v58, v3;
	[tilespmem:s31+$0x10800] =	vst v49  }
0x29e: {  	v48 =	vmul.f32 v59, v4;
	v40 =	vld [tilespmem:s31+$0x1410];
	v50 =	vmul.f32 v60, v3;
	[tilespmem:s31+$0x10810] =	vst v52;
	v46 =	vadd.f32 v54, v53  }
0x29f: {  	v51 =	vmul.f32 v61, v4;
	v41 =	vld [tilespmem:s31+$0x9410];
	v56 =	vmul.f32 v24, v3;
	[tilespmem:s31+$0x10820] =	vst v55;
	v49 =	vadd.f32 v45, v44  }
0x2a0: {  	v42 =	vld [tilespmem:s31+$0x1420];
	v57 =	vmul.f32 v25, v4;
	v59 =	vmul.f32 v22, v3;
	v52 =	vadd.f32 v48, v47;
	[tilespmem:s31+$0x10830] =	vst v46  }
0x2a1: {  	v24 =	vld [tilespmem:s31+$0x9420];
	v60 =	vmul.f32 v23, v4;
	v25 =	vmul.f32 v15, v3;
	v55 =	vadd.f32 v51, v50;
	[tilespmem:s31+$0x10840] =	vst v49  }
0x2a2: {  	v23 =	vld [tilespmem:s31+$0x1430];
	v53 =	vmul.f32 v62, v3;
	v54 =	vmul.f32 v63, v4;
	v61 =	vadd.f32 v57, v56;
	[tilespmem:s31+$0x10850] =	vst v52  }
0x2a3: {  	v15 =	vld [tilespmem:s31+$0x1800];
	v62 =	vmul.f32 v18, v3;
	v63 =	vmul.f32 v19, v4;
	v22 =	vadd.f32 v60, v59;
	[tilespmem:s31+$0x10860] =	vst v55  }
0x2a4: {  	v18 =	vld [tilespmem:s31+$0x9430];
	v44 =	vmul.f32 v12, v3;
	v45 =	vmul.f32 v13, v4;
	v58 =	vadd.f32 v54, v53;
	[tilespmem:s31+$0x10C00] =	vst v61  }
0x2a5: {  	v12 =	vld [tilespmem:s31+$0x9440];
	v47 =	vmul.f32 v8, v3;
	v48 =	vmul.f32 v9, v4;
	v43 =	vadd.f32 v63, v62;
	[tilespmem:s31+$0x10C10] =	vst v22  }
0x2a6: {  	v9 =	vld [tilespmem:s31+$0x1450];
	v56 =	vmul.f32 v14, v4;
	v59 =	vmul.f32 v20, v4;
	v46 =	vadd.f32 v27, v25;
	[tilespmem:s31+$0x10870] =	vst v58  }
0x2a7: {  	v50 =	vld [tilespmem:$0x1FF80];
	v20 =	vmul.f32 v28, v3;
	v49 =	vadd.f32 v45, v44;
	v55 =	vmul.f32 v6, v3;
	[tilespmem:s31+$0x10C20] =	vst v43  }
0x2a8: {  	v13 =	vld [tilespmem:s31+$0x1470];
	v51 =	vadd.f32 v48, v47;
	v61 =	vmul.f32 v21, v3;
	v62 =	vmul.f32 v26, v4;
	[tilespmem:s31+$0x10C30] =	vst v46  }
0x2a9: {  	v14 =	vld [tilespmem:s31+$0x9470];
	v28 =	vmul.f32 v32, v3;
	v21 =	vmul.f32 v29, v4;
	[tilespmem:s31+$0x10C40] =	vst v49;
	v60 =	vadd.f32 v56, v55  }
0x2aa: {  	v19 =	vld [tilespmem:s31+$0x1810];
	v25 =	vmul.f32 v30, v3;
	v26 =	vmul.f32 v31, v4;
	[tilespmem:s31+$0x10C50] =	vst v51;
	v22 =	vadd.f32 v62, v61  }
0x2ab: {  	v32 =	vmul.f32 v35, v4;
	v52 =	vld [tilespmem:$0x1FF90];
	v29 =	vmul.f32 v33, v4;
	v27 =	vadd.f32 v21, v20;
	[tilespmem:s31+$0x11000] =	vst v60  }
0x2ac: {  	v53 =	vmul.f32 v10, v4;
	v10 =	vld [tilespmem:s31+$0x1460];
	v31 =	vmul.f32 v34, v3;
	v30 =	vadd.f32 v26, v25;
	[tilespmem:s31+$0x11020] =	vst v22  }
0x2ad: {  	v35 =	vmul.f32 v37, v4;
	v34 =	vmul.f32 v36, v3;
	v44 =	vld [tilespmem:s31+$0x1830];
	v33 =	vadd.f32 v29, v28;
	[tilespmem:s31+$0x11030] =	vst v27  }
0x2ae: {  	v48 =	vld [tilespmem:s31+$0x9830];
	v37 =	vmul.f32 v38, v3;
	v38 =	vmul.f32 v39, v4;
	v36 =	vadd.f32 v32, v31;
	[tilespmem:s31+$0x11040] =	vst v30  }
0x2af: {  	v58 =	vmul.f32 v17, v3;
	v17 =	vld [tilespmem:s31+$0x9800];
	v39 =	vadd.f32 v35, v34;
	[tilespmem:s31+$0x11050] =	vst v33  }
0x2b0: {  	v40 =	vmul.f32 v40, v3;
	v20 =	vld [tilespmem:s31+$0x9810];
	v43 =	vmul.f32 v41, v4;
	v45 =	vadd.f32 v38, v37;
	[tilespmem:s31+$0x11060] =	vst v36  }
0x2b1: {  	v7 =	vmul.f32 v7, v4;
	v21 =	vld [tilespmem:s31+$0x1820];
	v1 =	vmul.f32 v50, v3;
	v63 =	vadd.f32 v59, v58;
	[tilespmem:s31+$0x11070] =	vst v39  }
0x2b2: {  	v56 =	vld [tilespmem:s31+$0x9840];
	v49 =	vadd.f32 v43, v40;
	v58 =	vmul.f32 v9, v3;
	v59 =	vmul.f32 v11, v4;
	[tilespmem:s31+$0x11400] =	vst v45  }
0x2b3: {  	v28 =	vld [tilespmem:s31+$0x1860];
	v26 =	vmul.f32 v13, v3;
	v27 =	vmul.f32 v14, v4;
	v54 =	vadd.f32 v7, v1;
	[tilespmem:s31+$0x11010] =	vst v63  }
0x2b4: {  	v32 =	vld [tilespmem:s31+$0x9860];
	v50 =	vmul.f32 v23, v3;
	v5 =	vmul.f32 v52, v3;
	[tilespmem:s31+$0x11410] =	vst v49;
	v23 =	vadd.f32 v59, v58  }
0x2b5: {  	v47 =	vmul.f32 v24, v4;
	v46 =	vmul.f32 v42, v3;
	v22 =	vld [tilespmem:s31+$0x9820];
	v33 =	vadd.f32 v27, v26;
	[tilespmem:s31+$0x10C60] =	vst v54  }
0x2b6: {  	v60 =	vld [tilespmem:s31+$0x1850];
	v42 =	vmul.f32 v44, v3;
	v43 =	vmul.f32 v48, v4;
	v57 =	vadd.f32 v53, v5;
	[tilespmem:s31+$0x11450] =	vst v23  }
0x2b7: {  	v51 =	vmul.f32 v18, v4;
	v36 =	vld [tilespmem:s31+$0x1870];
	v53 =	vadd.f32 v47, v46;
	[tilespmem:s31+$0x11470] =	vst v33  }
0x2b8: {  	v55 =	vmul.f32 v12, v4;
	v40 =	vld [tilespmem:s31+$0x9870];
	v54 =	vmul.f32 v16, v3;
	v47 =	vadd.f32 v43, v42;
	[tilespmem:s31+$0x10C70] =	vst v57  }
0x2b9: {  	v30 =	vmul.f32 v15, v3;
	v7 =	vld [tilespmem:s31+$0x9460];
	v31 =	vmul.f32 v17, v4;
	v57 =	vadd.f32 v51, v50;
	[tilespmem:s31+$0x11420] =	vst v53  }
0x2ba: {  	v34 =	vmul.f32 v19, v3;
	v52 =	vld [tilespmem:s31+$0x1840];
	v35 =	vmul.f32 v20, v4;
	v61 =	vadd.f32 v55, v54;
	[tilespmem:s31+$0x11830] =	vst v47  }
0x2bb: {  	v16 =	vld [tilespmem:s31+$0x9850];
	v38 =	vmul.f32 v21, v3;
	v37 =	vadd.f32 v31, v30;
	v39 =	vmul.f32 v22, v4;
	[tilespmem:s31+$0x11430] =	vst v57  }
0x2bc: {  	v41 =	vadd.f32 v35, v34;
	v50 =	vmul.f32 v28, v3;
	v51 =	vmul.f32 v32, v4;
	[tilespmem:s31+$0x11440] =	vst v61  }
0x2bd: {  	v53 =	vmul.f32 v36, v3;
	v54 =	vmul.f32 v40, v4;
	[tilespmem:s31+$0x11800] =	vst v37;
	v44 =	vadd.f32 v39, v38  }
0x2be: {  	v62 =	vmul.f32 v10, v3;
	v63 =	vmul.f32 v7, v4;
	[tilespmem:s31+$0x11810] =	vst v41;
	v55 =	vadd.f32 v51, v50  }
0x2bf: {  	v46 =	vmul.f32 v56, v4;
	v45 =	vmul.f32 v52, v3;
	v56 =	vadd.f32 v54, v53;
	[tilespmem:s31+$0x11820] =	vst v44  }
0x2c0: {  	v48 =	vmul.f32 v60, v3;
	v29 =	vadd.f32 v63, v62;
	v7 =	vmul.f32 v16, v4;
	[tilespmem:s31+$0x11860] =	vst v55  }
0x2c1: {  	s15 =	sand.u32 $0x7, s29;
	v49 =	vadd.f32 v46, v45;
	[tilespmem:s31+$0x11870] =	vst v56  }
0x2c2: {  	s15 =	sshll.u32 s15, $0x7;
	[tilespmem:s31+$0x11460] =	vst v29;
	v52 =	vadd.f32 v7, v48  }
0x2c3: {  	s15 =	sadd.s32 s15, s30;
	[tilespmem:s31+$0x11840] =	vst v49  }
0x2c4: {  	[tilespmem:s31+$0x11850] =	vst v52;
	s31 =	sor.u32 $0x1C00, s15  }
0x2c5: {  	v0 =	vld [tilespmem:s31+$0x0]  }
0x2c6: {  	v1 =	vld [tilespmem:s31+$0x8000];
	_ =	sdelay $0x4  }
0x2c7: {  	v0 =	vmul.f32 v0, v3;
	v1 =	vmul.f32 v1, v4;
	_ =	sdelay $0x1  }
0x2c8: {  	v0 =	vadd.f32 v1, v0;
	_ =	sdelay $0x1  }
0x2c9: {  	[tilespmem:s31+$0x10000] =	vst v0;
	s31 =	sor.u32 $0x1C10, s15  }
0x2ca: {  	v0 =	vld [tilespmem:s31+$0x0]  }
0x2cb: {  	v57 =	vld [tilespmem:s31+$0x8000];
	_ =	sdelay $0x4  }
0x2cc: {  	v0 =	vmul.f32 v0, v3;
	v1 =	vmul.f32 v57, v4;
	_ =	sdelay $0x1  }
0x2cd: {  	v0 =	vadd.f32 v1, v0;
	_ =	sdelay $0x1  }
0x2ce: {  	[tilespmem:s31+$0x10000] =	vst v0;
	s31 =	sor.u32 $0x1C20, s15  }
0x2cf: {  	v0 =	vld [tilespmem:s31+$0x0]  }
0x2d0: {  	v58 =	vld [tilespmem:s31+$0x8000];
	_ =	sdelay $0x4  }
0x2d1: {  	v0 =	vmul.f32 v0, v3;
	v1 =	vmul.f32 v58, v4;
	_ =	sdelay $0x1  }
0x2d2: {  	v0 =	vadd.f32 v1, v0;
	_ =	sdelay $0x1  }
0x2d3: {  	[tilespmem:s31+$0x10000] =	vst v0;
	s31 =	sor.u32 $0x1C30, s15  }
0x2d4: {  	v0 =	vld [tilespmem:s31+$0x0]  }
0x2d5: {  	v59 =	vld [tilespmem:s31+$0x8000];
	_ =	sdelay $0x4  }
0x2d6: {  	v0 =	vmul.f32 v0, v3;
	v1 =	vmul.f32 v59, v4;
	_ =	sdelay $0x1  }
0x2d7: {  	v0 =	vadd.f32 v1, v0;
	_ =	sdelay $0x1  }
0x2d8: {  	[tilespmem:s31+$0x10000] =	vst v0;
	s31 =	sor.u32 $0x1C40, s15  }
0x2d9: {  	v0 =	vld [tilespmem:s31+$0x0]  }
0x2da: {  	v60 =	vld [tilespmem:s31+$0x8000];
	_ =	sdelay $0x4  }
0x2db: {  	v0 =	vmul.f32 v0, v3;
	v1 =	vmul.f32 v60, v4;
	_ =	sdelay $0x1  }
0x2dc: {  	v0 =	vadd.f32 v1, v0;
	_ =	sdelay $0x1  }
0x2dd: {  	[tilespmem:s31+$0x10000] =	vst v0;
	s31 =	sor.u32 $0x1C50, s15  }
0x2de: {  	v0 =	vld [tilespmem:s31+$0x0]  }
0x2df: {  	v61 =	vld [tilespmem:s31+$0x8000];
	_ =	sdelay $0x4  }
0x2e0: {  	v0 =	vmul.f32 v0, v3;
	v1 =	vmul.f32 v61, v4;
	_ =	sdelay $0x1  }
0x2e1: {  	v0 =	vadd.f32 v1, v0;
	_ =	sdelay $0x1  }
0x2e2: {  	[tilespmem:s31+$0x10000] =	vst v0;
	s31 =	sor.u32 $0x1C60, s15  }
0x2e3: {  	v0 =	vld [tilespmem:s31+$0x0]  }
0x2e4: {  	v62 =	vld [tilespmem:s31+$0x8000];
	_ =	sdelay $0x4  }
0x2e5: {  	v0 =	vmul.f32 v0, v3;
	v1 =	vmul.f32 v62, v4;
	_ =	sdelay $0x1  }
0x2e6: {  	v0 =	vadd.f32 v1, v0;
	_ =	sdelay $0x1  }
0x2e7: {  	s15 =	sor.u32 $0x1C70, s15;
	[tilespmem:s31+$0x10000] =	vst v0  }
0x2e8: {  	v0 =	vld [tilespmem:s15+$0x0]  }
0x2e9: {  	v63 =	vld [tilespmem:s15+$0x8000];
	_ =	sdelay $0x3  }
0x2ea: {  	p0 =	sne.s32 s13, $0x2F  }
.Ltmp2:
0x2eb: {  	v0 =	vmul.f32 v0, v3;
	v1 =	vmul.f32 v63, v4;
	(pc) =	sbr.rel @p0 .LBB2_6-.Ltmp2, $4  }
0x2ec: {  	_ = 	snop  }
0x2ed: {  	v0 =	vadd.f32 v1, v0  }
0x2ee: {  	s14 =	sadd.s32 $0x80, s14  }
0x2ef: {  	s13 =	sadd.s32 $0x1, s13;
	s29 =	sadd.s32 $0x1, s29;
	s30 =	sadd.s32 $0x400, s30;
	[tilespmem:s15+$0x10000] =	vst v0  }
0x2f0: {  	s29 =	simm.s32 $0x0;
	s13 =	rddreg [dreg:$0x8]  }
0x2f1: {  	[hbm4b:s13+s29] =	stream.linear.scatter [tilespmem:s7], [sflag:$0x5], $0x4000, $0x38;
	[tilespmem:$0x18500] =	vst v63  }
0x2f2: {  	_ =	swait.ge [sflag:s23], $0x4000  }
0x2f3: {  	[sflag:s23] =	ssyncset.done $0x0  }
0x2f4: {  	[sflag:s23] =	ssyncadd.s32 $0xFFFFC000  }
0x2f5: {  	_ =	swait.ge [sflag:s24], $0x4000  }
0x2f6: {  	[sflag:s24] =	ssyncset.done $0x0  }
0x2f7: {  	[sflag:s24] =	ssyncadd.s32 $0xFFFFC000  }
0x2f8: {  	_ =	swait.ge [sflag:s28], $0x4000  }
0x2f9: {  	s30 =	simm.s32 $0x0;
	[sflag:s28] =	ssyncset.done $0x0  }
0x2fa: {  	s14 =	simm.s32 $0x0;
	s13 =	simm.s32 $0x30;
	[sflag:s28] =	ssyncadd.s32 $0xFFFFC000  }
.LBB2_8:
0x2fb: {  	s15 =	sand.u32 $0x2000, s30;
	s31 =	sand.u32 $0x380, s14  }
0x2fc: {  	s31 =	sor.u32 s31, s15  }
0x2fd: {  	v1 =	vld [tilespmem:s31+$0xC000]  }
0x2fe: {  	v2 =	vld [tilespmem:s31+$0x4010]  }
0x2ff: {  	v6 =	vld [tilespmem:s31+$0xC010]  }
0x300: {  	v10 =	vld [tilespmem:s31+$0x4020]  }
0x301: {  	v11 =	vld [tilespmem:s31+$0xC020]  }
0x302: {  	v14 =	vld [tilespmem:s31+$0x4030]  }
0x303: {  	v17 =	vld [tilespmem:s31+$0xC030]  }
0x304: {  	v20 =	vld [tilespmem:s31+$0x4040]  }
0x305: {  	v21 =	vld [tilespmem:s31+$0xC040]  }
0x306: {  	v26 =	vld [tilespmem:s31+$0x4050]  }
0x307: {  	v27 =	vld [tilespmem:s31+$0xC050]  }
0x308: {  	v28 =	vld [tilespmem:s31+$0x4060]  }
0x309: {  	v29 =	vld [tilespmem:s31+$0xC060]  }
0x30a: {  	v30 =	vld [tilespmem:s31+$0x4070]  }
0x30b: {  	v31 =	vld [tilespmem:s31+$0xC070]  }
0x30c: {  	v32 =	vld [tilespmem:s31+$0x4400]  }
0x30d: {  	v33 =	vld [tilespmem:s31+$0xC400]  }
0x30e: {  	v34 =	vld [tilespmem:s31+$0x4410]  }
0x30f: {  	v35 =	vld [tilespmem:s31+$0xC410]  }
0x310: {  	v36 =	vld [tilespmem:s31+$0x4420]  }
0x311: {  	v37 =	vld [tilespmem:s31+$0xC420]  }
0x312: {  	v38 =	vld [tilespmem:s31+$0x4430]  }
0x313: {  	v39 =	vld [tilespmem:s31+$0xC430]  }
0x314: {  	v40 =	vld [tilespmem:s31+$0x4440]  }
0x315: {  	v41 =	vld [tilespmem:s31+$0xC440]  }
0x316: {  	v42 =	vld [tilespmem:s31+$0x4450]  }
0x317: {  	v43 =	vld [tilespmem:s31+$0xC450]  }
0x318: {  	v44 =	vld [tilespmem:s31+$0x4460]  }
0x319: {  	v45 =	vld [tilespmem:s31+$0xC460]  }
0x31a: {  	v46 =	vld [tilespmem:s31+$0x4470]  }
0x31b: {  	v47 =	vld [tilespmem:s31+$0xC470]  }
0x31c: {  	v48 =	vld [tilespmem:s31+$0x4800]  }
0x31d: {  	v49 =	vld [tilespmem:s31+$0xC800]  }
0x31e: {  	v50 =	vld [tilespmem:s31+$0x4810]  }
0x31f: {  	v51 =	vld [tilespmem:s31+$0xC810]  }
0x320: {  	v52 =	vld [tilespmem:s31+$0x4820]  }
0x321: {  	v53 =	vld [tilespmem:s31+$0xC820]  }
0x322: {  	v54 =	vld [tilespmem:s31+$0x4830]  }
0x323: {  	v55 =	vld [tilespmem:s31+$0xC830]  }
0x324: {  	v56 =	vld [tilespmem:s31+$0x4840]  }
0x325: {  	v57 =	vld [tilespmem:s31+$0xC840]  }
0x326: {  	v58 =	vld [tilespmem:s31+$0x4850]  }
0x327: {  	v59 =	vld [tilespmem:s31+$0xC850]  }
0x328: {  	v60 =	vld [tilespmem:s31+$0x4860]  }
0x329: {  	v61 =	vld [tilespmem:s31+$0xC860]  }
0x32a: {  	v62 =	vld [tilespmem:s31+$0x4870]  }
0x32b: {  	v63 =	vld [tilespmem:s31+$0xC870]  }
0x32c: {  	v24 =	vld [tilespmem:s31+$0x4C00]  }
0x32d: {  	v25 =	vld [tilespmem:s31+$0xCC00]  }
0x32e: {  	v22 =	vld [tilespmem:s31+$0x4C10]  }
0x32f: {  	v0 =	vmov s13;
	v23 =	vld [tilespmem:s31+$0xCC10]  }
0x330: {  	v18 =	vld [tilespmem:s31+$0x4C20]  }
0x331: {  	v19 =	vld [tilespmem:s31+$0xCC20]  }
0x332: {  	v15 =	vld [tilespmem:s31+$0x4C30]  }
0x333: {  	v16 =	vld [tilespmem:s31+$0xCC30]  }
0x334: {  	v3 =	vld.idx.msk [tilespmem:v0+s19+$0x0], $0xffff  }
0x335: {  	v4 =	vld.idx.msk [tilespmem:v0+s20+$0x0], $0xffff  }
0x336: {  	v0 =	vld [tilespmem:s31+$0x4000]  }
0x337: {  	v5 =	vld [tilespmem:s31+$0x4C60]  }
0x338: {  	v12 =	vld [tilespmem:s31+$0x4C40]  }
0x339: {  	v13 =	vld [tilespmem:s31+$0xCC40]  }
0x33a: {  	v8 =	vld [tilespmem:s31+$0x4C50]  }
0x33b: {  	v9 =	vld [tilespmem:s31+$0xCC50];
	v0 =	vmul.f32 v0, v3;
	v1 =	vmul.f32 v1, v4  }
0x33c: {  	v7 =	vld [tilespmem:s31+$0xCC60];
	[tilespmem:$0x1FF60] =	vst v5;
	v5 =	vmul.f32 v2, v3;
	v2 =	vmul.f32 v6, v4  }
0x33d: {  	v6 =	vld [tilespmem:s31+$0x4C70];
	v17 =	vmul.f32 v17, v4;
	v0 =	vadd.f32 v1, v0  }
0x33e: {  	v1 =	vmul.f32 v10, v3;
	v10 =	vld [tilespmem:s31+$0xCC70];
	v5 =	vadd.f32 v2, v5;
	v2 =	vmul.f32 v14, v3  }
0x33f: {  	v11 =	vmul.f32 v11, v4;
	v14 =	vld [tilespmem:s31+$0xD000]  }
0x340: {  	v26 =	vmul.f32 v26, v3;
	v2 =	vadd.f32 v17, v2;
	v17 =	vld [tilespmem:s31+$0x5010]  }
0x341: {  	[tilespmem:s31+$0x14000] =	vst v0;
	v0 =	vadd.f32 v11, v1;
	v1 =	vmul.f32 v20, v3;
	v11 =	vmul.f32 v21, v4;
	v20 =	vld [tilespmem:s31+$0xD010]  }
0x342: {  	v27 =	vmul.f32 v27, v4;
	v30 =	vmul.f32 v30, v3;
	v21 =	vld [tilespmem:s31+$0x5020];
	[tilespmem:$0x1FF70] =	vst v6  }
0x343: {  	v31 =	vmul.f32 v31, v4;
	v33 =	vmul.f32 v33, v4;
	v6 =	vld [tilespmem:s31+$0x5000];
	[tilespmem:s31+$0x14020] =	vst v0;
	v0 =	vadd.f32 v11, v1  }
0x344: {  	v1 =	vmul.f32 v28, v3;
	v11 =	vmul.f32 v29, v4;
	[tilespmem:s31+$0x14030] =	vst v2;
	v2 =	vadd.f32 v27, v26;
	v26 =	vld [tilespmem:s31+$0xD020]  }
0x345: {  	[tilespmem:s31+$0x14010] =	vst v5;
	v5 =	vmul.f32 v34, v3;
	v34 =	vmul.f32 v37, v4;
	v28 =	vld [tilespmem:s31+$0x5030]  }
0x346: {  	v37 =	vmul.f32 v39, v4;
	v29 =	vld [tilespmem:s31+$0xD030];
	[tilespmem:s31+$0x14040] =	vst v0;
	v0 =	vadd.f32 v11, v1;
	v1 =	vmul.f32 v32, v3  }
0x347: {  	v27 =	vmul.f32 v16, v4;
	v16 =	vld [tilespmem:s31+$0x5440];
	[tilespmem:s31+$0x14050] =	vst v2;
	v2 =	vadd.f32 v31, v30;
	v32 =	vmul.f32 v35, v4  }
0x348: {  	v30 =	vld [tilespmem:s31+$0x5040];
	[tilespmem:s31+$0x14060] =	vst v0;
	v0 =	vadd.f32 v33, v1;
	v33 =	vmul.f32 v36, v3;
	v36 =	vmul.f32 v38, v3  }
0x349: {  	v39 =	vmul.f32 v40, v3;
	v40 =	vmul.f32 v41, v4;
	v31 =	vld [tilespmem:s31+$0xD040];
	[tilespmem:s31+$0x14070] =	vst v2;
	v35 =	vadd.f32 v32, v5  }
0x34a: {  	v42 =	vmul.f32 v42, v3;
	v11 =	vld [tilespmem:s31+$0xD450];
	[tilespmem:s31+$0x14400] =	vst v0;
	v38 =	vadd.f32 v34, v33;
	v41 =	vadd.f32 v37, v36  }
0x34b: {  	v32 =	vld [tilespmem:s31+$0x5050];
	[tilespmem:s31+$0x14410] =	vst v35;
	v36 =	vmul.f32 v43, v4;
	v37 =	vadd.f32 v40, v39;
	v39 =	vmul.f32 v45, v4  }
0x34c: {  	v33 =	vld [tilespmem:s31+$0xD050];
	v45 =	vmul.f32 v49, v4;
	[tilespmem:s31+$0x14420] =	vst v38;
	v38 =	vmul.f32 v44, v3  }
0x34d: {  	v34 =	vld [tilespmem:s31+$0x5060];
	[tilespmem:s31+$0x14430] =	vst v41;
	v40 =	vadd.f32 v36, v42;
	v41 =	vmul.f32 v46, v3;
	v42 =	vmul.f32 v47, v4  }
0x34e: {  	v35 =	vld [tilespmem:s31+$0xD060];
	[tilespmem:s31+$0x14440] =	vst v37;
	v44 =	vmul.f32 v48, v3;
	v47 =	vmul.f32 v50, v3;
	v43 =	vadd.f32 v39, v38  }
0x34f: {  	v48 =	vmul.f32 v51, v4;
	v36 =	vld [tilespmem:s31+$0x5070];
	v50 =	vmul.f32 v52, v3;
	[tilespmem:s31+$0x14450] =	vst v40;
	v46 =	vadd.f32 v42, v41  }
0x350: {  	v51 =	vmul.f32 v53, v4;
	v37 =	vld [tilespmem:s31+$0xD070];
	v53 =	vmul.f32 v54, v3;
	v49 =	vadd.f32 v45, v44;
	[tilespmem:s31+$0x14460] =	vst v43  }
0x351: {  	v54 =	vmul.f32 v55, v4;
	v52 =	vadd.f32 v48, v47;
	v38 =	vld [tilespmem:s31+$0x5400];
	v44 =	vmul.f32 v56, v3;
	[tilespmem:s31+$0x14470] =	vst v46  }
0x352: {  	v55 =	vadd.f32 v51, v50;
	v45 =	vmul.f32 v57, v4;
	v39 =	vld [tilespmem:s31+$0xD400];
	v47 =	vmul.f32 v58, v3;
	[tilespmem:s31+$0x14800] =	vst v49  }
0x353: {  	v48 =	vmul.f32 v59, v4;
	v40 =	vld [tilespmem:s31+$0x5410];
	v50 =	vmul.f32 v60, v3;
	[tilespmem:s31+$0x14810] =	vst v52;
	v46 =	vadd.f32 v54, v53  }
0x354: {  	v51 =	vmul.f32 v61, v4;
	v41 =	vld [tilespmem:s31+$0xD410];
	v56 =	vmul.f32 v24, v3;
	[tilespmem:s31+$0x14820] =	vst v55;
	v49 =	vadd.f32 v45, v44  }
0x355: {  	v42 =	vld [tilespmem:s31+$0x5420];
	v57 =	vmul.f32 v25, v4;
	v59 =	vmul.f32 v22, v3;
	v52 =	vadd.f32 v48, v47;
	[tilespmem:s31+$0x14830] =	vst v46  }
0x356: {  	v24 =	vld [tilespmem:s31+$0xD420];
	v60 =	vmul.f32 v23, v4;
	v25 =	vmul.f32 v15, v3;
	v55 =	vadd.f32 v51, v50;
	[tilespmem:s31+$0x14840] =	vst v49  }
0x357: {  	v23 =	vld [tilespmem:s31+$0x5430];
	v53 =	vmul.f32 v62, v3;
	v54 =	vmul.f32 v63, v4;
	v61 =	vadd.f32 v57, v56;
	[tilespmem:s31+$0x14850] =	vst v52  }
0x358: {  	v15 =	vld [tilespmem:s31+$0x5800];
	v62 =	vmul.f32 v18, v3;
	v63 =	vmul.f32 v19, v4;
	v22 =	vadd.f32 v60, v59;
	[tilespmem:s31+$0x14860] =	vst v55  }
0x359: {  	v18 =	vld [tilespmem:s31+$0xD430];
	v44 =	vmul.f32 v12, v3;
	v45 =	vmul.f32 v13, v4;
	v58 =	vadd.f32 v54, v53;
	[tilespmem:s31+$0x14C00] =	vst v61  }
0x35a: {  	v12 =	vld [tilespmem:s31+$0xD440];
	v47 =	vmul.f32 v8, v3;
	v48 =	vmul.f32 v9, v4;
	v43 =	vadd.f32 v63, v62;
	[tilespmem:s31+$0x14C10] =	vst v22  }
0x35b: {  	v9 =	vld [tilespmem:s31+$0x5450];
	v56 =	vmul.f32 v14, v4;
	v59 =	vmul.f32 v20, v4;
	v46 =	vadd.f32 v27, v25;
	[tilespmem:s31+$0x14870] =	vst v58  }
0x35c: {  	v50 =	vld [tilespmem:$0x1FF60];
	v20 =	vmul.f32 v28, v3;
	v49 =	vadd.f32 v45, v44;
	v55 =	vmul.f32 v6, v3;
	[tilespmem:s31+$0x14C20] =	vst v43  }
0x35d: {  	v13 =	vld [tilespmem:s31+$0x5470];
	v51 =	vadd.f32 v48, v47;
	v61 =	vmul.f32 v21, v3;
	v62 =	vmul.f32 v26, v4;
	[tilespmem:s31+$0x14C30] =	vst v46  }
0x35e: {  	v14 =	vld [tilespmem:s31+$0xD470];
	v28 =	vmul.f32 v32, v3;
	v21 =	vmul.f32 v29, v4;
	[tilespmem:s31+$0x14C40] =	vst v49;
	v60 =	vadd.f32 v56, v55  }
0x35f: {  	v19 =	vld [tilespmem:s31+$0x5810];
	v25 =	vmul.f32 v30, v3;
	v26 =	vmul.f32 v31, v4;
	[tilespmem:s31+$0x14C50] =	vst v51;
	v22 =	vadd.f32 v62, v61  }
0x360: {  	v32 =	vmul.f32 v35, v4;
	v52 =	vld [tilespmem:$0x1FF70];
	v29 =	vmul.f32 v33, v4;
	v27 =	vadd.f32 v21, v20;
	[tilespmem:s31+$0x15000] =	vst v60  }
0x361: {  	v53 =	vmul.f32 v10, v4;
	v10 =	vld [tilespmem:s31+$0x5460];
	v31 =	vmul.f32 v34, v3;
	v30 =	vadd.f32 v26, v25;
	[tilespmem:s31+$0x15020] =	vst v22  }
0x362: {  	v35 =	vmul.f32 v37, v4;
	v34 =	vmul.f32 v36, v3;
	v44 =	vld [tilespmem:s31+$0x5830];
	v33 =	vadd.f32 v29, v28;
	[tilespmem:s31+$0x15030] =	vst v27  }
0x363: {  	v48 =	vld [tilespmem:s31+$0xD830];
	v37 =	vmul.f32 v38, v3;
	v38 =	vmul.f32 v39, v4;
	v36 =	vadd.f32 v32, v31;
	[tilespmem:s31+$0x15040] =	vst v30  }
0x364: {  	v58 =	vmul.f32 v17, v3;
	v17 =	vld [tilespmem:s31+$0xD800];
	v39 =	vadd.f32 v35, v34;
	[tilespmem:s31+$0x15050] =	vst v33  }
0x365: {  	v40 =	vmul.f32 v40, v3;
	v20 =	vld [tilespmem:s31+$0xD810];
	v43 =	vmul.f32 v41, v4;
	v45 =	vadd.f32 v38, v37;
	[tilespmem:s31+$0x15060] =	vst v36  }
0x366: {  	v7 =	vmul.f32 v7, v4;
	v21 =	vld [tilespmem:s31+$0x5820];
	v1 =	vmul.f32 v50, v3;
	v63 =	vadd.f32 v59, v58;
	[tilespmem:s31+$0x15070] =	vst v39  }
0x367: {  	v56 =	vld [tilespmem:s31+$0xD840];
	v49 =	vadd.f32 v43, v40;
	v58 =	vmul.f32 v9, v3;
	v59 =	vmul.f32 v11, v4;
	[tilespmem:s31+$0x15400] =	vst v45  }
0x368: {  	v28 =	vld [tilespmem:s31+$0x5860];
	v26 =	vmul.f32 v13, v3;
	v27 =	vmul.f32 v14, v4;
	v54 =	vadd.f32 v7, v1;
	[tilespmem:s31+$0x15010] =	vst v63  }
0x369: {  	v32 =	vld [tilespmem:s31+$0xD860];
	v50 =	vmul.f32 v23, v3;
	v5 =	vmul.f32 v52, v3;
	[tilespmem:s31+$0x15410] =	vst v49;
	v23 =	vadd.f32 v59, v58  }
0x36a: {  	v47 =	vmul.f32 v24, v4;
	v46 =	vmul.f32 v42, v3;
	v22 =	vld [tilespmem:s31+$0xD820];
	v33 =	vadd.f32 v27, v26;
	[tilespmem:s31+$0x14C60] =	vst v54  }
0x36b: {  	v60 =	vld [tilespmem:s31+$0x5850];
	v42 =	vmul.f32 v44, v3;
	v43 =	vmul.f32 v48, v4;
	v57 =	vadd.f32 v53, v5;
	[tilespmem:s31+$0x15450] =	vst v23  }
0x36c: {  	v51 =	vmul.f32 v18, v4;
	v36 =	vld [tilespmem:s31+$0x5870];
	v53 =	vadd.f32 v47, v46;
	[tilespmem:s31+$0x15470] =	vst v33  }
0x36d: {  	v55 =	vmul.f32 v12, v4;
	v40 =	vld [tilespmem:s31+$0xD870];
	v54 =	vmul.f32 v16, v3;
	v47 =	vadd.f32 v43, v42;
	[tilespmem:s31+$0x14C70] =	vst v57  }
0x36e: {  	v30 =	vmul.f32 v15, v3;
	v7 =	vld [tilespmem:s31+$0xD460];
	v31 =	vmul.f32 v17, v4;
	v57 =	vadd.f32 v51, v50;
	[tilespmem:s31+$0x15420] =	vst v53  }
0x36f: {  	v34 =	vmul.f32 v19, v3;
	v52 =	vld [tilespmem:s31+$0x5840];
	v35 =	vmul.f32 v20, v4;
	v61 =	vadd.f32 v55, v54;
	[tilespmem:s31+$0x15830] =	vst v47  }
0x370: {  	v16 =	vld [tilespmem:s31+$0xD850];
	v38 =	vmul.f32 v21, v3;
	v37 =	vadd.f32 v31, v30;
	v39 =	vmul.f32 v22, v4;
	[tilespmem:s31+$0x15430] =	vst v57  }
0x371: {  	v41 =	vadd.f32 v35, v34;
	v50 =	vmul.f32 v28, v3;
	v51 =	vmul.f32 v32, v4;
	[tilespmem:s31+$0x15440] =	vst v61  }
0x372: {  	v53 =	vmul.f32 v36, v3;
	v54 =	vmul.f32 v40, v4;
	[tilespmem:s31+$0x15800] =	vst v37;
	v44 =	vadd.f32 v39, v38  }
0x373: {  	v62 =	vmul.f32 v10, v3;
	v63 =	vmul.f32 v7, v4;
	[tilespmem:s31+$0x15810] =	vst v41;
	v55 =	vadd.f32 v51, v50  }
0x374: {  	v46 =	vmul.f32 v56, v4;
	v45 =	vmul.f32 v52, v3;
	v56 =	vadd.f32 v54, v53;
	[tilespmem:s31+$0x15820] =	vst v44  }
0x375: {  	v48 =	vmul.f32 v60, v3;
	v29 =	vadd.f32 v63, v62;
	v7 =	vmul.f32 v16, v4;
	[tilespmem:s31+$0x15860] =	vst v55  }
0x376: {  	s15 =	sand.u32 $0x7, s29;
	v49 =	vadd.f32 v46, v45;
	[tilespmem:s31+$0x15870] =	vst v56  }
0x377: {  	s15 =	sshll.u32 s15, $0x7;
	[tilespmem:s31+$0x15460] =	vst v29;
	v52 =	vadd.f32 v7, v48  }
0x378: {  	s15 =	sadd.s32 s15, s30;
	[tilespmem:s31+$0x15840] =	vst v49  }
0x379: {  	[tilespmem:s31+$0x15850] =	vst v52;
	s31 =	sor.u32 $0x1C00, s15  }
0x37a: {  	v0 =	vld [tilespmem:s31+$0x4000]  }
0x37b: {  	v1 =	vld [tilespmem:s31+$0xC000];
	_ =	sdelay $0x4  }
0x37c: {  	v0 =	vmul.f32 v0, v3;
	v1 =	vmul.f32 v1, v4;
	_ =	sdelay $0x1  }
0x37d: {  	v0 =	vadd.f32 v1, v0;
	_ =	sdelay $0x1  }
0x37e: {  	[tilespmem:s31+$0x14000] =	vst v0;
	s31 =	sor.u32 $0x1C10, s15  }
0x37f: {  	v0 =	vld [tilespmem:s31+$0x4000]  }
0x380: {  	v57 =	vld [tilespmem:s31+$0xC000];
	_ =	sdelay $0x4  }
0x381: {  	v0 =	vmul.f32 v0, v3;
	v1 =	vmul.f32 v57, v4;
	_ =	sdelay $0x1  }
0x382: {  	v0 =	vadd.f32 v1, v0;
	_ =	sdelay $0x1  }
0x383: {  	[tilespmem:s31+$0x14000] =	vst v0;
	s31 =	sor.u32 $0x1C20, s15  }
0x384: {  	v0 =	vld [tilespmem:s31+$0x4000]  }
0x385: {  	v58 =	vld [tilespmem:s31+$0xC000];
	_ =	sdelay $0x4  }
0x386: {  	v0 =	vmul.f32 v0, v3;
	v1 =	vmul.f32 v58, v4;
	_ =	sdelay $0x1  }
0x387: {  	v0 =	vadd.f32 v1, v0;
	_ =	sdelay $0x1  }
0x388: {  	[tilespmem:s31+$0x14000] =	vst v0;
	s31 =	sor.u32 $0x1C30, s15  }
0x389: {  	v0 =	vld [tilespmem:s31+$0x4000]  }
0x38a: {  	v59 =	vld [tilespmem:s31+$0xC000];
	_ =	sdelay $0x4  }
0x38b: {  	v0 =	vmul.f32 v0, v3;
	v1 =	vmul.f32 v59, v4;
	_ =	sdelay $0x1  }
0x38c: {  	v0 =	vadd.f32 v1, v0;
	_ =	sdelay $0x1  }
0x38d: {  	[tilespmem:s31+$0x14000] =	vst v0;
	s31 =	sor.u32 $0x1C40, s15  }
0x38e: {  	v0 =	vld [tilespmem:s31+$0x4000]  }
0x38f: {  	v60 =	vld [tilespmem:s31+$0xC000];
	_ =	sdelay $0x4  }
0x390: {  	v0 =	vmul.f32 v0, v3;
	v1 =	vmul.f32 v60, v4;
	_ =	sdelay $0x1  }
0x391: {  	v0 =	vadd.f32 v1, v0;
	_ =	sdelay $0x1  }
0x392: {  	[tilespmem:s31+$0x14000] =	vst v0;
	s31 =	sor.u32 $0x1C50, s15  }
0x393: {  	v0 =	vld [tilespmem:s31+$0x4000]  }
0x394: {  	v61 =	vld [tilespmem:s31+$0xC000];
	_ =	sdelay $0x4  }
0x395: {  	v0 =	vmul.f32 v0, v3;
	v1 =	vmul.f32 v61, v4;
	_ =	sdelay $0x1  }
0x396: {  	v0 =	vadd.f32 v1, v0;
	_ =	sdelay $0x1  }
0x397: {  	[tilespmem:s31+$0x14000] =	vst v0;
	s31 =	sor.u32 $0x1C60, s15  }
0x398: {  	v0 =	vld [tilespmem:s31+$0x4000]  }
0x399: {  	v62 =	vld [tilespmem:s31+$0xC000];
	_ =	sdelay $0x4  }
0x39a: {  	v0 =	vmul.f32 v0, v3;
	v1 =	vmul.f32 v62, v4;
	_ =	sdelay $0x1  }
0x39b: {  	v0 =	vadd.f32 v1, v0;
	_ =	sdelay $0x1  }
0x39c: {  	s15 =	sor.u32 $0x1C70, s15;
	[tilespmem:s31+$0x14000] =	vst v0  }
0x39d: {  	v0 =	vld [tilespmem:s15+$0x4000]  }
0x39e: {  	v63 =	vld [tilespmem:s15+$0xC000];
	_ =	sdelay $0x3  }
0x39f: {  	p0 =	sne.s32 s13, $0x3F  }
.Ltmp3:
0x3a0: {  	v0 =	vmul.f32 v0, v3;
	v1 =	vmul.f32 v63, v4;
	(pc) =	sbr.rel @p0 .LBB2_8-.Ltmp3, $4  }
0x3a1: {  	_ = 	snop  }
0x3a2: {  	v0 =	vadd.f32 v1, v0  }
0x3a3: {  	s14 =	sadd.s32 $0x80, s14  }
0x3a4: {  	s13 =	sadd.s32 $0x1, s13;
	s29 =	sadd.s32 $0x1, s29;
	s30 =	sadd.s32 $0x400, s30;
	[tilespmem:s15+$0x14000] =	vst v0  }
0x3a5: {  	s13 =	rddreg [dreg:$0x9]  }
0x3a6: {  	[hbm4b:s13+s2] =	stream.linear.scatter [tilespmem:s25], [sflag:$0x6], $0x4000, $0x38;
	[tilespmem:$0x18500] =	vst v63  }
0x3a7: {  	_ =	swait.ge [sflag:s26], $0x4000  }
0x3a8: {  	[sflag:s26] =	ssyncset.done $0x0  }
0x3a9: {  	[sflag:s26] =	ssyncadd.s32 $0xFFFFC000  }
0x3aa: {  	_ =	swait.ge [sflag:s28], $0x4000  }
0x3ab: {  	s12 =	sadd.s32 $0x1, s12;
	s31 =	rddreg [dreg:$0xa]  }
0x3ac: {  	p0 =	sne.s32 s12, s31  }
.Ltmp4:
0x3ad: {  	_ = 	snop;
	(pc) =	sbr.rel @p0 .LBB2_1-.Ltmp4, $3  }
0x3ae: {  	_ =	sdelay $0x1  }
0x3af: {  	[sflag:s28] =	ssyncset.done $0x0  }
0x3b0: {  	[sflag:s28] =	ssyncadd.s32 $0xFFFFC000  }
0x3b1: {  	_ =	sfence.sel $0x180000  }
0x3b2: {  	[bflag:$0x0] =	sbarrier.arrive $0xFFFF  }
0x3b3: {  	_ =	strace $0x9000004A  }
0x3b4: {  	s0 =	stileid.u32;
	[bflag:$0x2] =	sbarrier.arrive $0xFFFF  }
0x3b5: {  	p0 =	sne.s32 s0, $0x0;
	s0 =	rddreg [dreg:$0x2]  }
0x3b6: {  	s0 =	sadd.s32 @!p0 $0x100000, s0  }
0x3b7: {  	[sflag:s0] =	ssyncadd.tile.s32 @!p0 $0x1;
	_ =	shalt  }
.Lfunc_end2:
_tile_overlayer_lowered:
.L_overlay_start_2:
0x3b8: {  	(tag) =	ssettag $0x2  }
0x3b9: {  	s0 =	rddreg [dreg:$0x0];
	s2 =	stileid.u32  }
0x3ba: {  	s1 =	rddreg [dreg:$0x1];
	p0 =	sne.s32 s2, $0x0  }
0x3bb: {  	s3 =	rddreg [dreg:$0x2];
	[bflag:$0x3] =	sbarrier.arrive $0xFFFF;
	s2 =	simm.s32 @!p0 $0x1C07  }
0x3bc: {  	[timem:s3], [sflag:s2] =	dma.local @!p0 [hbm:s0], s1  }
0x3bd: {  	s0 =	simm.s32 @!p0 $0x7  }
0x3be: {  	_ =	swait.ge @!p0 [sflag:s0], s1  }
0x3bf: {  	s1 =	ssub.s32 @!p0 $0x0, s1;
	[sflag:s0] =	ssyncset.done @!p0 $0x0  }
0x3c0: {  	[sflag:s0] =	ssyncadd.s32 @!p0 s1  }
0x3c1: {  	[bflag:$0x3] =	sbarrier.arrive $0xFFFF  }
0x3c2: {  	_ =	shalt  }

</sc_bundles>
